<compile_context>
chip_gen: v7x
topology: tpu7x:2x2x1
jax: 0.10.2.dev20260603
libtpu: 0.0.44.dev20260713+nightly
codegen_flags: <defaults>
</compile_context>

<pallas_src>
import jax
import jax.numpy as jnp
from jax import lax
from jax.experimental import pallas as pl
from jax.experimental.pallas import tpu as pltpu
from jax.experimental.pallas import tpu_sc as plsc

VOCAB = 1000000
EMBD = 64
B = 4096
L = 50

NW = 32
BPW = B // NW
LANES = 16
NCH = VOCAB // 128
TAIL = VOCAB - NCH * 128


def _wid():
    return lax.axis_index("s") * 2 + lax.axis_index("c")


def _tr_body(tabt_hbm, out_hbm, in_v, out_v, tin_v, tout_v, isem, osem):
    wid = _wid()
    iota = lax.iota(jnp.int32, LANES)
    iotas = [iota + (g * LANES) for g in range(4)]

    def transpose(src, dst, ncol):
        @pl.loop(0, LANES // 2)
        def _(dd):
            for db in range(2):
                rot = lax.rem(iota + (2 * dd + db), LANES)
                for g in range(4):
                    ccs, vals = [], []
                    for k in range(ncol // LANES):
                        cc = rot + (k * LANES)
                        ccs.append(cc)
                        vals.append(plsc.load_gather(src, [iotas[g], cc]))
                    for cc, v in zip(ccs, vals):
                        plsc.store_scatter(dst, [cc, iotas[g]], v)

    def in_copy(c, p):
        pltpu.async_copy(tabt_hbm.at[:, pl.ds(c * 128, 128)], in_v.at[p],
                         isem.at[p])

    def in_wait(c, p):
        pltpu.make_async_copy(tabt_hbm.at[:, pl.ds(c * 128, 128)],
                              in_v.at[p], isem.at[p]).wait()

    def out_write(c, p):
        pltpu.async_copy(out_v.at[p], out_hbm.at[pl.ds(c * 128, 128)],
                         osem.at[p])

    def out_wait(c, p):
        pltpu.make_async_copy(out_v.at[p], out_hbm.at[pl.ds(c * 128, 128)],
                              osem.at[p]).wait()

    in_copy(wid, 0)

    @pl.loop(0, 123)
    def _(ii):
        for p in range(2):
            i = 2 * ii + p
            c = wid + i * NW

            @pl.when(c < NCH)
            def _(c=c, p=p, i=i, ii=ii):
                in_wait(c, p)

                @pl.when(c + NW < NCH)
                def _(c=c, p=p):
                    in_copy(c + NW, 1 - p)

                def drain(c=c, p=p):
                    out_wait(c - 2 * NW, p)

                if p == 0:
                    pl.when(ii >= 1)(drain)
                else:
                    pl.when(i >= 2)(drain)

                transpose(in_v.at[p], out_v.at[p], 128)
                out_write(c, p)

    out_wait(wid + 243 * NW, 1)

    @pl.when(wid + 244 * NW < NCH)
    def _():
        out_wait(wid + 244 * NW, 0)

    @pl.when(wid == NCH % NW)
    def _():
        pltpu.sync_copy(tabt_hbm.at[:, pl.ds(NCH * 128, TAIL)], tin_v)
        transpose(tin_v, tout_v, TAIL)
        pltpu.sync_copy(tout_v, out_hbm.at[pl.ds(NCH * 128, TAIL)])


def _emb_body(xt_hbm, tab_hbm, out_hbm, idx_v, rows_v, gsem, wsem):
    wid = _wid()
    b0 = wid * BPW

    pltpu.sync_copy(xt_hbm.at[:, pl.ds(b0, BPW)], idx_v)

    def gather(l, p):
        pltpu.async_copy(tab_hbm.at[idx_v.at[l]], rows_v.at[p], gsem.at[p])

    def gather_wait(l, p):
        pltpu.make_async_copy(tab_hbm.at[idx_v.at[l]], rows_v.at[p],
                              gsem.at[p]).wait()

    def write(l, p):
        pltpu.async_copy(rows_v.at[p], out_hbm.at[pl.ds(b0, BPW), l, :],
                         wsem.at[p])

    def write_wait(l, p):
        pltpu.make_async_copy(rows_v.at[p], out_hbm.at[pl.ds(b0, BPW), l, :],
                              wsem.at[p]).wait()

    gather(0, 0)

    @pl.loop(0, L // 2)
    def _(ll):
        for p in range(2):
            l = 2 * ll + p

            gather_wait(l, p)

            def prefetch(l=l, p=p):
                def drain(l=l, p=p):
                    write_wait(l - 1, 1 - p)

                pl.when(l >= 1)(drain)
                gather(l + 1, 1 - p)

            if p == 0:
                prefetch()
            else:
                pl.when(ll < L // 2 - 1)(prefetch)

            write(l, p)

    write_wait(L - 2, 0)
    write_wait(L - 1, 1)


@jax.jit
def _emb(xt, tabt):
    mesh = plsc.VectorSubcoreMesh(core_axis_name="c", subcore_axis_name="s")
    params = pltpu.CompilerParams(use_tc_tiling_on_sc=True,
                                  needs_layout_passes=False)
    ktr = pl.kernel(
        _tr_body,
        out_type=jax.ShapeDtypeStruct((VOCAB, 128), jnp.float32),
        mesh=mesh,
        compiler_params=params,
        scratch_types=[
            pltpu.VMEM((2, EMBD, 128), jnp.float32),
            pltpu.VMEM((2, 128, 128), jnp.float32),
            pltpu.VMEM((EMBD, TAIL), jnp.float32),
            pltpu.VMEM((TAIL, 128), jnp.float32),
            pltpu.SemaphoreType.DMA((2,)),
            pltpu.SemaphoreType.DMA((2,)),
        ],
    )
    kg = pl.kernel(
        _emb_body,
        out_type=jax.ShapeDtypeStruct((B, L, 128), jnp.float32),
        mesh=mesh,
        compiler_params=params,
        scratch_types=[
            pltpu.VMEM((L, BPW), jnp.int32),
            pltpu.VMEM((2, BPW, 128), jnp.float32),
            pltpu.SemaphoreType.DMA((2,)),
            pltpu.SemaphoreType.DMA((2,)),
        ],
    )
    return kg(xt, ktr(tabt))


def kernel(x, table):
    xt = jnp.transpose(x.astype(jnp.int32))
    tabt = jnp.transpose(table)
    return _emb(xt, tabt)[:, :, 0:EMBD]

# --- scband reference (transcript-rebuilt; emitter-appended) ---
"""Pipeline reference for scband-word-embedding-9663676416396 (READ-ONLY COPY).

The authoritative reference and input builder live on the scoring server;
editing this copy changes nothing except your own understanding.
"""

import jax, jax.numpy as jnp
import numpy as np

VOCAB = 1000000
EMBD = 64
B = 4096
L = 50

def setup_inputs(seed: int = 0) -> dict:
    key = jax.random.key(seed)
    k1, k2 = jax.random.split(key)
    x = jax.random.randint(k1, (B, L), 0, VOCAB, dtype=jnp.int64 if jax.config.jax_enable_x64 else jnp.int32)
    table = jax.random.normal(k2, (VOCAB, EMBD), dtype=jnp.float32) * 0.02
    return {"x": x, "table": table}

def reference(x, table):
    # WordEmbedding.forward: nn.Embedding lookup
    return jnp.take(table, x, axis=0)

if __name__ == "__main__":
    import jax
    _d = setup_inputs()
    print(jax.jit(kernel)(*tuple(_d.values())))

</pallas_src>

<mosaic_0001>
#map = affine_map<(d0, d1) -> (0, 0)>
module attributes {stable_mosaic.version = 14 : i64} {
  func.func @_tr_body(%arg0: i32, %arg1: i32, %arg2: memref<64x1000000xf32, #tpu.memory_space<hbm>>, %arg3: memref<1000000x128xf32, #tpu.memory_space<hbm>>, %arg4: memref<2x64x128xf32, #tpu.memory_space<vmem>>, %arg5: memref<2x128x128xf32, #tpu.memory_space<vmem>>, %arg6: memref<64x64xf32, #tpu.memory_space<vmem>>, %arg7: memref<64x128xf32, #tpu.memory_space<vmem>>, %arg8: memref<2x!tpu.dma_semaphore, #tpu.memory_space<semaphore_mem>>, %arg9: memref<2x!tpu.dma_semaphore, #tpu.memory_space<semaphore_mem>>) attributes {dimension_semantics = [#tpu.dimension_semantics<core_parallel>, #tpu.dimension_semantics<subcore_parallel>], iteration_bounds = array<i64: 2, 16>, scalar_prefetch = 0 : i64, scratch_operands = 6 : i64, tpu.core_type = #tpu.core_type<sc_vector_subcore>, window_params = [{transform_indices = #map}, {transform_indices = #map}]} {
    %mul3A = arith.constant 2 : i32
    %mul3A_0 = arith.muli %arg1, %mul3A : i32
    %add3A = arith.addi %mul3A_0, %arg0 : i32
    %iota3A = tpu.iota {dimensions = array<i32: 0>} : vector<16xi32>
    %add3A_1 = arith.constant 0 : i32
    %add3A_2 = vector.broadcast %add3A_1 : i32 to vector<16xi32>
    %add3A_3 = arith.addi %iota3A, %add3A_2 : vector<16xi32>
    %add3A_4 = arith.constant 16 : i32
    %add3A_5 = vector.broadcast %add3A_4 : i32 to vector<16xi32>
    %add3A_6 = arith.addi %iota3A, %add3A_5 : vector<16xi32>
    %add3A_7 = arith.constant 32 : i32
    %add3A_8 = vector.broadcast %add3A_7 : i32 to vector<16xi32>
    %add3A_9 = arith.addi %iota3A, %add3A_8 : vector<16xi32>
    %add3A_10 = arith.constant 48 : i32
    %add3A_11 = vector.broadcast %add3A_10 : i32 to vector<16xi32>
    %add3A_12 = arith.addi %iota3A, %add3A_11 : vector<16xi32>
    %mul3A_13 = arith.constant 128 : i32
    %mul3A_14 = arith.muli %add3A, %mul3A_13 : i32
    %dma_start3A = arith.constant 0 : i32
    %dma_start3A_15 = arith.constant 0 : i32
    %dma_start3A_16 = arith.constant 0 : i32
    %dma_start3A_17 = arith.constant 0 : i32
    %dma_start3A_18 = tpu.memref_slice %arg4[%dma_start3A, %dma_start3A_16, %dma_start3A_17] : memref<2x64x128xf32, #tpu.memory_space<vmem>> -> memref<1x64x128xf32, #tpu.memory_space<vmem>>
    %dma_start3A_19 = tpu.memref_squeeze %dma_start3A_18 : memref<1x64x128xf32, #tpu.memory_space<vmem>> -> memref<64x128xf32, #tpu.memory_space<vmem>>
    %dma_start3A_20 = arith.constant 0 : i32
    %dma_start3A_21 = tpu.memref_slice %arg2[%dma_start3A_20, %mul3A_14] : memref<64x1000000xf32, #tpu.memory_space<hbm>> -> memref<64x128xf32, #tpu.memory_space<hbm>>
    %dma_start3A_22 = tpu.memref_slice %arg8[%dma_start3A_15] : memref<2x!tpu.dma_semaphore, #tpu.memory_space<semaphore_mem>> -> memref<1x!tpu.dma_semaphore, #tpu.memory_space<semaphore_mem>>
    %dma_start3A_23 = tpu.memref_squeeze %dma_start3A_22 : memref<1x!tpu.dma_semaphore, #tpu.memory_space<semaphore_mem>> -> memref<!tpu.dma_semaphore, #tpu.memory_space<semaphore_mem>>
    %dma_start3A_24 = arith.constant 0 : i32
    %dma_start3A_25 = arith.constant 0 : i32
    %dma_start3A_26 = tpu.memref_slice %arg4[%dma_start3A, %dma_start3A_24, %dma_start3A_25] : memref<2x64x128xf32, #tpu.memory_space<vmem>> -> memref<1x64x128xf32, #tpu.memory_space<vmem>>
    %dma_start3A_27 = tpu.memref_squeeze %dma_start3A_26 : memref<1x64x128xf32, #tpu.memory_space<vmem>> -> memref<64x128xf32, #tpu.memory_space<vmem>>
    %dma_start3A_28 = arith.constant 0 : i32
    %dma_start3A_29 = tpu.memref_slice %arg2[%dma_start3A_28, %mul3A_14] : memref<64x1000000xf32, #tpu.memory_space<hbm>> -> memref<64x128xf32, #tpu.memory_space<hbm>>
    tpu.enqueue_dma source(%dma_start3A_29 : memref<64x128xf32, #tpu.memory_space<hbm>>) target(%dma_start3A_27 : memref<64x128xf32, #tpu.memory_space<vmem>>) target_semaphore(%dma_start3A_23 : memref<!tpu.dma_semaphore, #tpu.memory_space<semaphore_mem>>)
    %scan3A = arith.constant 0 : i32
    %scan3A_30 = arith.constant 123 : i32
    %scan3A_31 = arith.addi %scan3A, %scan3A_30 : i32
    %scan3A_32 = arith.constant 1 : i32
    scf.for %scan3A_61 = %scan3A to %scan3A_31 step %scan3A_32  : i32 {
      %mul3A_62 = arith.constant 1 : i32
      %mul3A_63 = arith.muli %scan3A_61, %mul3A_62 : i32
      %add3A_64 = arith.constant 0 : i32
      %add3A_65 = arith.addi %add3A_64, %mul3A_63 : i32
      %mul3A_66 = arith.constant 2 : i32
      %mul3A_67 = arith.muli %mul3A_66, %add3A_65 : i32
      %add3A_68 = arith.constant 0 : i32
      %add3A_69 = arith.addi %mul3A_67, %add3A_68 : i32
      %mul3A_70 = arith.constant 32 : i32
      %mul3A_71 = arith.muli %add3A_69, %mul3A_70 : i32
      %add3A_72 = arith.addi %add3A, %mul3A_71 : i32
      %lt3A_73 = arith.constant 7812 : i32
      %lt3A_74 = arith.cmpi slt, %add3A_72, %lt3A_73 : i32
      %convert_element_type3A_75 = arith.extui %lt3A_74 : i1 to i32
      %cond3A_76 = arith.constant 0 : i32
      %cond3A_77 = arith.cmpi ne, %convert_element_type3A_75, %cond3A_76 : i32
      scf.if %cond3A_77 {
        %mul3A_90 = arith.constant 128 : i32
        %mul3A_91 = arith.muli %add3A_72, %mul3A_90 : i32
        %dma_wait3A_92 = arith.constant 0 : i32
        %dma_wait3A_93 = arith.constant 0 : i32
        %dma_wait3A_94 = arith.constant 0 : i32
        %dma_wait3A_95 = arith.constant 0 : i32
        %dma_wait3A_96 = tpu.memref_slice %arg4[%dma_wait3A_92, %dma_wait3A_94, %dma_wait3A_95] : memref<2x64x128xf32, #tpu.memory_space<vmem>> -> memref<1x64x128xf32, #tpu.memory_space<vmem>>
        %dma_wait3A_97 = tpu.memref_squeeze %dma_wait3A_96 : memref<1x64x128xf32, #tpu.memory_space<vmem>> -> memref<64x128xf32, #tpu.memory_space<vmem>>
        %dma_wait3A_98 = arith.constant 0 : i32
        %dma_wait3A_99 = tpu.memref_slice %arg2[%dma_wait3A_98, %mul3A_91] : memref<64x1000000xf32, #tpu.memory_space<hbm>> -> memref<64x128xf32, #tpu.memory_space<hbm>>
        %dma_wait3A_100 = tpu.memref_slice %arg8[%dma_wait3A_93] : memref<2x!tpu.dma_semaphore, #tpu.memory_space<semaphore_mem>> -> memref<1x!tpu.dma_semaphore, #tpu.memory_space<semaphore_mem>>
        %dma_wait3A_101 = tpu.memref_squeeze %dma_wait3A_100 : memref<1x!tpu.dma_semaphore, #tpu.memory_space<semaphore_mem>> -> memref<!tpu.dma_semaphore, #tpu.memory_space<semaphore_mem>>
        %dma_wait3A_102 = arith.constant 0 : i32
        %dma_wait3A_103 = arith.constant 0 : i32
        %dma_wait3A_104 = tpu.memref_slice %arg4[%dma_wait3A_92, %dma_wait3A_102, %dma_wait3A_103] : memref<2x64x128xf32, #tpu.memory_space<vmem>> -> memref<1x64x128xf32, #tpu.memory_space<vmem>>
        %dma_wait3A_105 = tpu.memref_squeeze %dma_wait3A_104 : memref<1x64x128xf32, #tpu.memory_space<vmem>> -> memref<64x128xf32, #tpu.memory_space<vmem>>
        %dma_wait3A_106 = arith.constant 0 : i32
        %dma_wait3A_107 = tpu.memref_slice %arg2[%dma_wait3A_106, %mul3A_91] : memref<64x1000000xf32, #tpu.memory_space<hbm>> -> memref<64x128xf32, #tpu.memory_space<hbm>>
        tpu.wait_dma2 semaphore(%dma_wait3A_101 : memref<!tpu.dma_semaphore, #tpu.memory_space<semaphore_mem>>) src(%dma_wait3A_107 : memref<64x128xf32, #tpu.memory_space<hbm>>) dst(%dma_wait3A_105 : memref<64x128xf32, #tpu.memory_space<vmem>>)
        %add3A_108 = arith.constant 32 : i32
        %add3A_109 = arith.addi %add3A_72, %add3A_108 : i32
        %lt3A_110 = arith.constant 7812 : i32
        %lt3A_111 = arith.cmpi slt, %add3A_109, %lt3A_110 : i32
        %convert_element_type3A_112 = arith.extui %lt3A_111 : i1 to i32
        %cond3A_113 = arith.constant 0 : i32
        %cond3A_114 = arith.cmpi ne, %convert_element_type3A_112, %cond3A_113 : i32
        scf.if %cond3A_114 {
          %add3A_144 = arith.constant 32 : i32
          %add3A_145 = arith.addi %add3A_72, %add3A_144 : i32
          %mul3A_146 = arith.constant 128 : i32
          %mul3A_147 = arith.muli %add3A_145, %mul3A_146 : i32
          %dma_start3A_148 = arith.constant 1 : i32
          %dma_start3A_149 = arith.constant 1 : i32
          %dma_start3A_150 = arith.constant 0 : i32
          %dma_start3A_151 = arith.constant 0 : i32
          %dma_start3A_152 = tpu.memref_slice %arg4[%dma_start3A_148, %dma_start3A_150, %dma_start3A_151] : memref<2x64x128xf32, #tpu.memory_space<vmem>> -> memref<1x64x128xf32, #tpu.memory_space<vmem>>
          %dma_start3A_153 = tpu.memref_squeeze %dma_start3A_152 : memref<1x64x128xf32, #tpu.memory_space<vmem>> -> memref<64x128xf32, #tpu.memory_space<vmem>>
          %dma_start3A_154 = arith.constant 0 : i32
          %dma_start3A_155 = tpu.memref_slice %arg2[%dma_start3A_154, %mul3A_147] : memref<64x1000000xf32, #tpu.memory_space<hbm>> -> memref<64x128xf32, #tpu.memory_space<hbm>>
          %dma_start3A_156 = tpu.memref_slice %arg8[%dma_start3A_149] : memref<2x!tpu.dma_semaphore, #tpu.memory_space<semaphore_mem>> -> memref<1x!tpu.dma_semaphore, #tpu.memory_space<semaphore_mem>>
          %dma_start3A_157 = tpu.memref_squeeze %dma_start3A_156 : memref<1x!tpu.dma_semaphore, #tpu.memory_space<semaphore_mem>> -> memref<!tpu.dma_semaphore, #tpu.memory_space<semaphore_mem>>
          %dma_start3A_158 = arith.constant 0 : i32
          %dma_start3A_159 = arith.constant 0 : i32
          %dma_start3A_160 = tpu.memref_slice %arg4[%dma_start3A_148, %dma_start3A_158, %dma_start3A_159] : memref<2x64x128xf32, #tpu.memory_space<vmem>> -> memref<1x64x128xf32, #tpu.memory_space<vmem>>
          %dma_start3A_161 = tpu.memref_squeeze %dma_start3A_160 : memref<1x64x128xf32, #tpu.memory_space<vmem>> -> memref<64x128xf32, #tpu.memory_space<vmem>>
          %dma_start3A_162 = arith.constant 0 : i32
          %dma_start3A_163 = tpu.memref_slice %arg2[%dma_start3A_162, %mul3A_147] : memref<64x1000000xf32, #tpu.memory_space<hbm>> -> memref<64x128xf32, #tpu.memory_space<hbm>>
          tpu.enqueue_dma source(%dma_start3A_163 : memref<64x128xf32, #tpu.memory_space<hbm>>) target(%dma_start3A_161 : memref<64x128xf32, #tpu.memory_space<vmem>>) target_semaphore(%dma_start3A_157 : memref<!tpu.dma_semaphore, #tpu.memory_space<semaphore_mem>>)
        } else {
        }
        %ge3A = arith.constant 1 : i32
        %ge3A_115 = arith.cmpi sge, %add3A_65, %ge3A : i32
        %convert_element_type3A_116 = arith.extui %ge3A_115 : i1 to i32
        %cond3A_117 = arith.constant 0 : i32
        %cond3A_118 = arith.cmpi ne, %convert_element_type3A_116, %cond3A_117 : i32
        scf.if %cond3A_118 {
          %sub3A = arith.constant 64 : i32
          %sub3A_144 = arith.subi %add3A_72, %sub3A : i32
          %mul3A_145 = arith.constant 128 : i32
          %mul3A_146 = arith.muli %sub3A_144, %mul3A_145 : i32
          %dma_wait3A_147 = arith.constant 0 : i32
          %dma_wait3A_148 = arith.constant 0 : i32
          %dma_wait3A_149 = arith.constant 0 : i32
          %dma_wait3A_150 = arith.constant 0 : i32
          %dma_wait3A_151 = tpu.memref_slice %arg5[%dma_wait3A_147, %dma_wait3A_149, %dma_wait3A_150] : memref<2x128x128xf32, #tpu.memory_space<vmem>> -> memref<1x128x128xf32, #tpu.memory_space<vmem>>
          %dma_wait3A_152 = tpu.memref_squeeze %dma_wait3A_151 : memref<1x128x128xf32, #tpu.memory_space<vmem>> -> memref<128x128xf32, #tpu.memory_space<vmem>>
          %dma_wait3A_153 = arith.constant 0 : i32
          %dma_wait3A_154 = tpu.memref_slice %arg3[%mul3A_146, %dma_wait3A_153] : memref<1000000x128xf32, #tpu.memory_space<hbm>> -> memref<128x128xf32, #tpu.memory_space<hbm>>
          %dma_wait3A_155 = tpu.memref_slice %arg9[%dma_wait3A_148] : memref<2x!tpu.dma_semaphore, #tpu.memory_space<semaphore_mem>> -> memref<1x!tpu.dma_semaphore, #tpu.memory_space<semaphore_mem>>
          %dma_wait3A_156 = tpu.memref_squeeze %dma_wait3A_155 : memref<1x!tpu.dma_semaphore, #tpu.memory_space<semaphore_mem>> -> memref<!tpu.dma_semaphore, #tpu.memory_space<semaphore_mem>>
          %dma_wait3A_157 = arith.constant 0 : i32
          %dma_wait3A_158 = tpu.memref_slice %arg3[%mul3A_146, %dma_wait3A_157] : memref<1000000x128xf32, #tpu.memory_space<hbm>> -> memref<128x128xf32, #tpu.memory_space<hbm>>
          %dma_wait3A_159 = arith.constant 0 : i32
          %dma_wait3A_160 = arith.constant 0 : i32
          %dma_wait3A_161 = tpu.memref_slice %arg5[%dma_wait3A_147, %dma_wait3A_159, %dma_wait3A_160] : memref<2x128x128xf32, #tpu.memory_space<vmem>> -> memref<1x128x128xf32, #tpu.memory_space<vmem>>
          %dma_wait3A_162 = tpu.memref_squeeze %dma_wait3A_161 : memref<1x128x128xf32, #tpu.memory_space<vmem>> -> memref<128x128xf32, #tpu.memory_space<vmem>>
          tpu.wait_dma2 semaphore(%dma_wait3A_156 : memref<!tpu.dma_semaphore, #tpu.memory_space<semaphore_mem>>) src(%dma_wait3A_162 : memref<128x128xf32, #tpu.memory_space<vmem>>) dst(%dma_wait3A_158 : memref<128x128xf32, #tpu.memory_space<hbm>>)
        } else {
        }
        %scan3A_119 = arith.constant 0 : i32
        %scan3A_120 = arith.constant 0 : i32
        %scan3A_121 = arith.constant 0 : i32
        %scan3A_122 = arith.constant 8 : i32
        %scan3A_123 = arith.addi %scan3A_121, %scan3A_122 : i32
        %scan3A_124 = arith.constant 1 : i32
        scf.for %scan3A_144 = %scan3A_121 to %scan3A_123 step %scan3A_124  : i32 {
          %mul3A_145 = arith.constant 1 : i32
          %mul3A_146 = arith.muli %scan3A_144, %mul3A_145 : i32
          %add3A_147 = arith.constant 0 : i32
          %add3A_148 = arith.addi %add3A_147, %mul3A_146 : i32
          %mul3A_149 = arith.constant 2 : i32
          %mul3A_150 = arith.muli %mul3A_149, %add3A_148 : i32
          %add3A_151 = arith.constant 0 : i32
          %add3A_152 = arith.addi %mul3A_150, %add3A_151 : i32
          %add3A_153 = vector.broadcast %add3A_152 : i32 to vector<16xi32>
          %add3A_154 = arith.addi %iota3A, %add3A_153 : vector<16xi32>
          %rem3A = arith.constant 16 : i32
          %rem3A_155 = vector.broadcast %rem3A : i32 to vector<16xi32>
          %rem3A_156 = arith.remsi %add3A_154, %rem3A_155 : vector<16xi32>
          %add3A_157 = arith.constant 0 : i32
          %add3A_158 = vector.broadcast %add3A_157 : i32 to vector<16xi32>
          %add3A_159 = arith.addi %rem3A_156, %add3A_158 : vector<16xi32>
          %gather3A = arith.constant 0 : i32
          %gather3A_160 = arith.constant 0 : i32
          %gather3A_161 = tpu.memref_slice %arg4[%scan3A_119, %gather3A, %gather3A_160] : memref<2x64x128xf32, #tpu.memory_space<vmem>> -> memref<1x64x128xf32, #tpu.memory_space<vmem>>
          %gather3A_162 = tpu.memref_squeeze %gather3A_161 : memref<1x64x128xf32, #tpu.memory_space<vmem>> -> memref<64x128xf32, #tpu.memory_space<vmem>>
          %gather3A_163 = tpu.vector_load_idx %gather3A_162[%add3A_3, %add3A_159] : memref<64x128xf32, #tpu.memory_space<vmem>>[vector<16xi32>, vector<16xi32>], vector<16xf32>,
          %add3A_164 = arith.constant 16 : i32
          %add3A_165 = vector.broadcast %add3A_164 : i32 to vector<16xi32>
          %add3A_166 = arith.addi %rem3A_156, %add3A_165 : vector<16xi32>
          %gather3A_167 = arith.constant 0 : i32
          %gather3A_168 = arith.constant 0 : i32
          %gather3A_169 = tpu.memref_slice %arg4[%scan3A_119, %gather3A_167, %gather3A_168] : memref<2x64x128xf32, #tpu.memory_space<vmem>> -> memref<1x64x128xf32, #tpu.memory_space<vmem>>
          %gather3A_170 = tpu.memref_squeeze %gather3A_169 : memref<1x64x128xf32, #tpu.memory_space<vmem>> -> memref<64x128xf32, #tpu.memory_space<vmem>>
          %gather3A_171 = tpu.vector_load_idx %gather3A_170[%add3A_3, %add3A_166] : memref<64x128xf32, #tpu.memory_space<vmem>>[vector<16xi32>, vector<16xi32>], vector<16xf32>,
          %add3A_172 = arith.constant 32 : i32
          %add3A_173 = vector.broadcast %add3A_172 : i32 to vector<16xi32>
          %add3A_174 = arith.addi %rem3A_156, %add3A_173 : vector<16xi32>
          %gather3A_175 = arith.constant 0 : i32
          %gather3A_176 = arith.constant 0 : i32
          %gather3A_177 = tpu.memref_slice %arg4[%scan3A_119, %gather3A_175, %gather3A_176] : memref<2x64x128xf32, #tpu.memory_space<vmem>> -> memref<1x64x128xf32, #tpu.memory_space<vmem>>
          %gather3A_178 = tpu.memref_squeeze %gather3A_177 : memref<1x64x128xf32, #tpu.memory_space<vmem>> -> memref<64x128xf32, #tpu.memory_space<vmem>>
          %gather3A_179 = tpu.vector_load_idx %gather3A_178[%add3A_3, %add3A_174] : memref<64x128xf32, #tpu.memory_space<vmem>>[vector<16xi32>, vector<16xi32>], vector<16xf32>,
          %add3A_180 = arith.constant 48 : i32
          %add3A_181 = vector.broadcast %add3A_180 : i32 to vector<16xi32>
          %add3A_182 = arith.addi %rem3A_156, %add3A_181 : vector<16xi32>
          %gather3A_183 = arith.constant 0 : i32
          %gather3A_184 = arith.constant 0 : i32
          %gather3A_185 = tpu.memref_slice %arg4[%scan3A_119, %gather3A_183, %gather3A_184] : memref<2x64x128xf32, #tpu.memory_space<vmem>> -> memref<1x64x128xf32, #tpu.memory_space<vmem>>
          %gather3A_186 = tpu.memref_squeeze %gather3A_185 : memref<1x64x128xf32, #tpu.memory_space<vmem>> -> memref<64x128xf32, #tpu.memory_space<vmem>>
          %gather3A_187 = tpu.vector_load_idx %gather3A_186[%add3A_3, %add3A_182] : memref<64x128xf32, #tpu.memory_space<vmem>>[vector<16xi32>, vector<16xi32>], vector<16xf32>,
          %add3A_188 = arith.constant 64 : i32
          %add3A_189 = vector.broadcast %add3A_188 : i32 to vector<16xi32>
          %add3A_190 = arith.addi %rem3A_156, %add3A_189 : vector<16xi32>
          %gather3A_191 = arith.constant 0 : i32
          %gather3A_192 = arith.constant 0 : i32
          %gather3A_193 = tpu.memref_slice %arg4[%scan3A_119, %gather3A_191, %gather3A_192] : memref<2x64x128xf32, #tpu.memory_space<vmem>> -> memref<1x64x128xf32, #tpu.memory_space<vmem>>
          %gather3A_194 = tpu.memref_squeeze %gather3A_193 : memref<1x64x128xf32, #tpu.memory_space<vmem>> -> memref<64x128xf32, #tpu.memory_space<vmem>>
          %gather3A_195 = tpu.vector_load_idx %gather3A_194[%add3A_3, %add3A_190] : memref<64x128xf32, #tpu.memory_space<vmem>>[vector<16xi32>, vector<16xi32>], vector<16xf32>,
          %add3A_196 = arith.constant 80 : i32
          %add3A_197 = vector.broadcast %add3A_196 : i32 to vector<16xi32>
          %add3A_198 = arith.addi %rem3A_156, %add3A_197 : vector<16xi32>
          %gather3A_199 = arith.constant 0 : i32
          %gather3A_200 = arith.constant 0 : i32
          %gather3A_201 = tpu.memref_slice %arg4[%scan3A_119, %gather3A_199, %gather3A_200] : memref<2x64x128xf32, #tpu.memory_space<vmem>> -> memref<1x64x128xf32, #tpu.memory_space<vmem>>
          %gather3A_202 = tpu.memref_squeeze %gather3A_201 : memref<1x64x128xf32, #tpu.memory_space<vmem>> -> memref<64x128xf32, #tpu.memory_space<vmem>>
          %gather3A_203 = tpu.vector_load_idx %gather3A_202[%add3A_3, %add3A_198] : memref<64x128xf32, #tpu.memory_space<vmem>>[vector<16xi32>, vector<16xi32>], vector<16xf32>,
          %add3A_204 = arith.constant 96 : i32
          %add3A_205 = vector.broadcast %add3A_204 : i32 to vector<16xi32>
          %add3A_206 = arith.addi %rem3A_156, %add3A_205 : vector<16xi32>
          %gather3A_207 = arith.constant 0 : i32
          %gather3A_208 = arith.constant 0 : i32
          %gather3A_209 = tpu.memref_slice %arg4[%scan3A_119, %gather3A_207, %gather3A_208] : memref<2x64x128xf32, #tpu.memory_space<vmem>> -> memref<1x64x128xf32, #tpu.memory_space<vmem>>
          %gather3A_210 = tpu.memref_squeeze %gather3A_209 : memref<1x64x128xf32, #tpu.memory_space<vmem>> -> memref<64x128xf32, #tpu.memory_space<vmem>>
          %gather3A_211 = tpu.vector_load_idx %gather3A_210[%add3A_3, %add3A_206] : memref<64x128xf32, #tpu.memory_space<vmem>>[vector<16xi32>, vector<16xi32>], vector<16xf32>,
          %add3A_212 = arith.constant 112 : i32
          %add3A_213 = vector.broadcast %add3A_212 : i32 to vector<16xi32>
          %add3A_214 = arith.addi %rem3A_156, %add3A_213 : vector<16xi32>
          %gather3A_215 = arith.constant 0 : i32
          %gather3A_216 = arith.constant 0 : i32
          %gather3A_217 = tpu.memref_slice %arg4[%scan3A_119, %gather3A_215, %gather3A_216] : memref<2x64x128xf32, #tpu.memory_space<vmem>> -> memref<1x64x128xf32, #tpu.memory_space<vmem>>
          %gather3A_218 = tpu.memref_squeeze %gather3A_217 : memref<1x64x128xf32, #tpu.memory_space<vmem>> -> memref<64x128xf32, #tpu.memory_space<vmem>>
          %gather3A_219 = tpu.vector_load_idx %gather3A_218[%add3A_3, %add3A_214] : memref<64x128xf32, #tpu.memory_space<vmem>>[vector<16xi32>, vector<16xi32>], vector<16xf32>,
          %scatter3A = arith.constant 0 : i32
          %scatter3A_220 = arith.constant 0 : i32
          %scatter3A_221 = tpu.memref_slice %arg5[%scan3A_120, %scatter3A, %scatter3A_220] : memref<2x128x128xf32, #tpu.memory_space<vmem>> -> memref<1x128x128xf32, #tpu.memory_space<vmem>>
          %scatter3A_222 = tpu.memref_squeeze %scatter3A_221 : memref<1x128x128xf32, #tpu.memory_space<vmem>> -> memref<128x128xf32, #tpu.memory_space<vmem>>
          tpu.vector_store_idx %scatter3A_222[%add3A_159, %add3A_3], %gather3A_163 : memref<128x128xf32, #tpu.memory_space<vmem>>[vector<16xi32>, vector<16xi32>], vector<16xf32>,
          %scatter3A_223 = arith.constant 0 : i32
          %scatter3A_224 = arith.constant 0 : i32
          %scatter3A_225 = tpu.memref_slice %arg5[%scan3A_120, %scatter3A_223, %scatter3A_224] : memref<2x128x128xf32, #tpu.memory_space<vmem>> -> memref<1x128x128xf32, #tpu.memory_space<vmem>>
          %scatter3A_226 = tpu.memref_squeeze %scatter3A_225 : memref<1x128x128xf32, #tpu.memory_space<vmem>> -> memref<128x128xf32, #tpu.memory_space<vmem>>
          tpu.vector_store_idx %scatter3A_226[%add3A_166, %add3A_3], %gather3A_171 : memref<128x128xf32, #tpu.memory_space<vmem>>[vector<16xi32>, vector<16xi32>], vector<16xf32>,
          %scatter3A_227 = arith.constant 0 : i32
          %scatter3A_228 = arith.constant 0 : i32
          %scatter3A_229 = tpu.memref_slice %arg5[%scan3A_120, %scatter3A_227, %scatter3A_228] : memref<2x128x128xf32, #tpu.memory_space<vmem>> -> memref<1x128x128xf32, #tpu.memory_space<vmem>>
          %scatter3A_230 = tpu.memref_squeeze %scatter3A_229 : memref<1x128x128xf32, #tpu.memory_space<vmem>> -> memref<128x128xf32, #tpu.memory_space<vmem>>
          tpu.vector_store_idx %scatter3A_230[%add3A_174, %add3A_3], %gather3A_179 : memref<128x128xf32, #tpu.memory_space<vmem>>[vector<16xi32>, vector<16xi32>], vector<16xf32>,
          %scatter3A_231 = arith.constant 0 : i32
          %scatter3A_232 = arith.constant 0 : i32
          %scatter3A_233 = tpu.memref_slice %arg5[%scan3A_120, %scatter3A_231, %scatter3A_232] : memref<2x128x128xf32, #tpu.memory_space<vmem>> -> memref<1x128x128xf32, #tpu.memory_space<vmem>>
          %scatter3A_234 = tpu.memref_squeeze %scatter3A_233 : memref<1x128x128xf32, #tpu.memory_space<vmem>> -> memref<128x128xf32, #tpu.memory_space<vmem>>
          tpu.vector_store_idx %scatter3A_234[%add3A_182, %add3A_3], %gather3A_187 : memref<128x128xf32, #tpu.memory_space<vmem>>[vector<16xi32>, vector<16xi32>], vector<16xf32>,
          %scatter3A_235 = arith.constant 0 : i32
          %scatter3A_236 = arith.constant 0 : i32
          %scatter3A_237 = tpu.memref_slice %arg5[%scan3A_120, %scatter3A_235, %scatter3A_236] : memref<2x128x128xf32, #tpu.memory_space<vmem>> -> memref<1x128x128xf32, #tpu.memory_space<vmem>>
          %scatter3A_238 = tpu.memref_squeeze %scatter3A_237 : memref<1x128x128xf32, #tpu.memory_space<vmem>> -> memref<128x128xf32, #tpu.memory_space<vmem>>
          tpu.vector_store_idx %scatter3A_238[%add3A_190, %add3A_3], %gather3A_195 : memref<128x128xf32, #tpu.memory_space<vmem>>[vector<16xi32>, vector<16xi32>], vector<16xf32>,
          %scatter3A_239 = arith.constant 0 : i32
          %scatter3A_240 = arith.constant 0 : i32
          %scatter3A_241 = tpu.memref_slice %arg5[%scan3A_120, %scatter3A_239, %scatter3A_240] : memref<2x128x128xf32, #tpu.memory_space<vmem>> -> memref<1x128x128xf32, #tpu.memory_space<vmem>>
          %scatter3A_242 = tpu.memref_squeeze %scatter3A_241 : memref<1x128x128xf32, #tpu.memory_space<vmem>> -> memref<128x128xf32, #tpu.memory_space<vmem>>
          tpu.vector_store_idx %scatter3A_242[%add3A_198, %add3A_3], %gather3A_203 : memref<128x128xf32, #tpu.memory_space<vmem>>[vector<16xi32>, vector<16xi32>], vector<16xf32>,
          %scatter3A_243 = arith.constant 0 : i32
          %scatter3A_244 = arith.constant 0 : i32
          %scatter3A_245 = tpu.memref_slice %arg5[%scan3A_120, %scatter3A_243, %scatter3A_244] : memref<2x128x128xf32, #tpu.memory_space<vmem>> -> memref<1x128x128xf32, #tpu.memory_space<vmem>>
          %scatter3A_246 = tpu.memref_squeeze %scatter3A_245 : memref<1x128x128xf32, #tpu.memory_space<vmem>> -> memref<128x128xf32, #tpu.memory_space<vmem>>
          tpu.vector_store_idx %scatter3A_246[%add3A_206, %add3A_3], %gather3A_211 : memref<128x128xf32, #tpu.memory_space<vmem>>[vector<16xi32>, vector<16xi32>], vector<16xf32>,
          %scatter3A_247 = arith.constant 0 : i32
          %scatter3A_248 = arith.constant 0 : i32
          %scatter3A_249 = tpu.memref_slice %arg5[%scan3A_120, %scatter3A_247, %scatter3A_248] : memref<2x128x128xf32, #tpu.memory_space<vmem>> -> memref<1x128x128xf32, #tpu.memory_space<vmem>>
          %scatter3A_250 = tpu.memref_squeeze %scatter3A_249 : memref<1x128x128xf32, #tpu.memory_space<vmem>> -> memref<128x128xf32, #tpu.memory_space<vmem>>
          tpu.vector_store_idx %scatter3A_250[%add3A_214, %add3A_3], %gather3A_219 : memref<128x128xf32, #tpu.memory_space<vmem>>[vector<16xi32>, vector<16xi32>], vector<16xf32>,
          %add3A_251 = arith.constant 0 : i32
          %add3A_252 = vector.broadcast %add3A_251 : i32 to vector<16xi32>
          %add3A_253 = arith.addi %rem3A_156, %add3A_252 : vector<16xi32>
          %gather3A_254 = arith.constant 0 : i32
          %gather3A_255 = arith.constant 0 : i32
          %gather3A_256 = tpu.memref_slice %arg4[%scan3A_119, %gather3A_254, %gather3A_255] : memref<2x64x128xf32, #tpu.memory_space<vmem>> -> memref<1x64x128xf32, #tpu.memory_space<vmem>>
          %gather3A_257 = tpu.memref_squeeze %gather3A_256 : memref<1x64x128xf32, #tpu.memory_space<vmem>> -> memref<64x128xf32, #tpu.memory_space<vmem>>
          %gather3A_258 = tpu.vector_load_idx %gather3A_257[%add3A_6, %add3A_253] : memref<64x128xf32, #tpu.memory_space<vmem>>[vector<16xi32>, vector<16xi32>], vector<16xf32>,
          %add3A_259 = arith.constant 16 : i32
          %add3A_260 = vector.broadcast %add3A_259 : i32 to vector<16xi32>
          %add3A_261 = arith.addi %rem3A_156, %add3A_260 : vector<16xi32>
          %gather3A_262 = arith.constant 0 : i32
          %gather3A_263 = arith.constant 0 : i32
          %gather3A_264 = tpu.memref_slice %arg4[%scan3A_119, %gather3A_262, %gather3A_263] : memref<2x64x128xf32, #tpu.memory_space<vmem>> -> memref<1x64x128xf32, #tpu.memory_space<vmem>>
          %gather3A_265 = tpu.memref_squeeze %gather3A_264 : memref<1x64x128xf32, #tpu.memory_space<vmem>> -> memref<64x128xf32, #tpu.memory_space<vmem>>
          %gather3A_266 = tpu.vector_load_idx %gather3A_265[%add3A_6, %add3A_261] : memref<64x128xf32, #tpu.memory_space<vmem>>[vector<16xi32>, vector<16xi32>], vector<16xf32>,
          %add3A_267 = arith.constant 32 : i32
          %add3A_268 = vector.broadcast %add3A_267 : i32 to vector<16xi32>
          %add3A_269 = arith.addi %rem3A_156, %add3A_268 : vector<16xi32>
          %gather3A_270 = arith.constant 0 : i32
          %gather3A_271 = arith.constant 0 : i32
          %gather3A_272 = tpu.memref_slice %arg4[%scan3A_119, %gather3A_270, %gather3A_271] : memref<2x64x128xf32, #tpu.memory_space<vmem>> -> memref<1x64x128xf32, #tpu.memory_space<vmem>>
          %gather3A_273 = tpu.memref_squeeze %gather3A_272 : memref<1x64x128xf32, #tpu.memory_space<vmem>> -> memref<64x128xf32, #tpu.memory_space<vmem>>
          %gather3A_274 = tpu.vector_load_idx %gather3A_273[%add3A_6, %add3A_269] : memref<64x128xf32, #tpu.memory_space<vmem>>[vector<16xi32>, vector<16xi32>], vector<16xf32>,
          %add3A_275 = arith.constant 48 : i32
          %add3A_276 = vector.broadcast %add3A_275 : i32 to vector<16xi32>
          %add3A_277 = arith.addi %rem3A_156, %add3A_276 : vector<16xi32>
          %gather3A_278 = arith.constant 0 : i32
          %gather3A_279 = arith.constant 0 : i32
          %gather3A_280 = tpu.memref_slice %arg4[%scan3A_119, %gather3A_278, %gather3A_279] : memref<2x64x128xf32, #tpu.memory_space<vmem>> -> memref<1x64x128xf32, #tpu.memory_space<vmem>>
          %gather3A_281 = tpu.memref_squeeze %gather3A_280 : memref<1x64x128xf32, #tpu.memory_space<vmem>> -> memref<64x128xf32, #tpu.memory_space<vmem>>
          %gather3A_282 = tpu.vector_load_idx %gather3A_281[%add3A_6, %add3A_277] : memref<64x128xf32, #tpu.memory_space<vmem>>[vector<16xi32>, vector<16xi32>], vector<16xf32>,
          %add3A_283 = arith.constant 64 : i32
          %add3A_284 = vector.broadcast %add3A_283 : i32 to vector<16xi32>
          %add3A_285 = arith.addi %rem3A_156, %add3A_284 : vector<16xi32>
          %gather3A_286 = arith.constant 0 : i32
          %gather3A_287 = arith.constant 0 : i32
          %gather3A_288 = tpu.memref_slice %arg4[%scan3A_119, %gather3A_286, %gather3A_287] : memref<2x64x128xf32, #tpu.memory_space<vmem>> -> memref<1x64x128xf32, #tpu.memory_space<vmem>>
          %gather3A_289 = tpu.memref_squeeze %gather3A_288 : memref<1x64x128xf32, #tpu.memory_space<vmem>> -> memref<64x128xf32, #tpu.memory_space<vmem>>
          %gather3A_290 = tpu.vector_load_idx %gather3A_289[%add3A_6, %add3A_285] : memref<64x128xf32, #tpu.memory_space<vmem>>[vector<16xi32>, vector<16xi32>], vector<16xf32>,
          %add3A_291 = arith.constant 80 : i32
          %add3A_292 = vector.broadcast %add3A_291 : i32 to vector<16xi32>
          %add3A_293 = arith.addi %rem3A_156, %add3A_292 : vector<16xi32>
          %gather3A_294 = arith.constant 0 : i32
          %gather3A_295 = arith.constant 0 : i32
          %gather3A_296 = tpu.memref_slice %arg4[%scan3A_119, %gather3A_294, %gather3A_295] : memref<2x64x128xf32, #tpu.memory_space<vmem>> -> memref<1x64x128xf32, #tpu.memory_space<vmem>>
          %gather3A_297 = tpu.memref_squeeze %gather3A_296 : memref<1x64x128xf32, #tpu.memory_space<vmem>> -> memref<64x128xf32, #tpu.memory_space<vmem>>
          %gather3A_298 = tpu.vector_load_idx %gather3A_297[%add3A_6, %add3A_293] : memref<64x128xf32, #tpu.memory_space<vmem>>[vector<16xi32>, vector<16xi32>], vector<16xf32>,
          %add3A_299 = arith.constant 96 : i32
          %add3A_300 = vector.broadcast %add3A_299 : i32 to vector<16xi32>
          %add3A_301 = arith.addi %rem3A_156, %add3A_300 : vector<16xi32>
          %gather3A_302 = arith.constant 0 : i32
          %gather3A_303 = arith.constant 0 : i32
          %gather3A_304 = tpu.memref_slice %arg4[%scan3A_119, %gather3A_302, %gather3A_303] : memref<2x64x128xf32, #tpu.memory_space<vmem>> -> memref<1x64x128xf32, #tpu.memory_space<vmem>>
          %gather3A_305 = tpu.memref_squeeze %gather3A_304 : memref<1x64x128xf32, #tpu.memory_space<vmem>> -> memref<64x128xf32, #tpu.memory_space<vmem>>
          %gather3A_306 = tpu.vector_load_idx %gather3A_305[%add3A_6, %add3A_301] : memref<64x128xf32, #tpu.memory_space<vmem>>[vector<16xi32>, vector<16xi32>], vector<16xf32>,
          %add3A_307 = arith.constant 112 : i32
          %add3A_308 = vector.broadcast %add3A_307 : i32 to vector<16xi32>
          %add3A_309 = arith.addi %rem3A_156, %add3A_308 : vector<16xi32>
          %gather3A_310 = arith.constant 0 : i32
          %gather3A_311 = arith.constant 0 : i32
          %gather3A_312 = tpu.memref_slice %arg4[%scan3A_119, %gather3A_310, %gather3A_311] : memref<2x64x128xf32, #tpu.memory_space<vmem>> -> memref<1x64x128xf32, #tpu.memory_space<vmem>>
          %gather3A_313 = tpu.memref_squeeze %gather3A_312 : memref<1x64x128xf32, #tpu.memory_space<vmem>> -> memref<64x128xf32, #tpu.memory_space<vmem>>
          %gather3A_314 = tpu.vector_load_idx %gather3A_313[%add3A_6, %add3A_309] : memref<64x128xf32, #tpu.memory_space<vmem>>[vector<16xi32>, vector<16xi32>], vector<16xf32>,
          %scatter3A_315 = arith.constant 0 : i32
          %scatter3A_316 = arith.constant 0 : i32
          %scatter3A_317 = tpu.memref_slice %arg5[%scan3A_120, %scatter3A_315, %scatter3A_316] : memref<2x128x128xf32, #tpu.memory_space<vmem>> -> memref<1x128x128xf32, #tpu.memory_space<vmem>>
          %scatter3A_318 = tpu.memref_squeeze %scatter3A_317 : memref<1x128x128xf32, #tpu.memory_space<vmem>> -> memref<128x128xf32, #tpu.memory_space<vmem>>
          tpu.vector_store_idx %scatter3A_318[%add3A_253, %add3A_6], %gather3A_258 : memref<128x128xf32, #tpu.memory_space<vmem>>[vector<16xi32>, vector<16xi32>], vector<16xf32>,
          %scatter3A_319 = arith.constant 0 : i32
          %scatter3A_320 = arith.constant 0 : i32
          %scatter3A_321 = tpu.memref_slice %arg5[%scan3A_120, %scatter3A_319, %scatter3A_320] : memref<2x128x128xf32, #tpu.memory_space<vmem>> -> memref<1x128x128xf32, #tpu.memory_space<vmem>>
          %scatter3A_322 = tpu.memref_squeeze %scatter3A_321 : memref<1x128x128xf32, #tpu.memory_space<vmem>> -> memref<128x128xf32, #tpu.memory_space<vmem>>
          tpu.vector_store_idx %scatter3A_322[%add3A_261, %add3A_6], %gather3A_266 : memref<128x128xf32, #tpu.memory_space<vmem>>[vector<16xi32>, vector<16xi32>], vector<16xf32>,
          %scatter3A_323 = arith.constant 0 : i32
          %scatter3A_324 = arith.constant 0 : i32
          %scatter3A_325 = tpu.memref_slice %arg5[%scan3A_120, %scatter3A_323, %scatter3A_324] : memref<2x128x128xf32, #tpu.memory_space<vmem>> -> memref<1x128x128xf32, #tpu.memory_space<vmem>>
          %scatter3A_326 = tpu.memref_squeeze %scatter3A_325 : memref<1x128x128xf32, #tpu.memory_space<vmem>> -> memref<128x128xf32, #tpu.memory_space<vmem>>
          tpu.vector_store_idx %scatter3A_326[%add3A_269, %add3A_6], %gather3A_274 : memref<128x128xf32, #tpu.memory_space<vmem>>[vector<16xi32>, vector<16xi32>], vector<16xf32>,
          %scatter3A_327 = arith.constant 0 : i32
          %scatter3A_328 = arith.constant 0 : i32
          %scatter3A_329 = tpu.memref_slice %arg5[%scan3A_120, %scatter3A_327, %scatter3A_328] : memref<2x128x128xf32, #tpu.memory_space<vmem>> -> memref<1x128x128xf32, #tpu.memory_space<vmem>>
          %scatter3A_330 = tpu.memref_squeeze %scatter3A_329 : memref<1x128x128xf32, #tpu.memory_space<vmem>> -> memref<128x128xf32, #tpu.memory_space<vmem>>
          tpu.vector_store_idx %scatter3A_330[%add3A_277, %add3A_6], %gather3A_282 : memref<128x128xf32, #tpu.memory_space<vmem>>[vector<16xi32>, vector<16xi32>], vector<16xf32>,
          %scatter3A_331 = arith.constant 0 : i32
          %scatter3A_332 = arith.constant 0 : i32
          %scatter3A_333 = tpu.memref_slice %arg5[%scan3A_120, %scatter3A_331, %scatter3A_332] : memref<2x128x128xf32, #tpu.memory_space<vmem>> -> memref<1x128x128xf32, #tpu.memory_space<vmem>>
          %scatter3A_334 = tpu.memref_squeeze %scatter3A_333 : memref<1x128x128xf32, #tpu.memory_space<vmem>> -> memref<128x128xf32, #tpu.memory_space<vmem>>
          tpu.vector_store_idx %scatter3A_334[%add3A_285, %add3A_6], %gather3A_290 : memref<128x128xf32, #tpu.memory_space<vmem>>[vector<16xi32>, vector<16xi32>], vector<16xf32>,
          %scatter3A_335 = arith.constant 0 : i32
          %scatter3A_336 = arith.constant 0 : i32
          %scatter3A_337 = tpu.memref_slice %arg5[%scan3A_120, %scatter3A_335, %scatter3A_336] : memref<2x128x128xf32, #tpu.memory_space<vmem>> -> memref<1x128x128xf32, #tpu.memory_space<vmem>>
          %scatter3A_338 = tpu.memref_squeeze %scatter3A_337 : memref<1x128x128xf32, #tpu.memory_space<vmem>> -> memref<128x128xf32, #tpu.memory_space<vmem>>
          tpu.vector_store_idx %scatter3A_338[%add3A_293, %add3A_6], %gather3A_298 : memref<128x128xf32, #tpu.memory_space<vmem>>[vector<16xi32>, vector<16xi32>], vector<16xf32>,
          %scatter3A_339 = arith.constant 0 : i32
          %scatter3A_340 = arith.constant 0 : i32
          %scatter3A_341 = tpu.memref_slice %arg5[%scan3A_120, %scatter3A_339, %scatter3A_340] : memref<2x128x128xf32, #tpu.memory_space<vmem>> -> memref<1x128x128xf32, #tpu.memory_space<vmem>>
          %scatter3A_342 = tpu.memref_squeeze %scatter3A_341 : memref<1x128x128xf32, #tpu.memory_space<vmem>> -> memref<128x128xf32, #tpu.memory_space<vmem>>
          tpu.vector_store_idx %scatter3A_342[%add3A_301, %add3A_6], %gather3A_306 : memref<128x128xf32, #tpu.memory_space<vmem>>[vector<16xi32>, vector<16xi32>], vector<16xf32>,
          %scatter3A_343 = arith.constant 0 : i32
          %scatter3A_344 = arith.constant 0 : i32
          %scatter3A_345 = tpu.memref_slice %arg5[%scan3A_120, %scatter3A_343, %scatter3A_344] : memref<2x128x128xf32, #tpu.memory_space<vmem>> -> memref<1x128x128xf32, #tpu.memory_space<vmem>>
          %scatter3A_346 = tpu.memref_squeeze %scatter3A_345 : memref<1x128x128xf32, #tpu.memory_space<vmem>> -> memref<128x128xf32, #tpu.memory_space<vmem>>
          tpu.vector_store_idx %scatter3A_346[%add3A_309, %add3A_6], %gather3A_314 : memref<128x128xf32, #tpu.memory_space<vmem>>[vector<16xi32>, vector<16xi32>], vector<16xf32>,
          %add3A_347 = arith.constant 0 : i32
          %add3A_348 = vector.broadcast %add3A_347 : i32 to vector<16xi32>
          %add3A_349 = arith.addi %rem3A_156, %add3A_348 : vector<16xi32>
          %gather3A_350 = arith.constant 0 : i32
          %gather3A_351 = arith.constant 0 : i32
          %gather3A_352 = tpu.memref_slice %arg4[%scan3A_119, %gather3A_350, %gather3A_351] : memref<2x64x128xf32, #tpu.memory_space<vmem>> -> memref<1x64x128xf32, #tpu.memory_space<vmem>>
          %gather3A_353 = tpu.memref_squeeze %gather3A_352 : memref<1x64x128xf32, #tpu.memory_space<vmem>> -> memref<64x128xf32, #tpu.memory_space<vmem>>
          %gather3A_354 = tpu.vector_load_idx %gather3A_353[%add3A_9, %add3A_349] : memref<64x128xf32, #tpu.memory_space<vmem>>[vector<16xi32>, vector<16xi32>], vector<16xf32>,
          %add3A_355 = arith.constant 16 : i32
          %add3A_356 = vector.broadcast %add3A_355 : i32 to vector<16xi32>
          %add3A_357 = arith.addi %rem3A_156, %add3A_356 : vector<16xi32>
          %gather3A_358 = arith.constant 0 : i32
          %gather3A_359 = arith.constant 0 : i32
          %gather3A_360 = tpu.memref_slice %arg4[%scan3A_119, %gather3A_358, %gather3A_359] : memref<2x64x128xf32, #tpu.memory_space<vmem>> -> memref<1x64x128xf32, #tpu.memory_space<vmem>>
          %gather3A_361 = tpu.memref_squeeze %gather3A_360 : memref<1x64x128xf32, #tpu.memory_space<vmem>> -> memref<64x128xf32, #tpu.memory_space<vmem>>
          %gather3A_362 = tpu.vector_load_idx %gather3A_361[%add3A_9, %add3A_357] : memref<64x128xf32, #tpu.memory_space<vmem>>[vector<16xi32>, vector<16xi32>], vector<16xf32>,
          %add3A_363 = arith.constant 32 : i32
          %add3A_364 = vector.broadcast %add3A_363 : i32 to vector<16xi32>
          %add3A_365 = arith.addi %rem3A_156, %add3A_364 : vector<16xi32>
          %gather3A_366 = arith.constant 0 : i32
          %gather3A_367 = arith.constant 0 : i32
          %gather3A_368 = tpu.memref_slice %arg4[%scan3A_119, %gather3A_366, %gather3A_367] : memref<2x64x128xf32, #tpu.memory_space<vmem>> -> memref<1x64x128xf32, #tpu.memory_space<vmem>>
          %gather3A_369 = tpu.memref_squeeze %gather3A_368 : memref<1x64x128xf32, #tpu.memory_space<vmem>> -> memref<64x128xf32, #tpu.memory_space<vmem>>
          %gather3A_370 = tpu.vector_load_idx %gather3A_369[%add3A_9, %add3A_365] : memref<64x128xf32, #tpu.memory_space<vmem>>[vector<16xi32>, vector<16xi32>], vector<16xf32>,
          %add3A_371 = arith.constant 48 : i32
          %add3A_372 = vector.broadcast %add3A_371 : i32 to vector<16xi32>
          %add3A_373 = arith.addi %rem3A_156, %add3A_372 : vector<16xi32>
          %gather3A_374 = arith.constant 0 : i32
          %gather3A_375 = arith.constant 0 : i32
          %gather3A_376 = tpu.memref_slice %arg4[%scan3A_119, %gather3A_374, %gather3A_375] : memref<2x64x128xf32, #tpu.memory_space<vmem>> -> memref<1x64x128xf32, #tpu.memory_space<vmem>>
          %gather3A_377 = tpu.memref_squeeze %gather3A_376 : memref<1x64x128xf32, #tpu.memory_space<vmem>> -> memref<64x128xf32, #tpu.memory_space<vmem>>
          %gather3A_378 = tpu.vector_load_idx %gather3A_377[%add3A_9, %add3A_373] : memref<64x128xf32, #tpu.memory_space<vmem>>[vector<16xi32>, vector<16xi32>], vector<16xf32>,
          %add3A_379 = arith.constant 64 : i32
          %add3A_380 = vector.broadcast %add3A_379 : i32 to vector<16xi32>
          %add3A_381 = arith.addi %rem3A_156, %add3A_380 : vector<16xi32>
          %gather3A_382 = arith.constant 0 : i32
          %gather3A_383 = arith.constant 0 : i32
          %gather3A_384 = tpu.memref_slice %arg4[%scan3A_119, %gather3A_382, %gather3A_383] : memref<2x64x128xf32, #tpu.memory_space<vmem>> -> memref<1x64x128xf32, #tpu.memory_space<vmem>>
          %gather3A_385 = tpu.memref_squeeze %gather3A_384 : memref<1x64x128xf32, #tpu.memory_space<vmem>> -> memref<64x128xf32, #tpu.memory_space<vmem>>
          %gather3A_386 = tpu.vector_load_idx %gather3A_385[%add3A_9, %add3A_381] : memref<64x128xf32, #tpu.memory_space<vmem>>[vector<16xi32>, vector<16xi32>], vector<16xf32>,
          %add3A_387 = arith.constant 80 : i32
          %add3A_388 = vector.broadcast %add3A_387 : i32 to vector<16xi32>
          %add3A_389 = arith.addi %rem3A_156, %add3A_388 : vector<16xi32>
          %gather3A_390 = arith.constant 0 : i32
          %gather3A_391 = arith.constant 0 : i32
          %gather3A_392 = tpu.memref_slice %arg4[%scan3A_119, %gather3A_390, %gather3A_391] : memref<2x64x128xf32, #tpu.memory_space<vmem>> -> memref<1x64x128xf32, #tpu.memory_space<vmem>>
          %gather3A_393 = tpu.memref_squeeze %gather3A_392 : memref<1x64x128xf32, #tpu.memory_space<vmem>> -> memref<64x128xf32, #tpu.memory_space<vmem>>
          %gather3A_394 = tpu.vector_load_idx %gather3A_393[%add3A_9, %add3A_389] : memref<64x128xf32, #tpu.memory_space<vmem>>[vector<16xi32>, vector<16xi32>], vector<16xf32>,
          %add3A_395 = arith.constant 96 : i32
          %add3A_396 = vector.broadcast %add3A_395 : i32 to vector<16xi32>
          %add3A_397 = arith.addi %rem3A_156, %add3A_396 : vector<16xi32>
          %gather3A_398 = arith.constant 0 : i32
          %gather3A_399 = arith.constant 0 : i32
          %gather3A_400 = tpu.memref_slice %arg4[%scan3A_119, %gather3A_398, %gather3A_399] : memref<2x64x128xf32, #tpu.memory_space<vmem>> -> memref<1x64x128xf32, #tpu.memory_space<vmem>>
          %gather3A_401 = tpu.memref_squeeze %gather3A_400 : memref<1x64x128xf32, #tpu.memory_space<vmem>> -> memref<64x128xf32, #tpu.memory_space<vmem>>
          %gather3A_402 = tpu.vector_load_idx %gather3A_401[%add3A_9, %add3A_397] : memref<64x128xf32, #tpu.memory_space<vmem>>[vector<16xi32>, vector<16xi32>], vector<16xf32>,
          %add3A_403 = arith.constant 112 : i32
          %add3A_404 = vector.broadcast %add3A_403 : i32 to vector<16xi32>
          %add3A_405 = arith.addi %rem3A_156, %add3A_404 : vector<16xi32>
          %gather3A_406 = arith.constant 0 : i32
          %gather3A_407 = arith.constant 0 : i32
          %gather3A_408 = tpu.memref_slice %arg4[%scan3A_119, %gather3A_406, %gather3A_407] : memref<2x64x128xf32, #tpu.memory_space<vmem>> -> memref<1x64x128xf32, #tpu.memory_space<vmem>>
          %gather3A_409 = tpu.memref_squeeze %gather3A_408 : memref<1x64x128xf32, #tpu.memory_space<vmem>> -> memref<64x128xf32, #tpu.memory_space<vmem>>
          %gather3A_410 = tpu.vector_load_idx %gather3A_409[%add3A_9, %add3A_405] : memref<64x128xf32, #tpu.memory_space<vmem>>[vector<16xi32>, vector<16xi32>], vector<16xf32>,
          %scatter3A_411 = arith.constant 0 : i32
          %scatter3A_412 = arith.constant 0 : i32
          %scatter3A_413 = tpu.memref_slice %arg5[%scan3A_120, %scatter3A_411, %scatter3A_412] : memref<2x128x128xf32, #tpu.memory_space<vmem>> -> memref<1x128x128xf32, #tpu.memory_space<vmem>>
          %scatter3A_414 = tpu.memref_squeeze %scatter3A_413 : memref<1x128x128xf32, #tpu.memory_space<vmem>> -> memref<128x128xf32, #tpu.memory_space<vmem>>
          tpu.vector_store_idx %scatter3A_414[%add3A_349, %add3A_9], %gather3A_354 : memref<128x128xf32, #tpu.memory_space<vmem>>[vector<16xi32>, vector<16xi32>], vector<16xf32>,
          %scatter3A_415 = arith.constant 0 : i32
          %scatter3A_416 = arith.constant 0 : i32
          %scatter3A_417 = tpu.memref_slice %arg5[%scan3A_120, %scatter3A_415, %scatter3A_416] : memref<2x128x128xf32, #tpu.memory_space<vmem>> -> memref<1x128x128xf32, #tpu.memory_space<vmem>>
          %scatter3A_418 = tpu.memref_squeeze %scatter3A_417 : memref<1x128x128xf32, #tpu.memory_space<vmem>> -> memref<128x128xf32, #tpu.memory_space<vmem>>
          tpu.vector_store_idx %scatter3A_418[%add3A_357, %add3A_9], %gather3A_362 : memref<128x128xf32, #tpu.memory_space<vmem>>[vector<16xi32>, vector<16xi32>], vector<16xf32>,
          %scatter3A_419 = arith.constant 0 : i32
          %scatter3A_420 = arith.constant 0 : i32
          %scatter3A_421 = tpu.memref_slice %arg5[%scan3A_120, %scatter3A_419, %scatter3A_420] : memref<2x128x128xf32, #tpu.memory_space<vmem>> -> memref<1x128x128xf32, #tpu.memory_space<vmem>>
          %scatter3A_422 = tpu.memref_squeeze %scatter3A_421 : memref<1x128x128xf32, #tpu.memory_space<vmem>> -> memref<128x128xf32, #tpu.memory_space<vmem>>
          tpu.vector_store_idx %scatter3A_422[%add3A_365, %add3A_9], %gather3A_370 : memref<128x128xf32, #tpu.memory_space<vmem>>[vector<16xi32>, vector<16xi32>], vector<16xf32>,
          %scatter3A_423 = arith.constant 0 : i32
          %scatter3A_424 = arith.constant 0 : i32
          %scatter3A_425 = tpu.memref_slice %arg5[%scan3A_120, %scatter3A_423, %scatter3A_424] : memref<2x128x128xf32, #tpu.memory_space<vmem>> -> memref<1x128x128xf32, #tpu.memory_space<vmem>>
          %scatter3A_426 = tpu.memref_squeeze %scatter3A_425 : memref<1x128x128xf32, #tpu.memory_space<vmem>> -> memref<128x128xf32, #tpu.memory_space<vmem>>
          tpu.vector_store_idx %scatter3A_426[%add3A_373, %add3A_9], %gather3A_378 : memref<128x128xf32, #tpu.memory_space<vmem>>[vector<16xi32>, vector<16xi32>], vector<16xf32>,
          %scatter3A_427 = arith.constant 0 : i32
          %scatter3A_428 = arith.constant 0 : i32
          %scatter3A_429 = tpu.memref_slice %arg5[%scan3A_120, %scatter3A_427, %scatter3A_428] : memref<2x128x128xf32, #tpu.memory_space<vmem>> -> memref<1x128x128xf32, #tpu.memory_space<vmem>>
          %scatter3A_430 = tpu.memref_squeeze %scatter3A_429 : memref<1x128x128xf32, #tpu.memory_space<vmem>> -> memref<128x128xf32, #tpu.memory_space<vmem>>
          tpu.vector_store_idx %scatter3A_430[%add3A_381, %add3A_9], %gather3A_386 : memref<128x128xf32, #tpu.memory_space<vmem>>[vector<16xi32>, vector<16xi32>], vector<16xf32>,
          %scatter3A_431 = arith.constant 0 : i32
          %scatter3A_432 = arith.constant 0 : i32
          %scatter3A_433 = tpu.memref_slice %arg5[%scan3A_120, %scatter3A_431, %scatter3A_432] : memref<2x128x128xf32, #tpu.memory_space<vmem>> -> memref<1x128x128xf32, #tpu.memory_space<vmem>>
          %scatter3A_434 = tpu.memref_squeeze %scatter3A_433 : memref<1x128x128xf32, #tpu.memory_space<vmem>> -> memref<128x128xf32, #tpu.memory_space<vmem>>
          tpu.vector_store_idx %scatter3A_434[%add3A_389, %add3A_9], %gather3A_394 : memref<128x128xf32, #tpu.memory_space<vmem>>[vector<16xi32>, vector<16xi32>], vector<16xf32>,
          %scatter3A_435 = arith.constant 0 : i32
          %scatter3A_436 = arith.constant 0 : i32
          %scatter3A_437 = tpu.memref_slice %arg5[%scan3A_120, %scatter3A_435, %scatter3A_436] : memref<2x128x128xf32, #tpu.memory_space<vmem>> -> memref<1x128x128xf32, #tpu.memory_space<vmem>>
          %scatter3A_438 = tpu.memref_squeeze %scatter3A_437 : memref<1x128x128xf32, #tpu.memory_space<vmem>> -> memref<128x128xf32, #tpu.memory_space<vmem>>
          tpu.vector_store_idx %scatter3A_438[%add3A_397, %add3A_9], %gather3A_402 : memref<128x128xf32, #tpu.memory_space<vmem>>[vector<16xi32>, vector<16xi32>], vector<16xf32>,
          %scatter3A_439 = arith.constant 0 : i32
          %scatter3A_440 = arith.constant 0 : i32
          %scatter3A_441 = tpu.memref_slice %arg5[%scan3A_120, %scatter3A_439, %scatter3A_440] : memref<2x128x128xf32, #tpu.memory_space<vmem>> -> memref<1x128x128xf32, #tpu.memory_space<vmem>>
          %scatter3A_442 = tpu.memref_squeeze %scatter3A_441 : memref<1x128x128xf32, #tpu.memory_space<vmem>> -> memref<128x128xf32, #tpu.memory_space<vmem>>
          tpu.vector_store_idx %scatter3A_442[%add3A_405, %add3A_9], %gather3A_410 : memref<128x128xf32, #tpu.memory_space<vmem>>[vector<16xi32>, vector<16xi32>], vector<16xf32>,
          %add3A_443 = arith.constant 0 : i32
          %add3A_444 = vector.broadcast %add3A_443 : i32 to vector<16xi32>
          %add3A_445 = arith.addi %rem3A_156, %add3A_444 : vector<16xi32>
          %gather3A_446 = arith.constant 0 : i32
          %gather3A_447 = arith.constant 0 : i32
          %gather3A_448 = tpu.memref_slice %arg4[%scan3A_119, %gather3A_446, %gather3A_447] : memref<2x64x128xf32, #tpu.memory_space<vmem>> -> memref<1x64x128xf32, #tpu.memory_space<vmem>>
          %gather3A_449 = tpu.memref_squeeze %gather3A_448 : memref<1x64x128xf32, #tpu.memory_space<vmem>> -> memref<64x128xf32, #tpu.memory_space<vmem>>
          %gather3A_450 = tpu.vector_load_idx %gather3A_449[%add3A_12, %add3A_445] : memref<64x128xf32, #tpu.memory_space<vmem>>[vector<16xi32>, vector<16xi32>], vector<16xf32>,
          %add3A_451 = arith.constant 16 : i32
          %add3A_452 = vector.broadcast %add3A_451 : i32 to vector<16xi32>
          %add3A_453 = arith.addi %rem3A_156, %add3A_452 : vector<16xi32>
          %gather3A_454 = arith.constant 0 : i32
          %gather3A_455 = arith.constant 0 : i32
          %gather3A_456 = tpu.memref_slice %arg4[%scan3A_119, %gather3A_454, %gather3A_455] : memref<2x64x128xf32, #tpu.memory_space<vmem>> -> memref<1x64x128xf32, #tpu.memory_space<vmem>>
          %gather3A_457 = tpu.memref_squeeze %gather3A_456 : memref<1x64x128xf32, #tpu.memory_space<vmem>> -> memref<64x128xf32, #tpu.memory_space<vmem>>
          %gather3A_458 = tpu.vector_load_idx %gather3A_457[%add3A_12, %add3A_453] : memref<64x128xf32, #tpu.memory_space<vmem>>[vector<16xi32>, vector<16xi32>], vector<16xf32>,
          %add3A_459 = arith.constant 32 : i32
          %add3A_460 = vector.broadcast %add3A_459 : i32 to vector<16xi32>
          %add3A_461 = arith.addi %rem3A_156, %add3A_460 : vector<16xi32>
          %gather3A_462 = arith.constant 0 : i32
          %gather3A_463 = arith.constant 0 : i32
          %gather3A_464 = tpu.memref_slice %arg4[%scan3A_119, %gather3A_462, %gather3A_463] : memref<2x64x128xf32, #tpu.memory_space<vmem>> -> memref<1x64x128xf32, #tpu.memory_space<vmem>>
          %gather3A_465 = tpu.memref_squeeze %gather3A_464 : memref<1x64x128xf32, #tpu.memory_space<vmem>> -> memref<64x128xf32, #tpu.memory_space<vmem>>
          %gather3A_466 = tpu.vector_load_idx %gather3A_465[%add3A_12, %add3A_461] : memref<64x128xf32, #tpu.memory_space<vmem>>[vector<16xi32>, vector<16xi32>], vector<16xf32>,
          %add3A_467 = arith.constant 48 : i32
          %add3A_468 = vector.broadcast %add3A_467 : i32 to vector<16xi32>
          %add3A_469 = arith.addi %rem3A_156, %add3A_468 : vector<16xi32>
          %gather3A_470 = arith.constant 0 : i32
          %gather3A_471 = arith.constant 0 : i32
          %gather3A_472 = tpu.memref_slice %arg4[%scan3A_119, %gather3A_470, %gather3A_471] : memref<2x64x128xf32, #tpu.memory_space<vmem>> -> memref<1x64x128xf32, #tpu.memory_space<vmem>>
          %gather3A_473 = tpu.memref_squeeze %gather3A_472 : memref<1x64x128xf32, #tpu.memory_space<vmem>> -> memref<64x128xf32, #tpu.memory_space<vmem>>
          %gather3A_474 = tpu.vector_load_idx %gather3A_473[%add3A_12, %add3A_469] : memref<64x128xf32, #tpu.memory_space<vmem>>[vector<16xi32>, vector<16xi32>], vector<16xf32>,
          %add3A_475 = arith.constant 64 : i32
          %add3A_476 = vector.broadcast %add3A_475 : i32 to vector<16xi32>
          %add3A_477 = arith.addi %rem3A_156, %add3A_476 : vector<16xi32>
          %gather3A_478 = arith.constant 0 : i32
          %gather3A_479 = arith.constant 0 : i32
          %gather3A_480 = tpu.memref_slice %arg4[%scan3A_119, %gather3A_478, %gather3A_479] : memref<2x64x128xf32, #tpu.memory_space<vmem>> -> memref<1x64x128xf32, #tpu.memory_space<vmem>>
          %gather3A_481 = tpu.memref_squeeze %gather3A_480 : memref<1x64x128xf32, #tpu.memory_space<vmem>> -> memref<64x128xf32, #tpu.memory_space<vmem>>
          %gather3A_482 = tpu.vector_load_idx %gather3A_481[%add3A_12, %add3A_477] : memref<64x128xf32, #tpu.memory_space<vmem>>[vector<16xi32>, vector<16xi32>], vector<16xf32>,
          %add3A_483 = arith.constant 80 : i32
          %add3A_484 = vector.broadcast %add3A_483 : i32 to vector<16xi32>
          %add3A_485 = arith.addi %rem3A_156, %add3A_484 : vector<16xi32>
          %gather3A_486 = arith.constant 0 : i32
          %gather3A_487 = arith.constant 0 : i32
          %gather3A_488 = tpu.memref_slice %arg4[%scan3A_119, %gather3A_486, %gather3A_487] : memref<2x64x128xf32, #tpu.memory_space<vmem>> -> memref<1x64x128xf32, #tpu.memory_space<vmem>>
          %gather3A_489 = tpu.memref_squeeze %gather3A_488 : memref<1x64x128xf32, #tpu.memory_space<vmem>> -> memref<64x128xf32, #tpu.memory_space<vmem>>
          %gather3A_490 = tpu.vector_load_idx %gather3A_489[%add3A_12, %add3A_485] : memref<64x128xf32, #tpu.memory_space<vmem>>[vector<16xi32>, vector<16xi32>], vector<16xf32>,
          %add3A_491 = arith.constant 96 : i32
          %add3A_492 = vector.broadcast %add3A_491 : i32 to vector<16xi32>
          %add3A_493 = arith.addi %rem3A_156, %add3A_492 : vector<16xi32>
          %gather3A_494 = arith.constant 0 : i32
          %gather3A_495 = arith.constant 0 : i32
          %gather3A_496 = tpu.memref_slice %arg4[%scan3A_119, %gather3A_494, %gather3A_495] : memref<2x64x128xf32, #tpu.memory_space<vmem>> -> memref<1x64x128xf32, #tpu.memory_space<vmem>>
          %gather3A_497 = tpu.memref_squeeze %gather3A_496 : memref<1x64x128xf32, #tpu.memory_space<vmem>> -> memref<64x128xf32, #tpu.memory_space<vmem>>
          %gather3A_498 = tpu.vector_load_idx %gather3A_497[%add3A_12, %add3A_493] : memref<64x128xf32, #tpu.memory_space<vmem>>[vector<16xi32>, vector<16xi32>], vector<16xf32>,
          %add3A_499 = arith.constant 112 : i32
          %add3A_500 = vector.broadcast %add3A_499 : i32 to vector<16xi32>
          %add3A_501 = arith.addi %rem3A_156, %add3A_500 : vector<16xi32>
          %gather3A_502 = arith.constant 0 : i32
          %gather3A_503 = arith.constant 0 : i32
          %gather3A_504 = tpu.memref_slice %arg4[%scan3A_119, %gather3A_502, %gather3A_503] : memref<2x64x128xf32, #tpu.memory_space<vmem>> -> memref<1x64x128xf32, #tpu.memory_space<vmem>>
          %gather3A_505 = tpu.memref_squeeze %gather3A_504 : memref<1x64x128xf32, #tpu.memory_space<vmem>> -> memref<64x128xf32, #tpu.memory_space<vmem>>
          %gather3A_506 = tpu.vector_load_idx %gather3A_505[%add3A_12, %add3A_501] : memref<64x128xf32, #tpu.memory_space<vmem>>[vector<16xi32>, vector<16xi32>], vector<16xf32>,
          %scatter3A_507 = arith.constant 0 : i32
          %scatter3A_508 = arith.constant 0 : i32
          %scatter3A_509 = tpu.memref_slice %arg5[%scan3A_120, %scatter3A_507, %scatter3A_508] : memref<2x128x128xf32, #tpu.memory_space<vmem>> -> memref<1x128x128xf32, #tpu.memory_space<vmem>>
          %scatter3A_510 = tpu.memref_squeeze %scatter3A_509 : memref<1x128x128xf32, #tpu.memory_space<vmem>> -> memref<128x128xf32, #tpu.memory_space<vmem>>
          tpu.vector_store_idx %scatter3A_510[%add3A_445, %add3A_12], %gather3A_450 : memref<128x128xf32, #tpu.memory_space<vmem>>[vector<16xi32>, vector<16xi32>], vector<16xf32>,
          %scatter3A_511 = arith.constant 0 : i32
          %scatter3A_512 = arith.constant 0 : i32
          %scatter3A_513 = tpu.memref_slice %arg5[%scan3A_120, %scatter3A_511, %scatter3A_512] : memref<2x128x128xf32, #tpu.memory_space<vmem>> -> memref<1x128x128xf32, #tpu.memory_space<vmem>>
          %scatter3A_514 = tpu.memref_squeeze %scatter3A_513 : memref<1x128x128xf32, #tpu.memory_space<vmem>> -> memref<128x128xf32, #tpu.memory_space<vmem>>
          tpu.vector_store_idx %scatter3A_514[%add3A_453, %add3A_12], %gather3A_458 : memref<128x128xf32, #tpu.memory_space<vmem>>[vector<16xi32>, vector<16xi32>], vector<16xf32>,
          %scatter3A_515 = arith.constant 0 : i32
          %scatter3A_516 = arith.constant 0 : i32
          %scatter3A_517 = tpu.memref_slice %arg5[%scan3A_120, %scatter3A_515, %scatter3A_516] : memref<2x128x128xf32, #tpu.memory_space<vmem>> -> memref<1x128x128xf32, #tpu.memory_space<vmem>>
          %scatter3A_518 = tpu.memref_squeeze %scatter3A_517 : memref<1x128x128xf32, #tpu.memory_space<vmem>> -> memref<128x128xf32, #tpu.memory_space<vmem>>
          tpu.vector_store_idx %scatter3A_518[%add3A_461, %add3A_12], %gather3A_466 : memref<128x128xf32, #tpu.memory_space<vmem>>[vector<16xi32>, vector<16xi32>], vector<16xf32>,
          %scatter3A_519 = arith.constant 0 : i32
          %scatter3A_520 = arith.constant 0 : i32
          %scatter3A_521 = tpu.memref_slice %arg5[%scan3A_120, %scatter3A_519, %scatter3A_520] : memref<2x128x128xf32, #tpu.memory_space<vmem>> -> memref<1x128x128xf32, #tpu.memory_space<vmem>>
          %scatter3A_522 = tpu.memref_squeeze %scatter3A_521 : memref<1x128x128xf32, #tpu.memory_space<vmem>> -> memref<128x128xf32, #tpu.memory_space<vmem>>
          tpu.vector_store_idx %scatter3A_522[%add3A_469, %add3A_12], %gather3A_474 : memref<128x128xf32, #tpu.memory_space<vmem>>[vector<16xi32>, vector<16xi32>], vector<16xf32>,
          %scatter3A_523 = arith.constant 0 : i32
          %scatter3A_524 = arith.constant 0 : i32
          %scatter3A_525 = tpu.memref_slice %arg5[%scan3A_120, %scatter3A_523, %scatter3A_524] : memref<2x128x128xf32, #tpu.memory_space<vmem>> -> memref<1x128x128xf32, #tpu.memory_space<vmem>>
          %scatter3A_526 = tpu.memref_squeeze %scatter3A_525 : memref<1x128x128xf32, #tpu.memory_space<vmem>> -> memref<128x128xf32, #tpu.memory_space<vmem>>
          tpu.vector_store_idx %scatter3A_526[%add3A_477, %add3A_12], %gather3A_482 : memref<128x128xf32, #tpu.memory_space<vmem>>[vector<16xi32>, vector<16xi32>], vector<16xf32>,
          %scatter3A_527 = arith.constant 0 : i32
          %scatter3A_528 = arith.constant 0 : i32
          %scatter3A_529 = tpu.memref_slice %arg5[%scan3A_120, %scatter3A_527, %scatter3A_528] : memref<2x128x128xf32, #tpu.memory_space<vmem>> -> memref<1x128x128xf32, #tpu.memory_space<vmem>>
          %scatter3A_530 = tpu.memref_squeeze %scatter3A_529 : memref<1x128x128xf32, #tpu.memory_space<vmem>> -> memref<128x128xf32, #tpu.memory_space<vmem>>
          tpu.vector_store_idx %scatter3A_530[%add3A_485, %add3A_12], %gather3A_490 : memref<128x128xf32, #tpu.memory_space<vmem>>[vector<16xi32>, vector<16xi32>], vector<16xf32>,
          %scatter3A_531 = arith.constant 0 : i32
          %scatter3A_532 = arith.constant 0 : i32
          %scatter3A_533 = tpu.memref_slice %arg5[%scan3A_120, %scatter3A_531, %scatter3A_532] : memref<2x128x128xf32, #tpu.memory_space<vmem>> -> memref<1x128x128xf32, #tpu.memory_space<vmem>>
          %scatter3A_534 = tpu.memref_squeeze %scatter3A_533 : memref<1x128x128xf32, #tpu.memory_space<vmem>> -> memref<128x128xf32, #tpu.memory_space<vmem>>
          tpu.vector_store_idx %scatter3A_534[%add3A_493, %add3A_12], %gather3A_498 : memref<128x128xf32, #tpu.memory_space<vmem>>[vector<16xi32>, vector<16xi32>], vector<16xf32>,
          %scatter3A_535 = arith.constant 0 : i32
          %scatter3A_536 = arith.constant 0 : i32
          %scatter3A_537 = tpu.memref_slice %arg5[%scan3A_120, %scatter3A_535, %scatter3A_536] : memref<2x128x128xf32, #tpu.memory_space<vmem>> -> memref<1x128x128xf32, #tpu.memory_space<vmem>>
          %scatter3A_538 = tpu.memref_squeeze %scatter3A_537 : memref<1x128x128xf32, #tpu.memory_space<vmem>> -> memref<128x128xf32, #tpu.memory_space<vmem>>
          tpu.vector_store_idx %scatter3A_538[%add3A_501, %add3A_12], %gather3A_506 : memref<128x128xf32, #tpu.memory_space<vmem>>[vector<16xi32>, vector<16xi32>], vector<16xf32>,
          %mul3A_539 = arith.constant 2 : i32
          %mul3A_540 = arith.muli %mul3A_539, %add3A_148 : i32
          %add3A_541 = arith.constant 1 : i32
          %add3A_542 = arith.addi %mul3A_540, %add3A_541 : i32
          %add3A_543 = vector.broadcast %add3A_542 : i32 to vector<16xi32>
          %add3A_544 = arith.addi %iota3A, %add3A_543 : vector<16xi32>
          %rem3A_545 = arith.constant 16 : i32
          %rem3A_546 = vector.broadcast %rem3A_545 : i32 to vector<16xi32>
          %rem3A_547 = arith.remsi %add3A_544, %rem3A_546 : vector<16xi32>
          %add3A_548 = arith.constant 0 : i32
          %add3A_549 = vector.broadcast %add3A_548 : i32 to vector<16xi32>
          %add3A_550 = arith.addi %rem3A_547, %add3A_549 : vector<16xi32>
          %gather3A_551 = arith.constant 0 : i32
          %gather3A_552 = arith.constant 0 : i32
          %gather3A_553 = tpu.memref_slice %arg4[%scan3A_119, %gather3A_551, %gather3A_552] : memref<2x64x128xf32, #tpu.memory_space<vmem>> -> memref<1x64x128xf32, #tpu.memory_space<vmem>>
          %gather3A_554 = tpu.memref_squeeze %gather3A_553 : memref<1x64x128xf32, #tpu.memory_space<vmem>> -> memref<64x128xf32, #tpu.memory_space<vmem>>
          %gather3A_555 = tpu.vector_load_idx %gather3A_554[%add3A_3, %add3A_550] : memref<64x128xf32, #tpu.memory_space<vmem>>[vector<16xi32>, vector<16xi32>], vector<16xf32>,
          %add3A_556 = arith.constant 16 : i32
          %add3A_557 = vector.broadcast %add3A_556 : i32 to vector<16xi32>
          %add3A_558 = arith.addi %rem3A_547, %add3A_557 : vector<16xi32>
          %gather3A_559 = arith.constant 0 : i32
          %gather3A_560 = arith.constant 0 : i32
          %gather3A_561 = tpu.memref_slice %arg4[%scan3A_119, %gather3A_559, %gather3A_560] : memref<2x64x128xf32, #tpu.memory_space<vmem>> -> memref<1x64x128xf32, #tpu.memory_space<vmem>>
          %gather3A_562 = tpu.memref_squeeze %gather3A_561 : memref<1x64x128xf32, #tpu.memory_space<vmem>> -> memref<64x128xf32, #tpu.memory_space<vmem>>
          %gather3A_563 = tpu.vector_load_idx %gather3A_562[%add3A_3, %add3A_558] : memref<64x128xf32, #tpu.memory_space<vmem>>[vector<16xi32>, vector<16xi32>], vector<16xf32>,
          %add3A_564 = arith.constant 32 : i32
          %add3A_565 = vector.broadcast %add3A_564 : i32 to vector<16xi32>
          %add3A_566 = arith.addi %rem3A_547, %add3A_565 : vector<16xi32>
          %gather3A_567 = arith.constant 0 : i32
          %gather3A_568 = arith.constant 0 : i32
          %gather3A_569 = tpu.memref_slice %arg4[%scan3A_119, %gather3A_567, %gather3A_568] : memref<2x64x128xf32, #tpu.memory_space<vmem>> -> memref<1x64x128xf32, #tpu.memory_space<vmem>>
          %gather3A_570 = tpu.memref_squeeze %gather3A_569 : memref<1x64x128xf32, #tpu.memory_space<vmem>> -> memref<64x128xf32, #tpu.memory_space<vmem>>
          %gather3A_571 = tpu.vector_load_idx %gather3A_570[%add3A_3, %add3A_566] : memref<64x128xf32, #tpu.memory_space<vmem>>[vector<16xi32>, vector<16xi32>], vector<16xf32>,
          %add3A_572 = arith.constant 48 : i32
          %add3A_573 = vector.broadcast %add3A_572 : i32 to vector<16xi32>
          %add3A_574 = arith.addi %rem3A_547, %add3A_573 : vector<16xi32>
          %gather3A_575 = arith.constant 0 : i32
          %gather3A_576 = arith.constant 0 : i32
          %gather3A_577 = tpu.memref_slice %arg4[%scan3A_119, %gather3A_575, %gather3A_576] : memref<2x64x128xf32, #tpu.memory_space<vmem>> -> memref<1x64x128xf32, #tpu.memory_space<vmem>>
          %gather3A_578 = tpu.memref_squeeze %gather3A_577 : memref<1x64x128xf32, #tpu.memory_space<vmem>> -> memref<64x128xf32, #tpu.memory_space<vmem>>
          %gather3A_579 = tpu.vector_load_idx %gather3A_578[%add3A_3, %add3A_574] : memref<64x128xf32, #tpu.memory_space<vmem>>[vector<16xi32>, vector<16xi32>], vector<16xf32>,
          %add3A_580 = arith.constant 64 : i32
          %add3A_581 = vector.broadcast %add3A_580 : i32 to vector<16xi32>
          %add3A_582 = arith.addi %rem3A_547, %add3A_581 : vector<16xi32>
          %gather3A_583 = arith.constant 0 : i32
          %gather3A_584 = arith.constant 0 : i32
          %gather3A_585 = tpu.memref_slice %arg4[%scan3A_119, %gather3A_583, %gather3A_584] : memref<2x64x128xf32, #tpu.memory_space<vmem>> -> memref<1x64x128xf32, #tpu.memory_space<vmem>>
          %gather3A_586 = tpu.memref_squeeze %gather3A_585 : memref<1x64x128xf32, #tpu.memory_space<vmem>> -> memref<64x128xf32, #tpu.memory_space<vmem>>
          %gather3A_587 = tpu.vector_load_idx %gather3A_586[%add3A_3, %add3A_582] : memref<64x128xf32, #tpu.memory_space<vmem>>[vector<16xi32>, vector<16xi32>], vector<16xf32>,
          %add3A_588 = arith.constant 80 : i32
          %add3A_589 = vector.broadcast %add3A_588 : i32 to vector<16xi32>
          %add3A_590 = arith.addi %rem3A_547, %add3A_589 : vector<16xi32>
          %gather3A_591 = arith.constant 0 : i32
          %gather3A_592 = arith.constant 0 : i32
          %gather3A_593 = tpu.memref_slice %arg4[%scan3A_119, %gather3A_591, %gather3A_592] : memref<2x64x128xf32, #tpu.memory_space<vmem>> -> memref<1x64x128xf32, #tpu.memory_space<vmem>>
          %gather3A_594 = tpu.memref_squeeze %gather3A_593 : memref<1x64x128xf32, #tpu.memory_space<vmem>> -> memref<64x128xf32, #tpu.memory_space<vmem>>
          %gather3A_595 = tpu.vector_load_idx %gather3A_594[%add3A_3, %add3A_590] : memref<64x128xf32, #tpu.memory_space<vmem>>[vector<16xi32>, vector<16xi32>], vector<16xf32>,
          %add3A_596 = arith.constant 96 : i32
          %add3A_597 = vector.broadcast %add3A_596 : i32 to vector<16xi32>
          %add3A_598 = arith.addi %rem3A_547, %add3A_597 : vector<16xi32>
          %gather3A_599 = arith.constant 0 : i32
          %gather3A_600 = arith.constant 0 : i32
          %gather3A_601 = tpu.memref_slice %arg4[%scan3A_119, %gather3A_599, %gather3A_600] : memref<2x64x128xf32, #tpu.memory_space<vmem>> -> memref<1x64x128xf32, #tpu.memory_space<vmem>>
          %gather3A_602 = tpu.memref_squeeze %gather3A_601 : memref<1x64x128xf32, #tpu.memory_space<vmem>> -> memref<64x128xf32, #tpu.memory_space<vmem>>
          %gather3A_603 = tpu.vector_load_idx %gather3A_602[%add3A_3, %add3A_598] : memref<64x128xf32, #tpu.memory_space<vmem>>[vector<16xi32>, vector<16xi32>], vector<16xf32>,
          %add3A_604 = arith.constant 112 : i32
          %add3A_605 = vector.broadcast %add3A_604 : i32 to vector<16xi32>
          %add3A_606 = arith.addi %rem3A_547, %add3A_605 : vector<16xi32>
          %gather3A_607 = arith.constant 0 : i32
          %gather3A_608 = arith.constant 0 : i32
          %gather3A_609 = tpu.memref_slice %arg4[%scan3A_119, %gather3A_607, %gather3A_608] : memref<2x64x128xf32, #tpu.memory_space<vmem>> -> memref<1x64x128xf32, #tpu.memory_space<vmem>>
          %gather3A_610 = tpu.memref_squeeze %gather3A_609 : memref<1x64x128xf32, #tpu.memory_space<vmem>> -> memref<64x128xf32, #tpu.memory_space<vmem>>
          %gather3A_611 = tpu.vector_load_idx %gather3A_610[%add3A_3, %add3A_606] : memref<64x128xf32, #tpu.memory_space<vmem>>[vector<16xi32>, vector<16xi32>], vector<16xf32>,
          %scatter3A_612 = arith.constant 0 : i32
          %scatter3A_613 = arith.constant 0 : i32
          %scatter3A_614 = tpu.memref_slice %arg5[%scan3A_120, %scatter3A_612, %scatter3A_613] : memref<2x128x128xf32, #tpu.memory_space<vmem>> -> memref<1x128x128xf32, #tpu.memory_space<vmem>>
          %scatter3A_615 = tpu.memref_squeeze %scatter3A_614 : memref<1x128x128xf32, #tpu.memory_space<vmem>> -> memref<128x128xf32, #tpu.memory_space<vmem>>
          tpu.vector_store_idx %scatter3A_615[%add3A_550, %add3A_3], %gather3A_555 : memref<128x128xf32, #tpu.memory_space<vmem>>[vector<16xi32>, vector<16xi32>], vector<16xf32>,
          %scatter3A_616 = arith.constant 0 : i32
          %scatter3A_617 = arith.constant 0 : i32
          %scatter3A_618 = tpu.memref_slice %arg5[%scan3A_120, %scatter3A_616, %scatter3A_617] : memref<2x128x128xf32, #tpu.memory_space<vmem>> -> memref<1x128x128xf32, #tpu.memory_space<vmem>>
          %scatter3A_619 = tpu.memref_squeeze %scatter3A_618 : memref<1x128x128xf32, #tpu.memory_space<vmem>> -> memref<128x128xf32, #tpu.memory_space<vmem>>
          tpu.vector_store_idx %scatter3A_619[%add3A_558, %add3A_3], %gather3A_563 : memref<128x128xf32, #tpu.memory_space<vmem>>[vector<16xi32>, vector<16xi32>], vector<16xf32>,
          %scatter3A_620 = arith.constant 0 : i32
          %scatter3A_621 = arith.constant 0 : i32
          %scatter3A_622 = tpu.memref_slice %arg5[%scan3A_120, %scatter3A_620, %scatter3A_621] : memref<2x128x128xf32, #tpu.memory_space<vmem>> -> memref<1x128x128xf32, #tpu.memory_space<vmem>>
          %scatter3A_623 = tpu.memref_squeeze %scatter3A_622 : memref<1x128x128xf32, #tpu.memory_space<vmem>> -> memref<128x128xf32, #tpu.memory_space<vmem>>
          tpu.vector_store_idx %scatter3A_623[%add3A_566, %add3A_3], %gather3A_571 : memref<128x128xf32, #tpu.memory_space<vmem>>[vector<16xi32>, vector<16xi32>], vector<16xf32>,
          %scatter3A_624 = arith.constant 0 : i32
          %scatter3A_625 = arith.constant 0 : i32
          %scatter3A_626 = tpu.memref_slice %arg5[%scan3A_120, %scatter3A_624, %scatter3A_625] : memref<2x128x128xf32, #tpu.memory_space<vmem>> -> memref<1x128x128xf32, #tpu.memory_space<vmem>>
          %scatter3A_627 = tpu.memref_squeeze %scatter3A_626 : memref<1x128x128xf32, #tpu.memory_space<vmem>> -> memref<128x128xf32, #tpu.memory_space<vmem>>
          tpu.vector_store_idx %scatter3A_627[%add3A_574, %add3A_3], %gather3A_579 : memref<128x128xf32, #tpu.memory_space<vmem>>[vector<16xi32>, vector<16xi32>], vector<16xf32>,
          %scatter3A_628 = arith.constant 0 : i32
          %scatter3A_629 = arith.constant 0 : i32
          %scatter3A_630 = tpu.memref_slice %arg5[%scan3A_120, %scatter3A_628, %scatter3A_629] : memref<2x128x128xf32, #tpu.memory_space<vmem>> -> memref<1x128x128xf32, #tpu.memory_space<vmem>>
          %scatter3A_631 = tpu.memref_squeeze %scatter3A_630 : memref<1x128x128xf32, #tpu.memory_space<vmem>> -> memref<128x128xf32, #tpu.memory_space<vmem>>
          tpu.vector_store_idx %scatter3A_631[%add3A_582, %add3A_3], %gather3A_587 : memref<128x128xf32, #tpu.memory_space<vmem>>[vector<16xi32>, vector<16xi32>], vector<16xf32>,
          %scatter3A_632 = arith.constant 0 : i32
          %scatter3A_633 = arith.constant 0 : i32
          %scatter3A_634 = tpu.memref_slice %arg5[%scan3A_120, %scatter3A_632, %scatter3A_633] : memref<2x128x128xf32, #tpu.memory_space<vmem>> -> memref<1x128x128xf32, #tpu.memory_space<vmem>>
          %scatter3A_635 = tpu.memref_squeeze %scatter3A_634 : memref<1x128x128xf32, #tpu.memory_space<vmem>> -> memref<128x128xf32, #tpu.memory_space<vmem>>
          tpu.vector_store_idx %scatter3A_635[%add3A_590, %add3A_3], %gather3A_595 : memref<128x128xf32, #tpu.memory_space<vmem>>[vector<16xi32>, vector<16xi32>], vector<16xf32>,
          %scatter3A_636 = arith.constant 0 : i32
          %scatter3A_637 = arith.constant 0 : i32
          %scatter3A_638 = tpu.memref_slice %arg5[%scan3A_120, %scatter3A_636, %scatter3A_637] : memref<2x128x128xf32, #tpu.memory_space<vmem>> -> memref<1x128x128xf32, #tpu.memory_space<vmem>>
          %scatter3A_639 = tpu.memref_squeeze %scatter3A_638 : memref<1x128x128xf32, #tpu.memory_space<vmem>> -> memref<128x128xf32, #tpu.memory_space<vmem>>
          tpu.vector_store_idx %scatter3A_639[%add3A_598, %add3A_3], %gather3A_603 : memref<128x128xf32, #tpu.memory_space<vmem>>[vector<16xi32>, vector<16xi32>], vector<16xf32>,
          %scatter3A_640 = arith.constant 0 : i32
          %scatter3A_641 = arith.constant 0 : i32
          %scatter3A_642 = tpu.memref_slice %arg5[%scan3A_120, %scatter3A_640, %scatter3A_641] : memref<2x128x128xf32, #tpu.memory_space<vmem>> -> memref<1x128x128xf32, #tpu.memory_space<vmem>>
          %scatter3A_643 = tpu.memref_squeeze %scatter3A_642 : memref<1x128x128xf32, #tpu.memory_space<vmem>> -> memref<128x128xf32, #tpu.memory_space<vmem>>
          tpu.vector_store_idx %scatter3A_643[%add3A_606, %add3A_3], %gather3A_611 : memref<128x128xf32, #tpu.memory_space<vmem>>[vector<16xi32>, vector<16xi32>], vector<16xf32>,
          %add3A_644 = arith.constant 0 : i32
          %add3A_645 = vector.broadcast %add3A_644 : i32 to vector<16xi32>
          %add3A_646 = arith.addi %rem3A_547, %add3A_645 : vector<16xi32>
          %gather3A_647 = arith.constant 0 : i32
          %gather3A_648 = arith.constant 0 : i32
          %gather3A_649 = tpu.memref_slice %arg4[%scan3A_119, %gather3A_647, %gather3A_648] : memref<2x64x128xf32, #tpu.memory_space<vmem>> -> memref<1x64x128xf32, #tpu.memory_space<vmem>>
          %gather3A_650 = tpu.memref_squeeze %gather3A_649 : memref<1x64x128xf32, #tpu.memory_space<vmem>> -> memref<64x128xf32, #tpu.memory_space<vmem>>
          %gather3A_651 = tpu.vector_load_idx %gather3A_650[%add3A_6, %add3A_646] : memref<64x128xf32, #tpu.memory_space<vmem>>[vector<16xi32>, vector<16xi32>], vector<16xf32>,
          %add3A_652 = arith.constant 16 : i32
          %add3A_653 = vector.broadcast %add3A_652 : i32 to vector<16xi32>
          %add3A_654 = arith.addi %rem3A_547, %add3A_653 : vector<16xi32>
          %gather3A_655 = arith.constant 0 : i32
          %gather3A_656 = arith.constant 0 : i32
          %gather3A_657 = tpu.memref_slice %arg4[%scan3A_119, %gather3A_655, %gather3A_656] : memref<2x64x128xf32, #tpu.memory_space<vmem>> -> memref<1x64x128xf32, #tpu.memory_space<vmem>>
          %gather3A_658 = tpu.memref_squeeze %gather3A_657 : memref<1x64x128xf32, #tpu.memory_space<vmem>> -> memref<64x128xf32, #tpu.memory_space<vmem>>
          %gather3A_659 = tpu.vector_load_idx %gather3A_658[%add3A_6, %add3A_654] : memref<64x128xf32, #tpu.memory_space<vmem>>[vector<16xi32>, vector<16xi32>], vector<16xf32>,
          %add3A_660 = arith.constant 32 : i32
          %add3A_661 = vector.broadcast %add3A_660 : i32 to vector<16xi32>
          %add3A_662 = arith.addi %rem3A_547, %add3A_661 : vector<16xi32>
          %gather3A_663 = arith.constant 0 : i32
          %gather3A_664 = arith.constant 0 : i32
          %gather3A_665 = tpu.memref_slice %arg4[%scan3A_119, %gather3A_663, %gather3A_664] : memref<2x64x128xf32, #tpu.memory_space<vmem>> -> memref<1x64x128xf32, #tpu.memory_space<vmem>>
          %gather3A_666 = tpu.memref_squeeze %gather3A_665 : memref<1x64x128xf32, #tpu.memory_space<vmem>> -> memref<64x128xf32, #tpu.memory_space<vmem>>
          %gather3A_667 = tpu.vector_load_idx %gather3A_666[%add3A_6, %add3A_662] : memref<64x128xf32, #tpu.memory_space<vmem>>[vector<16xi32>, vector<16xi32>], vector<16xf32>,
          %add3A_668 = arith.constant 48 : i32
          %add3A_669 = vector.broadcast %add3A_668 : i32 to vector<16xi32>
          %add3A_670 = arith.addi %rem3A_547, %add3A_669 : vector<16xi32>
          %gather3A_671 = arith.constant 0 : i32
          %gather3A_672 = arith.constant 0 : i32
          %gather3A_673 = tpu.memref_slice %arg4[%scan3A_119, %gather3A_671, %gather3A_672] : memref<2x64x128xf32, #tpu.memory_space<vmem>> -> memref<1x64x128xf32, #tpu.memory_space<vmem>>
          %gather3A_674 = tpu.memref_squeeze %gather3A_673 : memref<1x64x128xf32, #tpu.memory_space<vmem>> -> memref<64x128xf32, #tpu.memory_space<vmem>>
          %gather3A_675 = tpu.vector_load_idx %gather3A_674[%add3A_6, %add3A_670] : memref<64x128xf32, #tpu.memory_space<vmem>>[vector<16xi32>, vector<16xi32>], vector<16xf32>,
          %add3A_676 = arith.constant 64 : i32
          %add3A_677 = vector.broadcast %add3A_676 : i32 to vector<16xi32>
          %add3A_678 = arith.addi %rem3A_547, %add3A_677 : vector<16xi32>
          %gather3A_679 = arith.constant 0 : i32
          %gather3A_680 = arith.constant 0 : i32
          %gather3A_681 = tpu.memref_slice %arg4[%scan3A_119, %gather3A_679, %gather3A_680] : memref<2x64x128xf32, #tpu.memory_space<vmem>> -> memref<1x64x128xf32, #tpu.memory_space<vmem>>
          %gather3A_682 = tpu.memref_squeeze %gather3A_681 : memref<1x64x128xf32, #tpu.memory_space<vmem>> -> memref<64x128xf32, #tpu.memory_space<vmem>>
          %gather3A_683 = tpu.vector_load_idx %gather3A_682[%add3A_6, %add3A_678] : memref<64x128xf32, #tpu.memory_space<vmem>>[vector<16xi32>, vector<16xi32>], vector<16xf32>,
          %add3A_684 = arith.constant 80 : i32
          %add3A_685 = vector.broadcast %add3A_684 : i32 to vector<16xi32>
          %add3A_686 = arith.addi %rem3A_547, %add3A_685 : vector<16xi32>
          %gather3A_687 = arith.constant 0 : i32
          %gather3A_688 = arith.constant 0 : i32
          %gather3A_689 = tpu.memref_slice %arg4[%scan3A_119, %gather3A_687, %gather3A_688] : memref<2x64x128xf32, #tpu.memory_space<vmem>> -> memref<1x64x128xf32, #tpu.memory_space<vmem>>
          %gather3A_690 = tpu.memref_squeeze %gather3A_689 : memref<1x64x128xf32, #tpu.memory_space<vmem>> -> memref<64x128xf32, #tpu.memory_space<vmem>>
          %gather3A_691 = tpu.vector_load_idx %gather3A_690[%add3A_6, %add3A_686] : memref<64x128xf32, #tpu.memory_space<vmem>>[vector<16xi32>, vector<16xi32>], vector<16xf32>,
          %add3A_692 = arith.constant 96 : i32
          %add3A_693 = vector.broadcast %add3A_692 : i32 to vector<16xi32>
          %add3A_694 = arith.addi %rem3A_547, %add3A_693 : vector<16xi32>
          %gather3A_695 = arith.constant 0 : i32
          %gather3A_696 = arith.constant 0 : i32
          %gather3A_697 = tpu.memref_slice %arg4[%scan3A_119, %gather3A_695, %gather3A_696] : memref<2x64x128xf32, #tpu.memory_space<vmem>> -> memref<1x64x128xf32, #tpu.memory_space<vmem>>
          %gather3A_698 = tpu.memref_squeeze %gather3A_697 : memref<1x64x128xf32, #tpu.memory_space<vmem>> -> memref<64x128xf32, #tpu.memory_space<vmem>>
          %gather3A_699 = tpu.vector_load_idx %gather3A_698[%add3A_6, %add3A_694] : memref<64x128xf32, #tpu.memory_space<vmem>>[vector<16xi32>, vector<16xi32>], vector<16xf32>,
          %add3A_700 = arith.constant 112 : i32
          %add3A_701 = vector.broadcast %add3A_700 : i32 to vector<16xi32>
          %add3A_702 = arith.addi %rem3A_547, %add3A_701 : vector<16xi32>
          %gather3A_703 = arith.constant 0 : i32
          %gather3A_704 = arith.constant 0 : i32
          %gather3A_705 = tpu.memref_slice %arg4[%scan3A_119, %gather3A_703, %gather3A_704] : memref<2x64x128xf32, #tpu.memory_space<vmem>> -> memref<1x64x128xf32, #tpu.memory_space<vmem>>
          %gather3A_706 = tpu.memref_squeeze %gather3A_705 : memref<1x64x128xf32, #tpu.memory_space<vmem>> -> memref<64x128xf32, #tpu.memory_space<vmem>>
          %gather3A_707 = tpu.vector_load_idx %gather3A_706[%add3A_6, %add3A_702] : memref<64x128xf32, #tpu.memory_space<vmem>>[vector<16xi32>, vector<16xi32>], vector<16xf32>,
          %scatter3A_708 = arith.constant 0 : i32
          %scatter3A_709 = arith.constant 0 : i32
          %scatter3A_710 = tpu.memref_slice %arg5[%scan3A_120, %scatter3A_708, %scatter3A_709] : memref<2x128x128xf32, #tpu.memory_space<vmem>> -> memref<1x128x128xf32, #tpu.memory_space<vmem>>
          %scatter3A_711 = tpu.memref_squeeze %scatter3A_710 : memref<1x128x128xf32, #tpu.memory_space<vmem>> -> memref<128x128xf32, #tpu.memory_space<vmem>>
          tpu.vector_store_idx %scatter3A_711[%add3A_646, %add3A_6], %gather3A_651 : memref<128x128xf32, #tpu.memory_space<vmem>>[vector<16xi32>, vector<16xi32>], vector<16xf32>,
          %scatter3A_712 = arith.constant 0 : i32
          %scatter3A_713 = arith.constant 0 : i32
          %scatter3A_714 = tpu.memref_slice %arg5[%scan3A_120, %scatter3A_712, %scatter3A_713] : memref<2x128x128xf32, #tpu.memory_space<vmem>> -> memref<1x128x128xf32, #tpu.memory_space<vmem>>
          %scatter3A_715 = tpu.memref_squeeze %scatter3A_714 : memref<1x128x128xf32, #tpu.memory_space<vmem>> -> memref<128x128xf32, #tpu.memory_space<vmem>>
          tpu.vector_store_idx %scatter3A_715[%add3A_654, %add3A_6], %gather3A_659 : memref<128x128xf32, #tpu.memory_space<vmem>>[vector<16xi32>, vector<16xi32>], vector<16xf32>,
          %scatter3A_716 = arith.constant 0 : i32
          %scatter3A_717 = arith.constant 0 : i32
          %scatter3A_718 = tpu.memref_slice %arg5[%scan3A_120, %scatter3A_716, %scatter3A_717] : memref<2x128x128xf32, #tpu.memory_space<vmem>> -> memref<1x128x128xf32, #tpu.memory_space<vmem>>
          %scatter3A_719 = tpu.memref_squeeze %scatter3A_718 : memref<1x128x128xf32, #tpu.memory_space<vmem>> -> memref<128x128xf32, #tpu.memory_space<vmem>>
          tpu.vector_store_idx %scatter3A_719[%add3A_662, %add3A_6], %gather3A_667 : memref<128x128xf32, #tpu.memory_space<vmem>>[vector<16xi32>, vector<16xi32>], vector<16xf32>,
          %scatter3A_720 = arith.constant 0 : i32
          %scatter3A_721 = arith.constant 0 : i32
          %scatter3A_722 = tpu.memref_slice %arg5[%scan3A_120, %scatter3A_720, %scatter3A_721] : memref<2x128x128xf32, #tpu.memory_space<vmem>> -> memref<1x128x128xf32, #tpu.memory_space<vmem>>
          %scatter3A_723 = tpu.memref_squeeze %scatter3A_722 : memref<1x128x128xf32, #tpu.memory_space<vmem>> -> memref<128x128xf32, #tpu.memory_space<vmem>>
          tpu.vector_store_idx %scatter3A_723[%add3A_670, %add3A_6], %gather3A_675 : memref<128x128xf32, #tpu.memory_space<vmem>>[vector<16xi32>, vector<16xi32>], vector<16xf32>,
          %scatter3A_724 = arith.constant 0 : i32
          %scatter3A_725 = arith.constant 0 : i32
          %scatter3A_726 = tpu.memref_slice %arg5[%scan3A_120, %scatter3A_724, %scatter3A_725] : memref<2x128x128xf32, #tpu.memory_space<vmem>> -> memref<1x128x128xf32, #tpu.memory_space<vmem>>
          %scatter3A_727 = tpu.memref_squeeze %scatter3A_726 : memref<1x128x128xf32, #tpu.memory_space<vmem>> -> memref<128x128xf32, #tpu.memory_space<vmem>>
          tpu.vector_store_idx %scatter3A_727[%add3A_678, %add3A_6], %gather3A_683 : memref<128x128xf32, #tpu.memory_space<vmem>>[vector<16xi32>, vector<16xi32>], vector<16xf32>,
          %scatter3A_728 = arith.constant 0 : i32
          %scatter3A_729 = arith.constant 0 : i32
          %scatter3A_730 = tpu.memref_slice %arg5[%scan3A_120, %scatter3A_728, %scatter3A_729] : memref<2x128x128xf32, #tpu.memory_space<vmem>> -> memref<1x128x128xf32, #tpu.memory_space<vmem>>
          %scatter3A_731 = tpu.memref_squeeze %scatter3A_730 : memref<1x128x128xf32, #tpu.memory_space<vmem>> -> memref<128x128xf32, #tpu.memory_space<vmem>>
          tpu.vector_store_idx %scatter3A_731[%add3A_686, %add3A_6], %gather3A_691 : memref<128x128xf32, #tpu.memory_space<vmem>>[vector<16xi32>, vector<16xi32>], vector<16xf32>,
          %scatter3A_732 = arith.constant 0 : i32
          %scatter3A_733 = arith.constant 0 : i32
          %scatter3A_734 = tpu.memref_slice %arg5[%scan3A_120, %scatter3A_732, %scatter3A_733] : memref<2x128x128xf32, #tpu.memory_space<vmem>> -> memref<1x128x128xf32, #tpu.memory_space<vmem>>
          %scatter3A_735 = tpu.memref_squeeze %scatter3A_734 : memref<1x128x128xf32, #tpu.memory_space<vmem>> -> memref<128x128xf32, #tpu.memory_space<vmem>>
          tpu.vector_store_idx %scatter3A_735[%add3A_694, %add3A_6], %gather3A_699 : memref<128x128xf32, #tpu.memory_space<vmem>>[vector<16xi32>, vector<16xi32>], vector<16xf32>,
          %scatter3A_736 = arith.constant 0 : i32
          %scatter3A_737 = arith.constant 0 : i32
          %scatter3A_738 = tpu.memref_slice %arg5[%scan3A_120, %scatter3A_736, %scatter3A_737] : memref<2x128x128xf32, #tpu.memory_space<vmem>> -> memref<1x128x128xf32, #tpu.memory_space<vmem>>
          %scatter3A_739 = tpu.memref_squeeze %scatter3A_738 : memref<1x128x128xf32, #tpu.memory_space<vmem>> -> memref<128x128xf32, #tpu.memory_space<vmem>>
          tpu.vector_store_idx %scatter3A_739[%add3A_702, %add3A_6], %gather3A_707 : memref<128x128xf32, #tpu.memory_space<vmem>>[vector<16xi32>, vector<16xi32>], vector<16xf32>,
          %add3A_740 = arith.constant 0 : i32
          %add3A_741 = vector.broadcast %add3A_740 : i32 to vector<16xi32>
          %add3A_742 = arith.addi %rem3A_547, %add3A_741 : vector<16xi32>
          %gather3A_743 = arith.constant 0 : i32
          %gather3A_744 = arith.constant 0 : i32
          %gather3A_745 = tpu.memref_slice %arg4[%scan3A_119, %gather3A_743, %gather3A_744] : memref<2x64x128xf32, #tpu.memory_space<vmem>> -> memref<1x64x128xf32, #tpu.memory_space<vmem>>
          %gather3A_746 = tpu.memref_squeeze %gather3A_745 : memref<1x64x128xf32, #tpu.memory_space<vmem>> -> memref<64x128xf32, #tpu.memory_space<vmem>>
          %gather3A_747 = tpu.vector_load_idx %gather3A_746[%add3A_9, %add3A_742] : memref<64x128xf32, #tpu.memory_space<vmem>>[vector<16xi32>, vector<16xi32>], vector<16xf32>,
          %add3A_748 = arith.constant 16 : i32
          %add3A_749 = vector.broadcast %add3A_748 : i32 to vector<16xi32>
          %add3A_750 = arith.addi %rem3A_547, %add3A_749 : vector<16xi32>
          %gather3A_751 = arith.constant 0 : i32
          %gather3A_752 = arith.constant 0 : i32
          %gather3A_753 = tpu.memref_slice %arg4[%scan3A_119, %gather3A_751, %gather3A_752] : memref<2x64x128xf32, #tpu.memory_space<vmem>> -> memref<1x64x128xf32, #tpu.memory_space<vmem>>
          %gather3A_754 = tpu.memref_squeeze %gather3A_753 : memref<1x64x128xf32, #tpu.memory_space<vmem>> -> memref<64x128xf32, #tpu.memory_space<vmem>>
          %gather3A_755 = tpu.vector_load_idx %gather3A_754[%add3A_9, %add3A_750] : memref<64x128xf32, #tpu.memory_space<vmem>>[vector<16xi32>, vector<16xi32>], vector<16xf32>,
          %add3A_756 = arith.constant 32 : i32
          %add3A_757 = vector.broadcast %add3A_756 : i32 to vector<16xi32>
          %add3A_758 = arith.addi %rem3A_547, %add3A_757 : vector<16xi32>
          %gather3A_759 = arith.constant 0 : i32
          %gather3A_760 = arith.constant 0 : i32
          %gather3A_761 = tpu.memref_slice %arg4[%scan3A_119, %gather3A_759, %gather3A_760] : memref<2x64x128xf32, #tpu.memory_space<vmem>> -> memref<1x64x128xf32, #tpu.memory_space<vmem>>
          %gather3A_762 = tpu.memref_squeeze %gather3A_761 : memref<1x64x128xf32, #tpu.memory_space<vmem>> -> memref<64x128xf32, #tpu.memory_space<vmem>>
          %gather3A_763 = tpu.vector_load_idx %gather3A_762[%add3A_9, %add3A_758] : memref<64x128xf32, #tpu.memory_space<vmem>>[vector<16xi32>, vector<16xi32>], vector<16xf32>,
          %add3A_764 = arith.constant 48 : i32
          %add3A_765 = vector.broadcast %add3A_764 : i32 to vector<16xi32>
          %add3A_766 = arith.addi %rem3A_547, %add3A_765 : vector<16xi32>
          %gather3A_767 = arith.constant 0 : i32
          %gather3A_768 = arith.constant 0 : i32
          %gather3A_769 = tpu.memref_slice %arg4[%scan3A_119, %gather3A_767, %gather3A_768] : memref<2x64x128xf32, #tpu.memory_space<vmem>> -> memref<1x64x128xf32, #tpu.memory_space<vmem>>
          %gather3A_770 = tpu.memref_squeeze %gather3A_769 : memref<1x64x128xf32, #tpu.memory_space<vmem>> -> memref<64x128xf32, #tpu.memory_space<vmem>>
          %gather3A_771 = tpu.vector_load_idx %gather3A_770[%add3A_9, %add3A_766] : memref<64x128xf32, #tpu.memory_space<vmem>>[vector<16xi32>, vector<16xi32>], vector<16xf32>,
          %add3A_772 = arith.constant 64 : i32
          %add3A_773 = vector.broadcast %add3A_772 : i32 to vector<16xi32>
          %add3A_774 = arith.addi %rem3A_547, %add3A_773 : vector<16xi32>
          %gather3A_775 = arith.constant 0 : i32
          %gather3A_776 = arith.constant 0 : i32
          %gather3A_777 = tpu.memref_slice %arg4[%scan3A_119, %gather3A_775, %gather3A_776] : memref<2x64x128xf32, #tpu.memory_space<vmem>> -> memref<1x64x128xf32, #tpu.memory_space<vmem>>
          %gather3A_778 = tpu.memref_squeeze %gather3A_777 : memref<1x64x128xf32, #tpu.memory_space<vmem>> -> memref<64x128xf32, #tpu.memory_space<vmem>>
          %gather3A_779 = tpu.vector_load_idx %gather3A_778[%add3A_9, %add3A_774] : memref<64x128xf32, #tpu.memory_space<vmem>>[vector<16xi32>, vector<16xi32>], vector<16xf32>,
          %add3A_780 = arith.constant 80 : i32
          %add3A_781 = vector.broadcast %add3A_780 : i32 to vector<16xi32>
          %add3A_782 = arith.addi %rem3A_547, %add3A_781 : vector<16xi32>
          %gather3A_783 = arith.constant 0 : i32
          %gather3A_784 = arith.constant 0 : i32
          %gather3A_785 = tpu.memref_slice %arg4[%scan3A_119, %gather3A_783, %gather3A_784] : memref<2x64x128xf32, #tpu.memory_space<vmem>> -> memref<1x64x128xf32, #tpu.memory_space<vmem>>
          %gather3A_786 = tpu.memref_squeeze %gather3A_785 : memref<1x64x128xf32, #tpu.memory_space<vmem>> -> memref<64x128xf32, #tpu.memory_space<vmem>>
          %gather3A_787 = tpu.vector_load_idx %gather3A_786[%add3A_9, %add3A_782] : memref<64x128xf32, #tpu.memory_space<vmem>>[vector<16xi32>, vector<16xi32>], vector<16xf32>,
          %add3A_788 = arith.constant 96 : i32
          %add3A_789 = vector.broadcast %add3A_788 : i32 to vector<16xi32>
          %add3A_790 = arith.addi %rem3A_547, %add3A_789 : vector<16xi32>
          %gather3A_791 = arith.constant 0 : i32
          %gather3A_792 = arith.constant 0 : i32
          %gather3A_793 = tpu.memref_slice %arg4[%scan3A_119, %gather3A_791, %gather3A_792] : memref<2x64x128xf32, #tpu.memory_space<vmem>> -> memref<1x64x128xf32, #tpu.memory_space<vmem>>
          %gather3A_794 = tpu.memref_squeeze %gather3A_793 : memref<1x64x128xf32, #tpu.memory_space<vmem>> -> memref<64x128xf32, #tpu.memory_space<vmem>>
          %gather3A_795 = tpu.vector_load_idx %gather3A_794[%add3A_9, %add3A_790] : memref<64x128xf32, #tpu.memory_space<vmem>>[vector<16xi32>, vector<16xi32>], vector<16xf32>,
          %add3A_796 = arith.constant 112 : i32
          %add3A_797 = vector.broadcast %add3A_796 : i32 to vector<16xi32>
          %add3A_798 = arith.addi %rem3A_547, %add3A_797 : vector<16xi32>
          %gather3A_799 = arith.constant 0 : i32
          %gather3A_800 = arith.constant 0 : i32
          %gather3A_801 = tpu.memref_slice %arg4[%scan3A_119, %gather3A_799, %gather3A_800] : memref<2x64x128xf32, #tpu.memory_space<vmem>> -> memref<1x64x128xf32, #tpu.memory_space<vmem>>
          %gather3A_802 = tpu.memref_squeeze %gather3A_801 : memref<1x64x128xf32, #tpu.memory_space<vmem>> -> memref<64x128xf32, #tpu.memory_space<vmem>>
          %gather3A_803 = tpu.vector_load_idx %gather3A_802[%add3A_9, %add3A_798] : memref<64x128xf32, #tpu.memory_space<vmem>>[vector<16xi32>, vector<16xi32>], vector<16xf32>,
          %scatter3A_804 = arith.constant 0 : i32
          %scatter3A_805 = arith.constant 0 : i32
          %scatter3A_806 = tpu.memref_slice %arg5[%scan3A_120, %scatter3A_804, %scatter3A_805] : memref<2x128x128xf32, #tpu.memory_space<vmem>> -> memref<1x128x128xf32, #tpu.memory_space<vmem>>
          %scatter3A_807 = tpu.memref_squeeze %scatter3A_806 : memref<1x128x128xf32, #tpu.memory_space<vmem>> -> memref<128x128xf32, #tpu.memory_space<vmem>>
          tpu.vector_store_idx %scatter3A_807[%add3A_742, %add3A_9], %gather3A_747 : memref<128x128xf32, #tpu.memory_space<vmem>>[vector<16xi32>, vector<16xi32>], vector<16xf32>,
          %scatter3A_808 = arith.constant 0 : i32
          %scatter3A_809 = arith.constant 0 : i32
          %scatter3A_810 = tpu.memref_slice %arg5[%scan3A_120, %scatter3A_808, %scatter3A_809] : memref<2x128x128xf32, #tpu.memory_space<vmem>> -> memref<1x128x128xf32, #tpu.memory_space<vmem>>
          %scatter3A_811 = tpu.memref_squeeze %scatter3A_810 : memref<1x128x128xf32, #tpu.memory_space<vmem>> -> memref<128x128xf32, #tpu.memory_space<vmem>>
          tpu.vector_store_idx %scatter3A_811[%add3A_750, %add3A_9], %gather3A_755 : memref<128x128xf32, #tpu.memory_space<vmem>>[vector<16xi32>, vector<16xi32>], vector<16xf32>,
          %scatter3A_812 = arith.constant 0 : i32
          %scatter3A_813 = arith.constant 0 : i32
          %scatter3A_814 = tpu.memref_slice %arg5[%scan3A_120, %scatter3A_812, %scatter3A_813] : memref<2x128x128xf32, #tpu.memory_space<vmem>> -> memref<1x128x128xf32, #tpu.memory_space<vmem>>
          %scatter3A_815 = tpu.memref_squeeze %scatter3A_814 : memref<1x128x128xf32, #tpu.memory_space<vmem>> -> memref<128x128xf32, #tpu.memory_space<vmem>>
          tpu.vector_store_idx %scatter3A_815[%add3A_758, %add3A_9], %gather3A_763 : memref<128x128xf32, #tpu.memory_space<vmem>>[vector<16xi32>, vector<16xi32>], vector<16xf32>,
          %scatter3A_816 = arith.constant 0 : i32
          %scatter3A_817 = arith.constant 0 : i32
          %scatter3A_818 = tpu.memref_slice %arg5[%scan3A_120, %scatter3A_816, %scatter3A_817] : memref<2x128x128xf32, #tpu.memory_space<vmem>> -> memref<1x128x128xf32, #tpu.memory_space<vmem>>
          %scatter3A_819 = tpu.memref_squeeze %scatter3A_818 : memref<1x128x128xf32, #tpu.memory_space<vmem>> -> memref<128x128xf32, #tpu.memory_space<vmem>>
          tpu.vector_store_idx %scatter3A_819[%add3A_766, %add3A_9], %gather3A_771 : memref<128x128xf32, #tpu.memory_space<vmem>>[vector<16xi32>, vector<16xi32>], vector<16xf32>,
          %scatter3A_820 = arith.constant 0 : i32
          %scatter3A_821 = arith.constant 0 : i32
          %scatter3A_822 = tpu.memref_slice %arg5[%scan3A_120, %scatter3A_820, %scatter3A_821] : memref<2x128x128xf32, #tpu.memory_space<vmem>> -> memref<1x128x128xf32, #tpu.memory_space<vmem>>
          %scatter3A_823 = tpu.memref_squeeze %scatter3A_822 : memref<1x128x128xf32, #tpu.memory_space<vmem>> -> memref<128x128xf32, #tpu.memory_space<vmem>>
          tpu.vector_store_idx %scatter3A_823[%add3A_774, %add3A_9], %gather3A_779 : memref<128x128xf32, #tpu.memory_space<vmem>>[vector<16xi32>, vector<16xi32>], vector<16xf32>,
          %scatter3A_824 = arith.constant 0 : i32
          %scatter3A_825 = arith.constant 0 : i32
          %scatter3A_826 = tpu.memref_slice %arg5[%scan3A_120, %scatter3A_824, %scatter3A_825] : memref<2x128x128xf32, #tpu.memory_space<vmem>> -> memref<1x128x128xf32, #tpu.memory_space<vmem>>
          %scatter3A_827 = tpu.memref_squeeze %scatter3A_826 : memref<1x128x128xf32, #tpu.memory_space<vmem>> -> memref<128x128xf32, #tpu.memory_space<vmem>>
          tpu.vector_store_idx %scatter3A_827[%add3A_782, %add3A_9], %gather3A_787 : memref<128x128xf32, #tpu.memory_space<vmem>>[vector<16xi32>, vector<16xi32>], vector<16xf32>,
          %scatter3A_828 = arith.constant 0 : i32
          %scatter3A_829 = arith.constant 0 : i32
          %scatter3A_830 = tpu.memref_slice %arg5[%scan3A_120, %scatter3A_828, %scatter3A_829] : memref<2x128x128xf32, #tpu.memory_space<vmem>> -> memref<1x128x128xf32, #tpu.memory_space<vmem>>
          %scatter3A_831 = tpu.memref_squeeze %scatter3A_830 : memref<1x128x128xf32, #tpu.memory_space<vmem>> -> memref<128x128xf32, #tpu.memory_space<vmem>>
          tpu.vector_store_idx %scatter3A_831[%add3A_790, %add3A_9], %gather3A_795 : memref<128x128xf32, #tpu.memory_space<vmem>>[vector<16xi32>, vector<16xi32>], vector<16xf32>,
          %scatter3A_832 = arith.constant 0 : i32
          %scatter3A_833 = arith.constant 0 : i32
          %scatter3A_834 = tpu.memref_slice %arg5[%scan3A_120, %scatter3A_832, %scatter3A_833] : memref<2x128x128xf32, #tpu.memory_space<vmem>> -> memref<1x128x128xf32, #tpu.memory_space<vmem>>
          %scatter3A_835 = tpu.memref_squeeze %scatter3A_834 : memref<1x128x128xf32, #tpu.memory_space<vmem>> -> memref<128x128xf32, #tpu.memory_space<vmem>>
          tpu.vector_store_idx %scatter3A_835[%add3A_798, %add3A_9], %gather3A_803 : memref<128x128xf32, #tpu.memory_space<vmem>>[vector<16xi32>, vector<16xi32>], vector<16xf32>,
          %add3A_836 = arith.constant 0 : i32
          %add3A_837 = vector.broadcast %add3A_836 : i32 to vector<16xi32>
          %add3A_838 = arith.addi %rem3A_547, %add3A_837 : vector<16xi32>
          %gather3A_839 = arith.constant 0 : i32
          %gather3A_840 = arith.constant 0 : i32
          %gather3A_841 = tpu.memref_slice %arg4[%scan3A_119, %gather3A_839, %gather3A_840] : memref<2x64x128xf32, #tpu.memory_space<vmem>> -> memref<1x64x128xf32, #tpu.memory_space<vmem>>
          %gather3A_842 = tpu.memref_squeeze %gather3A_841 : memref<1x64x128xf32, #tpu.memory_space<vmem>> -> memref<64x128xf32, #tpu.memory_space<vmem>>
          %gather3A_843 = tpu.vector_load_idx %gather3A_842[%add3A_12, %add3A_838] : memref<64x128xf32, #tpu.memory_space<vmem>>[vector<16xi32>, vector<16xi32>], vector<16xf32>,
          %add3A_844 = arith.constant 16 : i32
          %add3A_845 = vector.broadcast %add3A_844 : i32 to vector<16xi32>
          %add3A_846 = arith.addi %rem3A_547, %add3A_845 : vector<16xi32>
          %gather3A_847 = arith.constant 0 : i32
          %gather3A_848 = arith.constant 0 : i32
          %gather3A_849 = tpu.memref_slice %arg4[%scan3A_119, %gather3A_847, %gather3A_848] : memref<2x64x128xf32, #tpu.memory_space<vmem>> -> memref<1x64x128xf32, #tpu.memory_space<vmem>>
          %gather3A_850 = tpu.memref_squeeze %gather3A_849 : memref<1x64x128xf32, #tpu.memory_space<vmem>> -> memref<64x128xf32, #tpu.memory_space<vmem>>
          %gather3A_851 = tpu.vector_load_idx %gather3A_850[%add3A_12, %add3A_846] : memref<64x128xf32, #tpu.memory_space<vmem>>[vector<16xi32>, vector<16xi32>], vector<16xf32>,
          %add3A_852 = arith.constant 32 : i32
          %add3A_853 = vector.broadcast %add3A_852 : i32 to vector<16xi32>
          %add3A_854 = arith.addi %rem3A_547, %add3A_853 : vector<16xi32>
          %gather3A_855 = arith.constant 0 : i32
          %gather3A_856 = arith.constant 0 : i32
          %gather3A_857 = tpu.memref_slice %arg4[%scan3A_119, %gather3A_855, %gather3A_856] : memref<2x64x128xf32, #tpu.memory_space<vmem>> -> memref<1x64x128xf32, #tpu.memory_space<vmem>>
          %gather3A_858 = tpu.memref_squeeze %gather3A_857 : memref<1x64x128xf32, #tpu.memory_space<vmem>> -> memref<64x128xf32, #tpu.memory_space<vmem>>
          %gather3A_859 = tpu.vector_load_idx %gather3A_858[%add3A_12, %add3A_854] : memref<64x128xf32, #tpu.memory_space<vmem>>[vector<16xi32>, vector<16xi32>], vector<16xf32>,
          %add3A_860 = arith.constant 48 : i32
          %add3A_861 = vector.broadcast %add3A_860 : i32 to vector<16xi32>
          %add3A_862 = arith.addi %rem3A_547, %add3A_861 : vector<16xi32>
          %gather3A_863 = arith.constant 0 : i32
          %gather3A_864 = arith.constant 0 : i32
          %gather3A_865 = tpu.memref_slice %arg4[%scan3A_119, %gather3A_863, %gather3A_864] : memref<2x64x128xf32, #tpu.memory_space<vmem>> -> memref<1x64x128xf32, #tpu.memory_space<vmem>>
          %gather3A_866 = tpu.memref_squeeze %gather3A_865 : memref<1x64x128xf32, #tpu.memory_space<vmem>> -> memref<64x128xf32, #tpu.memory_space<vmem>>
          %gather3A_867 = tpu.vector_load_idx %gather3A_866[%add3A_12, %add3A_862] : memref<64x128xf32, #tpu.memory_space<vmem>>[vector<16xi32>, vector<16xi32>], vector<16xf32>,
          %add3A_868 = arith.constant 64 : i32
          %add3A_869 = vector.broadcast %add3A_868 : i32 to vector<16xi32>
          %add3A_870 = arith.addi %rem3A_547, %add3A_869 : vector<16xi32>
          %gather3A_871 = arith.constant 0 : i32
          %gather3A_872 = arith.constant 0 : i32
          %gather3A_873 = tpu.memref_slice %arg4[%scan3A_119, %gather3A_871, %gather3A_872] : memref<2x64x128xf32, #tpu.memory_space<vmem>> -> memref<1x64x128xf32, #tpu.memory_space<vmem>>
          %gather3A_874 = tpu.memref_squeeze %gather3A_873 : memref<1x64x128xf32, #tpu.memory_space<vmem>> -> memref<64x128xf32, #tpu.memory_space<vmem>>
          %gather3A_875 = tpu.vector_load_idx %gather3A_874[%add3A_12, %add3A_870] : memref<64x128xf32, #tpu.memory_space<vmem>>[vector<16xi32>, vector<16xi32>], vector<16xf32>,
          %add3A_876 = arith.constant 80 : i32
          %add3A_877 = vector.broadcast %add3A_876 : i32 to vector<16xi32>
          %add3A_878 = arith.addi %rem3A_547, %add3A_877 : vector<16xi32>
          %gather3A_879 = arith.constant 0 : i32
          %gather3A_880 = arith.constant 0 : i32
          %gather3A_881 = tpu.memref_slice %arg4[%scan3A_119, %gather3A_879, %gather3A_880] : memref<2x64x128xf32, #tpu.memory_space<vmem>> -> memref<1x64x128xf32, #tpu.memory_space<vmem>>
          %gather3A_882 = tpu.memref_squeeze %gather3A_881 : memref<1x64x128xf32, #tpu.memory_space<vmem>> -> memref<64x128xf32, #tpu.memory_space<vmem>>
          %gather3A_883 = tpu.vector_load_idx %gather3A_882[%add3A_12, %add3A_878] : memref<64x128xf32, #tpu.memory_space<vmem>>[vector<16xi32>, vector<16xi32>], vector<16xf32>,
          %add3A_884 = arith.constant 96 : i32
          %add3A_885 = vector.broadcast %add3A_884 : i32 to vector<16xi32>
          %add3A_886 = arith.addi %rem3A_547, %add3A_885 : vector<16xi32>
          %gather3A_887 = arith.constant 0 : i32
          %gather3A_888 = arith.constant 0 : i32
          %gather3A_889 = tpu.memref_slice %arg4[%scan3A_119, %gather3A_887, %gather3A_888] : memref<2x64x128xf32, #tpu.memory_space<vmem>> -> memref<1x64x128xf32, #tpu.memory_space<vmem>>
          %gather3A_890 = tpu.memref_squeeze %gather3A_889 : memref<1x64x128xf32, #tpu.memory_space<vmem>> -> memref<64x128xf32, #tpu.memory_space<vmem>>
          %gather3A_891 = tpu.vector_load_idx %gather3A_890[%add3A_12, %add3A_886] : memref<64x128xf32, #tpu.memory_space<vmem>>[vector<16xi32>, vector<16xi32>], vector<16xf32>,
          %add3A_892 = arith.constant 112 : i32
          %add3A_893 = vector.broadcast %add3A_892 : i32 to vector<16xi32>
          %add3A_894 = arith.addi %rem3A_547, %add3A_893 : vector<16xi32>
          %gather3A_895 = arith.constant 0 : i32
          %gather3A_896 = arith.constant 0 : i32
          %gather3A_897 = tpu.memref_slice %arg4[%scan3A_119, %gather3A_895, %gather3A_896] : memref<2x64x128xf32, #tpu.memory_space<vmem>> -> memref<1x64x128xf32, #tpu.memory_space<vmem>>
          %gather3A_898 = tpu.memref_squeeze %gather3A_897 : memref<1x64x128xf32, #tpu.memory_space<vmem>> -> memref<64x128xf32, #tpu.memory_space<vmem>>
          %gather3A_899 = tpu.vector_load_idx %gather3A_898[%add3A_12, %add3A_894] : memref<64x128xf32, #tpu.memory_space<vmem>>[vector<16xi32>, vector<16xi32>], vector<16xf32>,
          %scatter3A_900 = arith.constant 0 : i32
          %scatter3A_901 = arith.constant 0 : i32
          %scatter3A_902 = tpu.memref_slice %arg5[%scan3A_120, %scatter3A_900, %scatter3A_901] : memref<2x128x128xf32, #tpu.memory_space<vmem>> -> memref<1x128x128xf32, #tpu.memory_space<vmem>>
          %scatter3A_903 = tpu.memref_squeeze %scatter3A_902 : memref<1x128x128xf32, #tpu.memory_space<vmem>> -> memref<128x128xf32, #tpu.memory_space<vmem>>
          tpu.vector_store_idx %scatter3A_903[%add3A_838, %add3A_12], %gather3A_843 : memref<128x128xf32, #tpu.memory_space<vmem>>[vector<16xi32>, vector<16xi32>], vector<16xf32>,
          %scatter3A_904 = arith.constant 0 : i32
          %scatter3A_905 = arith.constant 0 : i32
          %scatter3A_906 = tpu.memref_slice %arg5[%scan3A_120, %scatter3A_904, %scatter3A_905] : memref<2x128x128xf32, #tpu.memory_space<vmem>> -> memref<1x128x128xf32, #tpu.memory_space<vmem>>
          %scatter3A_907 = tpu.memref_squeeze %scatter3A_906 : memref<1x128x128xf32, #tpu.memory_space<vmem>> -> memref<128x128xf32, #tpu.memory_space<vmem>>
          tpu.vector_store_idx %scatter3A_907[%add3A_846, %add3A_12], %gather3A_851 : memref<128x128xf32, #tpu.memory_space<vmem>>[vector<16xi32>, vector<16xi32>], vector<16xf32>,
          %scatter3A_908 = arith.constant 0 : i32
          %scatter3A_909 = arith.constant 0 : i32
          %scatter3A_910 = tpu.memref_slice %arg5[%scan3A_120, %scatter3A_908, %scatter3A_909] : memref<2x128x128xf32, #tpu.memory_space<vmem>> -> memref<1x128x128xf32, #tpu.memory_space<vmem>>
          %scatter3A_911 = tpu.memref_squeeze %scatter3A_910 : memref<1x128x128xf32, #tpu.memory_space<vmem>> -> memref<128x128xf32, #tpu.memory_space<vmem>>
          tpu.vector_store_idx %scatter3A_911[%add3A_854, %add3A_12], %gather3A_859 : memref<128x128xf32, #tpu.memory_space<vmem>>[vector<16xi32>, vector<16xi32>], vector<16xf32>,
          %scatter3A_912 = arith.constant 0 : i32
          %scatter3A_913 = arith.constant 0 : i32
          %scatter3A_914 = tpu.memref_slice %arg5[%scan3A_120, %scatter3A_912, %scatter3A_913] : memref<2x128x128xf32, #tpu.memory_space<vmem>> -> memref<1x128x128xf32, #tpu.memory_space<vmem>>
          %scatter3A_915 = tpu.memref_squeeze %scatter3A_914 : memref<1x128x128xf32, #tpu.memory_space<vmem>> -> memref<128x128xf32, #tpu.memory_space<vmem>>
          tpu.vector_store_idx %scatter3A_915[%add3A_862, %add3A_12], %gather3A_867 : memref<128x128xf32, #tpu.memory_space<vmem>>[vector<16xi32>, vector<16xi32>], vector<16xf32>,
          %scatter3A_916 = arith.constant 0 : i32
          %scatter3A_917 = arith.constant 0 : i32
          %scatter3A_918 = tpu.memref_slice %arg5[%scan3A_120, %scatter3A_916, %scatter3A_917] : memref<2x128x128xf32, #tpu.memory_space<vmem>> -> memref<1x128x128xf32, #tpu.memory_space<vmem>>
          %scatter3A_919 = tpu.memref_squeeze %scatter3A_918 : memref<1x128x128xf32, #tpu.memory_space<vmem>> -> memref<128x128xf32, #tpu.memory_space<vmem>>
          tpu.vector_store_idx %scatter3A_919[%add3A_870, %add3A_12], %gather3A_875 : memref<128x128xf32, #tpu.memory_space<vmem>>[vector<16xi32>, vector<16xi32>], vector<16xf32>,
          %scatter3A_920 = arith.constant 0 : i32
          %scatter3A_921 = arith.constant 0 : i32
          %scatter3A_922 = tpu.memref_slice %arg5[%scan3A_120, %scatter3A_920, %scatter3A_921] : memref<2x128x128xf32, #tpu.memory_space<vmem>> -> memref<1x128x128xf32, #tpu.memory_space<vmem>>
          %scatter3A_923 = tpu.memref_squeeze %scatter3A_922 : memref<1x128x128xf32, #tpu.memory_space<vmem>> -> memref<128x128xf32, #tpu.memory_space<vmem>>
          tpu.vector_store_idx %scatter3A_923[%add3A_878, %add3A_12], %gather3A_883 : memref<128x128xf32, #tpu.memory_space<vmem>>[vector<16xi32>, vector<16xi32>], vector<16xf32>,
          %scatter3A_924 = arith.constant 0 : i32
          %scatter3A_925 = arith.constant 0 : i32
          %scatter3A_926 = tpu.memref_slice %arg5[%scan3A_120, %scatter3A_924, %scatter3A_925] : memref<2x128x128xf32, #tpu.memory_space<vmem>> -> memref<1x128x128xf32, #tpu.memory_space<vmem>>
          %scatter3A_927 = tpu.memref_squeeze %scatter3A_926 : memref<1x128x128xf32, #tpu.memory_space<vmem>> -> memref<128x128xf32, #tpu.memory_space<vmem>>
          tpu.vector_store_idx %scatter3A_927[%add3A_886, %add3A_12], %gather3A_891 : memref<128x128xf32, #tpu.memory_space<vmem>>[vector<16xi32>, vector<16xi32>], vector<16xf32>,
          %scatter3A_928 = arith.constant 0 : i32
          %scatter3A_929 = arith.constant 0 : i32
          %scatter3A_930 = tpu.memref_slice %arg5[%scan3A_120, %scatter3A_928, %scatter3A_929] : memref<2x128x128xf32, #tpu.memory_space<vmem>> -> memref<1x128x128xf32, #tpu.memory_space<vmem>>
          %scatter3A_931 = tpu.memref_squeeze %scatter3A_930 : memref<1x128x128xf32, #tpu.memory_space<vmem>> -> memref<128x128xf32, #tpu.memory_space<vmem>>
          tpu.vector_store_idx %scatter3A_931[%add3A_894, %add3A_12], %gather3A_899 : memref<128x128xf32, #tpu.memory_space<vmem>>[vector<16xi32>, vector<16xi32>], vector<16xf32>,
        }
        %scan3A_125 = arith.constant 8 : i32
        %mul3A_126 = arith.constant 128 : i32
        %mul3A_127 = arith.muli %add3A_72, %mul3A_126 : i32
        %dma_start3A_128 = arith.constant 0 : i32
        %dma_start3A_129 = arith.constant 0 : i32
        %dma_start3A_130 = arith.constant 0 : i32
        %dma_start3A_131 = arith.constant 0 : i32
        %dma_start3A_132 = tpu.memref_slice %arg5[%dma_start3A_128, %dma_start3A_130, %dma_start3A_131] : memref<2x128x128xf32, #tpu.memory_space<vmem>> -> memref<1x128x128xf32, #tpu.memory_space<vmem>>
        %dma_start3A_133 = tpu.memref_squeeze %dma_start3A_132 : memref<1x128x128xf32, #tpu.memory_space<vmem>> -> memref<128x128xf32, #tpu.memory_space<vmem>>
        %dma_start3A_134 = arith.constant 0 : i32
        %dma_start3A_135 = tpu.memref_slice %arg3[%mul3A_127, %dma_start3A_134] : memref<1000000x128xf32, #tpu.memory_space<hbm>> -> memref<128x128xf32, #tpu.memory_space<hbm>>
        %dma_start3A_136 = tpu.memref_slice %arg9[%dma_start3A_129] : memref<2x!tpu.dma_semaphore, #tpu.memory_space<semaphore_mem>> -> memref<1x!tpu.dma_semaphore, #tpu.memory_space<semaphore_mem>>
        %dma_start3A_137 = tpu.memref_squeeze %dma_start3A_136 : memref<1x!tpu.dma_semaphore, #tpu.memory_space<semaphore_mem>> -> memref<!tpu.dma_semaphore, #tpu.memory_space<semaphore_mem>>
        %dma_start3A_138 = arith.constant 0 : i32
        %dma_start3A_139 = tpu.memref_slice %arg3[%mul3A_127, %dma_start3A_138] : memref<1000000x128xf32, #tpu.memory_space<hbm>> -> memref<128x128xf32, #tpu.memory_space<hbm>>
        %dma_start3A_140 = arith.constant 0 : i32
        %dma_start3A_141 = arith.constant 0 : i32
        %dma_start3A_142 = tpu.memref_slice %arg5[%dma_start3A_128, %dma_start3A_140, %dma_start3A_141] : memref<2x128x128xf32, #tpu.memory_space<vmem>> -> memref<1x128x128xf32, #tpu.memory_space<vmem>>
        %dma_start3A_143 = tpu.memref_squeeze %dma_start3A_142 : memref<1x128x128xf32, #tpu.memory_space<vmem>> -> memref<128x128xf32, #tpu.memory_space<vmem>>
        tpu.enqueue_dma source(%dma_start3A_143 : memref<128x128xf32, #tpu.memory_space<vmem>>) target(%dma_start3A_139 : memref<128x128xf32, #tpu.memory_space<hbm>>) target_semaphore(%dma_start3A_137 : memref<!tpu.dma_semaphore, #tpu.memory_space<semaphore_mem>>)
      } else {
      }
      %mul3A_78 = arith.constant 2 : i32
      %mul3A_79 = arith.muli %mul3A_78, %add3A_65 : i32
      %add3A_80 = arith.constant 1 : i32
      %add3A_81 = arith.addi %mul3A_79, %add3A_80 : i32
      %mul3A_82 = arith.constant 32 : i32
      %mul3A_83 = arith.muli %add3A_81, %mul3A_82 : i32
      %add3A_84 = arith.addi %add3A, %mul3A_83 : i32
      %lt3A_85 = arith.constant 7812 : i32
      %lt3A_86 = arith.cmpi slt, %add3A_84, %lt3A_85 : i32
      %convert_element_type3A_87 = arith.extui %lt3A_86 : i1 to i32
      %cond3A_88 = arith.constant 0 : i32
      %cond3A_89 = arith.cmpi ne, %convert_element_type3A_87, %cond3A_88 : i32
      scf.if %cond3A_89 {
        %mul3A_90 = arith.constant 128 : i32
        %mul3A_91 = arith.muli %add3A_84, %mul3A_90 : i32
        %dma_wait3A_92 = arith.constant 1 : i32
        %dma_wait3A_93 = arith.constant 1 : i32
        %dma_wait3A_94 = arith.constant 0 : i32
        %dma_wait3A_95 = arith.constant 0 : i32
        %dma_wait3A_96 = tpu.memref_slice %arg4[%dma_wait3A_92, %dma_wait3A_94, %dma_wait3A_95] : memref<2x64x128xf32, #tpu.memory_space<vmem>> -> memref<1x64x128xf32, #tpu.memory_space<vmem>>
        %dma_wait3A_97 = tpu.memref_squeeze %dma_wait3A_96 : memref<1x64x128xf32, #tpu.memory_space<vmem>> -> memref<64x128xf32, #tpu.memory_space<vmem>>
        %dma_wait3A_98 = arith.constant 0 : i32
        %dma_wait3A_99 = tpu.memref_slice %arg2[%dma_wait3A_98, %mul3A_91] : memref<64x1000000xf32, #tpu.memory_space<hbm>> -> memref<64x128xf32, #tpu.memory_space<hbm>>
        %dma_wait3A_100 = tpu.memref_slice %arg8[%dma_wait3A_93] : memref<2x!tpu.dma_semaphore, #tpu.memory_space<semaphore_mem>> -> memref<1x!tpu.dma_semaphore, #tpu.memory_space<semaphore_mem>>
        %dma_wait3A_101 = tpu.memref_squeeze %dma_wait3A_100 : memref<1x!tpu.dma_semaphore, #tpu.memory_space<semaphore_mem>> -> memref<!tpu.dma_semaphore, #tpu.memory_space<semaphore_mem>>
        %dma_wait3A_102 = arith.constant 0 : i32
        %dma_wait3A_103 = arith.constant 0 : i32
        %dma_wait3A_104 = tpu.memref_slice %arg4[%dma_wait3A_92, %dma_wait3A_102, %dma_wait3A_103] : memref<2x64x128xf32, #tpu.memory_space<vmem>> -> memref<1x64x128xf32, #tpu.memory_space<vmem>>
        %dma_wait3A_105 = tpu.memref_squeeze %dma_wait3A_104 : memref<1x64x128xf32, #tpu.memory_space<vmem>> -> memref<64x128xf32, #tpu.memory_space<vmem>>
        %dma_wait3A_106 = arith.constant 0 : i32
        %dma_wait3A_107 = tpu.memref_slice %arg2[%dma_wait3A_106, %mul3A_91] : memref<64x1000000xf32, #tpu.memory_space<hbm>> -> memref<64x128xf32, #tpu.memory_space<hbm>>
        tpu.wait_dma2 semaphore(%dma_wait3A_101 : memref<!tpu.dma_semaphore, #tpu.memory_space<semaphore_mem>>) src(%dma_wait3A_107 : memref<64x128xf32, #tpu.memory_space<hbm>>) dst(%dma_wait3A_105 : memref<64x128xf32, #tpu.memory_space<vmem>>)
        %add3A_108 = arith.constant 32 : i32
        %add3A_109 = arith.addi %add3A_84, %add3A_108 : i32
        %lt3A_110 = arith.constant 7812 : i32
        %lt3A_111 = arith.cmpi slt, %add3A_109, %lt3A_110 : i32
        %convert_element_type3A_112 = arith.extui %lt3A_111 : i1 to i32
        %cond3A_113 = arith.constant 0 : i32
        %cond3A_114 = arith.cmpi ne, %convert_element_type3A_112, %cond3A_113 : i32
        scf.if %cond3A_114 {
          %add3A_144 = arith.constant 32 : i32
          %add3A_145 = arith.addi %add3A_84, %add3A_144 : i32
          %mul3A_146 = arith.constant 128 : i32
          %mul3A_147 = arith.muli %add3A_145, %mul3A_146 : i32
          %dma_start3A_148 = arith.constant 0 : i32
          %dma_start3A_149 = arith.constant 0 : i32
          %dma_start3A_150 = arith.constant 0 : i32
          %dma_start3A_151 = arith.constant 0 : i32
          %dma_start3A_152 = tpu.memref_slice %arg4[%dma_start3A_148, %dma_start3A_150, %dma_start3A_151] : memref<2x64x128xf32, #tpu.memory_space<vmem>> -> memref<1x64x128xf32, #tpu.memory_space<vmem>>
          %dma_start3A_153 = tpu.memref_squeeze %dma_start3A_152 : memref<1x64x128xf32, #tpu.memory_space<vmem>> -> memref<64x128xf32, #tpu.memory_space<vmem>>
          %dma_start3A_154 = arith.constant 0 : i32
          %dma_start3A_155 = tpu.memref_slice %arg2[%dma_start3A_154, %mul3A_147] : memref<64x1000000xf32, #tpu.memory_space<hbm>> -> memref<64x128xf32, #tpu.memory_space<hbm>>
          %dma_start3A_156 = tpu.memref_slice %arg8[%dma_start3A_149] : memref<2x!tpu.dma_semaphore, #tpu.memory_space<semaphore_mem>> -> memref<1x!tpu.dma_semaphore, #tpu.memory_space<semaphore_mem>>
          %dma_start3A_157 = tpu.memref_squeeze %dma_start3A_156 : memref<1x!tpu.dma_semaphore, #tpu.memory_space<semaphore_mem>> -> memref<!tpu.dma_semaphore, #tpu.memory_space<semaphore_mem>>
          %dma_start3A_158 = arith.constant 0 : i32
          %dma_start3A_159 = arith.constant 0 : i32
          %dma_start3A_160 = tpu.memref_slice %arg4[%dma_start3A_148, %dma_start3A_158, %dma_start3A_159] : memref<2x64x128xf32, #tpu.memory_space<vmem>> -> memref<1x64x128xf32, #tpu.memory_space<vmem>>
          %dma_start3A_161 = tpu.memref_squeeze %dma_start3A_160 : memref<1x64x128xf32, #tpu.memory_space<vmem>> -> memref<64x128xf32, #tpu.memory_space<vmem>>
          %dma_start3A_162 = arith.constant 0 : i32
          %dma_start3A_163 = tpu.memref_slice %arg2[%dma_start3A_162, %mul3A_147] : memref<64x1000000xf32, #tpu.memory_space<hbm>> -> memref<64x128xf32, #tpu.memory_space<hbm>>
          tpu.enqueue_dma source(%dma_start3A_163 : memref<64x128xf32, #tpu.memory_space<hbm>>) target(%dma_start3A_161 : memref<64x128xf32, #tpu.memory_space<vmem>>) target_semaphore(%dma_start3A_157 : memref<!tpu.dma_semaphore, #tpu.memory_space<semaphore_mem>>)
        } else {
        }
        %ge3A = arith.constant 2 : i32
        %ge3A_115 = arith.cmpi sge, %add3A_81, %ge3A : i32
        %convert_element_type3A_116 = arith.extui %ge3A_115 : i1 to i32
        %cond3A_117 = arith.constant 0 : i32
        %cond3A_118 = arith.cmpi ne, %convert_element_type3A_116, %cond3A_117 : i32
        scf.if %cond3A_118 {
          %sub3A = arith.constant 64 : i32
          %sub3A_144 = arith.subi %add3A_84, %sub3A : i32
          %mul3A_145 = arith.constant 128 : i32
          %mul3A_146 = arith.muli %sub3A_144, %mul3A_145 : i32
          %dma_wait3A_147 = arith.constant 1 : i32
          %dma_wait3A_148 = arith.constant 1 : i32
          %dma_wait3A_149 = arith.constant 0 : i32
          %dma_wait3A_150 = arith.constant 0 : i32
          %dma_wait3A_151 = tpu.memref_slice %arg5[%dma_wait3A_147, %dma_wait3A_149, %dma_wait3A_150] : memref<2x128x128xf32, #tpu.memory_space<vmem>> -> memref<1x128x128xf32, #tpu.memory_space<vmem>>
          %dma_wait3A_152 = tpu.memref_squeeze %dma_wait3A_151 : memref<1x128x128xf32, #tpu.memory_space<vmem>> -> memref<128x128xf32, #tpu.memory_space<vmem>>
          %dma_wait3A_153 = arith.constant 0 : i32
          %dma_wait3A_154 = tpu.memref_slice %arg3[%mul3A_146, %dma_wait3A_153] : memref<1000000x128xf32, #tpu.memory_space<hbm>> -> memref<128x128xf32, #tpu.memory_space<hbm>>
          %dma_wait3A_155 = tpu.memref_slice %arg9[%dma_wait3A_148] : memref<2x!tpu.dma_semaphore, #tpu.memory_space<semaphore_mem>> -> memref<1x!tpu.dma_semaphore, #tpu.memory_space<semaphore_mem>>
          %dma_wait3A_156 = tpu.memref_squeeze %dma_wait3A_155 : memref<1x!tpu.dma_semaphore, #tpu.memory_space<semaphore_mem>> -> memref<!tpu.dma_semaphore, #tpu.memory_space<semaphore_mem>>
          %dma_wait3A_157 = arith.constant 0 : i32
          %dma_wait3A_158 = tpu.memref_slice %arg3[%mul3A_146, %dma_wait3A_157] : memref<1000000x128xf32, #tpu.memory_space<hbm>> -> memref<128x128xf32, #tpu.memory_space<hbm>>
          %dma_wait3A_159 = arith.constant 0 : i32
          %dma_wait3A_160 = arith.constant 0 : i32
          %dma_wait3A_161 = tpu.memref_slice %arg5[%dma_wait3A_147, %dma_wait3A_159, %dma_wait3A_160] : memref<2x128x128xf32, #tpu.memory_space<vmem>> -> memref<1x128x128xf32, #tpu.memory_space<vmem>>
          %dma_wait3A_162 = tpu.memref_squeeze %dma_wait3A_161 : memref<1x128x128xf32, #tpu.memory_space<vmem>> -> memref<128x128xf32, #tpu.memory_space<vmem>>
          tpu.wait_dma2 semaphore(%dma_wait3A_156 : memref<!tpu.dma_semaphore, #tpu.memory_space<semaphore_mem>>) src(%dma_wait3A_162 : memref<128x128xf32, #tpu.memory_space<vmem>>) dst(%dma_wait3A_158 : memref<128x128xf32, #tpu.memory_space<hbm>>)
        } else {
        }
        %scan3A_119 = arith.constant 1 : i32
        %scan3A_120 = arith.constant 1 : i32
        %scan3A_121 = arith.constant 0 : i32
        %scan3A_122 = arith.constant 8 : i32
        %scan3A_123 = arith.addi %scan3A_121, %scan3A_122 : i32
        %scan3A_124 = arith.constant 1 : i32
        scf.for %scan3A_144 = %scan3A_121 to %scan3A_123 step %scan3A_124  : i32 {
          %mul3A_145 = arith.constant 1 : i32
          %mul3A_146 = arith.muli %scan3A_144, %mul3A_145 : i32
          %add3A_147 = arith.constant 0 : i32
          %add3A_148 = arith.addi %add3A_147, %mul3A_146 : i32
          %mul3A_149 = arith.constant 2 : i32
          %mul3A_150 = arith.muli %mul3A_149, %add3A_148 : i32
          %add3A_151 = arith.constant 0 : i32
          %add3A_152 = arith.addi %mul3A_150, %add3A_151 : i32
          %add3A_153 = vector.broadcast %add3A_152 : i32 to vector<16xi32>
          %add3A_154 = arith.addi %iota3A, %add3A_153 : vector<16xi32>
          %rem3A = arith.constant 16 : i32
          %rem3A_155 = vector.broadcast %rem3A : i32 to vector<16xi32>
          %rem3A_156 = arith.remsi %add3A_154, %rem3A_155 : vector<16xi32>
          %add3A_157 = arith.constant 0 : i32
          %add3A_158 = vector.broadcast %add3A_157 : i32 to vector<16xi32>
          %add3A_159 = arith.addi %rem3A_156, %add3A_158 : vector<16xi32>
          %gather3A = arith.constant 0 : i32
          %gather3A_160 = arith.constant 0 : i32
          %gather3A_161 = tpu.memref_slice %arg4[%scan3A_119, %gather3A, %gather3A_160] : memref<2x64x128xf32, #tpu.memory_space<vmem>> -> memref<1x64x128xf32, #tpu.memory_space<vmem>>
          %gather3A_162 = tpu.memref_squeeze %gather3A_161 : memref<1x64x128xf32, #tpu.memory_space<vmem>> -> memref<64x128xf32, #tpu.memory_space<vmem>>
          %gather3A_163 = tpu.vector_load_idx %gather3A_162[%add3A_3, %add3A_159] : memref<64x128xf32, #tpu.memory_space<vmem>>[vector<16xi32>, vector<16xi32>], vector<16xf32>,
          %add3A_164 = arith.constant 16 : i32
          %add3A_165 = vector.broadcast %add3A_164 : i32 to vector<16xi32>
          %add3A_166 = arith.addi %rem3A_156, %add3A_165 : vector<16xi32>
          %gather3A_167 = arith.constant 0 : i32
          %gather3A_168 = arith.constant 0 : i32
          %gather3A_169 = tpu.memref_slice %arg4[%scan3A_119, %gather3A_167, %gather3A_168] : memref<2x64x128xf32, #tpu.memory_space<vmem>> -> memref<1x64x128xf32, #tpu.memory_space<vmem>>
          %gather3A_170 = tpu.memref_squeeze %gather3A_169 : memref<1x64x128xf32, #tpu.memory_space<vmem>> -> memref<64x128xf32, #tpu.memory_space<vmem>>
          %gather3A_171 = tpu.vector_load_idx %gather3A_170[%add3A_3, %add3A_166] : memref<64x128xf32, #tpu.memory_space<vmem>>[vector<16xi32>, vector<16xi32>], vector<16xf32>,
          %add3A_172 = arith.constant 32 : i32
          %add3A_173 = vector.broadcast %add3A_172 : i32 to vector<16xi32>
          %add3A_174 = arith.addi %rem3A_156, %add3A_173 : vector<16xi32>
          %gather3A_175 = arith.constant 0 : i32
          %gather3A_176 = arith.constant 0 : i32
          %gather3A_177 = tpu.memref_slice %arg4[%scan3A_119, %gather3A_175, %gather3A_176] : memref<2x64x128xf32, #tpu.memory_space<vmem>> -> memref<1x64x128xf32, #tpu.memory_space<vmem>>
          %gather3A_178 = tpu.memref_squeeze %gather3A_177 : memref<1x64x128xf32, #tpu.memory_space<vmem>> -> memref<64x128xf32, #tpu.memory_space<vmem>>
          %gather3A_179 = tpu.vector_load_idx %gather3A_178[%add3A_3, %add3A_174] : memref<64x128xf32, #tpu.memory_space<vmem>>[vector<16xi32>, vector<16xi32>], vector<16xf32>,
          %add3A_180 = arith.constant 48 : i32
          %add3A_181 = vector.broadcast %add3A_180 : i32 to vector<16xi32>
          %add3A_182 = arith.addi %rem3A_156, %add3A_181 : vector<16xi32>
          %gather3A_183 = arith.constant 0 : i32
          %gather3A_184 = arith.constant 0 : i32
          %gather3A_185 = tpu.memref_slice %arg4[%scan3A_119, %gather3A_183, %gather3A_184] : memref<2x64x128xf32, #tpu.memory_space<vmem>> -> memref<1x64x128xf32, #tpu.memory_space<vmem>>
          %gather3A_186 = tpu.memref_squeeze %gather3A_185 : memref<1x64x128xf32, #tpu.memory_space<vmem>> -> memref<64x128xf32, #tpu.memory_space<vmem>>
          %gather3A_187 = tpu.vector_load_idx %gather3A_186[%add3A_3, %add3A_182] : memref<64x128xf32, #tpu.memory_space<vmem>>[vector<16xi32>, vector<16xi32>], vector<16xf32>,
          %add3A_188 = arith.constant 64 : i32
          %add3A_189 = vector.broadcast %add3A_188 : i32 to vector<16xi32>
          %add3A_190 = arith.addi %rem3A_156, %add3A_189 : vector<16xi32>
          %gather3A_191 = arith.constant 0 : i32
          %gather3A_192 = arith.constant 0 : i32
          %gather3A_193 = tpu.memref_slice %arg4[%scan3A_119, %gather3A_191, %gather3A_192] : memref<2x64x128xf32, #tpu.memory_space<vmem>> -> memref<1x64x128xf32, #tpu.memory_space<vmem>>
          %gather3A_194 = tpu.memref_squeeze %gather3A_193 : memref<1x64x128xf32, #tpu.memory_space<vmem>> -> memref<64x128xf32, #tpu.memory_space<vmem>>
          %gather3A_195 = tpu.vector_load_idx %gather3A_194[%add3A_3, %add3A_190] : memref<64x128xf32, #tpu.memory_space<vmem>>[vector<16xi32>, vector<16xi32>], vector<16xf32>,
          %add3A_196 = arith.constant 80 : i32
          %add3A_197 = vector.broadcast %add3A_196 : i32 to vector<16xi32>
          %add3A_198 = arith.addi %rem3A_156, %add3A_197 : vector<16xi32>
          %gather3A_199 = arith.constant 0 : i32
          %gather3A_200 = arith.constant 0 : i32
          %gather3A_201 = tpu.memref_slice %arg4[%scan3A_119, %gather3A_199, %gather3A_200] : memref<2x64x128xf32, #tpu.memory_space<vmem>> -> memref<1x64x128xf32, #tpu.memory_space<vmem>>
          %gather3A_202 = tpu.memref_squeeze %gather3A_201 : memref<1x64x128xf32, #tpu.memory_space<vmem>> -> memref<64x128xf32, #tpu.memory_space<vmem>>
          %gather3A_203 = tpu.vector_load_idx %gather3A_202[%add3A_3, %add3A_198] : memref<64x128xf32, #tpu.memory_space<vmem>>[vector<16xi32>, vector<16xi32>], vector<16xf32>,
          %add3A_204 = arith.constant 96 : i32
          %add3A_205 = vector.broadcast %add3A_204 : i32 to vector<16xi32>
          %add3A_206 = arith.addi %rem3A_156, %add3A_205 : vector<16xi32>
          %gather3A_207 = arith.constant 0 : i32
          %gather3A_208 = arith.constant 0 : i32
          %gather3A_209 = tpu.memref_slice %arg4[%scan3A_119, %gather3A_207, %gather3A_208] : memref<2x64x128xf32, #tpu.memory_space<vmem>> -> memref<1x64x128xf32, #tpu.memory_space<vmem>>
          %gather3A_210 = tpu.memref_squeeze %gather3A_209 : memref<1x64x128xf32, #tpu.memory_space<vmem>> -> memref<64x128xf32, #tpu.memory_space<vmem>>
          %gather3A_211 = tpu.vector_load_idx %gather3A_210[%add3A_3, %add3A_206] : memref<64x128xf32, #tpu.memory_space<vmem>>[vector<16xi32>, vector<16xi32>], vector<16xf32>,
          %add3A_212 = arith.constant 112 : i32
          %add3A_213 = vector.broadcast %add3A_212 : i32 to vector<16xi32>
          %add3A_214 = arith.addi %rem3A_156, %add3A_213 : vector<16xi32>
          %gather3A_215 = arith.constant 0 : i32
          %gather3A_216 = arith.constant 0 : i32
          %gather3A_217 = tpu.memref_slice %arg4[%scan3A_119, %gather3A_215, %gather3A_216] : memref<2x64x128xf32, #tpu.memory_space<vmem>> -> memref<1x64x128xf32, #tpu.memory_space<vmem>>
          %gather3A_218 = tpu.memref_squeeze %gather3A_217 : memref<1x64x128xf32, #tpu.memory_space<vmem>> -> memref<64x128xf32, #tpu.memory_space<vmem>>
          %gather3A_219 = tpu.vector_load_idx %gather3A_218[%add3A_3, %add3A_214] : memref<64x128xf32, #tpu.memory_space<vmem>>[vector<16xi32>, vector<16xi32>], vector<16xf32>,
          %scatter3A = arith.constant 0 : i32
          %scatter3A_220 = arith.constant 0 : i32
          %scatter3A_221 = tpu.memref_slice %arg5[%scan3A_120, %scatter3A, %scatter3A_220] : memref<2x128x128xf32, #tpu.memory_space<vmem>> -> memref<1x128x128xf32, #tpu.memory_space<vmem>>
          %scatter3A_222 = tpu.memref_squeeze %scatter3A_221 : memref<1x128x128xf32, #tpu.memory_space<vmem>> -> memref<128x128xf32, #tpu.memory_space<vmem>>
          tpu.vector_store_idx %scatter3A_222[%add3A_159, %add3A_3], %gather3A_163 : memref<128x128xf32, #tpu.memory_space<vmem>>[vector<16xi32>, vector<16xi32>], vector<16xf32>,
          %scatter3A_223 = arith.constant 0 : i32
          %scatter3A_224 = arith.constant 0 : i32
          %scatter3A_225 = tpu.memref_slice %arg5[%scan3A_120, %scatter3A_223, %scatter3A_224] : memref<2x128x128xf32, #tpu.memory_space<vmem>> -> memref<1x128x128xf32, #tpu.memory_space<vmem>>
          %scatter3A_226 = tpu.memref_squeeze %scatter3A_225 : memref<1x128x128xf32, #tpu.memory_space<vmem>> -> memref<128x128xf32, #tpu.memory_space<vmem>>
          tpu.vector_store_idx %scatter3A_226[%add3A_166, %add3A_3], %gather3A_171 : memref<128x128xf32, #tpu.memory_space<vmem>>[vector<16xi32>, vector<16xi32>], vector<16xf32>,
          %scatter3A_227 = arith.constant 0 : i32
          %scatter3A_228 = arith.constant 0 : i32
          %scatter3A_229 = tpu.memref_slice %arg5[%scan3A_120, %scatter3A_227, %scatter3A_228] : memref<2x128x128xf32, #tpu.memory_space<vmem>> -> memref<1x128x128xf32, #tpu.memory_space<vmem>>
          %scatter3A_230 = tpu.memref_squeeze %scatter3A_229 : memref<1x128x128xf32, #tpu.memory_space<vmem>> -> memref<128x128xf32, #tpu.memory_space<vmem>>
          tpu.vector_store_idx %scatter3A_230[%add3A_174, %add3A_3], %gather3A_179 : memref<128x128xf32, #tpu.memory_space<vmem>>[vector<16xi32>, vector<16xi32>], vector<16xf32>,
          %scatter3A_231 = arith.constant 0 : i32
          %scatter3A_232 = arith.constant 0 : i32
          %scatter3A_233 = tpu.memref_slice %arg5[%scan3A_120, %scatter3A_231, %scatter3A_232] : memref<2x128x128xf32, #tpu.memory_space<vmem>> -> memref<1x128x128xf32, #tpu.memory_space<vmem>>
          %scatter3A_234 = tpu.memref_squeeze %scatter3A_233 : memref<1x128x128xf32, #tpu.memory_space<vmem>> -> memref<128x128xf32, #tpu.memory_space<vmem>>
          tpu.vector_store_idx %scatter3A_234[%add3A_182, %add3A_3], %gather3A_187 : memref<128x128xf32, #tpu.memory_space<vmem>>[vector<16xi32>, vector<16xi32>], vector<16xf32>,
          %scatter3A_235 = arith.constant 0 : i32
          %scatter3A_236 = arith.constant 0 : i32
          %scatter3A_237 = tpu.memref_slice %arg5[%scan3A_120, %scatter3A_235, %scatter3A_236] : memref<2x128x128xf32, #tpu.memory_space<vmem>> -> memref<1x128x128xf32, #tpu.memory_space<vmem>>
          %scatter3A_238 = tpu.memref_squeeze %scatter3A_237 : memref<1x128x128xf32, #tpu.memory_space<vmem>> -> memref<128x128xf32, #tpu.memory_space<vmem>>
          tpu.vector_store_idx %scatter3A_238[%add3A_190, %add3A_3], %gather3A_195 : memref<128x128xf32, #tpu.memory_space<vmem>>[vector<16xi32>, vector<16xi32>], vector<16xf32>,
          %scatter3A_239 = arith.constant 0 : i32
          %scatter3A_240 = arith.constant 0 : i32
          %scatter3A_241 = tpu.memref_slice %arg5[%scan3A_120, %scatter3A_239, %scatter3A_240] : memref<2x128x128xf32, #tpu.memory_space<vmem>> -> memref<1x128x128xf32, #tpu.memory_space<vmem>>
          %scatter3A_242 = tpu.memref_squeeze %scatter3A_241 : memref<1x128x128xf32, #tpu.memory_space<vmem>> -> memref<128x128xf32, #tpu.memory_space<vmem>>
          tpu.vector_store_idx %scatter3A_242[%add3A_198, %add3A_3], %gather3A_203 : memref<128x128xf32, #tpu.memory_space<vmem>>[vector<16xi32>, vector<16xi32>], vector<16xf32>,
          %scatter3A_243 = arith.constant 0 : i32
          %scatter3A_244 = arith.constant 0 : i32
          %scatter3A_245 = tpu.memref_slice %arg5[%scan3A_120, %scatter3A_243, %scatter3A_244] : memref<2x128x128xf32, #tpu.memory_space<vmem>> -> memref<1x128x128xf32, #tpu.memory_space<vmem>>
          %scatter3A_246 = tpu.memref_squeeze %scatter3A_245 : memref<1x128x128xf32, #tpu.memory_space<vmem>> -> memref<128x128xf32, #tpu.memory_space<vmem>>
          tpu.vector_store_idx %scatter3A_246[%add3A_206, %add3A_3], %gather3A_211 : memref<128x128xf32, #tpu.memory_space<vmem>>[vector<16xi32>, vector<16xi32>], vector<16xf32>,
          %scatter3A_247 = arith.constant 0 : i32
          %scatter3A_248 = arith.constant 0 : i32
          %scatter3A_249 = tpu.memref_slice %arg5[%scan3A_120, %scatter3A_247, %scatter3A_248] : memref<2x128x128xf32, #tpu.memory_space<vmem>> -> memref<1x128x128xf32, #tpu.memory_space<vmem>>
          %scatter3A_250 = tpu.memref_squeeze %scatter3A_249 : memref<1x128x128xf32, #tpu.memory_space<vmem>> -> memref<128x128xf32, #tpu.memory_space<vmem>>
          tpu.vector_store_idx %scatter3A_250[%add3A_214, %add3A_3], %gather3A_219 : memref<128x128xf32, #tpu.memory_space<vmem>>[vector<16xi32>, vector<16xi32>], vector<16xf32>,
          %add3A_251 = arith.constant 0 : i32
          %add3A_252 = vector.broadcast %add3A_251 : i32 to vector<16xi32>
          %add3A_253 = arith.addi %rem3A_156, %add3A_252 : vector<16xi32>
          %gather3A_254 = arith.constant 0 : i32
          %gather3A_255 = arith.constant 0 : i32
          %gather3A_256 = tpu.memref_slice %arg4[%scan3A_119, %gather3A_254, %gather3A_255] : memref<2x64x128xf32, #tpu.memory_space<vmem>> -> memref<1x64x128xf32, #tpu.memory_space<vmem>>
          %gather3A_257 = tpu.memref_squeeze %gather3A_256 : memref<1x64x128xf32, #tpu.memory_space<vmem>> -> memref<64x128xf32, #tpu.memory_space<vmem>>
          %gather3A_258 = tpu.vector_load_idx %gather3A_257[%add3A_6, %add3A_253] : memref<64x128xf32, #tpu.memory_space<vmem>>[vector<16xi32>, vector<16xi32>], vector<16xf32>,
          %add3A_259 = arith.constant 16 : i32
          %add3A_260 = vector.broadcast %add3A_259 : i32 to vector<16xi32>
          %add3A_261 = arith.addi %rem3A_156, %add3A_260 : vector<16xi32>
          %gather3A_262 = arith.constant 0 : i32
          %gather3A_263 = arith.constant 0 : i32
          %gather3A_264 = tpu.memref_slice %arg4[%scan3A_119, %gather3A_262, %gather3A_263] : memref<2x64x128xf32, #tpu.memory_space<vmem>> -> memref<1x64x128xf32, #tpu.memory_space<vmem>>
          %gather3A_265 = tpu.memref_squeeze %gather3A_264 : memref<1x64x128xf32, #tpu.memory_space<vmem>> -> memref<64x128xf32, #tpu.memory_space<vmem>>
          %gather3A_266 = tpu.vector_load_idx %gather3A_265[%add3A_6, %add3A_261] : memref<64x128xf32, #tpu.memory_space<vmem>>[vector<16xi32>, vector<16xi32>], vector<16xf32>,
          %add3A_267 = arith.constant 32 : i32
          %add3A_268 = vector.broadcast %add3A_267 : i32 to vector<16xi32>
          %add3A_269 = arith.addi %rem3A_156, %add3A_268 : vector<16xi32>
          %gather3A_270 = arith.constant 0 : i32
          %gather3A_271 = arith.constant 0 : i32
          %gather3A_272 = tpu.memref_slice %arg4[%scan3A_119, %gather3A_270, %gather3A_271] : memref<2x64x128xf32, #tpu.memory_space<vmem>> -> memref<1x64x128xf32, #tpu.memory_space<vmem>>
          %gather3A_273 = tpu.memref_squeeze %gather3A_272 : memref<1x64x128xf32, #tpu.memory_space<vmem>> -> memref<64x128xf32, #tpu.memory_space<vmem>>
          %gather3A_274 = tpu.vector_load_idx %gather3A_273[%add3A_6, %add3A_269] : memref<64x128xf32, #tpu.memory_space<vmem>>[vector<16xi32>, vector<16xi32>], vector<16xf32>,
          %add3A_275 = arith.constant 48 : i32
          %add3A_276 = vector.broadcast %add3A_275 : i32 to vector<16xi32>
          %add3A_277 = arith.addi %rem3A_156, %add3A_276 : vector<16xi32>
          %gather3A_278 = arith.constant 0 : i32
          %gather3A_279 = arith.constant 0 : i32
          %gather3A_280 = tpu.memref_slice %arg4[%scan3A_119, %gather3A_278, %gather3A_279] : memref<2x64x128xf32, #tpu.memory_space<vmem>> -> memref<1x64x128xf32, #tpu.memory_space<vmem>>
          %gather3A_281 = tpu.memref_squeeze %gather3A_280 : memref<1x64x128xf32, #tpu.memory_space<vmem>> -> memref<64x128xf32, #tpu.memory_space<vmem>>
          %gather3A_282 = tpu.vector_load_idx %gather3A_281[%add3A_6, %add3A_277] : memref<64x128xf32, #tpu.memory_space<vmem>>[vector<16xi32>, vector<16xi32>], vector<16xf32>,
          %add3A_283 = arith.constant 64 : i32
          %add3A_284 = vector.broadcast %add3A_283 : i32 to vector<16xi32>
          %add3A_285 = arith.addi %rem3A_156, %add3A_284 : vector<16xi32>
          %gather3A_286 = arith.constant 0 : i32
          %gather3A_287 = arith.constant 0 : i32
          %gather3A_288 = tpu.memref_slice %arg4[%scan3A_119, %gather3A_286, %gather3A_287] : memref<2x64x128xf32, #tpu.memory_space<vmem>> -> memref<1x64x128xf32, #tpu.memory_space<vmem>>
          %gather3A_289 = tpu.memref_squeeze %gather3A_288 : memref<1x64x128xf32, #tpu.memory_space<vmem>> -> memref<64x128xf32, #tpu.memory_space<vmem>>
          %gather3A_290 = tpu.vector_load_idx %gather3A_289[%add3A_6, %add3A_285] : memref<64x128xf32, #tpu.memory_space<vmem>>[vector<16xi32>, vector<16xi32>], vector<16xf32>,
          %add3A_291 = arith.constant 80 : i32
          %add3A_292 = vector.broadcast %add3A_291 : i32 to vector<16xi32>
          %add3A_293 = arith.addi %rem3A_156, %add3A_292 : vector<16xi32>
          %gather3A_294 = arith.constant 0 : i32
          %gather3A_295 = arith.constant 0 : i32
          %gather3A_296 = tpu.memref_slice %arg4[%scan3A_119, %gather3A_294, %gather3A_295] : memref<2x64x128xf32, #tpu.memory_space<vmem>> -> memref<1x64x128xf32, #tpu.memory_space<vmem>>
          %gather3A_297 = tpu.memref_squeeze %gather3A_296 : memref<1x64x128xf32, #tpu.memory_space<vmem>> -> memref<64x128xf32, #tpu.memory_space<vmem>>
          %gather3A_298 = tpu.vector_load_idx %gather3A_297[%add3A_6, %add3A_293] : memref<64x128xf32, #tpu.memory_space<vmem>>[vector<16xi32>, vector<16xi32>], vector<16xf32>,
          %add3A_299 = arith.constant 96 : i32
          %add3A_300 = vector.broadcast %add3A_299 : i32 to vector<16xi32>
          %add3A_301 = arith.addi %rem3A_156, %add3A_300 : vector<16xi32>
          %gather3A_302 = arith.constant 0 : i32
          %gather3A_303 = arith.constant 0 : i32
          %gather3A_304 = tpu.memref_slice %arg4[%scan3A_119, %gather3A_302, %gather3A_303] : memref<2x64x128xf32, #tpu.memory_space<vmem>> -> memref<1x64x128xf32, #tpu.memory_space<vmem>>
          %gather3A_305 = tpu.memref_squeeze %gather3A_304 : memref<1x64x128xf32, #tpu.memory_space<vmem>> -> memref<64x128xf32, #tpu.memory_space<vmem>>
          %gather3A_306 = tpu.vector_load_idx %gather3A_305[%add3A_6, %add3A_301] : memref<64x128xf32, #tpu.memory_space<vmem>>[vector<16xi32>, vector<16xi32>], vector<16xf32>,
          %add3A_307 = arith.constant 112 : i32
          %add3A_308 = vector.broadcast %add3A_307 : i32 to vector<16xi32>
          %add3A_309 = arith.addi %rem3A_156, %add3A_308 : vector<16xi32>
          %gather3A_310 = arith.constant 0 : i32
          %gather3A_311 = arith.constant 0 : i32
          %gather3A_312 = tpu.memref_slice %arg4[%scan3A_119, %gather3A_310, %gather3A_311] : memref<2x64x128xf32, #tpu.memory_space<vmem>> -> memref<1x64x128xf32, #tpu.memory_space<vmem>>
          %gather3A_313 = tpu.memref_squeeze %gather3A_312 : memref<1x64x128xf32, #tpu.memory_space<vmem>> -> memref<64x128xf32, #tpu.memory_space<vmem>>
          %gather3A_314 = tpu.vector_load_idx %gather3A_313[%add3A_6, %add3A_309] : memref<64x128xf32, #tpu.memory_space<vmem>>[vector<16xi32>, vector<16xi32>], vector<16xf32>,
          %scatter3A_315 = arith.constant 0 : i32
          %scatter3A_316 = arith.constant 0 : i32
          %scatter3A_317 = tpu.memref_slice %arg5[%scan3A_120, %scatter3A_315, %scatter3A_316] : memref<2x128x128xf32, #tpu.memory_space<vmem>> -> memref<1x128x128xf32, #tpu.memory_space<vmem>>
          %scatter3A_318 = tpu.memref_squeeze %scatter3A_317 : memref<1x128x128xf32, #tpu.memory_space<vmem>> -> memref<128x128xf32, #tpu.memory_space<vmem>>
          tpu.vector_store_idx %scatter3A_318[%add3A_253, %add3A_6], %gather3A_258 : memref<128x128xf32, #tpu.memory_space<vmem>>[vector<16xi32>, vector<16xi32>], vector<16xf32>,
          %scatter3A_319 = arith.constant 0 : i32
          %scatter3A_320 = arith.constant 0 : i32
          %scatter3A_321 = tpu.memref_slice %arg5[%scan3A_120, %scatter3A_319, %scatter3A_320] : memref<2x128x128xf32, #tpu.memory_space<vmem>> -> memref<1x128x128xf32, #tpu.memory_space<vmem>>
          %scatter3A_322 = tpu.memref_squeeze %scatter3A_321 : memref<1x128x128xf32, #tpu.memory_space<vmem>> -> memref<128x128xf32, #tpu.memory_space<vmem>>
          tpu.vector_store_idx %scatter3A_322[%add3A_261, %add3A_6], %gather3A_266 : memref<128x128xf32, #tpu.memory_space<vmem>>[vector<16xi32>, vector<16xi32>], vector<16xf32>,
          %scatter3A_323 = arith.constant 0 : i32
          %scatter3A_324 = arith.constant 0 : i32
          %scatter3A_325 = tpu.memref_slice %arg5[%scan3A_120, %scatter3A_323, %scatter3A_324] : memref<2x128x128xf32, #tpu.memory_space<vmem>> -> memref<1x128x128xf32, #tpu.memory_space<vmem>>
          %scatter3A_326 = tpu.memref_squeeze %scatter3A_325 : memref<1x128x128xf32, #tpu.memory_space<vmem>> -> memref<128x128xf32, #tpu.memory_space<vmem>>
          tpu.vector_store_idx %scatter3A_326[%add3A_269, %add3A_6], %gather3A_274 : memref<128x128xf32, #tpu.memory_space<vmem>>[vector<16xi32>, vector<16xi32>], vector<16xf32>,
          %scatter3A_327 = arith.constant 0 : i32
          %scatter3A_328 = arith.constant 0 : i32
          %scatter3A_329 = tpu.memref_slice %arg5[%scan3A_120, %scatter3A_327, %scatter3A_328] : memref<2x128x128xf32, #tpu.memory_space<vmem>> -> memref<1x128x128xf32, #tpu.memory_space<vmem>>
          %scatter3A_330 = tpu.memref_squeeze %scatter3A_329 : memref<1x128x128xf32, #tpu.memory_space<vmem>> -> memref<128x128xf32, #tpu.memory_space<vmem>>
          tpu.vector_store_idx %scatter3A_330[%add3A_277, %add3A_6], %gather3A_282 : memref<128x128xf32, #tpu.memory_space<vmem>>[vector<16xi32>, vector<16xi32>], vector<16xf32>,
          %scatter3A_331 = arith.constant 0 : i32
          %scatter3A_332 = arith.constant 0 : i32
          %scatter3A_333 = tpu.memref_slice %arg5[%scan3A_120, %scatter3A_331, %scatter3A_332] : memref<2x128x128xf32, #tpu.memory_space<vmem>> -> memref<1x128x128xf32, #tpu.memory_space<vmem>>
          %scatter3A_334 = tpu.memref_squeeze %scatter3A_333 : memref<1x128x128xf32, #tpu.memory_space<vmem>> -> memref<128x128xf32, #tpu.memory_space<vmem>>
          tpu.vector_store_idx %scatter3A_334[%add3A_285, %add3A_6], %gather3A_290 : memref<128x128xf32, #tpu.memory_space<vmem>>[vector<16xi32>, vector<16xi32>], vector<16xf32>,
          %scatter3A_335 = arith.constant 0 : i32
          %scatter3A_336 = arith.constant 0 : i32
          %scatter3A_337 = tpu.memref_slice %arg5[%scan3A_120, %scatter3A_335, %scatter3A_336] : memref<2x128x128xf32, #tpu.memory_space<vmem>> -> memref<1x128x128xf32, #tpu.memory_space<vmem>>
          %scatter3A_338 = tpu.memref_squeeze %scatter3A_337 : memref<1x128x128xf32, #tpu.memory_space<vmem>> -> memref<128x128xf32, #tpu.memory_space<vmem>>
          tpu.vector_store_idx %scatter3A_338[%add3A_293, %add3A_6], %gather3A_298 : memref<128x128xf32, #tpu.memory_space<vmem>>[vector<16xi32>, vector<16xi32>], vector<16xf32>,
          %scatter3A_339 = arith.constant 0 : i32
          %scatter3A_340 = arith.constant 0 : i32
          %scatter3A_341 = tpu.memref_slice %arg5[%scan3A_120, %scatter3A_339, %scatter3A_340] : memref<2x128x128xf32, #tpu.memory_space<vmem>> -> memref<1x128x128xf32, #tpu.memory_space<vmem>>
          %scatter3A_342 = tpu.memref_squeeze %scatter3A_341 : memref<1x128x128xf32, #tpu.memory_space<vmem>> -> memref<128x128xf32, #tpu.memory_space<vmem>>
          tpu.vector_store_idx %scatter3A_342[%add3A_301, %add3A_6], %gather3A_306 : memref<128x128xf32, #tpu.memory_space<vmem>>[vector<16xi32>, vector<16xi32>], vector<16xf32>,
          %scatter3A_343 = arith.constant 0 : i32
          %scatter3A_344 = arith.constant 0 : i32
          %scatter3A_345 = tpu.memref_slice %arg5[%scan3A_120, %scatter3A_343, %scatter3A_344] : memref<2x128x128xf32, #tpu.memory_space<vmem>> -> memref<1x128x128xf32, #tpu.memory_space<vmem>>
          %scatter3A_346 = tpu.memref_squeeze %scatter3A_345 : memref<1x128x128xf32, #tpu.memory_space<vmem>> -> memref<128x128xf32, #tpu.memory_space<vmem>>
          tpu.vector_store_idx %scatter3A_346[%add3A_309, %add3A_6], %gather3A_314 : memref<128x128xf32, #tpu.memory_space<vmem>>[vector<16xi32>, vector<16xi32>], vector<16xf32>,
          %add3A_347 = arith.constant 0 : i32
          %add3A_348 = vector.broadcast %add3A_347 : i32 to vector<16xi32>
          %add3A_349 = arith.addi %rem3A_156, %add3A_348 : vector<16xi32>
          %gather3A_350 = arith.constant 0 : i32
          %gather3A_351 = arith.constant 0 : i32
          %gather3A_352 = tpu.memref_slice %arg4[%scan3A_119, %gather3A_350, %gather3A_351] : memref<2x64x128xf32, #tpu.memory_space<vmem>> -> memref<1x64x128xf32, #tpu.memory_space<vmem>>
          %gather3A_353 = tpu.memref_squeeze %gather3A_352 : memref<1x64x128xf32, #tpu.memory_space<vmem>> -> memref<64x128xf32, #tpu.memory_space<vmem>>
          %gather3A_354 = tpu.vector_load_idx %gather3A_353[%add3A_9, %add3A_349] : memref<64x128xf32, #tpu.memory_space<vmem>>[vector<16xi32>, vector<16xi32>], vector<16xf32>,
          %add3A_355 = arith.constant 16 : i32
          %add3A_356 = vector.broadcast %add3A_355 : i32 to vector<16xi32>
          %add3A_357 = arith.addi %rem3A_156, %add3A_356 : vector<16xi32>
          %gather3A_358 = arith.constant 0 : i32
          %gather3A_359 = arith.constant 0 : i32
          %gather3A_360 = tpu.memref_slice %arg4[%scan3A_119, %gather3A_358, %gather3A_359] : memref<2x64x128xf32, #tpu.memory_space<vmem>> -> memref<1x64x128xf32, #tpu.memory_space<vmem>>
          %gather3A_361 = tpu.memref_squeeze %gather3A_360 : memref<1x64x128xf32, #tpu.memory_space<vmem>> -> memref<64x128xf32, #tpu.memory_space<vmem>>
          %gather3A_362 = tpu.vector_load_idx %gather3A_361[%add3A_9, %add3A_357] : memref<64x128xf32, #tpu.memory_space<vmem>>[vector<16xi32>, vector<16xi32>], vector<16xf32>,
          %add3A_363 = arith.constant 32 : i32
          %add3A_364 = vector.broadcast %add3A_363 : i32 to vector<16xi32>
          %add3A_365 = arith.addi %rem3A_156, %add3A_364 : vector<16xi32>
          %gather3A_366 = arith.constant 0 : i32
          %gather3A_367 = arith.constant 0 : i32
          %gather3A_368 = tpu.memref_slice %arg4[%scan3A_119, %gather3A_366, %gather3A_367] : memref<2x64x128xf32, #tpu.memory_space<vmem>> -> memref<1x64x128xf32, #tpu.memory_space<vmem>>
          %gather3A_369 = tpu.memref_squeeze %gather3A_368 : memref<1x64x128xf32, #tpu.memory_space<vmem>> -> memref<64x128xf32, #tpu.memory_space<vmem>>
          %gather3A_370 = tpu.vector_load_idx %gather3A_369[%add3A_9, %add3A_365] : memref<64x128xf32, #tpu.memory_space<vmem>>[vector<16xi32>, vector<16xi32>], vector<16xf32>,
          %add3A_371 = arith.constant 48 : i32
          %add3A_372 = vector.broadcast %add3A_371 : i32 to vector<16xi32>
          %add3A_373 = arith.addi %rem3A_156, %add3A_372 : vector<16xi32>
          %gather3A_374 = arith.constant 0 : i32
          %gather3A_375 = arith.constant 0 : i32
          %gather3A_376 = tpu.memref_slice %arg4[%scan3A_119, %gather3A_374, %gather3A_375] : memref<2x64x128xf32, #tpu.memory_space<vmem>> -> memref<1x64x128xf32, #tpu.memory_space<vmem>>
          %gather3A_377 = tpu.memref_squeeze %gather3A_376 : memref<1x64x128xf32, #tpu.memory_space<vmem>> -> memref<64x128xf32, #tpu.memory_space<vmem>>
          %gather3A_378 = tpu.vector_load_idx %gather3A_377[%add3A_9, %add3A_373] : memref<64x128xf32, #tpu.memory_space<vmem>>[vector<16xi32>, vector<16xi32>], vector<16xf32>,
          %add3A_379 = arith.constant 64 : i32
          %add3A_380 = vector.broadcast %add3A_379 : i32 to vector<16xi32>
          %add3A_381 = arith.addi %rem3A_156, %add3A_380 : vector<16xi32>
          %gather3A_382 = arith.constant 0 : i32
          %gather3A_383 = arith.constant 0 : i32
          %gather3A_384 = tpu.memref_slice %arg4[%scan3A_119, %gather3A_382, %gather3A_383] : memref<2x64x128xf32, #tpu.memory_space<vmem>> -> memref<1x64x128xf32, #tpu.memory_space<vmem>>
          %gather3A_385 = tpu.memref_squeeze %gather3A_384 : memref<1x64x128xf32, #tpu.memory_space<vmem>> -> memref<64x128xf32, #tpu.memory_space<vmem>>
          %gather3A_386 = tpu.vector_load_idx %gather3A_385[%add3A_9, %add3A_381] : memref<64x128xf32, #tpu.memory_space<vmem>>[vector<16xi32>, vector<16xi32>], vector<16xf32>,
          %add3A_387 = arith.constant 80 : i32
          %add3A_388 = vector.broadcast %add3A_387 : i32 to vector<16xi32>
          %add3A_389 = arith.addi %rem3A_156, %add3A_388 : vector<16xi32>
          %gather3A_390 = arith.constant 0 : i32
          %gather3A_391 = arith.constant 0 : i32
          %gather3A_392 = tpu.memref_slice %arg4[%scan3A_119, %gather3A_390, %gather3A_391] : memref<2x64x128xf32, #tpu.memory_space<vmem>> -> memref<1x64x128xf32, #tpu.memory_space<vmem>>
          %gather3A_393 = tpu.memref_squeeze %gather3A_392 : memref<1x64x128xf32, #tpu.memory_space<vmem>> -> memref<64x128xf32, #tpu.memory_space<vmem>>
          %gather3A_394 = tpu.vector_load_idx %gather3A_393[%add3A_9, %add3A_389] : memref<64x128xf32, #tpu.memory_space<vmem>>[vector<16xi32>, vector<16xi32>], vector<16xf32>,
          %add3A_395 = arith.constant 96 : i32
          %add3A_396 = vector.broadcast %add3A_395 : i32 to vector<16xi32>
          %add3A_397 = arith.addi %rem3A_156, %add3A_396 : vector<16xi32>
          %gather3A_398 = arith.constant 0 : i32
          %gather3A_399 = arith.constant 0 : i32
          %gather3A_400 = tpu.memref_slice %arg4[%scan3A_119, %gather3A_398, %gather3A_399] : memref<2x64x128xf32, #tpu.memory_space<vmem>> -> memref<1x64x128xf32, #tpu.memory_space<vmem>>
          %gather3A_401 = tpu.memref_squeeze %gather3A_400 : memref<1x64x128xf32, #tpu.memory_space<vmem>> -> memref<64x128xf32, #tpu.memory_space<vmem>>
          %gather3A_402 = tpu.vector_load_idx %gather3A_401[%add3A_9, %add3A_397] : memref<64x128xf32, #tpu.memory_space<vmem>>[vector<16xi32>, vector<16xi32>], vector<16xf32>,
          %add3A_403 = arith.constant 112 : i32
          %add3A_404 = vector.broadcast %add3A_403 : i32 to vector<16xi32>
          %add3A_405 = arith.addi %rem3A_156, %add3A_404 : vector<16xi32>
          %gather3A_406 = arith.constant 0 : i32
          %gather3A_407 = arith.constant 0 : i32
          %gather3A_408 = tpu.memref_slice %arg4[%scan3A_119, %gather3A_406, %gather3A_407] : memref<2x64x128xf32, #tpu.memory_space<vmem>> -> memref<1x64x128xf32, #tpu.memory_space<vmem>>
          %gather3A_409 = tpu.memref_squeeze %gather3A_408 : memref<1x64x128xf32, #tpu.memory_space<vmem>> -> memref<64x128xf32, #tpu.memory_space<vmem>>
          %gather3A_410 = tpu.vector_load_idx %gather3A_409[%add3A_9, %add3A_405] : memref<64x128xf32, #tpu.memory_space<vmem>>[vector<16xi32>, vector<16xi32>], vector<16xf32>,
          %scatter3A_411 = arith.constant 0 : i32
          %scatter3A_412 = arith.constant 0 : i32
          %scatter3A_413 = tpu.memref_slice %arg5[%scan3A_120, %scatter3A_411, %scatter3A_412] : memref<2x128x128xf32, #tpu.memory_space<vmem>> -> memref<1x128x128xf32, #tpu.memory_space<vmem>>
          %scatter3A_414 = tpu.memref_squeeze %scatter3A_413 : memref<1x128x128xf32, #tpu.memory_space<vmem>> -> memref<128x128xf32, #tpu.memory_space<vmem>>
          tpu.vector_store_idx %scatter3A_414[%add3A_349, %add3A_9], %gather3A_354 : memref<128x128xf32, #tpu.memory_space<vmem>>[vector<16xi32>, vector<16xi32>], vector<16xf32>,
          %scatter3A_415 = arith.constant 0 : i32
          %scatter3A_416 = arith.constant 0 : i32
          %scatter3A_417 = tpu.memref_slice %arg5[%scan3A_120, %scatter3A_415, %scatter3A_416] : memref<2x128x128xf32, #tpu.memory_space<vmem>> -> memref<1x128x128xf32, #tpu.memory_space<vmem>>
          %scatter3A_418 = tpu.memref_squeeze %scatter3A_417 : memref<1x128x128xf32, #tpu.memory_space<vmem>> -> memref<128x128xf32, #tpu.memory_space<vmem>>
          tpu.vector_store_idx %scatter3A_418[%add3A_357, %add3A_9], %gather3A_362 : memref<128x128xf32, #tpu.memory_space<vmem>>[vector<16xi32>, vector<16xi32>], vector<16xf32>,
          %scatter3A_419 = arith.constant 0 : i32
          %scatter3A_420 = arith.constant 0 : i32
          %scatter3A_421 = tpu.memref_slice %arg5[%scan3A_120, %scatter3A_419, %scatter3A_420] : memref<2x128x128xf32, #tpu.memory_space<vmem>> -> memref<1x128x128xf32, #tpu.memory_space<vmem>>
          %scatter3A_422 = tpu.memref_squeeze %scatter3A_421 : memref<1x128x128xf32, #tpu.memory_space<vmem>> -> memref<128x128xf32, #tpu.memory_space<vmem>>
          tpu.vector_store_idx %scatter3A_422[%add3A_365, %add3A_9], %gather3A_370 : memref<128x128xf32, #tpu.memory_space<vmem>>[vector<16xi32>, vector<16xi32>], vector<16xf32>,
          %scatter3A_423 = arith.constant 0 : i32
          %scatter3A_424 = arith.constant 0 : i32
          %scatter3A_425 = tpu.memref_slice %arg5[%scan3A_120, %scatter3A_423, %scatter3A_424] : memref<2x128x128xf32, #tpu.memory_space<vmem>> -> memref<1x128x128xf32, #tpu.memory_space<vmem>>
          %scatter3A_426 = tpu.memref_squeeze %scatter3A_425 : memref<1x128x128xf32, #tpu.memory_space<vmem>> -> memref<128x128xf32, #tpu.memory_space<vmem>>
          tpu.vector_store_idx %scatter3A_426[%add3A_373, %add3A_9], %gather3A_378 : memref<128x128xf32, #tpu.memory_space<vmem>>[vector<16xi32>, vector<16xi32>], vector<16xf32>,
          %scatter3A_427 = arith.constant 0 : i32
          %scatter3A_428 = arith.constant 0 : i32
          %scatter3A_429 = tpu.memref_slice %arg5[%scan3A_120, %scatter3A_427, %scatter3A_428] : memref<2x128x128xf32, #tpu.memory_space<vmem>> -> memref<1x128x128xf32, #tpu.memory_space<vmem>>
          %scatter3A_430 = tpu.memref_squeeze %scatter3A_429 : memref<1x128x128xf32, #tpu.memory_space<vmem>> -> memref<128x128xf32, #tpu.memory_space<vmem>>
          tpu.vector_store_idx %scatter3A_430[%add3A_381, %add3A_9], %gather3A_386 : memref<128x128xf32, #tpu.memory_space<vmem>>[vector<16xi32>, vector<16xi32>], vector<16xf32>,
          %scatter3A_431 = arith.constant 0 : i32
          %scatter3A_432 = arith.constant 0 : i32
          %scatter3A_433 = tpu.memref_slice %arg5[%scan3A_120, %scatter3A_431, %scatter3A_432] : memref<2x128x128xf32, #tpu.memory_space<vmem>> -> memref<1x128x128xf32, #tpu.memory_space<vmem>>
          %scatter3A_434 = tpu.memref_squeeze %scatter3A_433 : memref<1x128x128xf32, #tpu.memory_space<vmem>> -> memref<128x128xf32, #tpu.memory_space<vmem>>
          tpu.vector_store_idx %scatter3A_434[%add3A_389, %add3A_9], %gather3A_394 : memref<128x128xf32, #tpu.memory_space<vmem>>[vector<16xi32>, vector<16xi32>], vector<16xf32>,
          %scatter3A_435 = arith.constant 0 : i32
          %scatter3A_436 = arith.constant 0 : i32
          %scatter3A_437 = tpu.memref_slice %arg5[%scan3A_120, %scatter3A_435, %scatter3A_436] : memref<2x128x128xf32, #tpu.memory_space<vmem>> -> memref<1x128x128xf32, #tpu.memory_space<vmem>>
          %scatter3A_438 = tpu.memref_squeeze %scatter3A_437 : memref<1x128x128xf32, #tpu.memory_space<vmem>> -> memref<128x128xf32, #tpu.memory_space<vmem>>
          tpu.vector_store_idx %scatter3A_438[%add3A_397, %add3A_9], %gather3A_402 : memref<128x128xf32, #tpu.memory_space<vmem>>[vector<16xi32>, vector<16xi32>], vector<16xf32>,
          %scatter3A_439 = arith.constant 0 : i32
          %scatter3A_440 = arith.constant 0 : i32
          %scatter3A_441 = tpu.memref_slice %arg5[%scan3A_120, %scatter3A_439, %scatter3A_440] : memref<2x128x128xf32, #tpu.memory_space<vmem>> -> memref<1x128x128xf32, #tpu.memory_space<vmem>>
          %scatter3A_442 = tpu.memref_squeeze %scatter3A_441 : memref<1x128x128xf32, #tpu.memory_space<vmem>> -> memref<128x128xf32, #tpu.memory_space<vmem>>
          tpu.vector_store_idx %scatter3A_442[%add3A_405, %add3A_9], %gather3A_410 : memref<128x128xf32, #tpu.memory_space<vmem>>[vector<16xi32>, vector<16xi32>], vector<16xf32>,
          %add3A_443 = arith.constant 0 : i32
          %add3A_444 = vector.broadcast %add3A_443 : i32 to vector<16xi32>
          %add3A_445 = arith.addi %rem3A_156, %add3A_444 : vector<16xi32>
          %gather3A_446 = arith.constant 0 : i32
          %gather3A_447 = arith.constant 0 : i32
          %gather3A_448 = tpu.memref_slice %arg4[%scan3A_119, %gather3A_446, %gather3A_447] : memref<2x64x128xf32, #tpu.memory_space<vmem>> -> memref<1x64x128xf32, #tpu.memory_space<vmem>>
          %gather3A_449 = tpu.memref_squeeze %gather3A_448 : memref<1x64x128xf32, #tpu.memory_space<vmem>> -> memref<64x128xf32, #tpu.memory_space<vmem>>
          %gather3A_450 = tpu.vector_load_idx %gather3A_449[%add3A_12, %add3A_445] : memref<64x128xf32, #tpu.memory_space<vmem>>[vector<16xi32>, vector<16xi32>], vector<16xf32>,
          %add3A_451 = arith.constant 16 : i32
          %add3A_452 = vector.broadcast %add3A_451 : i32 to vector<16xi32>
          %add3A_453 = arith.addi %rem3A_156, %add3A_452 : vector<16xi32>
          %gather3A_454 = arith.constant 0 : i32
          %gather3A_455 = arith.constant 0 : i32
          %gather3A_456 = tpu.memref_slice %arg4[%scan3A_119, %gather3A_454, %gather3A_455] : memref<2x64x128xf32, #tpu.memory_space<vmem>> -> memref<1x64x128xf32, #tpu.memory_space<vmem>>
          %gather3A_457 = tpu.memref_squeeze %gather3A_456 : memref<1x64x128xf32, #tpu.memory_space<vmem>> -> memref<64x128xf32, #tpu.memory_space<vmem>>
          %gather3A_458 = tpu.vector_load_idx %gather3A_457[%add3A_12, %add3A_453] : memref<64x128xf32, #tpu.memory_space<vmem>>[vector<16xi32>, vector<16xi32>], vector<16xf32>,
          %add3A_459 = arith.constant 32 : i32
          %add3A_460 = vector.broadcast %add3A_459 : i32 to vector<16xi32>
          %add3A_461 = arith.addi %rem3A_156, %add3A_460 : vector<16xi32>
          %gather3A_462 = arith.constant 0 : i32
          %gather3A_463 = arith.constant 0 : i32
          %gather3A_464 = tpu.memref_slice %arg4[%scan3A_119, %gather3A_462, %gather3A_463] : memref<2x64x128xf32, #tpu.memory_space<vmem>> -> memref<1x64x128xf32, #tpu.memory_space<vmem>>
          %gather3A_465 = tpu.memref_squeeze %gather3A_464 : memref<1x64x128xf32, #tpu.memory_space<vmem>> -> memref<64x128xf32, #tpu.memory_space<vmem>>
          %gather3A_466 = tpu.vector_load_idx %gather3A_465[%add3A_12, %add3A_461] : memref<64x128xf32, #tpu.memory_space<vmem>>[vector<16xi32>, vector<16xi32>], vector<16xf32>,
          %add3A_467 = arith.constant 48 : i32
          %add3A_468 = vector.broadcast %add3A_467 : i32 to vector<16xi32>
          %add3A_469 = arith.addi %rem3A_156, %add3A_468 : vector<16xi32>
          %gather3A_470 = arith.constant 0 : i32
          %gather3A_471 = arith.constant 0 : i32
          %gather3A_472 = tpu.memref_slice %arg4[%scan3A_119, %gather3A_470, %gather3A_471] : memref<2x64x128xf32, #tpu.memory_space<vmem>> -> memref<1x64x128xf32, #tpu.memory_space<vmem>>
          %gather3A_473 = tpu.memref_squeeze %gather3A_472 : memref<1x64x128xf32, #tpu.memory_space<vmem>> -> memref<64x128xf32, #tpu.memory_space<vmem>>
          %gather3A_474 = tpu.vector_load_idx %gather3A_473[%add3A_12, %add3A_469] : memref<64x128xf32, #tpu.memory_space<vmem>>[vector<16xi32>, vector<16xi32>], vector<16xf32>,
          %add3A_475 = arith.constant 64 : i32
          %add3A_476 = vector.broadcast %add3A_475 : i32 to vector<16xi32>
          %add3A_477 = arith.addi %rem3A_156, %add3A_476 : vector<16xi32>
          %gather3A_478 = arith.constant 0 : i32
          %gather3A_479 = arith.constant 0 : i32
          %gather3A_480 = tpu.memref_slice %arg4[%scan3A_119, %gather3A_478, %gather3A_479] : memref<2x64x128xf32, #tpu.memory_space<vmem>> -> memref<1x64x128xf32, #tpu.memory_space<vmem>>
          %gather3A_481 = tpu.memref_squeeze %gather3A_480 : memref<1x64x128xf32, #tpu.memory_space<vmem>> -> memref<64x128xf32, #tpu.memory_space<vmem>>
          %gather3A_482 = tpu.vector_load_idx %gather3A_481[%add3A_12, %add3A_477] : memref<64x128xf32, #tpu.memory_space<vmem>>[vector<16xi32>, vector<16xi32>], vector<16xf32>,
          %add3A_483 = arith.constant 80 : i32
          %add3A_484 = vector.broadcast %add3A_483 : i32 to vector<16xi32>
          %add3A_485 = arith.addi %rem3A_156, %add3A_484 : vector<16xi32>
          %gather3A_486 = arith.constant 0 : i32
          %gather3A_487 = arith.constant 0 : i32
          %gather3A_488 = tpu.memref_slice %arg4[%scan3A_119, %gather3A_486, %gather3A_487] : memref<2x64x128xf32, #tpu.memory_space<vmem>> -> memref<1x64x128xf32, #tpu.memory_space<vmem>>
          %gather3A_489 = tpu.memref_squeeze %gather3A_488 : memref<1x64x128xf32, #tpu.memory_space<vmem>> -> memref<64x128xf32, #tpu.memory_space<vmem>>
          %gather3A_490 = tpu.vector_load_idx %gather3A_489[%add3A_12, %add3A_485] : memref<64x128xf32, #tpu.memory_space<vmem>>[vector<16xi32>, vector<16xi32>], vector<16xf32>,
          %add3A_491 = arith.constant 96 : i32
          %add3A_492 = vector.broadcast %add3A_491 : i32 to vector<16xi32>
          %add3A_493 = arith.addi %rem3A_156, %add3A_492 : vector<16xi32>
          %gather3A_494 = arith.constant 0 : i32
          %gather3A_495 = arith.constant 0 : i32
          %gather3A_496 = tpu.memref_slice %arg4[%scan3A_119, %gather3A_494, %gather3A_495] : memref<2x64x128xf32, #tpu.memory_space<vmem>> -> memref<1x64x128xf32, #tpu.memory_space<vmem>>
          %gather3A_497 = tpu.memref_squeeze %gather3A_496 : memref<1x64x128xf32, #tpu.memory_space<vmem>> -> memref<64x128xf32, #tpu.memory_space<vmem>>
          %gather3A_498 = tpu.vector_load_idx %gather3A_497[%add3A_12, %add3A_493] : memref<64x128xf32, #tpu.memory_space<vmem>>[vector<16xi32>, vector<16xi32>], vector<16xf32>,
          %add3A_499 = arith.constant 112 : i32
          %add3A_500 = vector.broadcast %add3A_499 : i32 to vector<16xi32>
          %add3A_501 = arith.addi %rem3A_156, %add3A_500 : vector<16xi32>
          %gather3A_502 = arith.constant 0 : i32
          %gather3A_503 = arith.constant 0 : i32
          %gather3A_504 = tpu.memref_slice %arg4[%scan3A_119, %gather3A_502, %gather3A_503] : memref<2x64x128xf32, #tpu.memory_space<vmem>> -> memref<1x64x128xf32, #tpu.memory_space<vmem>>
          %gather3A_505 = tpu.memref_squeeze %gather3A_504 : memref<1x64x128xf32, #tpu.memory_space<vmem>> -> memref<64x128xf32, #tpu.memory_space<vmem>>
          %gather3A_506 = tpu.vector_load_idx %gather3A_505[%add3A_12, %add3A_501] : memref<64x128xf32, #tpu.memory_space<vmem>>[vector<16xi32>, vector<16xi32>], vector<16xf32>,
          %scatter3A_507 = arith.constant 0 : i32
          %scatter3A_508 = arith.constant 0 : i32
          %scatter3A_509 = tpu.memref_slice %arg5[%scan3A_120, %scatter3A_507, %scatter3A_508] : memref<2x128x128xf32, #tpu.memory_space<vmem>> -> memref<1x128x128xf32, #tpu.memory_space<vmem>>
          %scatter3A_510 = tpu.memref_squeeze %scatter3A_509 : memref<1x128x128xf32, #tpu.memory_space<vmem>> -> memref<128x128xf32, #tpu.memory_space<vmem>>
          tpu.vector_store_idx %scatter3A_510[%add3A_445, %add3A_12], %gather3A_450 : memref<128x128xf32, #tpu.memory_space<vmem>>[vector<16xi32>, vector<16xi32>], vector<16xf32>,
          %scatter3A_511 = arith.constant 0 : i32
          %scatter3A_512 = arith.constant 0 : i32
          %scatter3A_513 = tpu.memref_slice %arg5[%scan3A_120, %scatter3A_511, %scatter3A_512] : memref<2x128x128xf32, #tpu.memory_space<vmem>> -> memref<1x128x128xf32, #tpu.memory_space<vmem>>
          %scatter3A_514 = tpu.memref_squeeze %scatter3A_513 : memref<1x128x128xf32, #tpu.memory_space<vmem>> -> memref<128x128xf32, #tpu.memory_space<vmem>>
          tpu.vector_store_idx %scatter3A_514[%add3A_453, %add3A_12], %gather3A_458 : memref<128x128xf32, #tpu.memory_space<vmem>>[vector<16xi32>, vector<16xi32>], vector<16xf32>,
          %scatter3A_515 = arith.constant 0 : i32
          %scatter3A_516 = arith.constant 0 : i32
          %scatter3A_517 = tpu.memref_slice %arg5[%scan3A_120, %scatter3A_515, %scatter3A_516] : memref<2x128x128xf32, #tpu.memory_space<vmem>> -> memref<1x128x128xf32, #tpu.memory_space<vmem>>
          %scatter3A_518 = tpu.memref_squeeze %scatter3A_517 : memref<1x128x128xf32, #tpu.memory_space<vmem>> -> memref<128x128xf32, #tpu.memory_space<vmem>>
          tpu.vector_store_idx %scatter3A_518[%add3A_461, %add3A_12], %gather3A_466 : memref<128x128xf32, #tpu.memory_space<vmem>>[vector<16xi32>, vector<16xi32>], vector<16xf32>,
          %scatter3A_519 = arith.constant 0 : i32
          %scatter3A_520 = arith.constant 0 : i32
          %scatter3A_521 = tpu.memref_slice %arg5[%scan3A_120, %scatter3A_519, %scatter3A_520] : memref<2x128x128xf32, #tpu.memory_space<vmem>> -> memref<1x128x128xf32, #tpu.memory_space<vmem>>
          %scatter3A_522 = tpu.memref_squeeze %scatter3A_521 : memref<1x128x128xf32, #tpu.memory_space<vmem>> -> memref<128x128xf32, #tpu.memory_space<vmem>>
          tpu.vector_store_idx %scatter3A_522[%add3A_469, %add3A_12], %gather3A_474 : memref<128x128xf32, #tpu.memory_space<vmem>>[vector<16xi32>, vector<16xi32>], vector<16xf32>,
          %scatter3A_523 = arith.constant 0 : i32
          %scatter3A_524 = arith.constant 0 : i32
          %scatter3A_525 = tpu.memref_slice %arg5[%scan3A_120, %scatter3A_523, %scatter3A_524] : memref<2x128x128xf32, #tpu.memory_space<vmem>> -> memref<1x128x128xf32, #tpu.memory_space<vmem>>
          %scatter3A_526 = tpu.memref_squeeze %scatter3A_525 : memref<1x128x128xf32, #tpu.memory_space<vmem>> -> memref<128x128xf32, #tpu.memory_space<vmem>>
          tpu.vector_store_idx %scatter3A_526[%add3A_477, %add3A_12], %gather3A_482 : memref<128x128xf32, #tpu.memory_space<vmem>>[vector<16xi32>, vector<16xi32>], vector<16xf32>,
          %scatter3A_527 = arith.constant 0 : i32
          %scatter3A_528 = arith.constant 0 : i32
          %scatter3A_529 = tpu.memref_slice %arg5[%scan3A_120, %scatter3A_527, %scatter3A_528] : memref<2x128x128xf32, #tpu.memory_space<vmem>> -> memref<1x128x128xf32, #tpu.memory_space<vmem>>
          %scatter3A_530 = tpu.memref_squeeze %scatter3A_529 : memref<1x128x128xf32, #tpu.memory_space<vmem>> -> memref<128x128xf32, #tpu.memory_space<vmem>>
          tpu.vector_store_idx %scatter3A_530[%add3A_485, %add3A_12], %gather3A_490 : memref<128x128xf32, #tpu.memory_space<vmem>>[vector<16xi32>, vector<16xi32>], vector<16xf32>,
          %scatter3A_531 = arith.constant 0 : i32
          %scatter3A_532 = arith.constant 0 : i32
          %scatter3A_533 = tpu.memref_slice %arg5[%scan3A_120, %scatter3A_531, %scatter3A_532] : memref<2x128x128xf32, #tpu.memory_space<vmem>> -> memref<1x128x128xf32, #tpu.memory_space<vmem>>
          %scatter3A_534 = tpu.memref_squeeze %scatter3A_533 : memref<1x128x128xf32, #tpu.memory_space<vmem>> -> memref<128x128xf32, #tpu.memory_space<vmem>>
          tpu.vector_store_idx %scatter3A_534[%add3A_493, %add3A_12], %gather3A_498 : memref<128x128xf32, #tpu.memory_space<vmem>>[vector<16xi32>, vector<16xi32>], vector<16xf32>,
          %scatter3A_535 = arith.constant 0 : i32
          %scatter3A_536 = arith.constant 0 : i32
          %scatter3A_537 = tpu.memref_slice %arg5[%scan3A_120, %scatter3A_535, %scatter3A_536] : memref<2x128x128xf32, #tpu.memory_space<vmem>> -> memref<1x128x128xf32, #tpu.memory_space<vmem>>
          %scatter3A_538 = tpu.memref_squeeze %scatter3A_537 : memref<1x128x128xf32, #tpu.memory_space<vmem>> -> memref<128x128xf32, #tpu.memory_space<vmem>>
          tpu.vector_store_idx %scatter3A_538[%add3A_501, %add3A_12], %gather3A_506 : memref<128x128xf32, #tpu.memory_space<vmem>>[vector<16xi32>, vector<16xi32>], vector<16xf32>,
          %mul3A_539 = arith.constant 2 : i32
          %mul3A_540 = arith.muli %mul3A_539, %add3A_148 : i32
          %add3A_541 = arith.constant 1 : i32
          %add3A_542 = arith.addi %mul3A_540, %add3A_541 : i32
          %add3A_543 = vector.broadcast %add3A_542 : i32 to vector<16xi32>
          %add3A_544 = arith.addi %iota3A, %add3A_543 : vector<16xi32>
          %rem3A_545 = arith.constant 16 : i32
          %rem3A_546 = vector.broadcast %rem3A_545 : i32 to vector<16xi32>
          %rem3A_547 = arith.remsi %add3A_544, %rem3A_546 : vector<16xi32>
          %add3A_548 = arith.constant 0 : i32
          %add3A_549 = vector.broadcast %add3A_548 : i32 to vector<16xi32>
          %add3A_550 = arith.addi %rem3A_547, %add3A_549 : vector<16xi32>
          %gather3A_551 = arith.constant 0 : i32
          %gather3A_552 = arith.constant 0 : i32
          %gather3A_553 = tpu.memref_slice %arg4[%scan3A_119, %gather3A_551, %gather3A_552] : memref<2x64x128xf32, #tpu.memory_space<vmem>> -> memref<1x64x128xf32, #tpu.memory_space<vmem>>
          %gather3A_554 = tpu.memref_squeeze %gather3A_553 : memref<1x64x128xf32, #tpu.memory_space<vmem>> -> memref<64x128xf32, #tpu.memory_space<vmem>>
          %gather3A_555 = tpu.vector_load_idx %gather3A_554[%add3A_3, %add3A_550] : memref<64x128xf32, #tpu.memory_space<vmem>>[vector<16xi32>, vector<16xi32>], vector<16xf32>,
          %add3A_556 = arith.constant 16 : i32
          %add3A_557 = vector.broadcast %add3A_556 : i32 to vector<16xi32>
          %add3A_558 = arith.addi %rem3A_547, %add3A_557 : vector<16xi32>
          %gather3A_559 = arith.constant 0 : i32
          %gather3A_560 = arith.constant 0 : i32
          %gather3A_561 = tpu.memref_slice %arg4[%scan3A_119, %gather3A_559, %gather3A_560] : memref<2x64x128xf32, #tpu.memory_space<vmem>> -> memref<1x64x128xf32, #tpu.memory_space<vmem>>
          %gather3A_562 = tpu.memref_squeeze %gather3A_561 : memref<1x64x128xf32, #tpu.memory_space<vmem>> -> memref<64x128xf32, #tpu.memory_space<vmem>>
          %gather3A_563 = tpu.vector_load_idx %gather3A_562[%add3A_3, %add3A_558] : memref<64x128xf32, #tpu.memory_space<vmem>>[vector<16xi32>, vector<16xi32>], vector<16xf32>,
          %add3A_564 = arith.constant 32 : i32
          %add3A_565 = vector.broadcast %add3A_564 : i32 to vector<16xi32>
          %add3A_566 = arith.addi %rem3A_547, %add3A_565 : vector<16xi32>
          %gather3A_567 = arith.constant 0 : i32
          %gather3A_568 = arith.constant 0 : i32
          %gather3A_569 = tpu.memref_slice %arg4[%scan3A_119, %gather3A_567, %gather3A_568] : memref<2x64x128xf32, #tpu.memory_space<vmem>> -> memref<1x64x128xf32, #tpu.memory_space<vmem>>
          %gather3A_570 = tpu.memref_squeeze %gather3A_569 : memref<1x64x128xf32, #tpu.memory_space<vmem>> -> memref<64x128xf32, #tpu.memory_space<vmem>>
          %gather3A_571 = tpu.vector_load_idx %gather3A_570[%add3A_3, %add3A_566] : memref<64x128xf32, #tpu.memory_space<vmem>>[vector<16xi32>, vector<16xi32>], vector<16xf32>,
          %add3A_572 = arith.constant 48 : i32
          %add3A_573 = vector.broadcast %add3A_572 : i32 to vector<16xi32>
          %add3A_574 = arith.addi %rem3A_547, %add3A_573 : vector<16xi32>
          %gather3A_575 = arith.constant 0 : i32
          %gather3A_576 = arith.constant 0 : i32
          %gather3A_577 = tpu.memref_slice %arg4[%scan3A_119, %gather3A_575, %gather3A_576] : memref<2x64x128xf32, #tpu.memory_space<vmem>> -> memref<1x64x128xf32, #tpu.memory_space<vmem>>
          %gather3A_578 = tpu.memref_squeeze %gather3A_577 : memref<1x64x128xf32, #tpu.memory_space<vmem>> -> memref<64x128xf32, #tpu.memory_space<vmem>>
          %gather3A_579 = tpu.vector_load_idx %gather3A_578[%add3A_3, %add3A_574] : memref<64x128xf32, #tpu.memory_space<vmem>>[vector<16xi32>, vector<16xi32>], vector<16xf32>,
          %add3A_580 = arith.constant 64 : i32
          %add3A_581 = vector.broadcast %add3A_580 : i32 to vector<16xi32>
          %add3A_582 = arith.addi %rem3A_547, %add3A_581 : vector<16xi32>
          %gather3A_583 = arith.constant 0 : i32
          %gather3A_584 = arith.constant 0 : i32
          %gather3A_585 = tpu.memref_slice %arg4[%scan3A_119, %gather3A_583, %gather3A_584] : memref<2x64x128xf32, #tpu.memory_space<vmem>> -> memref<1x64x128xf32, #tpu.memory_space<vmem>>
          %gather3A_586 = tpu.memref_squeeze %gather3A_585 : memref<1x64x128xf32, #tpu.memory_space<vmem>> -> memref<64x128xf32, #tpu.memory_space<vmem>>
          %gather3A_587 = tpu.vector_load_idx %gather3A_586[%add3A_3, %add3A_582] : memref<64x128xf32, #tpu.memory_space<vmem>>[vector<16xi32>, vector<16xi32>], vector<16xf32>,
          %add3A_588 = arith.constant 80 : i32
          %add3A_589 = vector.broadcast %add3A_588 : i32 to vector<16xi32>
          %add3A_590 = arith.addi %rem3A_547, %add3A_589 : vector<16xi32>
          %gather3A_591 = arith.constant 0 : i32
          %gather3A_592 = arith.constant 0 : i32
          %gather3A_593 = tpu.memref_slice %arg4[%scan3A_119, %gather3A_591, %gather3A_592] : memref<2x64x128xf32, #tpu.memory_space<vmem>> -> memref<1x64x128xf32, #tpu.memory_space<vmem>>
          %gather3A_594 = tpu.memref_squeeze %gather3A_593 : memref<1x64x128xf32, #tpu.memory_space<vmem>> -> memref<64x128xf32, #tpu.memory_space<vmem>>
          %gather3A_595 = tpu.vector_load_idx %gather3A_594[%add3A_3, %add3A_590] : memref<64x128xf32, #tpu.memory_space<vmem>>[vector<16xi32>, vector<16xi32>], vector<16xf32>,
          %add3A_596 = arith.constant 96 : i32
          %add3A_597 = vector.broadcast %add3A_596 : i32 to vector<16xi32>
          %add3A_598 = arith.addi %rem3A_547, %add3A_597 : vector<16xi32>
          %gather3A_599 = arith.constant 0 : i32
          %gather3A_600 = arith.constant 0 : i32
          %gather3A_601 = tpu.memref_slice %arg4[%scan3A_119, %gather3A_599, %gather3A_600] : memref<2x64x128xf32, #tpu.memory_space<vmem>> -> memref<1x64x128xf32, #tpu.memory_space<vmem>>
          %gather3A_602 = tpu.memref_squeeze %gather3A_601 : memref<1x64x128xf32, #tpu.memory_space<vmem>> -> memref<64x128xf32, #tpu.memory_space<vmem>>
          %gather3A_603 = tpu.vector_load_idx %gather3A_602[%add3A_3, %add3A_598] : memref<64x128xf32, #tpu.memory_space<vmem>>[vector<16xi32>, vector<16xi32>], vector<16xf32>,
          %add3A_604 = arith.constant 112 : i32
          %add3A_605 = vector.broadcast %add3A_604 : i32 to vector<16xi32>
          %add3A_606 = arith.addi %rem3A_547, %add3A_605 : vector<16xi32>
          %gather3A_607 = arith.constant 0 : i32
          %gather3A_608 = arith.constant 0 : i32
          %gather3A_609 = tpu.memref_slice %arg4[%scan3A_119, %gather3A_607, %gather3A_608] : memref<2x64x128xf32, #tpu.memory_space<vmem>> -> memref<1x64x128xf32, #tpu.memory_space<vmem>>
          %gather3A_610 = tpu.memref_squeeze %gather3A_609 : memref<1x64x128xf32, #tpu.memory_space<vmem>> -> memref<64x128xf32, #tpu.memory_space<vmem>>
          %gather3A_611 = tpu.vector_load_idx %gather3A_610[%add3A_3, %add3A_606] : memref<64x128xf32, #tpu.memory_space<vmem>>[vector<16xi32>, vector<16xi32>], vector<16xf32>,
          %scatter3A_612 = arith.constant 0 : i32
          %scatter3A_613 = arith.constant 0 : i32
          %scatter3A_614 = tpu.memref_slice %arg5[%scan3A_120, %scatter3A_612, %scatter3A_613] : memref<2x128x128xf32, #tpu.memory_space<vmem>> -> memref<1x128x128xf32, #tpu.memory_space<vmem>>
          %scatter3A_615 = tpu.memref_squeeze %scatter3A_614 : memref<1x128x128xf32, #tpu.memory_space<vmem>> -> memref<128x128xf32, #tpu.memory_space<vmem>>
          tpu.vector_store_idx %scatter3A_615[%add3A_550, %add3A_3], %gather3A_555 : memref<128x128xf32, #tpu.memory_space<vmem>>[vector<16xi32>, vector<16xi32>], vector<16xf32>,
          %scatter3A_616 = arith.constant 0 : i32
          %scatter3A_617 = arith.constant 0 : i32
          %scatter3A_618 = tpu.memref_slice %arg5[%scan3A_120, %scatter3A_616, %scatter3A_617] : memref<2x128x128xf32, #tpu.memory_space<vmem>> -> memref<1x128x128xf32, #tpu.memory_space<vmem>>
          %scatter3A_619 = tpu.memref_squeeze %scatter3A_618 : memref<1x128x128xf32, #tpu.memory_space<vmem>> -> memref<128x128xf32, #tpu.memory_space<vmem>>
          tpu.vector_store_idx %scatter3A_619[%add3A_558, %add3A_3], %gather3A_563 : memref<128x128xf32, #tpu.memory_space<vmem>>[vector<16xi32>, vector<16xi32>], vector<16xf32>,
          %scatter3A_620 = arith.constant 0 : i32
          %scatter3A_621 = arith.constant 0 : i32
          %scatter3A_622 = tpu.memref_slice %arg5[%scan3A_120, %scatter3A_620, %scatter3A_621] : memref<2x128x128xf32, #tpu.memory_space<vmem>> -> memref<1x128x128xf32, #tpu.memory_space<vmem>>
          %scatter3A_623 = tpu.memref_squeeze %scatter3A_622 : memref<1x128x128xf32, #tpu.memory_space<vmem>> -> memref<128x128xf32, #tpu.memory_space<vmem>>
          tpu.vector_store_idx %scatter3A_623[%add3A_566, %add3A_3], %gather3A_571 : memref<128x128xf32, #tpu.memory_space<vmem>>[vector<16xi32>, vector<16xi32>], vector<16xf32>,
          %scatter3A_624 = arith.constant 0 : i32
          %scatter3A_625 = arith.constant 0 : i32
          %scatter3A_626 = tpu.memref_slice %arg5[%scan3A_120, %scatter3A_624, %scatter3A_625] : memref<2x128x128xf32, #tpu.memory_space<vmem>> -> memref<1x128x128xf32, #tpu.memory_space<vmem>>
          %scatter3A_627 = tpu.memref_squeeze %scatter3A_626 : memref<1x128x128xf32, #tpu.memory_space<vmem>> -> memref<128x128xf32, #tpu.memory_space<vmem>>
          tpu.vector_store_idx %scatter3A_627[%add3A_574, %add3A_3], %gather3A_579 : memref<128x128xf32, #tpu.memory_space<vmem>>[vector<16xi32>, vector<16xi32>], vector<16xf32>,
          %scatter3A_628 = arith.constant 0 : i32
          %scatter3A_629 = arith.constant 0 : i32
          %scatter3A_630 = tpu.memref_slice %arg5[%scan3A_120, %scatter3A_628, %scatter3A_629] : memref<2x128x128xf32, #tpu.memory_space<vmem>> -> memref<1x128x128xf32, #tpu.memory_space<vmem>>
          %scatter3A_631 = tpu.memref_squeeze %scatter3A_630 : memref<1x128x128xf32, #tpu.memory_space<vmem>> -> memref<128x128xf32, #tpu.memory_space<vmem>>
          tpu.vector_store_idx %scatter3A_631[%add3A_582, %add3A_3], %gather3A_587 : memref<128x128xf32, #tpu.memory_space<vmem>>[vector<16xi32>, vector<16xi32>], vector<16xf32>,
          %scatter3A_632 = arith.constant 0 : i32
          %scatter3A_633 = arith.constant 0 : i32
          %scatter3A_634 = tpu.memref_slice %arg5[%scan3A_120, %scatter3A_632, %scatter3A_633] : memref<2x128x128xf32, #tpu.memory_space<vmem>> -> memref<1x128x128xf32, #tpu.memory_space<vmem>>
          %scatter3A_635 = tpu.memref_squeeze %scatter3A_634 : memref<1x128x128xf32, #tpu.memory_space<vmem>> -> memref<128x128xf32, #tpu.memory_space<vmem>>
          tpu.vector_store_idx %scatter3A_635[%add3A_590, %add3A_3], %gather3A_595 : memref<128x128xf32, #tpu.memory_space<vmem>>[vector<16xi32>, vector<16xi32>], vector<16xf32>,
          %scatter3A_636 = arith.constant 0 : i32
          %scatter3A_637 = arith.constant 0 : i32
          %scatter3A_638 = tpu.memref_slice %arg5[%scan3A_120, %scatter3A_636, %scatter3A_637] : memref<2x128x128xf32, #tpu.memory_space<vmem>> -> memref<1x128x128xf32, #tpu.memory_space<vmem>>
          %scatter3A_639 = tpu.memref_squeeze %scatter3A_638 : memref<1x128x128xf32, #tpu.memory_space<vmem>> -> memref<128x128xf32, #tpu.memory_space<vmem>>
          tpu.vector_store_idx %scatter3A_639[%add3A_598, %add3A_3], %gather3A_603 : memref<128x128xf32, #tpu.memory_space<vmem>>[vector<16xi32>, vector<16xi32>], vector<16xf32>,
          %scatter3A_640 = arith.constant 0 : i32
          %scatter3A_641 = arith.constant 0 : i32
          %scatter3A_642 = tpu.memref_slice %arg5[%scan3A_120, %scatter3A_640, %scatter3A_641] : memref<2x128x128xf32, #tpu.memory_space<vmem>> -> memref<1x128x128xf32, #tpu.memory_space<vmem>>
          %scatter3A_643 = tpu.memref_squeeze %scatter3A_642 : memref<1x128x128xf32, #tpu.memory_space<vmem>> -> memref<128x128xf32, #tpu.memory_space<vmem>>
          tpu.vector_store_idx %scatter3A_643[%add3A_606, %add3A_3], %gather3A_611 : memref<128x128xf32, #tpu.memory_space<vmem>>[vector<16xi32>, vector<16xi32>], vector<16xf32>,
          %add3A_644 = arith.constant 0 : i32
          %add3A_645 = vector.broadcast %add3A_644 : i32 to vector<16xi32>
          %add3A_646 = arith.addi %rem3A_547, %add3A_645 : vector<16xi32>
          %gather3A_647 = arith.constant 0 : i32
          %gather3A_648 = arith.constant 0 : i32
          %gather3A_649 = tpu.memref_slice %arg4[%scan3A_119, %gather3A_647, %gather3A_648] : memref<2x64x128xf32, #tpu.memory_space<vmem>> -> memref<1x64x128xf32, #tpu.memory_space<vmem>>
          %gather3A_650 = tpu.memref_squeeze %gather3A_649 : memref<1x64x128xf32, #tpu.memory_space<vmem>> -> memref<64x128xf32, #tpu.memory_space<vmem>>
          %gather3A_651 = tpu.vector_load_idx %gather3A_650[%add3A_6, %add3A_646] : memref<64x128xf32, #tpu.memory_space<vmem>>[vector<16xi32>, vector<16xi32>], vector<16xf32>,
          %add3A_652 = arith.constant 16 : i32
          %add3A_653 = vector.broadcast %add3A_652 : i32 to vector<16xi32>
          %add3A_654 = arith.addi %rem3A_547, %add3A_653 : vector<16xi32>
          %gather3A_655 = arith.constant 0 : i32
          %gather3A_656 = arith.constant 0 : i32
          %gather3A_657 = tpu.memref_slice %arg4[%scan3A_119, %gather3A_655, %gather3A_656] : memref<2x64x128xf32, #tpu.memory_space<vmem>> -> memref<1x64x128xf32, #tpu.memory_space<vmem>>
          %gather3A_658 = tpu.memref_squeeze %gather3A_657 : memref<1x64x128xf32, #tpu.memory_space<vmem>> -> memref<64x128xf32, #tpu.memory_space<vmem>>
          %gather3A_659 = tpu.vector_load_idx %gather3A_658[%add3A_6, %add3A_654] : memref<64x128xf32, #tpu.memory_space<vmem>>[vector<16xi32>, vector<16xi32>], vector<16xf32>,
          %add3A_660 = arith.constant 32 : i32
          %add3A_661 = vector.broadcast %add3A_660 : i32 to vector<16xi32>
          %add3A_662 = arith.addi %rem3A_547, %add3A_661 : vector<16xi32>
          %gather3A_663 = arith.constant 0 : i32
          %gather3A_664 = arith.constant 0 : i32
          %gather3A_665 = tpu.memref_slice %arg4[%scan3A_119, %gather3A_663, %gather3A_664] : memref<2x64x128xf32, #tpu.memory_space<vmem>> -> memref<1x64x128xf32, #tpu.memory_space<vmem>>
          %gather3A_666 = tpu.memref_squeeze %gather3A_665 : memref<1x64x128xf32, #tpu.memory_space<vmem>> -> memref<64x128xf32, #tpu.memory_space<vmem>>
          %gather3A_667 = tpu.vector_load_idx %gather3A_666[%add3A_6, %add3A_662] : memref<64x128xf32, #tpu.memory_space<vmem>>[vector<16xi32>, vector<16xi32>], vector<16xf32>,
          %add3A_668 = arith.constant 48 : i32
          %add3A_669 = vector.broadcast %add3A_668 : i32 to vector<16xi32>
          %add3A_670 = arith.addi %rem3A_547, %add3A_669 : vector<16xi32>
          %gather3A_671 = arith.constant 0 : i32
          %gather3A_672 = arith.constant 0 : i32
          %gather3A_673 = tpu.memref_slice %arg4[%scan3A_119, %gather3A_671, %gather3A_672] : memref<2x64x128xf32, #tpu.memory_space<vmem>> -> memref<1x64x128xf32, #tpu.memory_space<vmem>>
          %gather3A_674 = tpu.memref_squeeze %gather3A_673 : memref<1x64x128xf32, #tpu.memory_space<vmem>> -> memref<64x128xf32, #tpu.memory_space<vmem>>
          %gather3A_675 = tpu.vector_load_idx %gather3A_674[%add3A_6, %add3A_670] : memref<64x128xf32, #tpu.memory_space<vmem>>[vector<16xi32>, vector<16xi32>], vector<16xf32>,
          %add3A_676 = arith.constant 64 : i32
          %add3A_677 = vector.broadcast %add3A_676 : i32 to vector<16xi32>
          %add3A_678 = arith.addi %rem3A_547, %add3A_677 : vector<16xi32>
          %gather3A_679 = arith.constant 0 : i32
          %gather3A_680 = arith.constant 0 : i32
          %gather3A_681 = tpu.memref_slice %arg4[%scan3A_119, %gather3A_679, %gather3A_680] : memref<2x64x128xf32, #tpu.memory_space<vmem>> -> memref<1x64x128xf32, #tpu.memory_space<vmem>>
          %gather3A_682 = tpu.memref_squeeze %gather3A_681 : memref<1x64x128xf32, #tpu.memory_space<vmem>> -> memref<64x128xf32, #tpu.memory_space<vmem>>
          %gather3A_683 = tpu.vector_load_idx %gather3A_682[%add3A_6, %add3A_678] : memref<64x128xf32, #tpu.memory_space<vmem>>[vector<16xi32>, vector<16xi32>], vector<16xf32>,
          %add3A_684 = arith.constant 80 : i32
          %add3A_685 = vector.broadcast %add3A_684 : i32 to vector<16xi32>
          %add3A_686 = arith.addi %rem3A_547, %add3A_685 : vector<16xi32>
          %gather3A_687 = arith.constant 0 : i32
          %gather3A_688 = arith.constant 0 : i32
          %gather3A_689 = tpu.memref_slice %arg4[%scan3A_119, %gather3A_687, %gather3A_688] : memref<2x64x128xf32, #tpu.memory_space<vmem>> -> memref<1x64x128xf32, #tpu.memory_space<vmem>>
          %gather3A_690 = tpu.memref_squeeze %gather3A_689 : memref<1x64x128xf32, #tpu.memory_space<vmem>> -> memref<64x128xf32, #tpu.memory_space<vmem>>
          %gather3A_691 = tpu.vector_load_idx %gather3A_690[%add3A_6, %add3A_686] : memref<64x128xf32, #tpu.memory_space<vmem>>[vector<16xi32>, vector<16xi32>], vector<16xf32>,
          %add3A_692 = arith.constant 96 : i32
          %add3A_693 = vector.broadcast %add3A_692 : i32 to vector<16xi32>
          %add3A_694 = arith.addi %rem3A_547, %add3A_693 : vector<16xi32>
          %gather3A_695 = arith.constant 0 : i32
          %gather3A_696 = arith.constant 0 : i32
          %gather3A_697 = tpu.memref_slice %arg4[%scan3A_119, %gather3A_695, %gather3A_696] : memref<2x64x128xf32, #tpu.memory_space<vmem>> -> memref<1x64x128xf32, #tpu.memory_space<vmem>>
          %gather3A_698 = tpu.memref_squeeze %gather3A_697 : memref<1x64x128xf32, #tpu.memory_space<vmem>> -> memref<64x128xf32, #tpu.memory_space<vmem>>
          %gather3A_699 = tpu.vector_load_idx %gather3A_698[%add3A_6, %add3A_694] : memref<64x128xf32, #tpu.memory_space<vmem>>[vector<16xi32>, vector<16xi32>], vector<16xf32>,
          %add3A_700 = arith.constant 112 : i32
          %add3A_701 = vector.broadcast %add3A_700 : i32 to vector<16xi32>
          %add3A_702 = arith.addi %rem3A_547, %add3A_701 : vector<16xi32>
          %gather3A_703 = arith.constant 0 : i32
          %gather3A_704 = arith.constant 0 : i32
          %gather3A_705 = tpu.memref_slice %arg4[%scan3A_119, %gather3A_703, %gather3A_704] : memref<2x64x128xf32, #tpu.memory_space<vmem>> -> memref<1x64x128xf32, #tpu.memory_space<vmem>>
          %gather3A_706 = tpu.memref_squeeze %gather3A_705 : memref<1x64x128xf32, #tpu.memory_space<vmem>> -> memref<64x128xf32, #tpu.memory_space<vmem>>
          %gather3A_707 = tpu.vector_load_idx %gather3A_706[%add3A_6, %add3A_702] : memref<64x128xf32, #tpu.memory_space<vmem>>[vector<16xi32>, vector<16xi32>], vector<16xf32>,
          %scatter3A_708 = arith.constant 0 : i32
          %scatter3A_709 = arith.constant 0 : i32
          %scatter3A_710 = tpu.memref_slice %arg5[%scan3A_120, %scatter3A_708, %scatter3A_709] : memref<2x128x128xf32, #tpu.memory_space<vmem>> -> memref<1x128x128xf32, #tpu.memory_space<vmem>>
          %scatter3A_711 = tpu.memref_squeeze %scatter3A_710 : memref<1x128x128xf32, #tpu.memory_space<vmem>> -> memref<128x128xf32, #tpu.memory_space<vmem>>
          tpu.vector_store_idx %scatter3A_711[%add3A_646, %add3A_6], %gather3A_651 : memref<128x128xf32, #tpu.memory_space<vmem>>[vector<16xi32>, vector<16xi32>], vector<16xf32>,
          %scatter3A_712 = arith.constant 0 : i32
          %scatter3A_713 = arith.constant 0 : i32
          %scatter3A_714 = tpu.memref_slice %arg5[%scan3A_120, %scatter3A_712, %scatter3A_713] : memref<2x128x128xf32, #tpu.memory_space<vmem>> -> memref<1x128x128xf32, #tpu.memory_space<vmem>>
          %scatter3A_715 = tpu.memref_squeeze %scatter3A_714 : memref<1x128x128xf32, #tpu.memory_space<vmem>> -> memref<128x128xf32, #tpu.memory_space<vmem>>
          tpu.vector_store_idx %scatter3A_715[%add3A_654, %add3A_6], %gather3A_659 : memref<128x128xf32, #tpu.memory_space<vmem>>[vector<16xi32>, vector<16xi32>], vector<16xf32>,
          %scatter3A_716 = arith.constant 0 : i32
          %scatter3A_717 = arith.constant 0 : i32
          %scatter3A_718 = tpu.memref_slice %arg5[%scan3A_120, %scatter3A_716, %scatter3A_717] : memref<2x128x128xf32, #tpu.memory_space<vmem>> -> memref<1x128x128xf32, #tpu.memory_space<vmem>>
          %scatter3A_719 = tpu.memref_squeeze %scatter3A_718 : memref<1x128x128xf32, #tpu.memory_space<vmem>> -> memref<128x128xf32, #tpu.memory_space<vmem>>
          tpu.vector_store_idx %scatter3A_719[%add3A_662, %add3A_6], %gather3A_667 : memref<128x128xf32, #tpu.memory_space<vmem>>[vector<16xi32>, vector<16xi32>], vector<16xf32>,
          %scatter3A_720 = arith.constant 0 : i32
          %scatter3A_721 = arith.constant 0 : i32
          %scatter3A_722 = tpu.memref_slice %arg5[%scan3A_120, %scatter3A_720, %scatter3A_721] : memref<2x128x128xf32, #tpu.memory_space<vmem>> -> memref<1x128x128xf32, #tpu.memory_space<vmem>>
          %scatter3A_723 = tpu.memref_squeeze %scatter3A_722 : memref<1x128x128xf32, #tpu.memory_space<vmem>> -> memref<128x128xf32, #tpu.memory_space<vmem>>
          tpu.vector_store_idx %scatter3A_723[%add3A_670, %add3A_6], %gather3A_675 : memref<128x128xf32, #tpu.memory_space<vmem>>[vector<16xi32>, vector<16xi32>], vector<16xf32>,
          %scatter3A_724 = arith.constant 0 : i32
          %scatter3A_725 = arith.constant 0 : i32
          %scatter3A_726 = tpu.memref_slice %arg5[%scan3A_120, %scatter3A_724, %scatter3A_725] : memref<2x128x128xf32, #tpu.memory_space<vmem>> -> memref<1x128x128xf32, #tpu.memory_space<vmem>>
          %scatter3A_727 = tpu.memref_squeeze %scatter3A_726 : memref<1x128x128xf32, #tpu.memory_space<vmem>> -> memref<128x128xf32, #tpu.memory_space<vmem>>
          tpu.vector_store_idx %scatter3A_727[%add3A_678, %add3A_6], %gather3A_683 : memref<128x128xf32, #tpu.memory_space<vmem>>[vector<16xi32>, vector<16xi32>], vector<16xf32>,
          %scatter3A_728 = arith.constant 0 : i32
          %scatter3A_729 = arith.constant 0 : i32
          %scatter3A_730 = tpu.memref_slice %arg5[%scan3A_120, %scatter3A_728, %scatter3A_729] : memref<2x128x128xf32, #tpu.memory_space<vmem>> -> memref<1x128x128xf32, #tpu.memory_space<vmem>>
          %scatter3A_731 = tpu.memref_squeeze %scatter3A_730 : memref<1x128x128xf32, #tpu.memory_space<vmem>> -> memref<128x128xf32, #tpu.memory_space<vmem>>
          tpu.vector_store_idx %scatter3A_731[%add3A_686, %add3A_6], %gather3A_691 : memref<128x128xf32, #tpu.memory_space<vmem>>[vector<16xi32>, vector<16xi32>], vector<16xf32>,
          %scatter3A_732 = arith.constant 0 : i32
          %scatter3A_733 = arith.constant 0 : i32
          %scatter3A_734 = tpu.memref_slice %arg5[%scan3A_120, %scatter3A_732, %scatter3A_733] : memref<2x128x128xf32, #tpu.memory_space<vmem>> -> memref<1x128x128xf32, #tpu.memory_space<vmem>>
          %scatter3A_735 = tpu.memref_squeeze %scatter3A_734 : memref<1x128x128xf32, #tpu.memory_space<vmem>> -> memref<128x128xf32, #tpu.memory_space<vmem>>
          tpu.vector_store_idx %scatter3A_735[%add3A_694, %add3A_6], %gather3A_699 : memref<128x128xf32, #tpu.memory_space<vmem>>[vector<16xi32>, vector<16xi32>], vector<16xf32>,
          %scatter3A_736 = arith.constant 0 : i32
          %scatter3A_737 = arith.constant 0 : i32
          %scatter3A_738 = tpu.memref_slice %arg5[%scan3A_120, %scatter3A_736, %scatter3A_737] : memref<2x128x128xf32, #tpu.memory_space<vmem>> -> memref<1x128x128xf32, #tpu.memory_space<vmem>>
          %scatter3A_739 = tpu.memref_squeeze %scatter3A_738 : memref<1x128x128xf32, #tpu.memory_space<vmem>> -> memref<128x128xf32, #tpu.memory_space<vmem>>
          tpu.vector_store_idx %scatter3A_739[%add3A_702, %add3A_6], %gather3A_707 : memref<128x128xf32, #tpu.memory_space<vmem>>[vector<16xi32>, vector<16xi32>], vector<16xf32>,
          %add3A_740 = arith.constant 0 : i32
          %add3A_741 = vector.broadcast %add3A_740 : i32 to vector<16xi32>
          %add3A_742 = arith.addi %rem3A_547, %add3A_741 : vector<16xi32>
          %gather3A_743 = arith.constant 0 : i32
          %gather3A_744 = arith.constant 0 : i32
          %gather3A_745 = tpu.memref_slice %arg4[%scan3A_119, %gather3A_743, %gather3A_744] : memref<2x64x128xf32, #tpu.memory_space<vmem>> -> memref<1x64x128xf32, #tpu.memory_space<vmem>>
          %gather3A_746 = tpu.memref_squeeze %gather3A_745 : memref<1x64x128xf32, #tpu.memory_space<vmem>> -> memref<64x128xf32, #tpu.memory_space<vmem>>
          %gather3A_747 = tpu.vector_load_idx %gather3A_746[%add3A_9, %add3A_742] : memref<64x128xf32, #tpu.memory_space<vmem>>[vector<16xi32>, vector<16xi32>], vector<16xf32>,
          %add3A_748 = arith.constant 16 : i32
          %add3A_749 = vector.broadcast %add3A_748 : i32 to vector<16xi32>
          %add3A_750 = arith.addi %rem3A_547, %add3A_749 : vector<16xi32>
          %gather3A_751 = arith.constant 0 : i32
          %gather3A_752 = arith.constant 0 : i32
          %gather3A_753 = tpu.memref_slice %arg4[%scan3A_119, %gather3A_751, %gather3A_752] : memref<2x64x128xf32, #tpu.memory_space<vmem>> -> memref<1x64x128xf32, #tpu.memory_space<vmem>>
          %gather3A_754 = tpu.memref_squeeze %gather3A_753 : memref<1x64x128xf32, #tpu.memory_space<vmem>> -> memref<64x128xf32, #tpu.memory_space<vmem>>
          %gather3A_755 = tpu.vector_load_idx %gather3A_754[%add3A_9, %add3A_750] : memref<64x128xf32, #tpu.memory_space<vmem>>[vector<16xi32>, vector<16xi32>], vector<16xf32>,
          %add3A_756 = arith.constant 32 : i32
          %add3A_757 = vector.broadcast %add3A_756 : i32 to vector<16xi32>
          %add3A_758 = arith.addi %rem3A_547, %add3A_757 : vector<16xi32>
          %gather3A_759 = arith.constant 0 : i32
          %gather3A_760 = arith.constant 0 : i32
          %gather3A_761 = tpu.memref_slice %arg4[%scan3A_119, %gather3A_759, %gather3A_760] : memref<2x64x128xf32, #tpu.memory_space<vmem>> -> memref<1x64x128xf32, #tpu.memory_space<vmem>>
          %gather3A_762 = tpu.memref_squeeze %gather3A_761 : memref<1x64x128xf32, #tpu.memory_space<vmem>> -> memref<64x128xf32, #tpu.memory_space<vmem>>
          %gather3A_763 = tpu.vector_load_idx %gather3A_762[%add3A_9, %add3A_758] : memref<64x128xf32, #tpu.memory_space<vmem>>[vector<16xi32>, vector<16xi32>], vector<16xf32>,
          %add3A_764 = arith.constant 48 : i32
          %add3A_765 = vector.broadcast %add3A_764 : i32 to vector<16xi32>
          %add3A_766 = arith.addi %rem3A_547, %add3A_765 : vector<16xi32>
          %gather3A_767 = arith.constant 0 : i32
          %gather3A_768 = arith.constant 0 : i32
          %gather3A_769 = tpu.memref_slice %arg4[%scan3A_119, %gather3A_767, %gather3A_768] : memref<2x64x128xf32, #tpu.memory_space<vmem>> -> memref<1x64x128xf32, #tpu.memory_space<vmem>>
          %gather3A_770 = tpu.memref_squeeze %gather3A_769 : memref<1x64x128xf32, #tpu.memory_space<vmem>> -> memref<64x128xf32, #tpu.memory_space<vmem>>
          %gather3A_771 = tpu.vector_load_idx %gather3A_770[%add3A_9, %add3A_766] : memref<64x128xf32, #tpu.memory_space<vmem>>[vector<16xi32>, vector<16xi32>], vector<16xf32>,
          %add3A_772 = arith.constant 64 : i32
          %add3A_773 = vector.broadcast %add3A_772 : i32 to vector<16xi32>
          %add3A_774 = arith.addi %rem3A_547, %add3A_773 : vector<16xi32>
          %gather3A_775 = arith.constant 0 : i32
          %gather3A_776 = arith.constant 0 : i32
          %gather3A_777 = tpu.memref_slice %arg4[%scan3A_119, %gather3A_775, %gather3A_776] : memref<2x64x128xf32, #tpu.memory_space<vmem>> -> memref<1x64x128xf32, #tpu.memory_space<vmem>>
          %gather3A_778 = tpu.memref_squeeze %gather3A_777 : memref<1x64x128xf32, #tpu.memory_space<vmem>> -> memref<64x128xf32, #tpu.memory_space<vmem>>
          %gather3A_779 = tpu.vector_load_idx %gather3A_778[%add3A_9, %add3A_774] : memref<64x128xf32, #tpu.memory_space<vmem>>[vector<16xi32>, vector<16xi32>], vector<16xf32>,
          %add3A_780 = arith.constant 80 : i32
          %add3A_781 = vector.broadcast %add3A_780 : i32 to vector<16xi32>
          %add3A_782 = arith.addi %rem3A_547, %add3A_781 : vector<16xi32>
          %gather3A_783 = arith.constant 0 : i32
          %gather3A_784 = arith.constant 0 : i32
          %gather3A_785 = tpu.memref_slice %arg4[%scan3A_119, %gather3A_783, %gather3A_784] : memref<2x64x128xf32, #tpu.memory_space<vmem>> -> memref<1x64x128xf32, #tpu.memory_space<vmem>>
          %gather3A_786 = tpu.memref_squeeze %gather3A_785 : memref<1x64x128xf32, #tpu.memory_space<vmem>> -> memref<64x128xf32, #tpu.memory_space<vmem>>
          %gather3A_787 = tpu.vector_load_idx %gather3A_786[%add3A_9, %add3A_782] : memref<64x128xf32, #tpu.memory_space<vmem>>[vector<16xi32>, vector<16xi32>], vector<16xf32>,
          %add3A_788 = arith.constant 96 : i32
          %add3A_789 = vector.broadcast %add3A_788 : i32 to vector<16xi32>
          %add3A_790 = arith.addi %rem3A_547, %add3A_789 : vector<16xi32>
          %gather3A_791 = arith.constant 0 : i32
          %gather3A_792 = arith.constant 0 : i32
          %gather3A_793 = tpu.memref_slice %arg4[%scan3A_119, %gather3A_791, %gather3A_792] : memref<2x64x128xf32, #tpu.memory_space<vmem>> -> memref<1x64x128xf32, #tpu.memory_space<vmem>>
          %gather3A_794 = tpu.memref_squeeze %gather3A_793 : memref<1x64x128xf32, #tpu.memory_space<vmem>> -> memref<64x128xf32, #tpu.memory_space<vmem>>
          %gather3A_795 = tpu.vector_load_idx %gather3A_794[%add3A_9, %add3A_790] : memref<64x128xf32, #tpu.memory_space<vmem>>[vector<16xi32>, vector<16xi32>], vector<16xf32>,
          %add3A_796 = arith.constant 112 : i32
          %add3A_797 = vector.broadcast %add3A_796 : i32 to vector<16xi32>
          %add3A_798 = arith.addi %rem3A_547, %add3A_797 : vector<16xi32>
          %gather3A_799 = arith.constant 0 : i32
          %gather3A_800 = arith.constant 0 : i32
          %gather3A_801 = tpu.memref_slice %arg4[%scan3A_119, %gather3A_799, %gather3A_800] : memref<2x64x128xf32, #tpu.memory_space<vmem>> -> memref<1x64x128xf32, #tpu.memory_space<vmem>>
          %gather3A_802 = tpu.memref_squeeze %gather3A_801 : memref<1x64x128xf32, #tpu.memory_space<vmem>> -> memref<64x128xf32, #tpu.memory_space<vmem>>
          %gather3A_803 = tpu.vector_load_idx %gather3A_802[%add3A_9, %add3A_798] : memref<64x128xf32, #tpu.memory_space<vmem>>[vector<16xi32>, vector<16xi32>], vector<16xf32>,
          %scatter3A_804 = arith.constant 0 : i32
          %scatter3A_805 = arith.constant 0 : i32
          %scatter3A_806 = tpu.memref_slice %arg5[%scan3A_120, %scatter3A_804, %scatter3A_805] : memref<2x128x128xf32, #tpu.memory_space<vmem>> -> memref<1x128x128xf32, #tpu.memory_space<vmem>>
          %scatter3A_807 = tpu.memref_squeeze %scatter3A_806 : memref<1x128x128xf32, #tpu.memory_space<vmem>> -> memref<128x128xf32, #tpu.memory_space<vmem>>
          tpu.vector_store_idx %scatter3A_807[%add3A_742, %add3A_9], %gather3A_747 : memref<128x128xf32, #tpu.memory_space<vmem>>[vector<16xi32>, vector<16xi32>], vector<16xf32>,
          %scatter3A_808 = arith.constant 0 : i32
          %scatter3A_809 = arith.constant 0 : i32
          %scatter3A_810 = tpu.memref_slice %arg5[%scan3A_120, %scatter3A_808, %scatter3A_809] : memref<2x128x128xf32, #tpu.memory_space<vmem>> -> memref<1x128x128xf32, #tpu.memory_space<vmem>>
          %scatter3A_811 = tpu.memref_squeeze %scatter3A_810 : memref<1x128x128xf32, #tpu.memory_space<vmem>> -> memref<128x128xf32, #tpu.memory_space<vmem>>
          tpu.vector_store_idx %scatter3A_811[%add3A_750, %add3A_9], %gather3A_755 : memref<128x128xf32, #tpu.memory_space<vmem>>[vector<16xi32>, vector<16xi32>], vector<16xf32>,
          %scatter3A_812 = arith.constant 0 : i32
          %scatter3A_813 = arith.constant 0 : i32
          %scatter3A_814 = tpu.memref_slice %arg5[%scan3A_120, %scatter3A_812, %scatter3A_813] : memref<2x128x128xf32, #tpu.memory_space<vmem>> -> memref<1x128x128xf32, #tpu.memory_space<vmem>>
          %scatter3A_815 = tpu.memref_squeeze %scatter3A_814 : memref<1x128x128xf32, #tpu.memory_space<vmem>> -> memref<128x128xf32, #tpu.memory_space<vmem>>
          tpu.vector_store_idx %scatter3A_815[%add3A_758, %add3A_9], %gather3A_763 : memref<128x128xf32, #tpu.memory_space<vmem>>[vector<16xi32>, vector<16xi32>], vector<16xf32>,
          %scatter3A_816 = arith.constant 0 : i32
          %scatter3A_817 = arith.constant 0 : i32
          %scatter3A_818 = tpu.memref_slice %arg5[%scan3A_120, %scatter3A_816, %scatter3A_817] : memref<2x128x128xf32, #tpu.memory_space<vmem>> -> memref<1x128x128xf32, #tpu.memory_space<vmem>>
          %scatter3A_819 = tpu.memref_squeeze %scatter3A_818 : memref<1x128x128xf32, #tpu.memory_space<vmem>> -> memref<128x128xf32, #tpu.memory_space<vmem>>
          tpu.vector_store_idx %scatter3A_819[%add3A_766, %add3A_9], %gather3A_771 : memref<128x128xf32, #tpu.memory_space<vmem>>[vector<16xi32>, vector<16xi32>], vector<16xf32>,
          %scatter3A_820 = arith.constant 0 : i32
          %scatter3A_821 = arith.constant 0 : i32
          %scatter3A_822 = tpu.memref_slice %arg5[%scan3A_120, %scatter3A_820, %scatter3A_821] : memref<2x128x128xf32, #tpu.memory_space<vmem>> -> memref<1x128x128xf32, #tpu.memory_space<vmem>>
          %scatter3A_823 = tpu.memref_squeeze %scatter3A_822 : memref<1x128x128xf32, #tpu.memory_space<vmem>> -> memref<128x128xf32, #tpu.memory_space<vmem>>
          tpu.vector_store_idx %scatter3A_823[%add3A_774, %add3A_9], %gather3A_779 : memref<128x128xf32, #tpu.memory_space<vmem>>[vector<16xi32>, vector<16xi32>], vector<16xf32>,
          %scatter3A_824 = arith.constant 0 : i32
          %scatter3A_825 = arith.constant 0 : i32
          %scatter3A_826 = tpu.memref_slice %arg5[%scan3A_120, %scatter3A_824, %scatter3A_825] : memref<2x128x128xf32, #tpu.memory_space<vmem>> -> memref<1x128x128xf32, #tpu.memory_space<vmem>>
          %scatter3A_827 = tpu.memref_squeeze %scatter3A_826 : memref<1x128x128xf32, #tpu.memory_space<vmem>> -> memref<128x128xf32, #tpu.memory_space<vmem>>
          tpu.vector_store_idx %scatter3A_827[%add3A_782, %add3A_9], %gather3A_787 : memref<128x128xf32, #tpu.memory_space<vmem>>[vector<16xi32>, vector<16xi32>], vector<16xf32>,
          %scatter3A_828 = arith.constant 0 : i32
          %scatter3A_829 = arith.constant 0 : i32
          %scatter3A_830 = tpu.memref_slice %arg5[%scan3A_120, %scatter3A_828, %scatter3A_829] : memref<2x128x128xf32, #tpu.memory_space<vmem>> -> memref<1x128x128xf32, #tpu.memory_space<vmem>>
          %scatter3A_831 = tpu.memref_squeeze %scatter3A_830 : memref<1x128x128xf32, #tpu.memory_space<vmem>> -> memref<128x128xf32, #tpu.memory_space<vmem>>
          tpu.vector_store_idx %scatter3A_831[%add3A_790, %add3A_9], %gather3A_795 : memref<128x128xf32, #tpu.memory_space<vmem>>[vector<16xi32>, vector<16xi32>], vector<16xf32>,
          %scatter3A_832 = arith.constant 0 : i32
          %scatter3A_833 = arith.constant 0 : i32
          %scatter3A_834 = tpu.memref_slice %arg5[%scan3A_120, %scatter3A_832, %scatter3A_833] : memref<2x128x128xf32, #tpu.memory_space<vmem>> -> memref<1x128x128xf32, #tpu.memory_space<vmem>>
          %scatter3A_835 = tpu.memref_squeeze %scatter3A_834 : memref<1x128x128xf32, #tpu.memory_space<vmem>> -> memref<128x128xf32, #tpu.memory_space<vmem>>
          tpu.vector_store_idx %scatter3A_835[%add3A_798, %add3A_9], %gather3A_803 : memref<128x128xf32, #tpu.memory_space<vmem>>[vector<16xi32>, vector<16xi32>], vector<16xf32>,
          %add3A_836 = arith.constant 0 : i32
          %add3A_837 = vector.broadcast %add3A_836 : i32 to vector<16xi32>
          %add3A_838 = arith.addi %rem3A_547, %add3A_837 : vector<16xi32>
          %gather3A_839 = arith.constant 0 : i32
          %gather3A_840 = arith.constant 0 : i32
          %gather3A_841 = tpu.memref_slice %arg4[%scan3A_119, %gather3A_839, %gather3A_840] : memref<2x64x128xf32, #tpu.memory_space<vmem>> -> memref<1x64x128xf32, #tpu.memory_space<vmem>>
          %gather3A_842 = tpu.memref_squeeze %gather3A_841 : memref<1x64x128xf32, #tpu.memory_space<vmem>> -> memref<64x128xf32, #tpu.memory_space<vmem>>
          %gather3A_843 = tpu.vector_load_idx %gather3A_842[%add3A_12, %add3A_838] : memref<64x128xf32, #tpu.memory_space<vmem>>[vector<16xi32>, vector<16xi32>], vector<16xf32>,
          %add3A_844 = arith.constant 16 : i32
          %add3A_845 = vector.broadcast %add3A_844 : i32 to vector<16xi32>
          %add3A_846 = arith.addi %rem3A_547, %add3A_845 : vector<16xi32>
          %gather3A_847 = arith.constant 0 : i32
          %gather3A_848 = arith.constant 0 : i32
          %gather3A_849 = tpu.memref_slice %arg4[%scan3A_119, %gather3A_847, %gather3A_848] : memref<2x64x128xf32, #tpu.memory_space<vmem>> -> memref<1x64x128xf32, #tpu.memory_space<vmem>>
          %gather3A_850 = tpu.memref_squeeze %gather3A_849 : memref<1x64x128xf32, #tpu.memory_space<vmem>> -> memref<64x128xf32, #tpu.memory_space<vmem>>
          %gather3A_851 = tpu.vector_load_idx %gather3A_850[%add3A_12, %add3A_846] : memref<64x128xf32, #tpu.memory_space<vmem>>[vector<16xi32>, vector<16xi32>], vector<16xf32>,
          %add3A_852 = arith.constant 32 : i32
          %add3A_853 = vector.broadcast %add3A_852 : i32 to vector<16xi32>
          %add3A_854 = arith.addi %rem3A_547, %add3A_853 : vector<16xi32>
          %gather3A_855 = arith.constant 0 : i32
          %gather3A_856 = arith.constant 0 : i32
          %gather3A_857 = tpu.memref_slice %arg4[%scan3A_119, %gather3A_855, %gather3A_856] : memref<2x64x128xf32, #tpu.memory_space<vmem>> -> memref<1x64x128xf32, #tpu.memory_space<vmem>>
          %gather3A_858 = tpu.memref_squeeze %gather3A_857 : memref<1x64x128xf32, #tpu.memory_space<vmem>> -> memref<64x128xf32, #tpu.memory_space<vmem>>
          %gather3A_859 = tpu.vector_load_idx %gather3A_858[%add3A_12, %add3A_854] : memref<64x128xf32, #tpu.memory_space<vmem>>[vector<16xi32>, vector<16xi32>], vector<16xf32>,
          %add3A_860 = arith.constant 48 : i32
          %add3A_861 = vector.broadcast %add3A_860 : i32 to vector<16xi32>
          %add3A_862 = arith.addi %rem3A_547, %add3A_861 : vector<16xi32>
          %gather3A_863 = arith.constant 0 : i32
          %gather3A_864 = arith.constant 0 : i32
          %gather3A_865 = tpu.memref_slice %arg4[%scan3A_119, %gather3A_863, %gather3A_864] : memref<2x64x128xf32, #tpu.memory_space<vmem>> -> memref<1x64x128xf32, #tpu.memory_space<vmem>>
          %gather3A_866 = tpu.memref_squeeze %gather3A_865 : memref<1x64x128xf32, #tpu.memory_space<vmem>> -> memref<64x128xf32, #tpu.memory_space<vmem>>
          %gather3A_867 = tpu.vector_load_idx %gather3A_866[%add3A_12, %add3A_862] : memref<64x128xf32, #tpu.memory_space<vmem>>[vector<16xi32>, vector<16xi32>], vector<16xf32>,
          %add3A_868 = arith.constant 64 : i32
          %add3A_869 = vector.broadcast %add3A_868 : i32 to vector<16xi32>
          %add3A_870 = arith.addi %rem3A_547, %add3A_869 : vector<16xi32>
          %gather3A_871 = arith.constant 0 : i32
          %gather3A_872 = arith.constant 0 : i32
          %gather3A_873 = tpu.memref_slice %arg4[%scan3A_119, %gather3A_871, %gather3A_872] : memref<2x64x128xf32, #tpu.memory_space<vmem>> -> memref<1x64x128xf32, #tpu.memory_space<vmem>>
          %gather3A_874 = tpu.memref_squeeze %gather3A_873 : memref<1x64x128xf32, #tpu.memory_space<vmem>> -> memref<64x128xf32, #tpu.memory_space<vmem>>
          %gather3A_875 = tpu.vector_load_idx %gather3A_874[%add3A_12, %add3A_870] : memref<64x128xf32, #tpu.memory_space<vmem>>[vector<16xi32>, vector<16xi32>], vector<16xf32>,
          %add3A_876 = arith.constant 80 : i32
          %add3A_877 = vector.broadcast %add3A_876 : i32 to vector<16xi32>
          %add3A_878 = arith.addi %rem3A_547, %add3A_877 : vector<16xi32>
          %gather3A_879 = arith.constant 0 : i32
          %gather3A_880 = arith.constant 0 : i32
          %gather3A_881 = tpu.memref_slice %arg4[%scan3A_119, %gather3A_879, %gather3A_880] : memref<2x64x128xf32, #tpu.memory_space<vmem>> -> memref<1x64x128xf32, #tpu.memory_space<vmem>>
          %gather3A_882 = tpu.memref_squeeze %gather3A_881 : memref<1x64x128xf32, #tpu.memory_space<vmem>> -> memref<64x128xf32, #tpu.memory_space<vmem>>
          %gather3A_883 = tpu.vector_load_idx %gather3A_882[%add3A_12, %add3A_878] : memref<64x128xf32, #tpu.memory_space<vmem>>[vector<16xi32>, vector<16xi32>], vector<16xf32>,
          %add3A_884 = arith.constant 96 : i32
          %add3A_885 = vector.broadcast %add3A_884 : i32 to vector<16xi32>
          %add3A_886 = arith.addi %rem3A_547, %add3A_885 : vector<16xi32>
          %gather3A_887 = arith.constant 0 : i32
          %gather3A_888 = arith.constant 0 : i32
          %gather3A_889 = tpu.memref_slice %arg4[%scan3A_119, %gather3A_887, %gather3A_888] : memref<2x64x128xf32, #tpu.memory_space<vmem>> -> memref<1x64x128xf32, #tpu.memory_space<vmem>>
          %gather3A_890 = tpu.memref_squeeze %gather3A_889 : memref<1x64x128xf32, #tpu.memory_space<vmem>> -> memref<64x128xf32, #tpu.memory_space<vmem>>
          %gather3A_891 = tpu.vector_load_idx %gather3A_890[%add3A_12, %add3A_886] : memref<64x128xf32, #tpu.memory_space<vmem>>[vector<16xi32>, vector<16xi32>], vector<16xf32>,
          %add3A_892 = arith.constant 112 : i32
          %add3A_893 = vector.broadcast %add3A_892 : i32 to vector<16xi32>
          %add3A_894 = arith.addi %rem3A_547, %add3A_893 : vector<16xi32>
          %gather3A_895 = arith.constant 0 : i32
          %gather3A_896 = arith.constant 0 : i32
          %gather3A_897 = tpu.memref_slice %arg4[%scan3A_119, %gather3A_895, %gather3A_896] : memref<2x64x128xf32, #tpu.memory_space<vmem>> -> memref<1x64x128xf32, #tpu.memory_space<vmem>>
          %gather3A_898 = tpu.memref_squeeze %gather3A_897 : memref<1x64x128xf32, #tpu.memory_space<vmem>> -> memref<64x128xf32, #tpu.memory_space<vmem>>
          %gather3A_899 = tpu.vector_load_idx %gather3A_898[%add3A_12, %add3A_894] : memref<64x128xf32, #tpu.memory_space<vmem>>[vector<16xi32>, vector<16xi32>], vector<16xf32>,
          %scatter3A_900 = arith.constant 0 : i32
          %scatter3A_901 = arith.constant 0 : i32
          %scatter3A_902 = tpu.memref_slice %arg5[%scan3A_120, %scatter3A_900, %scatter3A_901] : memref<2x128x128xf32, #tpu.memory_space<vmem>> -> memref<1x128x128xf32, #tpu.memory_space<vmem>>
          %scatter3A_903 = tpu.memref_squeeze %scatter3A_902 : memref<1x128x128xf32, #tpu.memory_space<vmem>> -> memref<128x128xf32, #tpu.memory_space<vmem>>
          tpu.vector_store_idx %scatter3A_903[%add3A_838, %add3A_12], %gather3A_843 : memref<128x128xf32, #tpu.memory_space<vmem>>[vector<16xi32>, vector<16xi32>], vector<16xf32>,
          %scatter3A_904 = arith.constant 0 : i32
          %scatter3A_905 = arith.constant 0 : i32
          %scatter3A_906 = tpu.memref_slice %arg5[%scan3A_120, %scatter3A_904, %scatter3A_905] : memref<2x128x128xf32, #tpu.memory_space<vmem>> -> memref<1x128x128xf32, #tpu.memory_space<vmem>>
          %scatter3A_907 = tpu.memref_squeeze %scatter3A_906 : memref<1x128x128xf32, #tpu.memory_space<vmem>> -> memref<128x128xf32, #tpu.memory_space<vmem>>
          tpu.vector_store_idx %scatter3A_907[%add3A_846, %add3A_12], %gather3A_851 : memref<128x128xf32, #tpu.memory_space<vmem>>[vector<16xi32>, vector<16xi32>], vector<16xf32>,
          %scatter3A_908 = arith.constant 0 : i32
          %scatter3A_909 = arith.constant 0 : i32
          %scatter3A_910 = tpu.memref_slice %arg5[%scan3A_120, %scatter3A_908, %scatter3A_909] : memref<2x128x128xf32, #tpu.memory_space<vmem>> -> memref<1x128x128xf32, #tpu.memory_space<vmem>>
          %scatter3A_911 = tpu.memref_squeeze %scatter3A_910 : memref<1x128x128xf32, #tpu.memory_space<vmem>> -> memref<128x128xf32, #tpu.memory_space<vmem>>
          tpu.vector_store_idx %scatter3A_911[%add3A_854, %add3A_12], %gather3A_859 : memref<128x128xf32, #tpu.memory_space<vmem>>[vector<16xi32>, vector<16xi32>], vector<16xf32>,
          %scatter3A_912 = arith.constant 0 : i32
          %scatter3A_913 = arith.constant 0 : i32
          %scatter3A_914 = tpu.memref_slice %arg5[%scan3A_120, %scatter3A_912, %scatter3A_913] : memref<2x128x128xf32, #tpu.memory_space<vmem>> -> memref<1x128x128xf32, #tpu.memory_space<vmem>>
          %scatter3A_915 = tpu.memref_squeeze %scatter3A_914 : memref<1x128x128xf32, #tpu.memory_space<vmem>> -> memref<128x128xf32, #tpu.memory_space<vmem>>
          tpu.vector_store_idx %scatter3A_915[%add3A_862, %add3A_12], %gather3A_867 : memref<128x128xf32, #tpu.memory_space<vmem>>[vector<16xi32>, vector<16xi32>], vector<16xf32>,
          %scatter3A_916 = arith.constant 0 : i32
          %scatter3A_917 = arith.constant 0 : i32
          %scatter3A_918 = tpu.memref_slice %arg5[%scan3A_120, %scatter3A_916, %scatter3A_917] : memref<2x128x128xf32, #tpu.memory_space<vmem>> -> memref<1x128x128xf32, #tpu.memory_space<vmem>>
          %scatter3A_919 = tpu.memref_squeeze %scatter3A_918 : memref<1x128x128xf32, #tpu.memory_space<vmem>> -> memref<128x128xf32, #tpu.memory_space<vmem>>
          tpu.vector_store_idx %scatter3A_919[%add3A_870, %add3A_12], %gather3A_875 : memref<128x128xf32, #tpu.memory_space<vmem>>[vector<16xi32>, vector<16xi32>], vector<16xf32>,
          %scatter3A_920 = arith.constant 0 : i32
          %scatter3A_921 = arith.constant 0 : i32
          %scatter3A_922 = tpu.memref_slice %arg5[%scan3A_120, %scatter3A_920, %scatter3A_921] : memref<2x128x128xf32, #tpu.memory_space<vmem>> -> memref<1x128x128xf32, #tpu.memory_space<vmem>>
          %scatter3A_923 = tpu.memref_squeeze %scatter3A_922 : memref<1x128x128xf32, #tpu.memory_space<vmem>> -> memref<128x128xf32, #tpu.memory_space<vmem>>
          tpu.vector_store_idx %scatter3A_923[%add3A_878, %add3A_12], %gather3A_883 : memref<128x128xf32, #tpu.memory_space<vmem>>[vector<16xi32>, vector<16xi32>], vector<16xf32>,
          %scatter3A_924 = arith.constant 0 : i32
          %scatter3A_925 = arith.constant 0 : i32
          %scatter3A_926 = tpu.memref_slice %arg5[%scan3A_120, %scatter3A_924, %scatter3A_925] : memref<2x128x128xf32, #tpu.memory_space<vmem>> -> memref<1x128x128xf32, #tpu.memory_space<vmem>>
          %scatter3A_927 = tpu.memref_squeeze %scatter3A_926 : memref<1x128x128xf32, #tpu.memory_space<vmem>> -> memref<128x128xf32, #tpu.memory_space<vmem>>
          tpu.vector_store_idx %scatter3A_927[%add3A_886, %add3A_12], %gather3A_891 : memref<128x128xf32, #tpu.memory_space<vmem>>[vector<16xi32>, vector<16xi32>], vector<16xf32>,
          %scatter3A_928 = arith.constant 0 : i32
          %scatter3A_929 = arith.constant 0 : i32
          %scatter3A_930 = tpu.memref_slice %arg5[%scan3A_120, %scatter3A_928, %scatter3A_929] : memref<2x128x128xf32, #tpu.memory_space<vmem>> -> memref<1x128x128xf32, #tpu.memory_space<vmem>>
          %scatter3A_931 = tpu.memref_squeeze %scatter3A_930 : memref<1x128x128xf32, #tpu.memory_space<vmem>> -> memref<128x128xf32, #tpu.memory_space<vmem>>
          tpu.vector_store_idx %scatter3A_931[%add3A_894, %add3A_12], %gather3A_899 : memref<128x128xf32, #tpu.memory_space<vmem>>[vector<16xi32>, vector<16xi32>], vector<16xf32>,
        }
        %scan3A_125 = arith.constant 8 : i32
        %mul3A_126 = arith.constant 128 : i32
        %mul3A_127 = arith.muli %add3A_84, %mul3A_126 : i32
        %dma_start3A_128 = arith.constant 1 : i32
        %dma_start3A_129 = arith.constant 1 : i32
        %dma_start3A_130 = arith.constant 0 : i32
        %dma_start3A_131 = arith.constant 0 : i32
        %dma_start3A_132 = tpu.memref_slice %arg5[%dma_start3A_128, %dma_start3A_130, %dma_start3A_131] : memref<2x128x128xf32, #tpu.memory_space<vmem>> -> memref<1x128x128xf32, #tpu.memory_space<vmem>>
        %dma_start3A_133 = tpu.memref_squeeze %dma_start3A_132 : memref<1x128x128xf32, #tpu.memory_space<vmem>> -> memref<128x128xf32, #tpu.memory_space<vmem>>
        %dma_start3A_134 = arith.constant 0 : i32
        %dma_start3A_135 = tpu.memref_slice %arg3[%mul3A_127, %dma_start3A_134] : memref<1000000x128xf32, #tpu.memory_space<hbm>> -> memref<128x128xf32, #tpu.memory_space<hbm>>
        %dma_start3A_136 = tpu.memref_slice %arg9[%dma_start3A_129] : memref<2x!tpu.dma_semaphore, #tpu.memory_space<semaphore_mem>> -> memref<1x!tpu.dma_semaphore, #tpu.memory_space<semaphore_mem>>
        %dma_start3A_137 = tpu.memref_squeeze %dma_start3A_136 : memref<1x!tpu.dma_semaphore, #tpu.memory_space<semaphore_mem>> -> memref<!tpu.dma_semaphore, #tpu.memory_space<semaphore_mem>>
        %dma_start3A_138 = arith.constant 0 : i32
        %dma_start3A_139 = tpu.memref_slice %arg3[%mul3A_127, %dma_start3A_138] : memref<1000000x128xf32, #tpu.memory_space<hbm>> -> memref<128x128xf32, #tpu.memory_space<hbm>>
        %dma_start3A_140 = arith.constant 0 : i32
        %dma_start3A_141 = arith.constant 0 : i32
        %dma_start3A_142 = tpu.memref_slice %arg5[%dma_start3A_128, %dma_start3A_140, %dma_start3A_141] : memref<2x128x128xf32, #tpu.memory_space<vmem>> -> memref<1x128x128xf32, #tpu.memory_space<vmem>>
        %dma_start3A_143 = tpu.memref_squeeze %dma_start3A_142 : memref<1x128x128xf32, #tpu.memory_space<vmem>> -> memref<128x128xf32, #tpu.memory_space<vmem>>
        tpu.enqueue_dma source(%dma_start3A_143 : memref<128x128xf32, #tpu.memory_space<vmem>>) target(%dma_start3A_139 : memref<128x128xf32, #tpu.memory_space<hbm>>) target_semaphore(%dma_start3A_137 : memref<!tpu.dma_semaphore, #tpu.memory_space<semaphore_mem>>)
      } else {
      }
    }
    %scan3A_33 = arith.constant 123 : i32
    %add3A_34 = arith.constant 7776 : i32
    %add3A_35 = arith.addi %add3A, %add3A_34 : i32
    %mul3A_36 = arith.constant 128 : i32
    %mul3A_37 = arith.muli %add3A_35, %mul3A_36 : i32
    %dma_wait3A = arith.constant 1 : i32
    %dma_wait3A_38 = arith.constant 1 : i32
    %dma_wait3A_39 = arith.constant 0 : i32
    %dma_wait3A_40 = arith.constant 0 : i32
    %dma_wait3A_41 = tpu.memref_slice %arg5[%dma_wait3A, %dma_wait3A_39, %dma_wait3A_40] : memref<2x128x128xf32, #tpu.memory_space<vmem>> -> memref<1x128x128xf32, #tpu.memory_space<vmem>>
    %dma_wait3A_42 = tpu.memref_squeeze %dma_wait3A_41 : memref<1x128x128xf32, #tpu.memory_space<vmem>> -> memref<128x128xf32, #tpu.memory_space<vmem>>
    %dma_wait3A_43 = arith.constant 0 : i32
    %dma_wait3A_44 = tpu.memref_slice %arg3[%mul3A_37, %dma_wait3A_43] : memref<1000000x128xf32, #tpu.memory_space<hbm>> -> memref<128x128xf32, #tpu.memory_space<hbm>>
    %dma_wait3A_45 = tpu.memref_slice %arg9[%dma_wait3A_38] : memref<2x!tpu.dma_semaphore, #tpu.memory_space<semaphore_mem>> -> memref<1x!tpu.dma_semaphore, #tpu.memory_space<semaphore_mem>>
    %dma_wait3A_46 = tpu.memref_squeeze %dma_wait3A_45 : memref<1x!tpu.dma_semaphore, #tpu.memory_space<semaphore_mem>> -> memref<!tpu.dma_semaphore, #tpu.memory_space<semaphore_mem>>
    %dma_wait3A_47 = arith.constant 0 : i32
    %dma_wait3A_48 = tpu.memref_slice %arg3[%mul3A_37, %dma_wait3A_47] : memref<1000000x128xf32, #tpu.memory_space<hbm>> -> memref<128x128xf32, #tpu.memory_space<hbm>>
    %dma_wait3A_49 = arith.constant 0 : i32
    %dma_wait3A_50 = arith.constant 0 : i32
    %dma_wait3A_51 = tpu.memref_slice %arg5[%dma_wait3A, %dma_wait3A_49, %dma_wait3A_50] : memref<2x128x128xf32, #tpu.memory_space<vmem>> -> memref<1x128x128xf32, #tpu.memory_space<vmem>>
    %dma_wait3A_52 = tpu.memref_squeeze %dma_wait3A_51 : memref<1x128x128xf32, #tpu.memory_space<vmem>> -> memref<128x128xf32, #tpu.memory_space<vmem>>
    tpu.wait_dma2 semaphore(%dma_wait3A_46 : memref<!tpu.dma_semaphore, #tpu.memory_space<semaphore_mem>>) src(%dma_wait3A_52 : memref<128x128xf32, #tpu.memory_space<vmem>>) dst(%dma_wait3A_48 : memref<128x128xf32, #tpu.memory_space<hbm>>)
    %add3A_53 = arith.constant 7808 : i32
    %add3A_54 = arith.addi %add3A, %add3A_53 : i32
    %lt3A = arith.constant 7812 : i32
    %lt3A_55 = arith.cmpi slt, %add3A_54, %lt3A : i32
    %convert_element_type3A = arith.extui %lt3A_55 : i1 to i32
    %cond3A = arith.constant 0 : i32
    %cond3A_56 = arith.cmpi ne, %convert_element_type3A, %cond3A : i32
    scf.if %cond3A_56 {
      %add3A_61 = arith.constant 7808 : i32
      %add3A_62 = arith.addi %add3A, %add3A_61 : i32
      %mul3A_63 = arith.constant 128 : i32
      %mul3A_64 = arith.muli %add3A_62, %mul3A_63 : i32
      %dma_wait3A_65 = arith.constant 0 : i32
      %dma_wait3A_66 = arith.constant 0 : i32
      %dma_wait3A_67 = arith.constant 0 : i32
      %dma_wait3A_68 = arith.constant 0 : i32
      %dma_wait3A_69 = tpu.memref_slice %arg5[%dma_wait3A_65, %dma_wait3A_67, %dma_wait3A_68] : memref<2x128x128xf32, #tpu.memory_space<vmem>> -> memref<1x128x128xf32, #tpu.memory_space<vmem>>
      %dma_wait3A_70 = tpu.memref_squeeze %dma_wait3A_69 : memref<1x128x128xf32, #tpu.memory_space<vmem>> -> memref<128x128xf32, #tpu.memory_space<vmem>>
      %dma_wait3A_71 = arith.constant 0 : i32
      %dma_wait3A_72 = tpu.memref_slice %arg3[%mul3A_64, %dma_wait3A_71] : memref<1000000x128xf32, #tpu.memory_space<hbm>> -> memref<128x128xf32, #tpu.memory_space<hbm>>
      %dma_wait3A_73 = tpu.memref_slice %arg9[%dma_wait3A_66] : memref<2x!tpu.dma_semaphore, #tpu.memory_space<semaphore_mem>> -> memref<1x!tpu.dma_semaphore, #tpu.memory_space<semaphore_mem>>
      %dma_wait3A_74 = tpu.memref_squeeze %dma_wait3A_73 : memref<1x!tpu.dma_semaphore, #tpu.memory_space<semaphore_mem>> -> memref<!tpu.dma_semaphore, #tpu.memory_space<semaphore_mem>>
      %dma_wait3A_75 = arith.constant 0 : i32
      %dma_wait3A_76 = tpu.memref_slice %arg3[%mul3A_64, %dma_wait3A_75] : memref<1000000x128xf32, #tpu.memory_space<hbm>> -> memref<128x128xf32, #tpu.memory_space<hbm>>
      %dma_wait3A_77 = arith.constant 0 : i32
      %dma_wait3A_78 = arith.constant 0 : i32
      %dma_wait3A_79 = tpu.memref_slice %arg5[%dma_wait3A_65, %dma_wait3A_77, %dma_wait3A_78] : memref<2x128x128xf32, #tpu.memory_space<vmem>> -> memref<1x128x128xf32, #tpu.memory_space<vmem>>
      %dma_wait3A_80 = tpu.memref_squeeze %dma_wait3A_79 : memref<1x128x128xf32, #tpu.memory_space<vmem>> -> memref<128x128xf32, #tpu.memory_space<vmem>>
      tpu.wait_dma2 semaphore(%dma_wait3A_74 : memref<!tpu.dma_semaphore, #tpu.memory_space<semaphore_mem>>) src(%dma_wait3A_80 : memref<128x128xf32, #tpu.memory_space<vmem>>) dst(%dma_wait3A_76 : memref<128x128xf32, #tpu.memory_space<hbm>>)
    } else {
    }
    %eq3A = arith.constant 4 : i32
    %eq3A_57 = arith.cmpi eq, %add3A, %eq3A : i32
    %convert_element_type3A_58 = arith.extui %eq3A_57 : i1 to i32
    %cond3A_59 = arith.constant 0 : i32
    %cond3A_60 = arith.cmpi ne, %convert_element_type3A_58, %cond3A_59 : i32
    scf.if %cond3A_60 {
      "tpu.region"() ({
        %run_scoped3A = tpu.sem_alloc : memref<!tpu.dma_semaphore, #tpu.memory_space<semaphore_mem>>
        %dma_start3A_66 = arith.constant 0 : i32
        %dma_start3A_67 = arith.constant 999936 : i32
        %dma_start3A_68 = tpu.memref_slice %arg2[%dma_start3A_66, %dma_start3A_67] : memref<64x1000000xf32, #tpu.memory_space<hbm>> -> memref<64x64xf32, #tpu.memory_space<hbm>>
        %dma_start3A_69 = arith.constant 0 : i32
        %dma_start3A_70 = arith.constant 999936 : i32
        %dma_start3A_71 = tpu.memref_slice %arg2[%dma_start3A_69, %dma_start3A_70] : memref<64x1000000xf32, #tpu.memory_space<hbm>> -> memref<64x64xf32, #tpu.memory_space<hbm>>
        tpu.enqueue_dma source(%dma_start3A_71 : memref<64x64xf32, #tpu.memory_space<hbm>>) target(%arg6 : memref<64x64xf32, #tpu.memory_space<vmem>>) target_semaphore(%run_scoped3A : memref<!tpu.dma_semaphore, #tpu.memory_space<semaphore_mem>>)
        %dma_wait3A_72 = arith.constant 0 : i32
        %dma_wait3A_73 = arith.constant 999936 : i32
        %dma_wait3A_74 = tpu.memref_slice %arg2[%dma_wait3A_72, %dma_wait3A_73] : memref<64x1000000xf32, #tpu.memory_space<hbm>> -> memref<64x64xf32, #tpu.memory_space<hbm>>
        %dma_wait3A_75 = arith.constant 0 : i32
        %dma_wait3A_76 = arith.constant 999936 : i32
        %dma_wait3A_77 = tpu.memref_slice %arg2[%dma_wait3A_75, %dma_wait3A_76] : memref<64x1000000xf32, #tpu.memory_space<hbm>> -> memref<64x64xf32, #tpu.memory_space<hbm>>
        tpu.wait_dma2 semaphore(%run_scoped3A : memref<!tpu.dma_semaphore, #tpu.memory_space<semaphore_mem>>) src(%dma_wait3A_77 : memref<64x64xf32, #tpu.memory_space<hbm>>) dst(%arg6 : memref<64x64xf32, #tpu.memory_space<vmem>>)
        tpu.yield
      }) : () -> ()
      %scan3A_61 = arith.constant 0 : i32
      %scan3A_62 = arith.constant 8 : i32
      %scan3A_63 = arith.addi %scan3A_61, %scan3A_62 : i32
      %scan3A_64 = arith.constant 1 : i32
      scf.for %scan3A_66 = %scan3A_61 to %scan3A_63 step %scan3A_64  : i32 {
        %mul3A_67 = arith.constant 1 : i32
        %mul3A_68 = arith.muli %scan3A_66, %mul3A_67 : i32
        %add3A_69 = arith.constant 0 : i32
        %add3A_70 = arith.addi %add3A_69, %mul3A_68 : i32
        %mul3A_71 = arith.constant 2 : i32
        %mul3A_72 = arith.muli %mul3A_71, %add3A_70 : i32
        %add3A_73 = arith.constant 0 : i32
        %add3A_74 = arith.addi %mul3A_72, %add3A_73 : i32
        %add3A_75 = vector.broadcast %add3A_74 : i32 to vector<16xi32>
        %add3A_76 = arith.addi %iota3A, %add3A_75 : vector<16xi32>
        %rem3A = arith.constant 16 : i32
        %rem3A_77 = vector.broadcast %rem3A : i32 to vector<16xi32>
        %rem3A_78 = arith.remsi %add3A_76, %rem3A_77 : vector<16xi32>
        %add3A_79 = arith.constant 0 : i32
        %add3A_80 = vector.broadcast %add3A_79 : i32 to vector<16xi32>
        %add3A_81 = arith.addi %rem3A_78, %add3A_80 : vector<16xi32>
        %gather3A = tpu.vector_load_idx %arg6[%add3A_3, %add3A_81] : memref<64x64xf32, #tpu.memory_space<vmem>>[vector<16xi32>, vector<16xi32>], vector<16xf32>,
        %add3A_82 = arith.constant 16 : i32
        %add3A_83 = vector.broadcast %add3A_82 : i32 to vector<16xi32>
        %add3A_84 = arith.addi %rem3A_78, %add3A_83 : vector<16xi32>
        %gather3A_85 = tpu.vector_load_idx %arg6[%add3A_3, %add3A_84] : memref<64x64xf32, #tpu.memory_space<vmem>>[vector<16xi32>, vector<16xi32>], vector<16xf32>,
        %add3A_86 = arith.constant 32 : i32
        %add3A_87 = vector.broadcast %add3A_86 : i32 to vector<16xi32>
        %add3A_88 = arith.addi %rem3A_78, %add3A_87 : vector<16xi32>
        %gather3A_89 = tpu.vector_load_idx %arg6[%add3A_3, %add3A_88] : memref<64x64xf32, #tpu.memory_space<vmem>>[vector<16xi32>, vector<16xi32>], vector<16xf32>,
        %add3A_90 = arith.constant 48 : i32
        %add3A_91 = vector.broadcast %add3A_90 : i32 to vector<16xi32>
        %add3A_92 = arith.addi %rem3A_78, %add3A_91 : vector<16xi32>
        %gather3A_93 = tpu.vector_load_idx %arg6[%add3A_3, %add3A_92] : memref<64x64xf32, #tpu.memory_space<vmem>>[vector<16xi32>, vector<16xi32>], vector<16xf32>,
        tpu.vector_store_idx %arg7[%add3A_81, %add3A_3], %gather3A : memref<64x128xf32, #tpu.memory_space<vmem>>[vector<16xi32>, vector<16xi32>], vector<16xf32>,
        tpu.vector_store_idx %arg7[%add3A_84, %add3A_3], %gather3A_85 : memref<64x128xf32, #tpu.memory_space<vmem>>[vector<16xi32>, vector<16xi32>], vector<16xf32>,
        tpu.vector_store_idx %arg7[%add3A_88, %add3A_3], %gather3A_89 : memref<64x128xf32, #tpu.memory_space<vmem>>[vector<16xi32>, vector<16xi32>], vector<16xf32>,
        tpu.vector_store_idx %arg7[%add3A_92, %add3A_3], %gather3A_93 : memref<64x128xf32, #tpu.memory_space<vmem>>[vector<16xi32>, vector<16xi32>], vector<16xf32>,
        %add3A_94 = arith.constant 0 : i32
        %add3A_95 = vector.broadcast %add3A_94 : i32 to vector<16xi32>
        %add3A_96 = arith.addi %rem3A_78, %add3A_95 : vector<16xi32>
        %gather3A_97 = tpu.vector_load_idx %arg6[%add3A_6, %add3A_96] : memref<64x64xf32, #tpu.memory_space<vmem>>[vector<16xi32>, vector<16xi32>], vector<16xf32>,
        %add3A_98 = arith.constant 16 : i32
        %add3A_99 = vector.broadcast %add3A_98 : i32 to vector<16xi32>
        %add3A_100 = arith.addi %rem3A_78, %add3A_99 : vector<16xi32>
        %gather3A_101 = tpu.vector_load_idx %arg6[%add3A_6, %add3A_100] : memref<64x64xf32, #tpu.memory_space<vmem>>[vector<16xi32>, vector<16xi32>], vector<16xf32>,
        %add3A_102 = arith.constant 32 : i32
        %add3A_103 = vector.broadcast %add3A_102 : i32 to vector<16xi32>
        %add3A_104 = arith.addi %rem3A_78, %add3A_103 : vector<16xi32>
        %gather3A_105 = tpu.vector_load_idx %arg6[%add3A_6, %add3A_104] : memref<64x64xf32, #tpu.memory_space<vmem>>[vector<16xi32>, vector<16xi32>], vector<16xf32>,
        %add3A_106 = arith.constant 48 : i32
        %add3A_107 = vector.broadcast %add3A_106 : i32 to vector<16xi32>
        %add3A_108 = arith.addi %rem3A_78, %add3A_107 : vector<16xi32>
        %gather3A_109 = tpu.vector_load_idx %arg6[%add3A_6, %add3A_108] : memref<64x64xf32, #tpu.memory_space<vmem>>[vector<16xi32>, vector<16xi32>], vector<16xf32>,
        tpu.vector_store_idx %arg7[%add3A_96, %add3A_6], %gather3A_97 : memref<64x128xf32, #tpu.memory_space<vmem>>[vector<16xi32>, vector<16xi32>], vector<16xf32>,
        tpu.vector_store_idx %arg7[%add3A_100, %add3A_6], %gather3A_101 : memref<64x128xf32, #tpu.memory_space<vmem>>[vector<16xi32>, vector<16xi32>], vector<16xf32>,
        tpu.vector_store_idx %arg7[%add3A_104, %add3A_6], %gather3A_105 : memref<64x128xf32, #tpu.memory_space<vmem>>[vector<16xi32>, vector<16xi32>], vector<16xf32>,
        tpu.vector_store_idx %arg7[%add3A_108, %add3A_6], %gather3A_109 : memref<64x128xf32, #tpu.memory_space<vmem>>[vector<16xi32>, vector<16xi32>], vector<16xf32>,
        %add3A_110 = arith.constant 0 : i32
        %add3A_111 = vector.broadcast %add3A_110 : i32 to vector<16xi32>
        %add3A_112 = arith.addi %rem3A_78, %add3A_111 : vector<16xi32>
        %gather3A_113 = tpu.vector_load_idx %arg6[%add3A_9, %add3A_112] : memref<64x64xf32, #tpu.memory_space<vmem>>[vector<16xi32>, vector<16xi32>], vector<16xf32>,
        %add3A_114 = arith.constant 16 : i32
        %add3A_115 = vector.broadcast %add3A_114 : i32 to vector<16xi32>
        %add3A_116 = arith.addi %rem3A_78, %add3A_115 : vector<16xi32>
        %gather3A_117 = tpu.vector_load_idx %arg6[%add3A_9, %add3A_116] : memref<64x64xf32, #tpu.memory_space<vmem>>[vector<16xi32>, vector<16xi32>], vector<16xf32>,
        %add3A_118 = arith.constant 32 : i32
        %add3A_119 = vector.broadcast %add3A_118 : i32 to vector<16xi32>
        %add3A_120 = arith.addi %rem3A_78, %add3A_119 : vector<16xi32>
        %gather3A_121 = tpu.vector_load_idx %arg6[%add3A_9, %add3A_120] : memref<64x64xf32, #tpu.memory_space<vmem>>[vector<16xi32>, vector<16xi32>], vector<16xf32>,
        %add3A_122 = arith.constant 48 : i32
        %add3A_123 = vector.broadcast %add3A_122 : i32 to vector<16xi32>
        %add3A_124 = arith.addi %rem3A_78, %add3A_123 : vector<16xi32>
        %gather3A_125 = tpu.vector_load_idx %arg6[%add3A_9, %add3A_124] : memref<64x64xf32, #tpu.memory_space<vmem>>[vector<16xi32>, vector<16xi32>], vector<16xf32>,
        tpu.vector_store_idx %arg7[%add3A_112, %add3A_9], %gather3A_113 : memref<64x128xf32, #tpu.memory_space<vmem>>[vector<16xi32>, vector<16xi32>], vector<16xf32>,
        tpu.vector_store_idx %arg7[%add3A_116, %add3A_9], %gather3A_117 : memref<64x128xf32, #tpu.memory_space<vmem>>[vector<16xi32>, vector<16xi32>], vector<16xf32>,
        tpu.vector_store_idx %arg7[%add3A_120, %add3A_9], %gather3A_121 : memref<64x128xf32, #tpu.memory_space<vmem>>[vector<16xi32>, vector<16xi32>], vector<16xf32>,
        tpu.vector_store_idx %arg7[%add3A_124, %add3A_9], %gather3A_125 : memref<64x128xf32, #tpu.memory_space<vmem>>[vector<16xi32>, vector<16xi32>], vector<16xf32>,
        %add3A_126 = arith.constant 0 : i32
        %add3A_127 = vector.broadcast %add3A_126 : i32 to vector<16xi32>
        %add3A_128 = arith.addi %rem3A_78, %add3A_127 : vector<16xi32>
        %gather3A_129 = tpu.vector_load_idx %arg6[%add3A_12, %add3A_128] : memref<64x64xf32, #tpu.memory_space<vmem>>[vector<16xi32>, vector<16xi32>], vector<16xf32>,
        %add3A_130 = arith.constant 16 : i32
        %add3A_131 = vector.broadcast %add3A_130 : i32 to vector<16xi32>
        %add3A_132 = arith.addi %rem3A_78, %add3A_131 : vector<16xi32>
        %gather3A_133 = tpu.vector_load_idx %arg6[%add3A_12, %add3A_132] : memref<64x64xf32, #tpu.memory_space<vmem>>[vector<16xi32>, vector<16xi32>], vector<16xf32>,
        %add3A_134 = arith.constant 32 : i32
        %add3A_135 = vector.broadcast %add3A_134 : i32 to vector<16xi32>
        %add3A_136 = arith.addi %rem3A_78, %add3A_135 : vector<16xi32>
        %gather3A_137 = tpu.vector_load_idx %arg6[%add3A_12, %add3A_136] : memref<64x64xf32, #tpu.memory_space<vmem>>[vector<16xi32>, vector<16xi32>], vector<16xf32>,
        %add3A_138 = arith.constant 48 : i32
        %add3A_139 = vector.broadcast %add3A_138 : i32 to vector<16xi32>
        %add3A_140 = arith.addi %rem3A_78, %add3A_139 : vector<16xi32>
        %gather3A_141 = tpu.vector_load_idx %arg6[%add3A_12, %add3A_140] : memref<64x64xf32, #tpu.memory_space<vmem>>[vector<16xi32>, vector<16xi32>], vector<16xf32>,
        tpu.vector_store_idx %arg7[%add3A_128, %add3A_12], %gather3A_129 : memref<64x128xf32, #tpu.memory_space<vmem>>[vector<16xi32>, vector<16xi32>], vector<16xf32>,
        tpu.vector_store_idx %arg7[%add3A_132, %add3A_12], %gather3A_133 : memref<64x128xf32, #tpu.memory_space<vmem>>[vector<16xi32>, vector<16xi32>], vector<16xf32>,
        tpu.vector_store_idx %arg7[%add3A_136, %add3A_12], %gather3A_137 : memref<64x128xf32, #tpu.memory_space<vmem>>[vector<16xi32>, vector<16xi32>], vector<16xf32>,
        tpu.vector_store_idx %arg7[%add3A_140, %add3A_12], %gather3A_141 : memref<64x128xf32, #tpu.memory_space<vmem>>[vector<16xi32>, vector<16xi32>], vector<16xf32>,
        %mul3A_142 = arith.constant 2 : i32
        %mul3A_143 = arith.muli %mul3A_142, %add3A_70 : i32
        %add3A_144 = arith.constant 1 : i32
        %add3A_145 = arith.addi %mul3A_143, %add3A_144 : i32
        %add3A_146 = vector.broadcast %add3A_145 : i32 to vector<16xi32>
        %add3A_147 = arith.addi %iota3A, %add3A_146 : vector<16xi32>
        %rem3A_148 = arith.constant 16 : i32
        %rem3A_149 = vector.broadcast %rem3A_148 : i32 to vector<16xi32>
        %rem3A_150 = arith.remsi %add3A_147, %rem3A_149 : vector<16xi32>
        %add3A_151 = arith.constant 0 : i32
        %add3A_152 = vector.broadcast %add3A_151 : i32 to vector<16xi32>
        %add3A_153 = arith.addi %rem3A_150, %add3A_152 : vector<16xi32>
        %gather3A_154 = tpu.vector_load_idx %arg6[%add3A_3, %add3A_153] : memref<64x64xf32, #tpu.memory_space<vmem>>[vector<16xi32>, vector<16xi32>], vector<16xf32>,
        %add3A_155 = arith.constant 16 : i32
        %add3A_156 = vector.broadcast %add3A_155 : i32 to vector<16xi32>
        %add3A_157 = arith.addi %rem3A_150, %add3A_156 : vector<16xi32>
        %gather3A_158 = tpu.vector_load_idx %arg6[%add3A_3, %add3A_157] : memref<64x64xf32, #tpu.memory_space<vmem>>[vector<16xi32>, vector<16xi32>], vector<16xf32>,
        %add3A_159 = arith.constant 32 : i32
        %add3A_160 = vector.broadcast %add3A_159 : i32 to vector<16xi32>
        %add3A_161 = arith.addi %rem3A_150, %add3A_160 : vector<16xi32>
        %gather3A_162 = tpu.vector_load_idx %arg6[%add3A_3, %add3A_161] : memref<64x64xf32, #tpu.memory_space<vmem>>[vector<16xi32>, vector<16xi32>], vector<16xf32>,
        %add3A_163 = arith.constant 48 : i32
        %add3A_164 = vector.broadcast %add3A_163 : i32 to vector<16xi32>
        %add3A_165 = arith.addi %rem3A_150, %add3A_164 : vector<16xi32>
        %gather3A_166 = tpu.vector_load_idx %arg6[%add3A_3, %add3A_165] : memref<64x64xf32, #tpu.memory_space<vmem>>[vector<16xi32>, vector<16xi32>], vector<16xf32>,
        tpu.vector_store_idx %arg7[%add3A_153, %add3A_3], %gather3A_154 : memref<64x128xf32, #tpu.memory_space<vmem>>[vector<16xi32>, vector<16xi32>], vector<16xf32>,
        tpu.vector_store_idx %arg7[%add3A_157, %add3A_3], %gather3A_158 : memref<64x128xf32, #tpu.memory_space<vmem>>[vector<16xi32>, vector<16xi32>], vector<16xf32>,
        tpu.vector_store_idx %arg7[%add3A_161, %add3A_3], %gather3A_162 : memref<64x128xf32, #tpu.memory_space<vmem>>[vector<16xi32>, vector<16xi32>], vector<16xf32>,
        tpu.vector_store_idx %arg7[%add3A_165, %add3A_3], %gather3A_166 : memref<64x128xf32, #tpu.memory_space<vmem>>[vector<16xi32>, vector<16xi32>], vector<16xf32>,
        %add3A_167 = arith.constant 0 : i32
        %add3A_168 = vector.broadcast %add3A_167 : i32 to vector<16xi32>
        %add3A_169 = arith.addi %rem3A_150, %add3A_168 : vector<16xi32>
        %gather3A_170 = tpu.vector_load_idx %arg6[%add3A_6, %add3A_169] : memref<64x64xf32, #tpu.memory_space<vmem>>[vector<16xi32>, vector<16xi32>], vector<16xf32>,
        %add3A_171 = arith.constant 16 : i32
        %add3A_172 = vector.broadcast %add3A_171 : i32 to vector<16xi32>
        %add3A_173 = arith.addi %rem3A_150, %add3A_172 : vector<16xi32>
        %gather3A_174 = tpu.vector_load_idx %arg6[%add3A_6, %add3A_173] : memref<64x64xf32, #tpu.memory_space<vmem>>[vector<16xi32>, vector<16xi32>], vector<16xf32>,
        %add3A_175 = arith.constant 32 : i32
        %add3A_176 = vector.broadcast %add3A_175 : i32 to vector<16xi32>
        %add3A_177 = arith.addi %rem3A_150, %add3A_176 : vector<16xi32>
        %gather3A_178 = tpu.vector_load_idx %arg6[%add3A_6, %add3A_177] : memref<64x64xf32, #tpu.memory_space<vmem>>[vector<16xi32>, vector<16xi32>], vector<16xf32>,
        %add3A_179 = arith.constant 48 : i32
        %add3A_180 = vector.broadcast %add3A_179 : i32 to vector<16xi32>
        %add3A_181 = arith.addi %rem3A_150, %add3A_180 : vector<16xi32>
        %gather3A_182 = tpu.vector_load_idx %arg6[%add3A_6, %add3A_181] : memref<64x64xf32, #tpu.memory_space<vmem>>[vector<16xi32>, vector<16xi32>], vector<16xf32>,
        tpu.vector_store_idx %arg7[%add3A_169, %add3A_6], %gather3A_170 : memref<64x128xf32, #tpu.memory_space<vmem>>[vector<16xi32>, vector<16xi32>], vector<16xf32>,
        tpu.vector_store_idx %arg7[%add3A_173, %add3A_6], %gather3A_174 : memref<64x128xf32, #tpu.memory_space<vmem>>[vector<16xi32>, vector<16xi32>], vector<16xf32>,
        tpu.vector_store_idx %arg7[%add3A_177, %add3A_6], %gather3A_178 : memref<64x128xf32, #tpu.memory_space<vmem>>[vector<16xi32>, vector<16xi32>], vector<16xf32>,
        tpu.vector_store_idx %arg7[%add3A_181, %add3A_6], %gather3A_182 : memref<64x128xf32, #tpu.memory_space<vmem>>[vector<16xi32>, vector<16xi32>], vector<16xf32>,
        %add3A_183 = arith.constant 0 : i32
        %add3A_184 = vector.broadcast %add3A_183 : i32 to vector<16xi32>
        %add3A_185 = arith.addi %rem3A_150, %add3A_184 : vector<16xi32>
        %gather3A_186 = tpu.vector_load_idx %arg6[%add3A_9, %add3A_185] : memref<64x64xf32, #tpu.memory_space<vmem>>[vector<16xi32>, vector<16xi32>], vector<16xf32>,
        %add3A_187 = arith.constant 16 : i32
        %add3A_188 = vector.broadcast %add3A_187 : i32 to vector<16xi32>
        %add3A_189 = arith.addi %rem3A_150, %add3A_188 : vector<16xi32>
        %gather3A_190 = tpu.vector_load_idx %arg6[%add3A_9, %add3A_189] : memref<64x64xf32, #tpu.memory_space<vmem>>[vector<16xi32>, vector<16xi32>], vector<16xf32>,
        %add3A_191 = arith.constant 32 : i32
        %add3A_192 = vector.broadcast %add3A_191 : i32 to vector<16xi32>
        %add3A_193 = arith.addi %rem3A_150, %add3A_192 : vector<16xi32>
        %gather3A_194 = tpu.vector_load_idx %arg6[%add3A_9, %add3A_193] : memref<64x64xf32, #tpu.memory_space<vmem>>[vector<16xi32>, vector<16xi32>], vector<16xf32>,
        %add3A_195 = arith.constant 48 : i32
        %add3A_196 = vector.broadcast %add3A_195 : i32 to vector<16xi32>
        %add3A_197 = arith.addi %rem3A_150, %add3A_196 : vector<16xi32>
        %gather3A_198 = tpu.vector_load_idx %arg6[%add3A_9, %add3A_197] : memref<64x64xf32, #tpu.memory_space<vmem>>[vector<16xi32>, vector<16xi32>], vector<16xf32>,
        tpu.vector_store_idx %arg7[%add3A_185, %add3A_9], %gather3A_186 : memref<64x128xf32, #tpu.memory_space<vmem>>[vector<16xi32>, vector<16xi32>], vector<16xf32>,
        tpu.vector_store_idx %arg7[%add3A_189, %add3A_9], %gather3A_190 : memref<64x128xf32, #tpu.memory_space<vmem>>[vector<16xi32>, vector<16xi32>], vector<16xf32>,
        tpu.vector_store_idx %arg7[%add3A_193, %add3A_9], %gather3A_194 : memref<64x128xf32, #tpu.memory_space<vmem>>[vector<16xi32>, vector<16xi32>], vector<16xf32>,
        tpu.vector_store_idx %arg7[%add3A_197, %add3A_9], %gather3A_198 : memref<64x128xf32, #tpu.memory_space<vmem>>[vector<16xi32>, vector<16xi32>], vector<16xf32>,
        %add3A_199 = arith.constant 0 : i32
        %add3A_200 = vector.broadcast %add3A_199 : i32 to vector<16xi32>
        %add3A_201 = arith.addi %rem3A_150, %add3A_200 : vector<16xi32>
        %gather3A_202 = tpu.vector_load_idx %arg6[%add3A_12, %add3A_201] : memref<64x64xf32, #tpu.memory_space<vmem>>[vector<16xi32>, vector<16xi32>], vector<16xf32>,
        %add3A_203 = arith.constant 16 : i32
        %add3A_204 = vector.broadcast %add3A_203 : i32 to vector<16xi32>
        %add3A_205 = arith.addi %rem3A_150, %add3A_204 : vector<16xi32>
        %gather3A_206 = tpu.vector_load_idx %arg6[%add3A_12, %add3A_205] : memref<64x64xf32, #tpu.memory_space<vmem>>[vector<16xi32>, vector<16xi32>], vector<16xf32>,
        %add3A_207 = arith.constant 32 : i32
        %add3A_208 = vector.broadcast %add3A_207 : i32 to vector<16xi32>
        %add3A_209 = arith.addi %rem3A_150, %add3A_208 : vector<16xi32>
        %gather3A_210 = tpu.vector_load_idx %arg6[%add3A_12, %add3A_209] : memref<64x64xf32, #tpu.memory_space<vmem>>[vector<16xi32>, vector<16xi32>], vector<16xf32>,
        %add3A_211 = arith.constant 48 : i32
        %add3A_212 = vector.broadcast %add3A_211 : i32 to vector<16xi32>
        %add3A_213 = arith.addi %rem3A_150, %add3A_212 : vector<16xi32>
        %gather3A_214 = tpu.vector_load_idx %arg6[%add3A_12, %add3A_213] : memref<64x64xf32, #tpu.memory_space<vmem>>[vector<16xi32>, vector<16xi32>], vector<16xf32>,
        tpu.vector_store_idx %arg7[%add3A_201, %add3A_12], %gather3A_202 : memref<64x128xf32, #tpu.memory_space<vmem>>[vector<16xi32>, vector<16xi32>], vector<16xf32>,
        tpu.vector_store_idx %arg7[%add3A_205, %add3A_12], %gather3A_206 : memref<64x128xf32, #tpu.memory_space<vmem>>[vector<16xi32>, vector<16xi32>], vector<16xf32>,
        tpu.vector_store_idx %arg7[%add3A_209, %add3A_12], %gather3A_210 : memref<64x128xf32, #tpu.memory_space<vmem>>[vector<16xi32>, vector<16xi32>], vector<16xf32>,
        tpu.vector_store_idx %arg7[%add3A_213, %add3A_12], %gather3A_214 : memref<64x128xf32, #tpu.memory_space<vmem>>[vector<16xi32>, vector<16xi32>], vector<16xf32>,
      }
      %scan3A_65 = arith.constant 8 : i32
      "tpu.region"() ({
        %run_scoped3A = tpu.sem_alloc : memref<!tpu.dma_semaphore, #tpu.memory_space<semaphore_mem>>
        %dma_start3A_66 = arith.constant 999936 : i32
        %dma_start3A_67 = arith.constant 0 : i32
        %dma_start3A_68 = tpu.memref_slice %arg3[%dma_start3A_66, %dma_start3A_67] : memref<1000000x128xf32, #tpu.memory_space<hbm>> -> memref<64x128xf32, #tpu.memory_space<hbm>>
        %dma_start3A_69 = arith.constant 999936 : i32
        %dma_start3A_70 = arith.constant 0 : i32
        %dma_start3A_71 = tpu.memref_slice %arg3[%dma_start3A_69, %dma_start3A_70] : memref<1000000x128xf32, #tpu.memory_space<hbm>> -> memref<64x128xf32, #tpu.memory_space<hbm>>
        tpu.enqueue_dma source(%arg7 : memref<64x128xf32, #tpu.memory_space<vmem>>) target(%dma_start3A_71 : memref<64x128xf32, #tpu.memory_space<hbm>>) target_semaphore(%run_scoped3A : memref<!tpu.dma_semaphore, #tpu.memory_space<semaphore_mem>>)
        %dma_wait3A_72 = arith.constant 999936 : i32
        %dma_wait3A_73 = arith.constant 0 : i32
        %dma_wait3A_74 = tpu.memref_slice %arg3[%dma_wait3A_72, %dma_wait3A_73] : memref<1000000x128xf32, #tpu.memory_space<hbm>> -> memref<64x128xf32, #tpu.memory_space<hbm>>
        %dma_wait3A_75 = arith.constant 999936 : i32
        %dma_wait3A_76 = arith.constant 0 : i32
        %dma_wait3A_77 = tpu.memref_slice %arg3[%dma_wait3A_75, %dma_wait3A_76] : memref<1000000x128xf32, #tpu.memory_space<hbm>> -> memref<64x128xf32, #tpu.memory_space<hbm>>
        tpu.wait_dma2 semaphore(%run_scoped3A : memref<!tpu.dma_semaphore, #tpu.memory_space<semaphore_mem>>) src(%arg7 : memref<64x128xf32, #tpu.memory_space<vmem>>) dst(%dma_wait3A_77 : memref<64x128xf32, #tpu.memory_space<hbm>>)
        tpu.yield
      }) : () -> ()
    } else {
    }
    return
  }
}

#map = affine_map<(d0, d1) -> (0, 0)>
#map1 = affine_map<(d0, d1) -> (0, 0, 0)>
module attributes {stable_mosaic.version = 14 : i64} {
  func.func @_emb_body(%arg0: i32, %arg1: i32, %arg2: memref<50x4096xi32, #tpu.memory_space<hbm>>, %arg3: memref<1000000x128xf32, #tpu.memory_space<hbm>>, %arg4: memref<4096x50x128xf32, #tpu.memory_space<hbm>>, %arg5: memref<50x128xi32, #tpu.memory_space<vmem>>, %arg6: memref<2x128x128xf32, #tpu.memory_space<vmem>>, %arg7: memref<2x!tpu.dma_semaphore, #tpu.memory_space<semaphore_mem>>, %arg8: memref<2x!tpu.dma_semaphore, #tpu.memory_space<semaphore_mem>>) attributes {dimension_semantics = [#tpu.dimension_semantics<core_parallel>, #tpu.dimension_semantics<subcore_parallel>], iteration_bounds = array<i64: 2, 16>, scalar_prefetch = 0 : i64, scratch_operands = 4 : i64, tpu.core_type = #tpu.core_type<sc_vector_subcore>, window_params = [{transform_indices = #map}, {transform_indices = #map}, {transform_indices = #map1}]} {
    %mul3A = arith.constant 2 : i32
    %mul3A_0 = arith.muli %arg1, %mul3A : i32
    %add3A = arith.addi %mul3A_0, %arg0 : i32
    %mul3A_1 = arith.constant 128 : i32
    %mul3A_2 = arith.muli %add3A, %mul3A_1 : i32
    "tpu.region"() ({
      %run_scoped3A = tpu.sem_alloc : memref<!tpu.dma_semaphore, #tpu.memory_space<semaphore_mem>>
      %dma_start3A_58 = arith.constant 0 : i32
      %dma_start3A_59 = tpu.memref_slice %arg2[%dma_start3A_58, %mul3A_2] : memref<50x4096xi32, #tpu.memory_space<hbm>> -> memref<50x128xi32, #tpu.memory_space<hbm>>
      %dma_start3A_60 = arith.constant 0 : i32
      %dma_start3A_61 = tpu.memref_slice %arg2[%dma_start3A_60, %mul3A_2] : memref<50x4096xi32, #tpu.memory_space<hbm>> -> memref<50x128xi32, #tpu.memory_space<hbm>>
      tpu.enqueue_dma source(%dma_start3A_61 : memref<50x128xi32, #tpu.memory_space<hbm>>) target(%arg5 : memref<50x128xi32, #tpu.memory_space<vmem>>) target_semaphore(%run_scoped3A : memref<!tpu.dma_semaphore, #tpu.memory_space<semaphore_mem>>)
      %dma_wait3A_62 = arith.constant 0 : i32
      %dma_wait3A_63 = tpu.memref_slice %arg2[%dma_wait3A_62, %mul3A_2] : memref<50x4096xi32, #tpu.memory_space<hbm>> -> memref<50x128xi32, #tpu.memory_space<hbm>>
      %dma_wait3A_64 = arith.constant 0 : i32
      %dma_wait3A_65 = tpu.memref_slice %arg2[%dma_wait3A_64, %mul3A_2] : memref<50x4096xi32, #tpu.memory_space<hbm>> -> memref<50x128xi32, #tpu.memory_space<hbm>>
      tpu.wait_dma2 semaphore(%run_scoped3A : memref<!tpu.dma_semaphore, #tpu.memory_space<semaphore_mem>>) src(%dma_wait3A_65 : memref<50x128xi32, #tpu.memory_space<hbm>>) dst(%arg5 : memref<50x128xi32, #tpu.memory_space<vmem>>)
      tpu.yield
    }) : () -> ()
    %dma_start3A = arith.constant 0 : i32
    %dma_start3A_3 = arith.constant 0 : i32
    %dma_start3A_4 = arith.constant 0 : i32
    %dma_start3A_5 = arith.constant 0 : i32
    %dma_start3A_6 = arith.constant 0 : i32
    %dma_start3A_7 = tpu.memref_slice %arg6[%dma_start3A_3, %dma_start3A_5, %dma_start3A_6] : memref<2x128x128xf32, #tpu.memory_space<vmem>> -> memref<1x128x128xf32, #tpu.memory_space<vmem>>
    %dma_start3A_8 = tpu.memref_squeeze %dma_start3A_7 : memref<1x128x128xf32, #tpu.memory_space<vmem>> -> memref<128x128xf32, #tpu.memory_space<vmem>>
    %dma_start3A_9 = arith.constant 0 : i32
    %dma_start3A_10 = tpu.memref_slice %arg5[%dma_start3A, %dma_start3A_9] : memref<50x128xi32, #tpu.memory_space<vmem>> -> memref<1x128xi32, #tpu.memory_space<vmem>>
    %dma_start3A_11 = tpu.memref_squeeze %dma_start3A_10 : memref<1x128xi32, #tpu.memory_space<vmem>> -> memref<128xi32, #tpu.memory_space<vmem>>
    %dma_start3A_12 = arith.constant 0 : i32
    %dma_start3A_13 = arith.constant 0 : i32
    %dma_start3A_14 = tpu.memref_slice %arg3[%dma_start3A_12, %dma_start3A_13] : memref<1000000x128xf32, #tpu.memory_space<hbm>> -> memref<1000000x128xf32, #tpu.memory_space<hbm>>
    %dma_start3A_15 = tpu.memref_slice %arg7[%dma_start3A_4] : memref<2x!tpu.dma_semaphore, #tpu.memory_space<semaphore_mem>> -> memref<1x!tpu.dma_semaphore, #tpu.memory_space<semaphore_mem>>
    %dma_start3A_16 = tpu.memref_squeeze %dma_start3A_15 : memref<1x!tpu.dma_semaphore, #tpu.memory_space<semaphore_mem>> -> memref<!tpu.dma_semaphore, #tpu.memory_space<semaphore_mem>>
    tpu.enqueue_indirect_dma source(%dma_start3A_14 : memref<1000000x128xf32, #tpu.memory_space<hbm>>) target(%dma_start3A_8 : memref<128x128xf32, #tpu.memory_space<vmem>>) offsets(%dma_start3A_11 : memref<128xi32, #tpu.memory_space<vmem>>) semaphore(%dma_start3A_16 : memref<!tpu.dma_semaphore, #tpu.memory_space<semaphore_mem>>)
    %scan3A = arith.constant 0 : i32
    %scan3A_17 = arith.constant 25 : i32
    %scan3A_18 = arith.addi %scan3A, %scan3A_17 : i32
    %scan3A_19 = arith.constant 1 : i32
    scf.for %scan3A_58 = %scan3A to %scan3A_18 step %scan3A_19  : i32 {
      %mul3A_59 = arith.constant 1 : i32
      %mul3A_60 = arith.muli %scan3A_58, %mul3A_59 : i32
      %add3A_61 = arith.constant 0 : i32
      %add3A_62 = arith.addi %add3A_61, %mul3A_60 : i32
      %mul3A_63 = arith.constant 2 : i32
      %mul3A_64 = arith.muli %mul3A_63, %add3A_62 : i32
      %add3A_65 = arith.constant 0 : i32
      %add3A_66 = arith.addi %mul3A_64, %add3A_65 : i32
      %dma_wait3A_67 = arith.constant 0 : i32
      %dma_wait3A_68 = arith.constant 0 : i32
      %dma_wait3A_69 = arith.constant 0 : i32
      %dma_wait3A_70 = arith.constant 0 : i32
      %dma_wait3A_71 = tpu.memref_slice %arg6[%dma_wait3A_67, %dma_wait3A_69, %dma_wait3A_70] : memref<2x128x128xf32, #tpu.memory_space<vmem>> -> memref<1x128x128xf32, #tpu.memory_space<vmem>>
      %dma_wait3A_72 = tpu.memref_squeeze %dma_wait3A_71 : memref<1x128x128xf32, #tpu.memory_space<vmem>> -> memref<128x128xf32, #tpu.memory_space<vmem>>
      %dma_wait3A_73 = arith.constant 0 : i32
      %dma_wait3A_74 = tpu.memref_slice %arg5[%add3A_66, %dma_wait3A_73] : memref<50x128xi32, #tpu.memory_space<vmem>> -> memref<1x128xi32, #tpu.memory_space<vmem>>
      %dma_wait3A_75 = tpu.memref_squeeze %dma_wait3A_74 : memref<1x128xi32, #tpu.memory_space<vmem>> -> memref<128xi32, #tpu.memory_space<vmem>>
      %dma_wait3A_76 = arith.constant 0 : i32
      %dma_wait3A_77 = arith.constant 0 : i32
      %dma_wait3A_78 = tpu.memref_slice %arg3[%dma_wait3A_76, %dma_wait3A_77] : memref<1000000x128xf32, #tpu.memory_space<hbm>> -> memref<1000000x128xf32, #tpu.memory_space<hbm>>
      %dma_wait3A_79 = tpu.memref_slice %arg7[%dma_wait3A_68] : memref<2x!tpu.dma_semaphore, #tpu.memory_space<semaphore_mem>> -> memref<1x!tpu.dma_semaphore, #tpu.memory_space<semaphore_mem>>
      %dma_wait3A_80 = tpu.memref_squeeze %dma_wait3A_79 : memref<1x!tpu.dma_semaphore, #tpu.memory_space<semaphore_mem>> -> memref<!tpu.dma_semaphore, #tpu.memory_space<semaphore_mem>>
      tpu.wait_indirect_dma semaphore(%dma_wait3A_80 : memref<!tpu.dma_semaphore, #tpu.memory_space<semaphore_mem>>) src(%dma_wait3A_78 : memref<1000000x128xf32, #tpu.memory_space<hbm>>) dst(%dma_wait3A_72 : memref<128x128xf32, #tpu.memory_space<vmem>>)
      %ge3A = arith.constant 1 : i32
      %ge3A_81 = arith.cmpi sge, %add3A_66, %ge3A : i32
      %convert_element_type3A = arith.extui %ge3A_81 : i1 to i32
      %cond3A = arith.constant 0 : i32
      %cond3A_82 = arith.cmpi ne, %convert_element_type3A, %cond3A : i32
      scf.if %cond3A_82 {
        %sub3A = arith.constant 1 : i32
        %sub3A_157 = arith.subi %add3A_66, %sub3A : i32
        %dma_wait3A_158 = arith.constant 1 : i32
        %dma_wait3A_159 = arith.constant 1 : i32
        %dma_wait3A_160 = arith.constant 0 : i32
        %dma_wait3A_161 = arith.constant 0 : i32
        %dma_wait3A_162 = tpu.memref_slice %arg6[%dma_wait3A_158, %dma_wait3A_160, %dma_wait3A_161] : memref<2x128x128xf32, #tpu.memory_space<vmem>> -> memref<1x128x128xf32, #tpu.memory_space<vmem>>
        %dma_wait3A_163 = tpu.memref_squeeze %dma_wait3A_162 : memref<1x128x128xf32, #tpu.memory_space<vmem>> -> memref<128x128xf32, #tpu.memory_space<vmem>>
        %dma_wait3A_164 = arith.constant 0 : i32
        %dma_wait3A_165 = tpu.memref_slice %arg4[%mul3A_2, %sub3A_157, %dma_wait3A_164] : memref<4096x50x128xf32, #tpu.memory_space<hbm>> -> memref<128x1x128xf32, #tpu.memory_space<hbm>>
        %dma_wait3A_166 = tpu.memref_squeeze %dma_wait3A_165 : memref<128x1x128xf32, #tpu.memory_space<hbm>> -> memref<128x128xf32, #tpu.memory_space<hbm>>
        %dma_wait3A_167 = tpu.memref_slice %arg8[%dma_wait3A_159] : memref<2x!tpu.dma_semaphore, #tpu.memory_space<semaphore_mem>> -> memref<1x!tpu.dma_semaphore, #tpu.memory_space<semaphore_mem>>
        %dma_wait3A_168 = tpu.memref_squeeze %dma_wait3A_167 : memref<1x!tpu.dma_semaphore, #tpu.memory_space<semaphore_mem>> -> memref<!tpu.dma_semaphore, #tpu.memory_space<semaphore_mem>>
        %dma_wait3A_169 = arith.constant 0 : i32
        %dma_wait3A_170 = tpu.memref_slice %arg4[%mul3A_2, %sub3A_157, %dma_wait3A_169] : memref<4096x50x128xf32, #tpu.memory_space<hbm>> -> memref<128x1x128xf32, #tpu.memory_space<hbm>>
        %dma_wait3A_171 = tpu.memref_squeeze %dma_wait3A_170 : memref<128x1x128xf32, #tpu.memory_space<hbm>> -> memref<128x128xf32, #tpu.memory_space<hbm>>
        %dma_wait3A_172 = arith.constant 0 : i32
        %dma_wait3A_173 = arith.constant 0 : i32
        %dma_wait3A_174 = tpu.memref_slice %arg6[%dma_wait3A_158, %dma_wait3A_172, %dma_wait3A_173] : memref<2x128x128xf32, #tpu.memory_space<vmem>> -> memref<1x128x128xf32, #tpu.memory_space<vmem>>
        %dma_wait3A_175 = tpu.memref_squeeze %dma_wait3A_174 : memref<1x128x128xf32, #tpu.memory_space<vmem>> -> memref<128x128xf32, #tpu.memory_space<vmem>>
        tpu.wait_dma2 semaphore(%dma_wait3A_168 : memref<!tpu.dma_semaphore, #tpu.memory_space<semaphore_mem>>) src(%dma_wait3A_175 : memref<128x128xf32, #tpu.memory_space<vmem>>) dst(%dma_wait3A_171 : memref<128x128xf32, #tpu.memory_space<hbm>>)
      } else {
      }
      %add3A_83 = arith.constant 1 : i32
      %add3A_84 = arith.addi %add3A_66, %add3A_83 : i32
      %dma_start3A_85 = arith.constant 1 : i32
      %dma_start3A_86 = arith.constant 1 : i32
      %dma_start3A_87 = arith.constant 0 : i32
      %dma_start3A_88 = arith.constant 0 : i32
      %dma_start3A_89 = tpu.memref_slice %arg6[%dma_start3A_85, %dma_start3A_87, %dma_start3A_88] : memref<2x128x128xf32, #tpu.memory_space<vmem>> -> memref<1x128x128xf32, #tpu.memory_space<vmem>>
      %dma_start3A_90 = tpu.memref_squeeze %dma_start3A_89 : memref<1x128x128xf32, #tpu.memory_space<vmem>> -> memref<128x128xf32, #tpu.memory_space<vmem>>
      %dma_start3A_91 = arith.constant 0 : i32
      %dma_start3A_92 = tpu.memref_slice %arg5[%add3A_84, %dma_start3A_91] : memref<50x128xi32, #tpu.memory_space<vmem>> -> memref<1x128xi32, #tpu.memory_space<vmem>>
      %dma_start3A_93 = tpu.memref_squeeze %dma_start3A_92 : memref<1x128xi32, #tpu.memory_space<vmem>> -> memref<128xi32, #tpu.memory_space<vmem>>
      %dma_start3A_94 = arith.constant 0 : i32
      %dma_start3A_95 = arith.constant 0 : i32
      %dma_start3A_96 = tpu.memref_slice %arg3[%dma_start3A_94, %dma_start3A_95] : memref<1000000x128xf32, #tpu.memory_space<hbm>> -> memref<1000000x128xf32, #tpu.memory_space<hbm>>
      %dma_start3A_97 = tpu.memref_slice %arg7[%dma_start3A_86] : memref<2x!tpu.dma_semaphore, #tpu.memory_space<semaphore_mem>> -> memref<1x!tpu.dma_semaphore, #tpu.memory_space<semaphore_mem>>
      %dma_start3A_98 = tpu.memref_squeeze %dma_start3A_97 : memref<1x!tpu.dma_semaphore, #tpu.memory_space<semaphore_mem>> -> memref<!tpu.dma_semaphore, #tpu.memory_space<semaphore_mem>>
      tpu.enqueue_indirect_dma source(%dma_start3A_96 : memref<1000000x128xf32, #tpu.memory_space<hbm>>) target(%dma_start3A_90 : memref<128x128xf32, #tpu.memory_space<vmem>>) offsets(%dma_start3A_93 : memref<128xi32, #tpu.memory_space<vmem>>) semaphore(%dma_start3A_98 : memref<!tpu.dma_semaphore, #tpu.memory_space<semaphore_mem>>)
      %dma_start3A_99 = arith.constant 0 : i32
      %dma_start3A_100 = arith.constant 0 : i32
      %dma_start3A_101 = arith.constant 0 : i32
      %dma_start3A_102 = arith.constant 0 : i32
      %dma_start3A_103 = tpu.memref_slice %arg6[%dma_start3A_99, %dma_start3A_101, %dma_start3A_102] : memref<2x128x128xf32, #tpu.memory_space<vmem>> -> memref<1x128x128xf32, #tpu.memory_space<vmem>>
      %dma_start3A_104 = tpu.memref_squeeze %dma_start3A_103 : memref<1x128x128xf32, #tpu.memory_space<vmem>> -> memref<128x128xf32, #tpu.memory_space<vmem>>
      %dma_start3A_105 = arith.constant 0 : i32
      %dma_start3A_106 = tpu.memref_slice %arg4[%mul3A_2, %add3A_66, %dma_start3A_105] : memref<4096x50x128xf32, #tpu.memory_space<hbm>> -> memref<128x1x128xf32, #tpu.memory_space<hbm>>
      %dma_start3A_107 = tpu.memref_squeeze %dma_start3A_106 : memref<128x1x128xf32, #tpu.memory_space<hbm>> -> memref<128x128xf32, #tpu.memory_space<hbm>>
      %dma_start3A_108 = tpu.memref_slice %arg8[%dma_start3A_100] : memref<2x!tpu.dma_semaphore, #tpu.memory_space<semaphore_mem>> -> memref<1x!tpu.dma_semaphore, #tpu.memory_space<semaphore_mem>>
      %dma_start3A_109 = tpu.memref_squeeze %dma_start3A_108 : memref<1x!tpu.dma_semaphore, #tpu.memory_space<semaphore_mem>> -> memref<!tpu.dma_semaphore, #tpu.memory_space<semaphore_mem>>
      %dma_start3A_110 = arith.constant 0 : i32
      %dma_start3A_111 = tpu.memref_slice %arg4[%mul3A_2, %add3A_66, %dma_start3A_110] : memref<4096x50x128xf32, #tpu.memory_space<hbm>> -> memref<128x1x128xf32, #tpu.memory_space<hbm>>
      %dma_start3A_112 = tpu.memref_squeeze %dma_start3A_111 : memref<128x1x128xf32, #tpu.memory_space<hbm>> -> memref<128x128xf32, #tpu.memory_space<hbm>>
      %dma_start3A_113 = arith.constant 0 : i32
      %dma_start3A_114 = arith.constant 0 : i32
      %dma_start3A_115 = tpu.memref_slice %arg6[%dma_start3A_99, %dma_start3A_113, %dma_start3A_114] : memref<2x128x128xf32, #tpu.memory_space<vmem>> -> memref<1x128x128xf32, #tpu.memory_space<vmem>>
      %dma_start3A_116 = tpu.memref_squeeze %dma_start3A_115 : memref<1x128x128xf32, #tpu.memory_space<vmem>> -> memref<128x128xf32, #tpu.memory_space<vmem>>
      tpu.enqueue_dma source(%dma_start3A_116 : memref<128x128xf32, #tpu.memory_space<vmem>>) target(%dma_start3A_112 : memref<128x128xf32, #tpu.memory_space<hbm>>) target_semaphore(%dma_start3A_109 : memref<!tpu.dma_semaphore, #tpu.memory_space<semaphore_mem>>)
      %mul3A_117 = arith.constant 2 : i32
      %mul3A_118 = arith.muli %mul3A_117, %add3A_62 : i32
      %add3A_119 = arith.constant 1 : i32
      %add3A_120 = arith.addi %mul3A_118, %add3A_119 : i32
      %dma_wait3A_121 = arith.constant 1 : i32
      %dma_wait3A_122 = arith.constant 1 : i32
      %dma_wait3A_123 = arith.constant 0 : i32
      %dma_wait3A_124 = arith.constant 0 : i32
      %dma_wait3A_125 = tpu.memref_slice %arg6[%dma_wait3A_121, %dma_wait3A_123, %dma_wait3A_124] : memref<2x128x128xf32, #tpu.memory_space<vmem>> -> memref<1x128x128xf32, #tpu.memory_space<vmem>>
      %dma_wait3A_126 = tpu.memref_squeeze %dma_wait3A_125 : memref<1x128x128xf32, #tpu.memory_space<vmem>> -> memref<128x128xf32, #tpu.memory_space<vmem>>
      %dma_wait3A_127 = arith.constant 0 : i32
      %dma_wait3A_128 = tpu.memref_slice %arg5[%add3A_120, %dma_wait3A_127] : memref<50x128xi32, #tpu.memory_space<vmem>> -> memref<1x128xi32, #tpu.memory_space<vmem>>
      %dma_wait3A_129 = tpu.memref_squeeze %dma_wait3A_128 : memref<1x128xi32, #tpu.memory_space<vmem>> -> memref<128xi32, #tpu.memory_space<vmem>>
      %dma_wait3A_130 = arith.constant 0 : i32
      %dma_wait3A_131 = arith.constant 0 : i32
      %dma_wait3A_132 = tpu.memref_slice %arg3[%dma_wait3A_130, %dma_wait3A_131] : memref<1000000x128xf32, #tpu.memory_space<hbm>> -> memref<1000000x128xf32, #tpu.memory_space<hbm>>
      %dma_wait3A_133 = tpu.memref_slice %arg7[%dma_wait3A_122] : memref<2x!tpu.dma_semaphore, #tpu.memory_space<semaphore_mem>> -> memref<1x!tpu.dma_semaphore, #tpu.memory_space<semaphore_mem>>
      %dma_wait3A_134 = tpu.memref_squeeze %dma_wait3A_133 : memref<1x!tpu.dma_semaphore, #tpu.memory_space<semaphore_mem>> -> memref<!tpu.dma_semaphore, #tpu.memory_space<semaphore_mem>>
      tpu.wait_indirect_dma semaphore(%dma_wait3A_134 : memref<!tpu.dma_semaphore, #tpu.memory_space<semaphore_mem>>) src(%dma_wait3A_132 : memref<1000000x128xf32, #tpu.memory_space<hbm>>) dst(%dma_wait3A_126 : memref<128x128xf32, #tpu.memory_space<vmem>>)
      %lt3A = arith.constant 24 : i32
      %lt3A_135 = arith.cmpi slt, %add3A_62, %lt3A : i32
      %convert_element_type3A_136 = arith.extui %lt3A_135 : i1 to i32
      %cond3A_137 = arith.constant 0 : i32
      %cond3A_138 = arith.cmpi ne, %convert_element_type3A_136, %cond3A_137 : i32
      scf.if %cond3A_138 {
        %ge3A_157 = arith.constant 1 : i32
        %ge3A_158 = arith.cmpi sge, %add3A_120, %ge3A_157 : i32
        %convert_element_type3A_159 = arith.extui %ge3A_158 : i1 to i32
        %cond3A_160 = arith.constant 0 : i32
        %cond3A_161 = arith.cmpi ne, %convert_element_type3A_159, %cond3A_160 : i32
        scf.if %cond3A_161 {
          %sub3A = arith.constant 1 : i32
          %sub3A_178 = arith.subi %add3A_120, %sub3A : i32
          %dma_wait3A_179 = arith.constant 0 : i32
          %dma_wait3A_180 = arith.constant 0 : i32
          %dma_wait3A_181 = arith.constant 0 : i32
          %dma_wait3A_182 = arith.constant 0 : i32
          %dma_wait3A_183 = tpu.memref_slice %arg6[%dma_wait3A_179, %dma_wait3A_181, %dma_wait3A_182] : memref<2x128x128xf32, #tpu.memory_space<vmem>> -> memref<1x128x128xf32, #tpu.memory_space<vmem>>
          %dma_wait3A_184 = tpu.memref_squeeze %dma_wait3A_183 : memref<1x128x128xf32, #tpu.memory_space<vmem>> -> memref<128x128xf32, #tpu.memory_space<vmem>>
          %dma_wait3A_185 = arith.constant 0 : i32
          %dma_wait3A_186 = tpu.memref_slice %arg4[%mul3A_2, %sub3A_178, %dma_wait3A_185] : memref<4096x50x128xf32, #tpu.memory_space<hbm>> -> memref<128x1x128xf32, #tpu.memory_space<hbm>>
          %dma_wait3A_187 = tpu.memref_squeeze %dma_wait3A_186 : memref<128x1x128xf32, #tpu.memory_space<hbm>> -> memref<128x128xf32, #tpu.memory_space<hbm>>
          %dma_wait3A_188 = tpu.memref_slice %arg8[%dma_wait3A_180] : memref<2x!tpu.dma_semaphore, #tpu.memory_space<semaphore_mem>> -> memref<1x!tpu.dma_semaphore, #tpu.memory_space<semaphore_mem>>
          %dma_wait3A_189 = tpu.memref_squeeze %dma_wait3A_188 : memref<1x!tpu.dma_semaphore, #tpu.memory_space<semaphore_mem>> -> memref<!tpu.dma_semaphore, #tpu.memory_space<semaphore_mem>>
          %dma_wait3A_190 = arith.constant 0 : i32
          %dma_wait3A_191 = tpu.memref_slice %arg4[%mul3A_2, %sub3A_178, %dma_wait3A_190] : memref<4096x50x128xf32, #tpu.memory_space<hbm>> -> memref<128x1x128xf32, #tpu.memory_space<hbm>>
          %dma_wait3A_192 = tpu.memref_squeeze %dma_wait3A_191 : memref<128x1x128xf32, #tpu.memory_space<hbm>> -> memref<128x128xf32, #tpu.memory_space<hbm>>
          %dma_wait3A_193 = arith.constant 0 : i32
          %dma_wait3A_194 = arith.constant 0 : i32
          %dma_wait3A_195 = tpu.memref_slice %arg6[%dma_wait3A_179, %dma_wait3A_193, %dma_wait3A_194] : memref<2x128x128xf32, #tpu.memory_space<vmem>> -> memref<1x128x128xf32, #tpu.memory_space<vmem>>
          %dma_wait3A_196 = tpu.memref_squeeze %dma_wait3A_195 : memref<1x128x128xf32, #tpu.memory_space<vmem>> -> memref<128x128xf32, #tpu.memory_space<vmem>>
          tpu.wait_dma2 semaphore(%dma_wait3A_189 : memref<!tpu.dma_semaphore, #tpu.memory_space<semaphore_mem>>) src(%dma_wait3A_196 : memref<128x128xf32, #tpu.memory_space<vmem>>) dst(%dma_wait3A_192 : memref<128x128xf32, #tpu.memory_space<hbm>>)
        } else {
        }
        %add3A_162 = arith.constant 1 : i32
        %add3A_163 = arith.addi %add3A_120, %add3A_162 : i32
        %dma_start3A_164 = arith.constant 0 : i32
        %dma_start3A_165 = arith.constant 0 : i32
        %dma_start3A_166 = arith.constant 0 : i32
        %dma_start3A_167 = arith.constant 0 : i32
        %dma_start3A_168 = tpu.memref_slice %arg6[%dma_start3A_164, %dma_start3A_166, %dma_start3A_167] : memref<2x128x128xf32, #tpu.memory_space<vmem>> -> memref<1x128x128xf32, #tpu.memory_space<vmem>>
        %dma_start3A_169 = tpu.memref_squeeze %dma_start3A_168 : memref<1x128x128xf32, #tpu.memory_space<vmem>> -> memref<128x128xf32, #tpu.memory_space<vmem>>
        %dma_start3A_170 = arith.constant 0 : i32
        %dma_start3A_171 = tpu.memref_slice %arg5[%add3A_163, %dma_start3A_170] : memref<50x128xi32, #tpu.memory_space<vmem>> -> memref<1x128xi32, #tpu.memory_space<vmem>>
        %dma_start3A_172 = tpu.memref_squeeze %dma_start3A_171 : memref<1x128xi32, #tpu.memory_space<vmem>> -> memref<128xi32, #tpu.memory_space<vmem>>
        %dma_start3A_173 = arith.constant 0 : i32
        %dma_start3A_174 = arith.constant 0 : i32
        %dma_start3A_175 = tpu.memref_slice %arg3[%dma_start3A_173, %dma_start3A_174] : memref<1000000x128xf32, #tpu.memory_space<hbm>> -> memref<1000000x128xf32, #tpu.memory_space<hbm>>
        %dma_start3A_176 = tpu.memref_slice %arg7[%dma_start3A_165] : memref<2x!tpu.dma_semaphore, #tpu.memory_space<semaphore_mem>> -> memref<1x!tpu.dma_semaphore, #tpu.memory_space<semaphore_mem>>
        %dma_start3A_177 = tpu.memref_squeeze %dma_start3A_176 : memref<1x!tpu.dma_semaphore, #tpu.memory_space<semaphore_mem>> -> memref<!tpu.dma_semaphore, #tpu.memory_space<semaphore_mem>>
        tpu.enqueue_indirect_dma source(%dma_start3A_175 : memref<1000000x128xf32, #tpu.memory_space<hbm>>) target(%dma_start3A_169 : memref<128x128xf32, #tpu.memory_space<vmem>>) offsets(%dma_start3A_172 : memref<128xi32, #tpu.memory_space<vmem>>) semaphore(%dma_start3A_177 : memref<!tpu.dma_semaphore, #tpu.memory_space<semaphore_mem>>)
      } else {
      }
      %dma_start3A_139 = arith.constant 1 : i32
      %dma_start3A_140 = arith.constant 1 : i32
      %dma_start3A_141 = arith.constant 0 : i32
      %dma_start3A_142 = arith.constant 0 : i32
      %dma_start3A_143 = tpu.memref_slice %arg6[%dma_start3A_139, %dma_start3A_141, %dma_start3A_142] : memref<2x128x128xf32, #tpu.memory_space<vmem>> -> memref<1x128x128xf32, #tpu.memory_space<vmem>>
      %dma_start3A_144 = tpu.memref_squeeze %dma_start3A_143 : memref<1x128x128xf32, #tpu.memory_space<vmem>> -> memref<128x128xf32, #tpu.memory_space<vmem>>
      %dma_start3A_145 = arith.constant 0 : i32
      %dma_start3A_146 = tpu.memref_slice %arg4[%mul3A_2, %add3A_120, %dma_start3A_145] : memref<4096x50x128xf32, #tpu.memory_space<hbm>> -> memref<128x1x128xf32, #tpu.memory_space<hbm>>
      %dma_start3A_147 = tpu.memref_squeeze %dma_start3A_146 : memref<128x1x128xf32, #tpu.memory_space<hbm>> -> memref<128x128xf32, #tpu.memory_space<hbm>>
      %dma_start3A_148 = tpu.memref_slice %arg8[%dma_start3A_140] : memref<2x!tpu.dma_semaphore, #tpu.memory_space<semaphore_mem>> -> memref<1x!tpu.dma_semaphore, #tpu.memory_space<semaphore_mem>>
      %dma_start3A_149 = tpu.memref_squeeze %dma_start3A_148 : memref<1x!tpu.dma_semaphore, #tpu.memory_space<semaphore_mem>> -> memref<!tpu.dma_semaphore, #tpu.memory_space<semaphore_mem>>
      %dma_start3A_150 = arith.constant 0 : i32
      %dma_start3A_151 = tpu.memref_slice %arg4[%mul3A_2, %add3A_120, %dma_start3A_150] : memref<4096x50x128xf32, #tpu.memory_space<hbm>> -> memref<128x1x128xf32, #tpu.memory_space<hbm>>
      %dma_start3A_152 = tpu.memref_squeeze %dma_start3A_151 : memref<128x1x128xf32, #tpu.memory_space<hbm>> -> memref<128x128xf32, #tpu.memory_space<hbm>>
      %dma_start3A_153 = arith.constant 0 : i32
      %dma_start3A_154 = arith.constant 0 : i32
      %dma_start3A_155 = tpu.memref_slice %arg6[%dma_start3A_139, %dma_start3A_153, %dma_start3A_154] : memref<2x128x128xf32, #tpu.memory_space<vmem>> -> memref<1x128x128xf32, #tpu.memory_space<vmem>>
      %dma_start3A_156 = tpu.memref_squeeze %dma_start3A_155 : memref<1x128x128xf32, #tpu.memory_space<vmem>> -> memref<128x128xf32, #tpu.memory_space<vmem>>
      tpu.enqueue_dma source(%dma_start3A_156 : memref<128x128xf32, #tpu.memory_space<vmem>>) target(%dma_start3A_152 : memref<128x128xf32, #tpu.memory_space<hbm>>) target_semaphore(%dma_start3A_149 : memref<!tpu.dma_semaphore, #tpu.memory_space<semaphore_mem>>)
    }
    %scan3A_20 = arith.constant 25 : i32
    %dma_wait3A = arith.constant 0 : i32
    %dma_wait3A_21 = arith.constant 48 : i32
    %dma_wait3A_22 = arith.constant 0 : i32
    %dma_wait3A_23 = arith.constant 0 : i32
    %dma_wait3A_24 = arith.constant 0 : i32
    %dma_wait3A_25 = tpu.memref_slice %arg6[%dma_wait3A, %dma_wait3A_23, %dma_wait3A_24] : memref<2x128x128xf32, #tpu.memory_space<vmem>> -> memref<1x128x128xf32, #tpu.memory_space<vmem>>
    %dma_wait3A_26 = tpu.memref_squeeze %dma_wait3A_25 : memref<1x128x128xf32, #tpu.memory_space<vmem>> -> memref<128x128xf32, #tpu.memory_space<vmem>>
    %dma_wait3A_27 = arith.constant 0 : i32
    %dma_wait3A_28 = tpu.memref_slice %arg4[%mul3A_2, %dma_wait3A_21, %dma_wait3A_27] : memref<4096x50x128xf32, #tpu.memory_space<hbm>> -> memref<128x1x128xf32, #tpu.memory_space<hbm>>
    %dma_wait3A_29 = tpu.memref_squeeze %dma_wait3A_28 : memref<128x1x128xf32, #tpu.memory_space<hbm>> -> memref<128x128xf32, #tpu.memory_space<hbm>>
    %dma_wait3A_30 = tpu.memref_slice %arg8[%dma_wait3A_22] : memref<2x!tpu.dma_semaphore, #tpu.memory_space<semaphore_mem>> -> memref<1x!tpu.dma_semaphore, #tpu.memory_space<semaphore_mem>>
    %dma_wait3A_31 = tpu.memref_squeeze %dma_wait3A_30 : memref<1x!tpu.dma_semaphore, #tpu.memory_space<semaphore_mem>> -> memref<!tpu.dma_semaphore, #tpu.memory_space<semaphore_mem>>
    %dma_wait3A_32 = arith.constant 0 : i32
    %dma_wait3A_33 = tpu.memref_slice %arg4[%mul3A_2, %dma_wait3A_21, %dma_wait3A_32] : memref<4096x50x128xf32, #tpu.memory_space<hbm>> -> memref<128x1x128xf32, #tpu.memory_space<hbm>>
    %dma_wait3A_34 = tpu.memref_squeeze %dma_wait3A_33 : memref<128x1x128xf32, #tpu.memory_space<hbm>> -> memref<128x128xf32, #tpu.memory_space<hbm>>
    %dma_wait3A_35 = arith.constant 0 : i32
    %dma_wait3A_36 = arith.constant 0 : i32
    %dma_wait3A_37 = tpu.memref_slice %arg6[%dma_wait3A, %dma_wait3A_35, %dma_wait3A_36] : memref<2x128x128xf32, #tpu.memory_space<vmem>> -> memref<1x128x128xf32, #tpu.memory_space<vmem>>
    %dma_wait3A_38 = tpu.memref_squeeze %dma_wait3A_37 : memref<1x128x128xf32, #tpu.memory_space<vmem>> -> memref<128x128xf32, #tpu.memory_space<vmem>>
    tpu.wait_dma2 semaphore(%dma_wait3A_31 : memref<!tpu.dma_semaphore, #tpu.memory_space<semaphore_mem>>) src(%dma_wait3A_38 : memref<128x128xf32, #tpu.memory_space<vmem>>) dst(%dma_wait3A_34 : memref<128x128xf32, #tpu.memory_space<hbm>>)
    %dma_wait3A_39 = arith.constant 1 : i32
    %dma_wait3A_40 = arith.constant 49 : i32
    %dma_wait3A_41 = arith.constant 1 : i32
    %dma_wait3A_42 = arith.constant 0 : i32
    %dma_wait3A_43 = arith.constant 0 : i32
    %dma_wait3A_44 = tpu.memref_slice %arg6[%dma_wait3A_39, %dma_wait3A_42, %dma_wait3A_43] : memref<2x128x128xf32, #tpu.memory_space<vmem>> -> memref<1x128x128xf32, #tpu.memory_space<vmem>>
    %dma_wait3A_45 = tpu.memref_squeeze %dma_wait3A_44 : memref<1x128x128xf32, #tpu.memory_space<vmem>> -> memref<128x128xf32, #tpu.memory_space<vmem>>
    %dma_wait3A_46 = arith.constant 0 : i32
    %dma_wait3A_47 = tpu.memref_slice %arg4[%mul3A_2, %dma_wait3A_40, %dma_wait3A_46] : memref<4096x50x128xf32, #tpu.memory_space<hbm>> -> memref<128x1x128xf32, #tpu.memory_space<hbm>>
    %dma_wait3A_48 = tpu.memref_squeeze %dma_wait3A_47 : memref<128x1x128xf32, #tpu.memory_space<hbm>> -> memref<128x128xf32, #tpu.memory_space<hbm>>
    %dma_wait3A_49 = tpu.memref_slice %arg8[%dma_wait3A_41] : memref<2x!tpu.dma_semaphore, #tpu.memory_space<semaphore_mem>> -> memref<1x!tpu.dma_semaphore, #tpu.memory_space<semaphore_mem>>
    %dma_wait3A_50 = tpu.memref_squeeze %dma_wait3A_49 : memref<1x!tpu.dma_semaphore, #tpu.memory_space<semaphore_mem>> -> memref<!tpu.dma_semaphore, #tpu.memory_space<semaphore_mem>>
    %dma_wait3A_51 = arith.constant 0 : i32
    %dma_wait3A_52 = tpu.memref_slice %arg4[%mul3A_2, %dma_wait3A_40, %dma_wait3A_51] : memref<4096x50x128xf32, #tpu.memory_space<hbm>> -> memref<128x1x128xf32, #tpu.memory_space<hbm>>
    %dma_wait3A_53 = tpu.memref_squeeze %dma_wait3A_52 : memref<128x1x128xf32, #tpu.memory_space<hbm>> -> memref<128x128xf32, #tpu.memory_space<hbm>>
    %dma_wait3A_54 = arith.constant 0 : i32
    %dma_wait3A_55 = arith.constant 0 : i32
    %dma_wait3A_56 = tpu.memref_slice %arg6[%dma_wait3A_39, %dma_wait3A_54, %dma_wait3A_55] : memref<2x128x128xf32, #tpu.memory_space<vmem>> -> memref<1x128x128xf32, #tpu.memory_space<vmem>>
    %dma_wait3A_57 = tpu.memref_squeeze %dma_wait3A_56 : memref<1x128x128xf32, #tpu.memory_space<vmem>> -> memref<128x128xf32, #tpu.memory_space<vmem>>
    tpu.wait_dma2 semaphore(%dma_wait3A_50 : memref<!tpu.dma_semaphore, #tpu.memory_space<semaphore_mem>>) src(%dma_wait3A_57 : memref<128x128xf32, #tpu.memory_space<vmem>>) dst(%dma_wait3A_53 : memref<128x128xf32, #tpu.memory_space<hbm>>)
    return
  }
}

</mosaic_0001>

<sc_bundles>
// kernel: _emb.4.cloned.1.call-start
scs
__scs_entry_jumppad:
0x0: {  	(pc) =	sbr.rel $0x88, $3  }
0x1: {  	(tag) =	ssettag $0x0;
	lr =	simm.s32 $0x1  }
0x2: {  	[smem:$0x3F9F] =	sst lr;
	_ =	strace $0xD0000000  }
0x3: {  	_ = 	snop  }
0x4: {  	_ = 	snop  }
0x5: {  	_ = 	snop  }
0x6: {  	_ = 	snop  }
0x7: {  	_ = 	snop  }
__scs_overlays_trampoline_lowered:
0x8: {  	[smem:$0x3FAE] =	sst s0  }
0x9: {  	[smem:$0x3FAF] =	sst s1  }
0xa: {  	[smem:$0x3FB0] =	sst s2  }
0xb: {  	[smem:$0x3FB1] =	sst s3  }
0xc: {  	[smem:$0x3FB2] =	sst s4  }
0xd: {  	[smem:$0x3FB3] =	sst s5  }
0xe: {  	[smem:$0x3FB4] =	sst s6  }
0xf: {  	[smem:$0x3FB5] =	sst s7  }
0x10: {  	[smem:$0x3FB6] =	sst s8  }
0x11: {  	[smem:$0x3FB7] =	sst s9;
	s0 =	simm.s32 @!p0 $0x0  }
0x12: {  	s1 =	sld [smem:$0x3F9D];
	s0 =	simm.s32 @p0 $0x1  }
0x13: {  	[smem:$0x3FB8] =	sst s0;
	s0 =	simm.s32 @!p1 $0x0  }
0x14: {  	s2 =	sld [smem:$0x3F9C];
	s0 =	simm.s32 @p1 $0x1  }
0x15: {  	[smem:$0x3FB9] =	sst s0;
	s0 =	simm.s32 @!p2 $0x0  }
0x16: {  	s3 =	sld [smem:$0x3FDB];
	s0 =	simm.s32 @p2 $0x1  }
0x17: {  	s4 =	simm.s32 $0x1BF5;
	[smem:$0x3FBB] =	sst s0  }
0x18: {  	s0 =	sld [smem:$0x3F9E];
	_ =	swait.ge [sflag:s4], $0x0  }
0x19: {  	s7 =	sld [smem:$0x3F9F]  }
0x1a: {  	s8 =	sadd.s32 $0xFFFFE003, lr  }
0x1b: {  	s9 =	sadd.s32 $0xFFFFFEF7, lr;
	s5 =	simm.s32 $0xFFFFFFFF;
	p2 =	slt.u32 s8, $0xFFFFF086  }
0x1c: {  	p1 =	slt.u32 s9, $0xF7A;
	s5 =	simm.s32 @!p2 $0x0  }
0x1d: {  	s5 =	simm.s32 @p1 $0x1;
	p0 =	seq.s32 s7, s2  }
0x1e: {  	s7 =	smul.u32 @!p0 $0xF7A, s2;
	p2 =	seq.s32 @!p0 s5, $0x0  }
0x1f: {  	s9 =	smul.u32 $0xF7A, s1;
	s8 =	simm.s32 @!p0 $0x1BF5;
	p2 =	por !p2, p0  }
0x20: {  	[sflag:s8] =	ssyncset.s32 @!p0 $0xFFFFF086;
	s6 =	sadd.s32 @!p0 s3, s7;
	s7 =	simm.s32 @!p0 $0x108  }
0x21: {  	s3 =	sadd.s32 s3, s9;
	s6 =	sadd.s32 @!p0 $0x88, s6;
	s7 =	simm.s32 @p2 $0x1082  }
0x22: {  	[simem:s7], [sflag:s8] =	dma.local @!p0 [hbm:s6], $0xF7A  }
0x23: {  	s9 =	sor.u32 $0xD0000000, s2;
	s6 =	simm.s32 $0x108;
	_ =	swait.ge @!p0 [sflag:s8], $0x0  }
0x24: {  	s3 =	sadd.s32 $0x88, s3;
	s6 =	simm.s32 @!p1 $0x1082;
	[sflag:s4] =	ssyncset.s32 $0xFFFFF086  }
0x25: {  	[simem:s6], [sflag:s4] =	dma.local [hbm:s3], $0xF7A  }
0x26: {  	[smem:$0x3F9F] =	sst s1;
	(tag) =	ssettag s2;
	_ =	strace s9  }
0x27: {  	s1 =	sld [smem:$0x3FAF]  }
0x28: {  	s2 =	sld [smem:$0x3FB0]  }
0x29: {  	s4 =	sld [smem:$0x3FB2]  }
0x2a: {  	p0 =	seq.s32 s5, $0x0;
	s5 =	sld [smem:$0x3FB3]  }
0x2b: {  	s6 =	sld [smem:$0x3FB4]  }
0x2c: {  	s7 =	sld [smem:$0x3FB5]  }
0x2d: {  	s3 =	simm.s32 $0x108;
	s8 =	sld [smem:$0x3FB6]  }
0x2e: {  	s3 =	simm.s32 @!p0 $0x1082;
	s9 =	sld [smem:$0x3FB7]  }
0x2f: {  	lr =	sadd.s32 s0, s3;
	s0 =	sld [smem:$0x3FAE]  }
0x30: {  	s3 =	sld [smem:$0x3FB1]  }
0x31: {  	[smem:$0x3FBA] =	sst s10  }
0x32: {  	s10 =	sld [smem:$0x3FB8];
	_ =	sdelay $0x3  }
0x33: {  	p0 =	seq.s32 s10, $0x1;
	s10 =	sld [smem:$0x3FBA];
	_ =	sdelay $0x3  }
0x34: {  	[smem:$0x3FBA] =	sst s10  }
0x35: {  	s10 =	sld [smem:$0x3FB9];
	_ =	sdelay $0x3  }
0x36: {  	p1 =	seq.s32 s10, $0x1;
	s10 =	sld [smem:$0x3FBA];
	_ =	sdelay $0x3  }
0x37: {  	[smem:$0x3FBA] =	sst s10  }
0x38: {  	s10 =	sld [smem:$0x3FBB]  }
0x39: {  	_ = 	snop;
	(pc) =	sbr.ind lr, $3  }
0x3a: {  	_ = 	snop  }
0x3b: {  	_ = 	snop  }
0x3c: {  	p2 =	seq.s32 s10, $0x1;
	s10 =	sld [smem:$0x3FBA]  }
0x3d: {  	_ =	shalt  }
0x3e: {  	_ =	shalt  }
0x3f: {  	_ =	shalt  }
0x40: {  	_ =	shalt  }
0x41: {  	_ =	shalt  }
0x42: {  	_ =	shalt  }
0x43: {  	_ =	shalt  }
0x44: {  	_ =	shalt  }
0x45: {  	_ =	shalt  }
0x46: {  	_ =	shalt  }
0x47: {  	_ =	shalt  }
0x48: {  	_ =	shalt  }
0x49: {  	_ =	shalt  }
0x4a: {  	_ =	shalt  }
0x4b: {  	_ =	shalt  }
0x4c: {  	_ =	shalt  }
0x4d: {  	_ =	shalt  }
0x4e: {  	_ =	shalt  }
0x4f: {  	_ =	shalt  }
0x50: {  	_ =	shalt  }
0x51: {  	_ =	shalt  }
0x52: {  	_ =	shalt  }
0x53: {  	_ =	shalt  }
0x54: {  	_ =	shalt  }
0x55: {  	_ =	shalt  }
0x56: {  	_ =	shalt  }
0x57: {  	_ =	shalt  }
0x58: {  	_ =	shalt  }
0x59: {  	_ =	shalt  }
0x5a: {  	_ =	shalt  }
0x5b: {  	_ =	shalt  }
0x5c: {  	_ =	shalt  }
0x5d: {  	_ =	shalt  }
0x5e: {  	_ =	shalt  }
0x5f: {  	_ =	shalt  }
0x60: {  	_ =	shalt  }
0x61: {  	_ =	shalt  }
0x62: {  	_ =	shalt  }
0x63: {  	_ =	shalt  }
0x64: {  	_ =	shalt  }
0x65: {  	_ =	shalt  }
0x66: {  	_ =	shalt  }
0x67: {  	_ =	shalt  }
0x68: {  	_ =	shalt  }
0x69: {  	_ =	shalt  }
0x6a: {  	_ =	shalt  }
0x6b: {  	_ =	shalt  }
0x6c: {  	_ =	shalt  }
0x6d: {  	_ =	shalt  }
0x6e: {  	_ =	shalt  }
0x6f: {  	_ =	shalt  }
0x70: {  	_ =	shalt  }
0x71: {  	_ =	shalt  }
0x72: {  	_ =	shalt  }
0x73: {  	_ =	shalt  }
0x74: {  	_ =	shalt  }
0x75: {  	_ =	shalt  }
0x76: {  	_ =	shalt  }
0x77: {  	_ =	shalt  }
0x78: {  	_ =	shalt  }
0x79: {  	_ =	shalt  }
0x7a: {  	_ =	shalt  }
0x7b: {  	_ =	shalt  }
0x7c: {  	_ =	shalt  }
0x7d: {  	_ =	shalt  }
0x7e: {  	_ =	shalt  }
0x7f: {  	_ =	shalt  }
0x80: {  	_ =	shalt  }
0x81: {  	_ =	shalt  }
0x82: {  	_ =	shalt  }
0x83: {  	_ =	shalt  }
0x84: {  	_ =	shalt  }
0x85: {  	_ =	shalt  }
0x86: {  	_ =	shalt  }
0x87: {  	_ =	shalt  }
.Lfunc_end0:
.L_simem_size_0:
called_computation_lowered:
.L_overlay_start_0:
0x88: {  	s2 =	sld [smem:$0x3FD9]  }
0x89: {  	s3 =	sld [smem:$0x3FFE];
	_ =	sdelay $0x1  }
0x8a: {  	s1 =	srdreg.scid  }
0x8b: {  	s0 =	sand.u32 $0x1, s1  }
0x8c: {  	s17 =	sshll.u32 s0, $0xA;
	s2 =	sadd.s32 s3, s2  }
0x8d: {  	s2 =	sadd.s32 s2, s17  }
0x8e: {  	[smem:$0x3FC6] =	sst s2  }
0x8f: {  	_ = 	snop  }
0x90: {  	s2 =	sld [smem:$0x3FC8];
	(tm) =	ssettm $0x1  }
0x91: {  	s18 =	sld [smem:$0x3FFB];
	_ =	sdelay $0x3  }
0x92: {  	_ =	strace s18  }
0x93: {  	s3 =	sld [smem:$0x3FFC];
	_ =	sdelay $0x3  }
0x94: {  	_ =	strace s3  }
0x95: {  	s3 =	sld [smem:$0x3FFD];
	_ =	sdelay $0x3  }
0x96: {  	_ =	strace s3  }
0x97: {  	_ =	strace $0x8FFFFFFF  }
0x98: {  	s19 =	sld [smem:$0x3FDB];
	_ =	sdelay $0x1  }
0x99: {  	s4 =	simm.s32 $_scs_section_size  }
0x9a: {  	s5 =	simm.s32 $_size__tile_overlayer_lowered;
	s6 =	simm.s32 $_tile_overlayer_lowered  }
0x9b: {  	s22 =	simm.s32 $0x1BFF;
	s21 =	sshll.u32 s6, $0x1;
	s3 =	sadd.s32 s4, s19  }
0x9c: {  	s7 =	simm.s32 $0x0;
	s20 =	sshll.u32 s5, $0x1;
	s5 =	sadd.s32 s21, s3  }
0x9d: {  	[timem:s7], [sflag:s22] =	dma.local [hbm:s5], s20  }
0x9e: {  	_ =	swait.ge [sflag:s22], s20  }
0x9f: {  	s4 =	ssub.s32 $0x0, s20;
	[sflag:s22] =	ssyncset.done $0x0  }
0xa0: {  	[sflag:s22] =	ssyncadd.s32 s4;
	_ =	sdelay $0x1  }
0xa1: {  	s23 =	simm.s32 $0x1B8B  }
0xa2: {  	_ =	swait.ge [sflag:s23], $0x1  }
0xa3: {  	[sflag:s23] =	ssyncset.done $0x0  }
0xa4: {  	s25 =	simm.s32 $0x1B8E;
	s24 =	sld [smem:$0x3FFE];
	[sflag:s23] =	ssyncadd.s32 $0xFFFFFFFF  }
0xa5: {  	s26 =	simm.s32 $execute0_lowered;
	[smem:$0x3FD2] =	sst s25  }
0xa6: {  	s5 =	sshll.u32 s26, $0x1;
	_ =	strace $0x80000046;
	[dreg:$0x1] =	wrdreg $0xFFFFFFFF  }
0xa7: {  	s28 =	simm.s32 $_size_execute0_lowered;
	s3 =	sadd.s32 s3, s5;
	[dreg:$0x0] =	wrdreg $0x0  }
0xa8: {  	s5 =	sshll.u32 s28, $0x1;
	[dreg:$0x2] =	wrdreg s3  }
0xa9: {  	[dreg:$0x3] =	wrdreg s5  }
0xaa: {  	[dreg:$0x4] =	wrdreg $0xC0  }
0xab: {  	_ =	task [dreg:s7], $0x5FFFF  }
0xac: {  	[dreg:$0x1] =	wrdreg $0xFFFFFFFF  }
0xad: {  	[dreg:$0x0] =	wrdreg $0x60  }
0xae: {  	[dreg:$0x2] =	wrdreg s2  }
0xaf: {  	[dreg:$0x3] =	wrdreg s24  }
0xb0: {  	[dreg:$0x4] =	wrdreg $0x9  }
0xb1: {  	_ =	task.clear_ibuf [dreg:s7], $0x5FFFF;
	_ =	strace $0x90000046  }
0xb2: {  	s29 =	simm.s32 $0x9;
	_ =	strace $0x80000048  }
0xb3: {  	_ =	swait.ge [sflag:s29], $0x1  }
0xb4: {  	[sflag:s29] =	ssyncadd.s32 $0xFFFFFFFF  }
0xb5: {  	_ =	strace $0x90000048  }
0xb6: {  	_ =	sfence  }
0xb7: {  	s30 =	sld [smem:$0x0];
	_ =	sdelay $0x2  }
0xb8: {  	s31 =	sshll.u32 s1, $0xD;
	s1 =	sshrl.u32 s1, $0x2  }
0xb9: {  	s3 =	sand.u32 $0x4000, s31;
	s1 =	sadd.s32 s1, s30  }
0xba: {  	s0 =	sor.u32 s3, s0;
	s1 =	sshll.u32 s1, $0x11  }
0xbb: {  	s0 =	sor.u32 s1, s0  }
0xbc: {  	s0 =	sadd.s32 $0x8F2B, s0  }
0xbd: {  	[sflag:s0] =	ssyncadd.remote.s32 $0x1  }
0xbe: {  	_ =	sfence.sel $0xFFFF  }
0xbf: {  	[dreg:$0x0] =	wrdreg $0xFFFFFFFF;
	(pc) =	sbr.abs _section_cstart, $3  }
0xc0: {  	[dreg:$0x1] =	wrdreg $0xFFFFFFFF  }
0xc1: {  	_ =	task.clear_ibuf [dreg:s7], $0x2FFFF;
	_ =	strace $0x9FFFFFFF  }
0xc2: {  	(tm) =	ssettm $0x7FFFFFFF  }
0xc3: {  	_ =	shalt  }
tec
execute0_lowered:
.L_overlay_start_1:
0x0: {  	(tag) =	ssettag $0x1  }
0x1: {  	v1 =	vlaneseq.u32  }
0x2: {  	v9 =	vor.u32 $0x800, v1  }
0x3: {  	v10 =	vor.u32 $0x1000, v1;
	[tilespmem:$0x1FC50] =	vst v9  }
0x4: {  	v11 =	vor.u32 $0x1800, v1;
	[tilespmem:$0x1FC60] =	vst v10  }
0x5: {  	v16 =	vor.u32 $0x10, v1;
	[tilespmem:$0x1FC70] =	vst v11  }
0x6: {  	v17 =	vor.u32 $0x810, v1;
	[tilespmem:$0x1FCC0] =	vst v16  }
0x7: {  	v2 =	vmul.u32 $0x80, v1;
	v18 =	vor.u32 $0x1010, v1;
	[tilespmem:$0x1FCD0] =	vst v17  }
0x8: {  	v19 =	vor.u32 $0x1810, v1;
	[tilespmem:$0x1FCE0] =	vst v18  }
0x9: {  	[tilespmem:$0x1FCF0] =	vst v19;
	v0 =	vor.u32 $0x10, v2  }
0xa: {  	v6 =	vor.u32 $0x20, v2;
	[tilespmem:$0x1FC10] =	vst v0  }
0xb: {  	v7 =	vor.u32 $0x30, v2;
	[tilespmem:$0x1FC20] =	vst v6  }
0xc: {  	v8 =	vor.u32 $0x40, v2;
	[tilespmem:$0x1FC30] =	vst v7  }
0xd: {  	v12 =	vor.u32 $0x800, v2;
	[tilespmem:$0x1FC40] =	vst v8  }
0xe: {  	v13 =	vor.u32 $0x810, v2;
	[tilespmem:$0x1FC80] =	vst v12  }
0xf: {  	v14 =	vor.u32 $0x820, v2;
	[tilespmem:$0x1FC90] =	vst v13  }
0x10: {  	v15 =	vor.u32 $0x830, v2;
	[tilespmem:$0x1FCA0] =	vst v14  }
0x11: {  	v20 =	vor.u32 $0x1000, v2;
	[tilespmem:$0x1FCB0] =	vst v15  }
0x12: {  	v21 =	vor.u32 $0x1010, v2;
	[tilespmem:$0x1FD00] =	vst v20  }
0x13: {  	s0 =	rddreg [dreg:$0x0];
	v22 =	vor.u32 $0x1020, v2;
	[tilespmem:$0x1FD10] =	vst v21  }
0x14: {  	s9 =	rddreg [dreg:$0x1];
	s2 =	simm.s32 $0x0;
	v23 =	vor.u32 $0x1030, v2;
	[tilespmem:$0x1FD20] =	vst v22  }
0x15: {  	[smem:$0x7FF] =	sst s2;
	v3 =	vor.u32 $0x20, v1;
	[tilespmem:$0x1FD30] =	vst v23  }
0x16: {  	s1 =	rddreg [dreg:$0x2];
	v25 =	vor.u32 $0x820, v1;
	_ =	strace $0x80000047;
	[tilespmem:$0x1FD40] =	vst v3  }
0x17: {  	v26 =	vor.u32 $0x1020, v1;
	[tilespmem:$0x1FD50] =	vst v25  }
0x18: {  	v27 =	vor.u32 $0x1820, v1;
	[tilespmem:$0x1FD60] =	vst v26  }
0x19: {  	v32 =	vor.u32 $0x1800, v2;
	[tilespmem:$0x1FD70] =	vst v27  }
0x1a: {  	v33 =	vor.u32 $0x1810, v2;
	[tilespmem:$0x1FD80] =	vst v32  }
0x1b: {  	v34 =	vor.u32 $0x1820, v2;
	[tilespmem:$0x1FD90] =	vst v33  }
0x1c: {  	v35 =	vor.u32 $0x1830, v2;
	[tilespmem:$0x1FDA0] =	vst v34  }
0x1d: {  	[tilespmem:$0x1FDB0] =	vst v35  }
0x1e: {  	v37 =	vor.u32 $0x30, v1;
	[tilespmem:$0x1FDC0] =	vst v2  }
0x1f: {  	v41 =	vor.u32 $0x830, v1;
	[tilespmem:$0x1FDD0] =	vst v37  }
0x20: {  	v43 =	vor.u32 $0x1030, v1;
	[tilespmem:$0x1FDE0] =	vst v41  }
0x21: {  	v48 =	vor.u32 $0x1830, v1;
	[tilespmem:$0x1FDF0] =	vst v43  }
0x22: {  	v31 =	vor.u32 $0x50, v2;
	[tilespmem:$0x1FE00] =	vst v48  }
0x23: {  	v39 =	vor.u32 $0x70, v2;
	[tilespmem:$0x1FE10] =	vst v31  }
0x24: {  	v44 =	vor.u32 $0x2000, v1;
	[tilespmem:$0x1FE20] =	vst v39  }
0x25: {  	v45 =	vor.u32 $0x2800, v1;
	[tilespmem:$0x1FE30] =	vst v44  }
0x26: {  	v46 =	vor.u32 $0x3000, v1;
	[tilespmem:$0x1FE40] =	vst v45  }
0x27: {  	v47 =	vor.u32 $0x3800, v1;
	[tilespmem:$0x1FE50] =	vst v46  }
0x28: {  	v52 =	vor.u32 $0x840, v2;
	[tilespmem:$0x1FE60] =	vst v47  }
0x29: {  	v53 =	vor.u32 $0x850, v2;
	[tilespmem:$0x1FE70] =	vst v52  }
0x2a: {  	v54 =	vor.u32 $0x860, v2;
	[tilespmem:$0x1FE80] =	vst v53  }
0x2b: {  	v5 =	vor.u32 $0x870, v2;
	[tilespmem:$0x1FE90] =	vst v54  }
0x2c: {  	v6 =	vor.u32 $0x2010, v1;
	[tilespmem:$0x1FEA0] =	vst v5  }
0x2d: {  	v7 =	vor.u32 $0x2810, v1;
	[tilespmem:$0x1FEB0] =	vst v6  }
0x2e: {  	v8 =	vor.u32 $0x3010, v1;
	[tilespmem:$0x1FEC0] =	vst v7  }
0x2f: {  	v63 =	vor.u32 $0x3810, v1;
	[tilespmem:$0x1FED0] =	vst v8  }
0x30: {  	v24 =	vor.u32 $0x1040, v2;
	[tilespmem:$0x1FEE0] =	vst v63  }
0x31: {  	v55 =	vor.u32 $0x3030, v1;
	[tilespmem:$0x1FEF0] =	vst v24  }
0x32: {  	v38 =	vor.u32 $0x60, v2;
	[tilespmem:$0x1FF00] =	vst v55  }
0x33: {  	v42 =	vor.u32 $0x1070, v2;
	[tilespmem:$0x1FF30] =	vst v38  }
0x34: {  	v62 =	vor.u32 $0x1050, v2;
	[tilespmem:$0x1FF40] =	vst v42  }
0x35: {  	v36 =	vor.u32 $0x1060, v2;
	[tilespmem:$0x1FF50] =	vst v62  }
0x36: {  	v59 =	vor.u32 $0x1870, v2;
	[tilespmem:$0x1FF60] =	vst v36  }
0x37: {  	v40 =	vor.u32 $0x2020, v1;
	[tilespmem:$0x1FF70] =	vst v59  }
0x38: {  	s4 =	srdreg.scid;
	s3 =	stileid.u32;
	s11 =	simm.s32 $0x400;
	v58 =	vor.u32 $0x1860, v2;
	[tilespmem:$0x1FF80] =	vst v40  }
0x39: {  	s12 =	simm.s32 $0x7A1400;
	s13 =	simm.s32 $0x1;
	s14 =	simm.s32 $0x4000;
	v49 =	vor.u32 $0x2820, v1;
	[tilespmem:$0x1FF90] =	vst v58  }
0x3a: {  	s15 =	simm.s32 $0x2;
	s16 =	simm.s32 $0x2000;
	s17 =	simm.s32 $0x8000;
	v50 =	vor.u32 $0x3020, v1;
	[tilespmem:$0x1FFA0] =	vst v49  }
0x3b: {  	s18 =	simm.s32 $0x4;
	s19 =	simm.s32 $0xC000;
	s20 =	simm.s32 $0x5;
	v51 =	vor.u32 $0x3820, v1;
	[tilespmem:$0x1FFB0] =	vst v50  }
0x3c: {  	s21 =	simm.s32 $0xE000;
	s22 =	simm.s32 $0x0;
	s5 =	sand.u32 $0x1, s4;
	v56 =	vor.u32 $0x1840, v2;
	[tilespmem:$0x1FFC0] =	vst v51  }
.Ltmp0:
0x3d: {  	s7 =	sshll.u32 s3, $0x1;
	s4 =	sadd.s32 $0x800, s9;
	v57 =	vor.u32 $0x1850, v2;
	[tilespmem:$0x1FFD0] =	vst v56;
	(pc) =	sbr.rel .LBB2_1-.Ltmp0, $4  }
0x3e: {  	s9 =	sadd.s32 $0xF42800, s9;
	v61 =	vor.u32 $0x3830, v1;
	s6 =	ssub.s32 $0x2, s5;
	s5 =	sor.u32 s5, s7;
	[tilespmem:$0x1FFE0] =	vst v57  }
0x3f: {  	p0 =	sgt.u32 s3, $0x1;
	s8 =	sshrl.u32 s6, $0x1;
	s7 =	sshll.u32 s5, $0x7;
	v41 =	vor.u32 $0x2030, v1;
	[tilespmem:$0x1FFF0] =	vst v61  }
0x40: {  	p1 =	sne.s32 s5, $0x4;
	s10 =	ssub.s32 s6, s8;
	s6 =	sadd.s32 $0x1000, s0;
	v37 =	vor.u32 $0x2830, v1;
	[tilespmem:$0x1FF10] =	vst v41  }
0x41: {  	s7 =	sadd.s32 s0, s7;
	s8 =	sadd.s32 $0xF4200, s0;
	s10 =	smax.u32 s10, $0x1;
	[tilespmem:$0x1FF20] =	vst v37  }
.LBB2_13:
0x42: {  	_ =	sdelay $0x3  }
0x43: {  	[tilespmem:v14+s21+$0x0] =	vst.idx.msk $0xffff, v12  }
0x44: {  	v50 =	vor.u32 v0, v6;
	v12 =	vld.idx.msk [tilespmem:v15+s19+$0x0], $0xffff  }
0x45: {  	v56 =	vor.u32 v9, v5;
	v51 =	vld.idx.msk [tilespmem:v21+s19+$0x0], $0xffff  }
0x46: {  	v22 =	vor.u32 v10, v6;
	v13 =	vld.idx.msk [tilespmem:v13+s19+$0x0], $0xffff  }
0x47: {  	v23 =	vor.u32 v11, v5;
	v20 =	vld.idx.msk [tilespmem:v20+s19+$0x0], $0xffff  }
0x48: {  	v28 =	vor.u32 v16, v8  }
0x49: {  	v57 =	vor.u32 v17, v7;
	[tilespmem:v50+s21+$0x0] =	vst.idx.msk $0xffff, v12  }
0x4a: {  	v58 =	vor.u32 v18, v8;
	[tilespmem:v56+s21+$0x0] =	vst.idx.msk $0xffff, v51  }
0x4b: {  	v59 =	vor.u32 v19, v7;
	[tilespmem:v22+s21+$0x0] =	vst.idx.msk $0xffff, v13  }
0x4c: {  	[tilespmem:v23+s21+$0x0] =	vst.idx.msk $0xffff, v20  }
0x4d: {  	v36 =	vor.u32 v24, v6;
	v15 =	vld.idx.msk [tilespmem:v28+s19+$0x0], $0xffff  }
0x4e: {  	v40 =	vor.u32 v25, v5;
	v12 =	vld.idx.msk [tilespmem:v57+s19+$0x0], $0xffff  }
0x4f: {  	v42 =	vor.u32 v26, v6;
	v14 =	vld.idx.msk [tilespmem:v58+s19+$0x0], $0xffff  }
0x50: {  	v48 =	vor.u32 v27, v5;
	v13 =	vld.idx.msk [tilespmem:v59+s19+$0x0], $0xffff  }
0x51: {  	v28 =	vor.u32 v32, v8  }
0x52: {  	v49 =	vor.u32 v33, v7;
	[tilespmem:v36+s21+$0x0] =	vst.idx.msk $0xffff, v15  }
0x53: {  	v50 =	vor.u32 v34, v8;
	[tilespmem:v40+s21+$0x0] =	vst.idx.msk $0xffff, v12  }
0x54: {  	v51 =	vor.u32 v35, v7;
	[tilespmem:v42+s21+$0x0] =	vst.idx.msk $0xffff, v14  }
0x55: {  	[tilespmem:v48+s21+$0x0] =	vst.idx.msk $0xffff, v13  }
0x56: {  	v56 =	vor.u32 v38, v6;
	v13 =	vld.idx.msk [tilespmem:v28+s19+$0x0], $0xffff  }
0x57: {  	v57 =	vor.u32 v39, v5;
	v15 =	vld.idx.msk [tilespmem:v49+s19+$0x0], $0xffff  }
0x58: {  	v58 =	vor.u32 v43, v6;
	v12 =	vld.idx.msk [tilespmem:v50+s19+$0x0], $0xffff  }
0x59: {  	v59 =	vor.u32 v44, v5;
	v14 =	vld.idx.msk [tilespmem:v51+s19+$0x0], $0xffff  }
0x5a: {  	v28 =	vor.u32 v45, v8  }
0x5b: {  	v36 =	vor.u32 v46, v7;
	[tilespmem:v56+s21+$0x0] =	vst.idx.msk $0xffff, v13  }
0x5c: {  	v40 =	vor.u32 v47, v8;
	[tilespmem:v57+s21+$0x0] =	vst.idx.msk $0xffff, v15  }
0x5d: {  	v42 =	vor.u32 v52, v7;
	[tilespmem:v58+s21+$0x0] =	vst.idx.msk $0xffff, v12  }
0x5e: {  	[tilespmem:v59+s21+$0x0] =	vst.idx.msk $0xffff, v14  }
0x5f: {  	v48 =	vor.u32 v53, v6;
	v12 =	vld.idx.msk [tilespmem:v28+s19+$0x0], $0xffff  }
0x60: {  	s23 =	sadd.s32 $0x1, s23;
	v49 =	vor.u32 v54, v5;
	v13 =	vld.idx.msk [tilespmem:v36+s19+$0x0], $0xffff  }
0x61: {  	v50 =	vor.u32 v55, v6;
	v51 =	vadd.s32 s23, v0;
	v8 =	vld.idx.msk [tilespmem:v40+s19+$0x0], $0xffff  }
0x62: {  	v20 =	vand.u32 $0xF, v51;
	v56 =	vor.u32 v60, v5;
	v7 =	vld.idx.msk [tilespmem:v42+s19+$0x0], $0xffff  }
0x63: {  	v57 =	vor.u32 v1, v20  }
0x64: {  	v58 =	vor.u32 v2, v20;
	[tilespmem:v48+s21+$0x0] =	vst.idx.msk $0xffff, v12  }
0x65: {  	v59 =	vor.u32 v3, v20;
	[tilespmem:v49+s21+$0x0] =	vst.idx.msk $0xffff, v13  }
0x66: {  	v1 =	vor.u32 v4, v20;
	[tilespmem:v50+s21+$0x0] =	vst.idx.msk $0xffff, v8  }
0x67: {  	v2 =	vshll.u32 v20, $0x7;
	[tilespmem:v56+s21+$0x0] =	vst.idx.msk $0xffff, v7  }
0x68: {  	v3 =	vor.u32 v0, v2;
	v5 =	vld.idx.msk [tilespmem:v57+s19+$0x0], $0xffff  }
0x69: {  	v9 =	vor.u32 v9, v2;
	v12 =	vld.idx.msk [tilespmem:v58+s19+$0x0], $0xffff  }
0x6a: {  	v10 =	vor.u32 v10, v2;
	v13 =	vld.idx.msk [tilespmem:v59+s19+$0x0], $0xffff  }
0x6b: {  	v11 =	vor.u32 v11, v2;
	v6 =	vld.idx.msk [tilespmem:v1+s19+$0x0], $0xffff  }
0x6c: {  	v16 =	vor.u32 v16, v20  }
0x6d: {  	v17 =	vor.u32 v17, v20;
	[tilespmem:v3+s21+$0x0] =	vst.idx.msk $0xffff, v5  }
0x6e: {  	v18 =	vor.u32 v18, v20;
	[tilespmem:v9+s21+$0x0] =	vst.idx.msk $0xffff, v12  }
0x6f: {  	v23 =	vor.u32 v19, v20;
	[tilespmem:v10+s21+$0x0] =	vst.idx.msk $0xffff, v13  }
0x70: {  	[tilespmem:v11+s21+$0x0] =	vst.idx.msk $0xffff, v6  }
0x71: {  	v24 =	vor.u32 v24, v2;
	v6 =	vld.idx.msk [tilespmem:v16+s19+$0x0], $0xffff  }
0x72: {  	v25 =	vor.u32 v25, v2;
	v5 =	vld.idx.msk [tilespmem:v17+s19+$0x0], $0xffff  }
0x73: {  	v26 =	vor.u32 v26, v2;
	v7 =	vld.idx.msk [tilespmem:v18+s19+$0x0], $0xffff  }
0x74: {  	v27 =	vor.u32 v27, v2;
	v12 =	vld.idx.msk [tilespmem:v23+s19+$0x0], $0xffff  }
0x75: {  	v32 =	vor.u32 v32, v20  }
0x76: {  	v33 =	vor.u32 v33, v20;
	[tilespmem:v24+s21+$0x0] =	vst.idx.msk $0xffff, v6  }
0x77: {  	v34 =	vor.u32 v34, v20;
	[tilespmem:v25+s21+$0x0] =	vst.idx.msk $0xffff, v5  }
0x78: {  	v36 =	vor.u32 v35, v20;
	[tilespmem:v26+s21+$0x0] =	vst.idx.msk $0xffff, v7  }
0x79: {  	[tilespmem:v27+s21+$0x0] =	vst.idx.msk $0xffff, v12  }
0x7a: {  	v40 =	vor.u32 v38, v2;
	v12 =	vld.idx.msk [tilespmem:v32+s19+$0x0], $0xffff  }
0x7b: {  	v42 =	vor.u32 v39, v2;
	v6 =	vld.idx.msk [tilespmem:v33+s19+$0x0], $0xffff  }
0x7c: {  	v43 =	vor.u32 v43, v2;
	v5 =	vld.idx.msk [tilespmem:v34+s19+$0x0], $0xffff  }
0x7d: {  	v48 =	vor.u32 v44, v2;
	v7 =	vld.idx.msk [tilespmem:v36+s19+$0x0], $0xffff  }
0x7e: {  	v49 =	vor.u32 v45, v20  }
0x7f: {  	v50 =	vor.u32 v46, v20;
	[tilespmem:v40+s21+$0x0] =	vst.idx.msk $0xffff, v12  }
0x80: {  	v51 =	vor.u32 v47, v20;
	[tilespmem:v42+s21+$0x0] =	vst.idx.msk $0xffff, v6  }
0x81: {  	v56 =	vor.u32 v52, v20;
	[tilespmem:v43+s21+$0x0] =	vst.idx.msk $0xffff, v5  }
0x82: {  	[tilespmem:v48+s21+$0x0] =	vst.idx.msk $0xffff, v7  }
0x83: {  	v57 =	vor.u32 v53, v2;
	v7 =	vld.idx.msk [tilespmem:v49+s19+$0x0], $0xffff  }
0x84: {  	v58 =	vor.u32 v54, v2;
	v12 =	vld.idx.msk [tilespmem:v50+s19+$0x0], $0xffff  }
0x85: {  	v59 =	vor.u32 v55, v2;
	v6 =	vld.idx.msk [tilespmem:v51+s19+$0x0], $0xffff  }
0x86: {  	v8 =	vor.u32 v60, v2;
	v5 =	vld.idx.msk [tilespmem:v56+s19+$0x0], $0xffff;
	_ =	sdelay $0x1  }
0x87: {  	[tilespmem:v57+s21+$0x0] =	vst.idx.msk $0xffff, v7  }
0x88: {  	[tilespmem:v58+s21+$0x0] =	vst.idx.msk $0xffff, v12  }
0x89: {  	[tilespmem:v59+s21+$0x0] =	vst.idx.msk $0xffff, v6  }
0x8a: {  	[tilespmem:v8+s21+$0x0] =	vst.idx.msk $0xffff, v5  }
0x8b: {  	[hbm4b:s9+s2] =	stream.linear.scatter [tilespmem:s21], [sflag:$0x5], $0x2000, $0x38;
	[tilespmem:$0x10000] =	vst v63  }
0x8c: {  	_ =	swait.ge [sflag:s20], $0x2000  }
0x8d: {  	[sflag:s20] =	ssyncset.done $0x0  }
0x8e: {  	v38 =	vmov v63;
	v31 =	vld [tilespmem:$0x1FE10];
	[sflag:s20] =	ssyncadd.s32 $0xFFFFE000  }
.LBB2_14:
0x8f: {  	s22 =	sadd.s32 $0x1, s22  }
0x90: {  	p2 =	sne.s32 s22, s10  }
.Ltmp1:
0x91: {  	_ = 	snop;
	(pc) =	sbr.rel @!p2 .LBB2_15-.Ltmp1, $1  }
0x92: {  	_ =	sdelay $0x3  }
.LBB2_1:
.Ltmp2:
0x93: {  	(pc) =	sbr.rel .LBB2_2-.Ltmp2, $3  }
0x94: {  	_ =	sdelay $0x1  }
0x95: {  	[tilespmem:s2], [sflag:$0x1] =	stream.strided.gather [hbm4b:s7+s11], $0x2000, s12, s11, $0x38;
	[tilespmem:$0x10000] =	vst v63  }
0x96: {  	s23 =	simm.s32 $0x0  }
.LBB2_9:
0x97: {  	s23 =	sadd.s32 $0x1, s23  }
0x98: {  	p2 =	sne.s32 s23, $0x7B  }
.Ltmp3:
0x99: {  	_ = 	snop;
	(pc) =	sbr.rel @!p2 .LBB2_10-.Ltmp3, $1  }
0x9a: {  	_ =	sdelay $0x3  }
.LBB2_2:
0x9b: {  	s24 =	sshll.u32 s23, $0x6  }
0x9c: {  	s25 =	sor.u32 s5, s24  }
0x9d: {  	p2 =	sgt.u32 s25, $0x1E83  }
.Ltmp4:
0x9e: {  	_ = 	snop;
	(pc) =	sbr.rel @p2 .LBB2_9-.Ltmp4, $1  }
0x9f: {  	_ =	sdelay $0x3  }
0xa0: {  	s24 =	sor.u32 $0x20, s25;
	_ =	swait.ge [sflag:s13], $0x2000  }
0xa1: {  	p2 =	seq.s32 s23, $0x0;
	p3 =	sgt.u32 s24, $0x1E83;
	[sflag:s13] =	ssyncset.done $0x0  }
0xa2: {  	s26 =	sshll.u32 @!p3 s24, $0x7;
	[sflag:s13] =	ssyncadd.s32 $0xFFFFE000;
	s28 =	simm.s32 @!p3 $0x400  }
0xa3: {  	s29 =	simm.s32 @!p3 $0x7A1400;
	s30 =	simm.s32 @!p3 $0x2000;
	s26 =	sadd.s32 @!p3 s0, s26  }
0xa4: {  	[tilespmem:s30], [sflag:$0x2] =	stream.strided.gather @!p3 [hbm4b:s26+s28], $0x2000, s29, s28, $0x38;
	[tilespmem:$0x10000] =	vst v63  }
0xa5: {  	s26 =	simm.s32 @!p2 $0x3  }
0xa6: {  	_ =	swait.ge @!p2 [sflag:s26], $0x4000  }
0xa7: {  	[sflag:s26] =	ssyncset.done @!p2 $0x0  }
0xa8: {  	[sflag:s26] =	ssyncadd.s32 @!p2 $0xFFFFC000;
	s26 =	simm.s32 $0x0  }
.LBB2_4:
0xa9: {  	v0 =	vld [tilespmem:$0x1FC40]  }
0xaa: {  	v34 =	vld [tilespmem:$0x1FDC0]  }
0xab: {  	v35 =	vld [tilespmem:$0x1FC10]  }
0xac: {  	v2 =	vld [tilespmem:$0x1FC20]  }
0xad: {  	v48 =	vld [tilespmem:$0x1FC30]  }
0xae: {  	v4 =	vld [tilespmem:$0x1FF30]  }
0xaf: {  	v44 =	vld [tilespmem:$0x1FE20]  }
0xb0: {  	v49 =	vld [tilespmem:$0x1FC50]  }
0xb1: {  	v50 =	vld [tilespmem:$0x1FC60]  }
0xb2: {  	v51 =	vld [tilespmem:$0x1FC70]  }
0xb3: {  	v3 =	vld [tilespmem:$0x1FE30]  }
0xb4: {  	v45 =	vld [tilespmem:$0x1FE40]  }
0xb5: {  	v46 =	vld [tilespmem:$0x1FE50]  }
0xb6: {  	v47 =	vld [tilespmem:$0x1FE60]  }
0xb7: {  	v58 =	vld [tilespmem:$0x1FC80]  }
0xb8: {  	v1 =	vlaneseq.u32;
	v59 =	vld [tilespmem:$0x1FC90]  }
0xb9: {  	v56 =	vld [tilespmem:$0x1FCA0];
	v5 =	vadd.s32 s26, v1  }
0xba: {  	v57 =	vld [tilespmem:$0x1FCB0];
	v6 =	vand.u32 $0xF, v5;
	v15 =	vor.u32 v31, v5  }
0xbb: {  	v52 =	vld [tilespmem:$0x1FE70];
	v7 =	vor.u32 v34, v6  }
0xbc: {  	v53 =	vld [tilespmem:$0x1FE80];
	v8 =	vor.u32 v35, v5  }
0xbd: {  	v54 =	vld [tilespmem:$0x1FE90];
	v12 =	vor.u32 v2, v6  }
0xbe: {  	v16 =	vld [tilespmem:$0x1FD20];
	v13 =	vor.u32 v48, v5  }
0xbf: {  	v14 =	vor.u32 v0, v6;
	v15 =	vld.idx.msk [tilespmem:v15+s2+$0x0], $0xffff  }
0xc0: {  	v36 =	vlaneseq.u32;
	v22 =	vshll.u32 v6, $0x7;
	v20 =	vor.u32 v4, v6;
	v7 =	vld.idx.msk [tilespmem:v7+s2+$0x0], $0xffff  }
0xc1: {  	v28 =	vshll.u32 v5, $0x7;
	v23 =	vor.u32 v36, v22;
	v21 =	vor.u32 v44, v5;
	v8 =	vld.idx.msk [tilespmem:v8+s2+$0x0], $0xffff  }
0xc2: {  	v29 =	vor.u32 v49, v28;
	v12 =	vld.idx.msk [tilespmem:v12+s2+$0x0], $0xffff  }
0xc3: {  	v30 =	vor.u32 v50, v22;
	v13 =	vld.idx.msk [tilespmem:v13+s2+$0x0], $0xffff  }
0xc4: {  	v31 =	vor.u32 v51, v28;
	v14 =	vld.idx.msk [tilespmem:v14+s2+$0x0], $0xffff  }
0xc5: {  	v36 =	vor.u32 v3, v22;
	v20 =	vld.idx.msk [tilespmem:v20+s2+$0x0], $0xffff  }
0xc6: {  	v37 =	vor.u32 v45, v28;
	v21 =	vld.idx.msk [tilespmem:v21+s2+$0x0], $0xffff;
	[tilespmem:v23+s14+$0x0] =	vst.idx.msk $0xffff, v7  }
0xc7: {  	v17 =	vld [tilespmem:$0x1FD30];
	v38 =	vor.u32 v46, v22;
	[tilespmem:v29+s14+$0x0] =	vst.idx.msk $0xffff, v8  }
0xc8: {  	v9 =	vld [tilespmem:$0x1FF60];
	v39 =	vor.u32 v47, v28;
	[tilespmem:v30+s14+$0x0] =	vst.idx.msk $0xffff, v12  }
0xc9: {  	v41 =	vor.u32 v59, v5;
	v0 =	vld [tilespmem:$0x1FCF0];
	[tilespmem:v31+s14+$0x0] =	vst.idx.msk $0xffff, v13  }
0xca: {  	v42 =	vor.u32 v56, v6;
	v23 =	vld [tilespmem:$0x1FED0];
	[tilespmem:v36+s14+$0x0] =	vst.idx.msk $0xffff, v14  }
0xcb: {  	v43 =	vor.u32 v57, v5;
	[tilespmem:v37+s14+$0x0] =	vst.idx.msk $0xffff, v15;
	v37 =	vld [tilespmem:$0x1FD00]  }
0xcc: {  	[tilespmem:v38+s14+$0x0] =	vst.idx.msk $0xffff, v20;
	v38 =	vld [tilespmem:$0x1FEA0]  }
0xcd: {  	[tilespmem:v39+s14+$0x0] =	vst.idx.msk $0xffff, v21;
	v39 =	vld [tilespmem:$0x1FEB0]  }
0xce: {  	v14 =	vld.idx.msk [tilespmem:v41+s2+$0x0], $0xffff  }
0xcf: {  	v40 =	vor.u32 v58, v6;
	v7 =	vld.idx.msk [tilespmem:v42+s2+$0x0], $0xffff  }
0xd0: {  	v62 =	vor.u32 v54, v6;
	v8 =	vld.idx.msk [tilespmem:v43+s2+$0x0], $0xffff  }
0xd1: {  	v43 =	vld [tilespmem:$0x1FCC0]  }
0xd2: {  	v42 =	vld [tilespmem:$0x1FCD0];
	v63 =	vor.u32 v38, v5  }
0xd3: {  	v41 =	vld [tilespmem:$0x1FCE0]  }
0xd4: {  	v60 =	vor.u32 v52, v6;
	v13 =	vld.idx.msk [tilespmem:v40+s2+$0x0], $0xffff  }
0xd5: {  	v20 =	vld.idx.msk [tilespmem:v62+s2+$0x0], $0xffff  }
0xd6: {  	v61 =	vor.u32 v53, v5;
	v62 =	vld [tilespmem:$0x1FEC0];
	v11 =	vor.u32 v43, v22  }
0xd7: {  	v29 =	vor.u32 v42, v28;
	v21 =	vld.idx.msk [tilespmem:v63+s2+$0x0], $0xffff  }
0xd8: {  	v30 =	vor.u32 v41, v22;
	v63 =	vld [tilespmem:$0x1FEE0]  }
0xd9: {  	v31 =	vor.u32 v0, v28;
	v12 =	vld.idx.msk [tilespmem:v60+s2+$0x0], $0xffff  }
0xda: {  	v60 =	vld [tilespmem:$0x1FF50];
	v18 =	vor.u32 v39, v22  }
0xdb: {  	v15 =	vld.idx.msk [tilespmem:v61+s2+$0x0], $0xffff;
	v19 =	vor.u32 v62, v28;
	[tilespmem:v11+s14+$0x0] =	vst.idx.msk $0xffff, v13  }
0xdc: {  	v33 =	vld [tilespmem:$0x1FEF0];
	v24 =	vor.u32 v23, v22;
	[tilespmem:v29+s14+$0x0] =	vst.idx.msk $0xffff, v14  }
0xdd: {  	v10 =	vor.u32 v9, v6;
	v9 =	vld [tilespmem:$0x1FDA0];
	[tilespmem:v30+s14+$0x0] =	vst.idx.msk $0xffff, v7;
	v25 =	vor.u32 v63, v28  }
0xde: {  	v23 =	vld [tilespmem:$0x1FF40];
	v26 =	vor.u32 v37, v6;
	[tilespmem:v31+s14+$0x0] =	vst.idx.msk $0xffff, v8  }
0xdf: {  	v36 =	vor.u32 v16, v6;
	v61 =	vor.u32 v60, v5;
	v60 =	vld [tilespmem:$0x1FF80];
	[tilespmem:v18+s14+$0x0] =	vst.idx.msk $0xffff, v12  }
0xe0: {  	v40 =	vor.u32 v17, v5;
	v11 =	vld [tilespmem:$0x1FD10];
	[tilespmem:v19+s14+$0x0] =	vst.idx.msk $0xffff, v15  }
0xe1: {  	v55 =	vor.u32 v33, v6;
	v18 =	vld [tilespmem:$0x1FFA0];
	[tilespmem:v24+s14+$0x0] =	vst.idx.msk $0xffff, v20  }
0xe2: {  	[tilespmem:v25+s14+$0x0] =	vst.idx.msk $0xffff, v21;
	v25 =	vld [tilespmem:$0x1FD40]  }
0xe3: {  	v8 =	vld.idx.msk [tilespmem:v26+s2+$0x0], $0xffff  }
0xe4: {  	v13 =	vld.idx.msk [tilespmem:v36+s2+$0x0], $0xffff  }
0xe5: {  	v27 =	vor.u32 v11, v5;
	v14 =	vld.idx.msk [tilespmem:v40+s2+$0x0], $0xffff  }
0xe6: {  	v24 =	vor.u32 v23, v5;
	v7 =	vld.idx.msk [tilespmem:v55+s2+$0x0], $0xffff  }
0xe7: {  	v36 =	vld [tilespmem:$0x1FD50]  }
0xe8: {  	v40 =	vld [tilespmem:$0x1FD60]  }
0xe9: {  	v55 =	vld [tilespmem:$0x1FD70]  }
0xea: {  	v12 =	vld.idx.msk [tilespmem:v27+s2+$0x0], $0xffff  }
0xeb: {  	v21 =	vld.idx.msk [tilespmem:v24+s2+$0x0], $0xffff;
	v26 =	vor.u32 v25, v22  }
0xec: {  	v24 =	vld [tilespmem:$0x1FFB0];
	v29 =	vor.u32 v36, v28  }
0xed: {  	v25 =	vld [tilespmem:$0x1FFC0];
	v30 =	vor.u32 v40, v22  }
0xee: {  	v31 =	vor.u32 v55, v28;
	v36 =	vld [tilespmem:$0x1FD90]  }
0xef: {  	v15 =	vld.idx.msk [tilespmem:v61+s2+$0x0], $0xffff;
	v61 =	vor.u32 v60, v22  }
0xf0: {  	v20 =	vld.idx.msk [tilespmem:v10+s2+$0x0], $0xffff;
	v19 =	vor.u32 v18, v28;
	[tilespmem:v26+s14+$0x0] =	vst.idx.msk $0xffff, v8  }
0xf1: {  	v10 =	vld [tilespmem:$0x1FDB0];
	v23 =	vor.u32 v24, v22;
	[tilespmem:v29+s14+$0x0] =	vst.idx.msk $0xffff, v12  }
0xf2: {  	v27 =	vor.u32 v25, v28;
	v26 =	vld [tilespmem:$0x1FFD0];
	[tilespmem:v30+s14+$0x0] =	vst.idx.msk $0xffff, v13  }
0xf3: {  	v60 =	vor.u32 v36, v5;
	[tilespmem:v31+s14+$0x0] =	vst.idx.msk $0xffff, v14;
	v31 =	vld [tilespmem:$0x1FD80]  }
0xf4: {  	v18 =	vld [tilespmem:$0x1FF90];
	[tilespmem:v61+s14+$0x0] =	vst.idx.msk $0xffff, v7  }
0xf5: {  	v29 =	vld [tilespmem:$0x1FE00];
	[tilespmem:v19+s14+$0x0] =	vst.idx.msk $0xffff, v15  }
0xf6: {  	v61 =	vor.u32 v9, v6;
	v19 =	vld [tilespmem:$0x1FDE0];
	[tilespmem:v23+s14+$0x0] =	vst.idx.msk $0xffff, v20  }
0xf7: {  	v32 =	vor.u32 v26, v6;
	[tilespmem:v27+s14+$0x0] =	vst.idx.msk $0xffff, v21;
	v27 =	vld [tilespmem:$0x1FFE0]  }
0xf8: {  	v55 =	vor.u32 v31, v6;
	v7 =	vld.idx.msk [tilespmem:v60+s2+$0x0], $0xffff  }
0xf9: {  	v60 =	vld [tilespmem:$0x1FF70]  }
0xfa: {  	v23 =	vor.u32 v10, v5;
	v6 =	vor.u32 v18, v6;
	v18 =	vld [tilespmem:$0x1FDD0]  }
0xfb: {  	v8 =	vld.idx.msk [tilespmem:v61+s2+$0x0], $0xffff  }
0xfc: {  	v13 =	vld.idx.msk [tilespmem:v32+s2+$0x0], $0xffff  }
0xfd: {  	v14 =	vld.idx.msk [tilespmem:v55+s2+$0x0], $0xffff;
	v55 =	vor.u32 v27, v5  }
0xfe: {  	v32 =	vld [tilespmem:$0x1FDF0];
	v5 =	vor.u32 v60, v5  }
0xff: {  	v12 =	vld.idx.msk [tilespmem:v23+s2+$0x0], $0xffff  }
0x100: {  	v61 =	vor.u32 v18, v22;
	v6 =	vld.idx.msk [tilespmem:v6+s2+$0x0], $0xffff  }
0x101: {  	v60 =	vld [tilespmem:$0x1FF20]  }
0x102: {  	v15 =	vld.idx.msk [tilespmem:v55+s2+$0x0], $0xffff  }
0x103: {  	v5 =	vld.idx.msk [tilespmem:v5+s2+$0x0], $0xffff  }
0x104: {  	v55 =	vld [tilespmem:$0x1FF10]  }
0x105: {  	v21 =	vor.u32 v19, v28;
	[tilespmem:v61+s14+$0x0] =	vst.idx.msk $0xffff, v14;
	v61 =	vld [tilespmem:$0x1FF00];
	_ =	sdelay $0x1  }
0x106: {  	v23 =	vor.u32 v32, v22;
	v32 =	vld [tilespmem:$0x1FFF0]  }
0x107: {  	v29 =	vor.u32 v29, v28  }
0x108: {  	v30 =	vor.u32 v55, v22  }
0x109: {  	s28 =	sadd.s32 $0x1, s26;
	v14 =	vor.u32 v60, v28;
	[tilespmem:v21+s14+$0x0] =	vst.idx.msk $0xffff, v7;
	v7 =	vor.u32 v61, v22;
	v22 =	vlaneseq.u32  }
0x10a: {  	v20 =	vadd.s32 s28, v22  }
0x10b: {  	v40 =	vld [tilespmem:$0x1FC40];
	[tilespmem:v23+s14+$0x0] =	vst.idx.msk $0xffff, v8;
	v8 =	vor.u32 v32, v28;
	v20 =	vand.u32 $0xF, v20  }
0x10c: {  	[tilespmem:v29+s14+$0x0] =	vst.idx.msk $0xffff, v12;
	v34 =	vor.u32 v34, v20  }
0x10d: {  	v21 =	vor.u32 v35, v20;
	[tilespmem:v30+s14+$0x0] =	vst.idx.msk $0xffff, v13  }
0x10e: {  	v1 =	vld [tilespmem:$0x1FE10];
	v23 =	vor.u32 v2, v20;
	[tilespmem:v14+s14+$0x0] =	vst.idx.msk $0xffff, v15  }
0x10f: {  	v48 =	vor.u32 v48, v20;
	[tilespmem:v7+s14+$0x0] =	vst.idx.msk $0xffff, v6  }
0x110: {  	v2 =	vor.u32 v40, v20;
	[tilespmem:v8+s14+$0x0] =	vst.idx.msk $0xffff, v5  }
0x111: {  	v40 =	vor.u32 v4, v20;
	v7 =	vld.idx.msk [tilespmem:v34+s2+$0x0], $0xffff  }
0x112: {  	v44 =	vor.u32 v44, v20;
	v35 =	vld.idx.msk [tilespmem:v21+s2+$0x0], $0xffff;
	v21 =	vshll.u32 v20, $0x7  }
0x113: {  	v34 =	vor.u32 v1, v20;
	v14 =	vld.idx.msk [tilespmem:v23+s2+$0x0], $0xffff;
	v22 =	vor.u32 v22, v21  }
0x114: {  	v6 =	vld.idx.msk [tilespmem:v48+s2+$0x0], $0xffff;
	v48 =	vor.u32 v49, v21  }
0x115: {  	v5 =	vld.idx.msk [tilespmem:v2+s2+$0x0], $0xffff;
	v28 =	vor.u32 v50, v21  }
0x116: {  	v13 =	vld.idx.msk [tilespmem:v40+s2+$0x0], $0xffff;
	v29 =	vor.u32 v51, v21  }
0x117: {  	v15 =	vld.idx.msk [tilespmem:v44+s2+$0x0], $0xffff;
	v30 =	vor.u32 v3, v21  }
0x118: {  	v49 =	vor.u32 v45, v21;
	v8 =	vld.idx.msk [tilespmem:v34+s2+$0x0], $0xffff;
	[tilespmem:v22+s14+$0x0] =	vst.idx.msk $0xffff, v7  }
0x119: {  	v50 =	vor.u32 v46, v21;
	[tilespmem:v48+s14+$0x0] =	vst.idx.msk $0xffff, v35  }
0x11a: {  	v51 =	vor.u32 v47, v21;
	[tilespmem:v28+s14+$0x0] =	vst.idx.msk $0xffff, v14  }
0x11b: {  	v2 =	vor.u32 v58, v20;
	[tilespmem:v29+s14+$0x0] =	vst.idx.msk $0xffff, v6  }
0x11c: {  	v22 =	vor.u32 v59, v20;
	[tilespmem:v30+s14+$0x0] =	vst.idx.msk $0xffff, v5  }
0x11d: {  	v4 =	vld [tilespmem:$0x1FF40];
	v23 =	vor.u32 v56, v20;
	[tilespmem:v49+s14+$0x0] =	vst.idx.msk $0xffff, v8  }
0x11e: {  	v58 =	vld [tilespmem:$0x1FF50];
	v34 =	vor.u32 v57, v20;
	[tilespmem:v50+s14+$0x0] =	vst.idx.msk $0xffff, v13  }
0x11f: {  	v35 =	vor.u32 v52, v20;
	v49 =	vld [tilespmem:$0x1FED0];
	[tilespmem:v51+s14+$0x0] =	vst.idx.msk $0xffff, v15  }
0x120: {  	v40 =	vor.u32 v53, v20;
	v6 =	vld.idx.msk [tilespmem:v2+s2+$0x0], $0xffff  }
0x121: {  	v44 =	vor.u32 v54, v20;
	v5 =	vld.idx.msk [tilespmem:v22+s2+$0x0], $0xffff  }
0x122: {  	v45 =	vor.u32 v38, v20;
	v46 =	vor.u32 v43, v21;
	v7 =	vld.idx.msk [tilespmem:v23+s2+$0x0], $0xffff  }
0x123: {  	v47 =	vor.u32 v42, v21;
	v8 =	vld.idx.msk [tilespmem:v34+s2+$0x0], $0xffff  }
0x124: {  	v28 =	vor.u32 v41, v21;
	v12 =	vld.idx.msk [tilespmem:v35+s2+$0x0], $0xffff  }
0x125: {  	v29 =	vor.u32 v0, v21;
	v13 =	vld.idx.msk [tilespmem:v40+s2+$0x0], $0xffff  }
0x126: {  	v30 =	vor.u32 v39, v21;
	v14 =	vld.idx.msk [tilespmem:v44+s2+$0x0], $0xffff  }
0x127: {  	v48 =	vor.u32 v62, v21;
	v15 =	vld.idx.msk [tilespmem:v45+s2+$0x0], $0xffff;
	[tilespmem:v46+s14+$0x0] =	vst.idx.msk $0xffff, v6  }
0x128: {  	v38 =	vld [tilespmem:$0x1FD70];
	v50 =	vor.u32 v49, v21;
	[tilespmem:v47+s14+$0x0] =	vst.idx.msk $0xffff, v5  }
0x129: {  	v62 =	vld [tilespmem:$0x1FF60];
	v51 =	vor.u32 v63, v21;
	[tilespmem:v28+s14+$0x0] =	vst.idx.msk $0xffff, v7  }
0x12a: {  	v52 =	vor.u32 v37, v20;
	v37 =	vld [tilespmem:$0x1FD60];
	[tilespmem:v29+s14+$0x0] =	vst.idx.msk $0xffff, v8  }
0x12b: {  	v53 =	vor.u32 v11, v20;
	v39 =	vld [tilespmem:$0x1FF80];
	[tilespmem:v30+s14+$0x0] =	vst.idx.msk $0xffff, v12  }
0x12c: {  	v54 =	vor.u32 v16, v20;
	v23 =	vld [tilespmem:$0x1FD40];
	[tilespmem:v48+s14+$0x0] =	vst.idx.msk $0xffff, v13  }
0x12d: {  	v56 =	vor.u32 v17, v20;
	v34 =	vld [tilespmem:$0x1FD50];
	[tilespmem:v50+s14+$0x0] =	vst.idx.msk $0xffff, v14  }
0x12e: {  	v57 =	vor.u32 v33, v20;
	v40 =	vld [tilespmem:$0x1FFA0];
	[tilespmem:v51+s14+$0x0] =	vst.idx.msk $0xffff, v15  }
0x12f: {  	v59 =	vor.u32 v58, v20;
	v8 =	vld.idx.msk [tilespmem:v52+s2+$0x0], $0xffff  }
0x130: {  	v63 =	vor.u32 v62, v20;
	v12 =	vld.idx.msk [tilespmem:v53+s2+$0x0], $0xffff  }
0x131: {  	v11 =	vor.u32 v4, v20;
	v33 =	vor.u32 v23, v21;
	v6 =	vld.idx.msk [tilespmem:v54+s2+$0x0], $0xffff  }
0x132: {  	v35 =	vor.u32 v34, v21;
	v5 =	vld.idx.msk [tilespmem:v56+s2+$0x0], $0xffff  }
0x133: {  	v28 =	vor.u32 v37, v21;
	v7 =	vld.idx.msk [tilespmem:v57+s2+$0x0], $0xffff  }
0x134: {  	v29 =	vor.u32 v38, v21;
	v13 =	vld.idx.msk [tilespmem:v59+s2+$0x0], $0xffff  }
0x135: {  	v30 =	vor.u32 v39, v21;
	v14 =	vld.idx.msk [tilespmem:v63+s2+$0x0], $0xffff  }
0x136: {  	v41 =	vor.u32 v40, v21;
	v15 =	vld.idx.msk [tilespmem:v11+s2+$0x0], $0xffff;
	[tilespmem:v33+s14+$0x0] =	vst.idx.msk $0xffff, v8  }
0x137: {  	v42 =	vor.u32 v24, v21;
	[tilespmem:v35+s14+$0x0] =	vst.idx.msk $0xffff, v12  }
0x138: {  	v43 =	vor.u32 v25, v21;
	[tilespmem:v28+s14+$0x0] =	vst.idx.msk $0xffff, v6  }
0x139: {  	v44 =	vor.u32 v31, v20;
	[tilespmem:v29+s14+$0x0] =	vst.idx.msk $0xffff, v5  }
0x13a: {  	v45 =	vor.u32 v36, v20;
	v50 =	vld [tilespmem:$0x1FF90];
	[tilespmem:v30+s14+$0x0] =	vst.idx.msk $0xffff, v7  }
0x13b: {  	v46 =	vor.u32 v9, v20;
	v52 =	vld [tilespmem:$0x1FF70];
	[tilespmem:v41+s14+$0x0] =	vst.idx.msk $0xffff, v13  }
0x13c: {  	v47 =	vor.u32 v10, v20;
	v57 =	vld [tilespmem:$0x1FDF0];
	[tilespmem:v42+s14+$0x0] =	vst.idx.msk $0xffff, v14  }
0x13d: {  	v48 =	vor.u32 v26, v20;
	v59 =	vld [tilespmem:$0x1FE00];
	[tilespmem:v43+s14+$0x0] =	vst.idx.msk $0xffff, v15  }
0x13e: {  	v49 =	vor.u32 v27, v20;
	v5 =	vld.idx.msk [tilespmem:v44+s2+$0x0], $0xffff  }
0x13f: {  	v51 =	vor.u32 v50, v20;
	v7 =	vld.idx.msk [tilespmem:v45+s2+$0x0], $0xffff  }
0x140: {  	v54 =	vor.u32 v18, v21;
	v53 =	vor.u32 v52, v20;
	v8 =	vld.idx.msk [tilespmem:v46+s2+$0x0], $0xffff  }
0x141: {  	v56 =	vor.u32 v19, v21;
	v12 =	vld.idx.msk [tilespmem:v47+s2+$0x0], $0xffff  }
0x142: {  	v58 =	vor.u32 v57, v21;
	v6 =	vld.idx.msk [tilespmem:v48+s2+$0x0], $0xffff  }
0x143: {  	v28 =	vor.u32 v59, v21;
	v13 =	vld.idx.msk [tilespmem:v49+s2+$0x0], $0xffff  }
0x144: {  	v29 =	vor.u32 v55, v21;
	v14 =	vld.idx.msk [tilespmem:v51+s2+$0x0], $0xffff  }
0x145: {  	v60 =	vor.u32 v60, v21;
	v15 =	vld.idx.msk [tilespmem:v53+s2+$0x0], $0xffff;
	[tilespmem:v54+s14+$0x0] =	vst.idx.msk $0xffff, v5  }
0x146: {  	v62 =	vor.u32 v61, v21;
	[tilespmem:v56+s14+$0x0] =	vst.idx.msk $0xffff, v7  }
0x147: {  	p4 =	sne.s32 s26, $0xE;
	v63 =	vor.u32 v32, v21;
	[tilespmem:v58+s14+$0x0] =	vst.idx.msk $0xffff, v8  }
.Ltmp5:
0x148: {  	[tilespmem:v28+s14+$0x0] =	vst.idx.msk $0xffff, v12;
	(pc) =	sbr.rel @p4 .LBB2_4-.Ltmp5, $4  }
0x149: {  	[tilespmem:v29+s14+$0x0] =	vst.idx.msk $0xffff, v6  }
0x14a: {  	[tilespmem:v60+s14+$0x0] =	vst.idx.msk $0xffff, v13  }
0x14b: {  	[tilespmem:v62+s14+$0x0] =	vst.idx.msk $0xffff, v14  }
0x14c: {  	s26 =	sadd.s32 $0x2, s26;
	v31 =	vmov v1;
	[tilespmem:v63+s14+$0x0] =	vst.idx.msk $0xffff, v15  }
.Ltmp6:
0x14d: {  	v38 =	vld [tilespmem:$0x1FF30];
	(pc) =	sbr.rel @p3 .LBB2_9-.Ltmp6, $4  }
0x14e: {  	v62 =	vld [tilespmem:$0x1FF50]  }
0x14f: {  	s25 =	sshll.u32 s25, $0xB;
	v41 =	vld [tilespmem:$0x1FF10]  }
0x150: {  	v37 =	vld [tilespmem:$0x1FF20];
	s25 =	sadd.s32 s4, s25  }
0x151: {  	v61 =	vld [tilespmem:$0x1FFF0];
	[hbm4b:s25+s2] =	stream.linear.scatter [tilespmem:s14], [sflag:$0x3], $0x4000, $0x38  }
0x152: {  	_ =	swait.ge [sflag:s15], $0x2000  }
0x153: {  	p3 =	sgt.u32 s24, $0x1E63;
	[sflag:s15] =	ssyncset.done $0x0  }
0x154: {  	s25 =	sshll.u32 @!p3 s24, $0x7;
	s26 =	simm.s32 @!p3 $0x400;
	s28 =	simm.s32 @!p3 $0x7A1400  }
0x155: {  	s29 =	simm.s32 @!p3 $0x0;
	[sflag:s15] =	ssyncadd.s32 $0xFFFFE000;
	s25 =	sadd.s32 @!p3 s25, s6  }
0x156: {  	[tilespmem:s29], [sflag:$0x1] =	stream.strided.gather @!p3 [hbm4b:s25+s26], $0x2000, s28, s26, $0x38;
	[tilespmem:$0x10000] =	vst v63  }
0x157: {  	s25 =	simm.s32 @!p2 $0x4  }
0x158: {  	_ =	swait.ge @!p2 [sflag:s25], $0x4000  }
0x159: {  	[sflag:s25] =	ssyncset.done @!p2 $0x0  }
0x15a: {  	[sflag:s25] =	ssyncadd.s32 @!p2 $0xFFFFC000;
	s25 =	simm.s32 $0x0  }
.LBB2_7:
0x15b: {  	v34 =	vld [tilespmem:$0x1FDC0]  }
0x15c: {  	v35 =	vld [tilespmem:$0x1FC10]  }
0x15d: {  	v33 =	vld [tilespmem:$0x1FC20]  }
0x15e: {  	v40 =	vld [tilespmem:$0x1FC30]  }
0x15f: {  	v22 =	vld [tilespmem:$0x1FC40]  }
0x160: {  	v39 =	vld [tilespmem:$0x1FF30]  }
0x161: {  	v44 =	vld [tilespmem:$0x1FE20]  }
0x162: {  	v49 =	vld [tilespmem:$0x1FC50]  }
0x163: {  	v50 =	vld [tilespmem:$0x1FC60]  }
0x164: {  	v51 =	vld [tilespmem:$0x1FC70]  }
0x165: {  	v45 =	vld [tilespmem:$0x1FE30]  }
0x166: {  	v47 =	vld [tilespmem:$0x1FE40]  }
0x167: {  	v62 =	vld [tilespmem:$0x1FE50]  }
0x168: {  	v42 =	vld [tilespmem:$0x1FE60]  }
0x169: {  	v58 =	vld [tilespmem:$0x1FC80]  }
0x16a: {  	v2 =	vld [tilespmem:$0x1FC90]  }
0x16b: {  	v0 =	vlaneseq.u32;
	v38 =	vld [tilespmem:$0x1FCB0]  }
0x16c: {  	v43 =	vld [tilespmem:$0x1FE70];
	v5 =	vadd.s32 s25, v0  }
0x16d: {  	v3 =	vld [tilespmem:$0x1FE80];
	v6 =	vand.u32 $0xF, v5;
	v15 =	vor.u32 v31, v5  }
0x16e: {  	v56 =	vld [tilespmem:$0x1FE90];
	v7 =	vor.u32 v34, v6  }
0x16f: {  	v1 =	vlaneseq.u32;
	v60 =	vld [tilespmem:$0x1FEA0];
	v8 =	vor.u32 v35, v5  }
0x170: {  	v46 =	vld [tilespmem:$0x1FCC0];
	v12 =	vor.u32 v33, v6;
	v14 =	vor.u32 v22, v6;
	v22 =	vshll.u32 v6, $0x7  }
0x171: {  	v13 =	vor.u32 v40, v5;
	v23 =	vor.u32 v1, v22;
	v1 =	vld [tilespmem:$0x1FCA0]  }
0x172: {  	v15 =	vld.idx.msk [tilespmem:v15+s16+$0x0], $0xffff  }
0x173: {  	v20 =	vor.u32 v39, v6;
	v7 =	vld.idx.msk [tilespmem:v7+s16+$0x0], $0xffff  }
0x174: {  	v28 =	vshll.u32 v5, $0x7;
	v21 =	vor.u32 v44, v5;
	v8 =	vld.idx.msk [tilespmem:v8+s16+$0x0], $0xffff  }
0x175: {  	v29 =	vor.u32 v49, v28;
	v12 =	vld.idx.msk [tilespmem:v12+s16+$0x0], $0xffff  }
0x176: {  	v30 =	vor.u32 v50, v22;
	v13 =	vld.idx.msk [tilespmem:v13+s16+$0x0], $0xffff  }
0x177: {  	v31 =	vor.u32 v51, v28;
	v14 =	vld.idx.msk [tilespmem:v14+s16+$0x0], $0xffff  }
0x178: {  	v36 =	vor.u32 v45, v22;
	v20 =	vld.idx.msk [tilespmem:v20+s16+$0x0], $0xffff  }
0x179: {  	v21 =	vld.idx.msk [tilespmem:v21+s16+$0x0], $0xffff;
	[tilespmem:v23+s17+$0x0] =	vst.idx.msk $0xffff, v7;
	v23 =	vor.u32 v47, v28  }
0x17a: {  	v52 =	vld [tilespmem:$0x1FCD0];
	v24 =	vor.u32 v62, v22;
	[tilespmem:v29+s17+$0x0] =	vst.idx.msk $0xffff, v8  }
0x17b: {  	v53 =	vld [tilespmem:$0x1FCE0];
	v25 =	vor.u32 v42, v28;
	[tilespmem:v30+s17+$0x0] =	vst.idx.msk $0xffff, v12  }
0x17c: {  	v54 =	vld [tilespmem:$0x1FCF0];
	v26 =	vor.u32 v58, v6;
	[tilespmem:v31+s17+$0x0] =	vst.idx.msk $0xffff, v13  }
0x17d: {  	v17 =	vld [tilespmem:$0x1FEB0];
	v27 =	vor.u32 v2, v5;
	[tilespmem:v36+s17+$0x0] =	vst.idx.msk $0xffff, v14  }
0x17e: {  	v19 =	vld [tilespmem:$0x1FEC0];
	v32 =	vor.u32 v1, v6;
	[tilespmem:v23+s17+$0x0] =	vst.idx.msk $0xffff, v15  }
0x17f: {  	v4 =	vld [tilespmem:$0x1FD50];
	v37 =	vor.u32 v38, v5;
	[tilespmem:v24+s17+$0x0] =	vst.idx.msk $0xffff, v20  }
0x180: {  	v41 =	vor.u32 v43, v6;
	[tilespmem:v25+s17+$0x0] =	vst.idx.msk $0xffff, v21;
	v25 =	vld [tilespmem:$0x1FED0]  }
0x181: {  	v48 =	vor.u32 v3, v5;
	v13 =	vld.idx.msk [tilespmem:v26+s16+$0x0], $0xffff  }
0x182: {  	v57 =	vor.u32 v56, v6;
	v14 =	vld.idx.msk [tilespmem:v27+s16+$0x0], $0xffff  }
0x183: {  	v59 =	vor.u32 v60, v5;
	v7 =	vld.idx.msk [tilespmem:v32+s16+$0x0], $0xffff  }
0x184: {  	v8 =	vld.idx.msk [tilespmem:v37+s16+$0x0], $0xffff  }
0x185: {  	v12 =	vld.idx.msk [tilespmem:v41+s16+$0x0], $0xffff  }
0x186: {  	v15 =	vld.idx.msk [tilespmem:v48+s16+$0x0], $0xffff  }
0x187: {  	v61 =	vor.u32 v46, v22;
	v20 =	vld.idx.msk [tilespmem:v57+s16+$0x0], $0xffff  }
0x188: {  	v29 =	vor.u32 v52, v28;
	v21 =	vld.idx.msk [tilespmem:v59+s16+$0x0], $0xffff  }
0x189: {  	v30 =	vor.u32 v53, v22;
	v27 =	vld [tilespmem:$0x1FEE0]  }
0x18a: {  	v31 =	vor.u32 v54, v28;
	v48 =	vld [tilespmem:$0x1FD00]  }
0x18b: {  	v63 =	vor.u32 v17, v22;
	v37 =	vld [tilespmem:$0x1FD10]  }
0x18c: {  	v0 =	vor.u32 v19, v28;
	v41 =	vld [tilespmem:$0x1FD20];
	[tilespmem:v61+s17+$0x0] =	vst.idx.msk $0xffff, v13  }
0x18d: {  	v55 =	vld [tilespmem:$0x1FD30];
	v16 =	vor.u32 v25, v22;
	[tilespmem:v29+s17+$0x0] =	vst.idx.msk $0xffff, v14  }
0x18e: {  	v57 =	vld [tilespmem:$0x1FF50];
	v18 =	vor.u32 v27, v28;
	[tilespmem:v30+s17+$0x0] =	vst.idx.msk $0xffff, v7  }
0x18f: {  	v59 =	vld [tilespmem:$0x1FF60];
	v23 =	vor.u32 v48, v6;
	[tilespmem:v31+s17+$0x0] =	vst.idx.msk $0xffff, v8  }
0x190: {  	v24 =	vor.u32 v37, v5;
	v61 =	vld [tilespmem:$0x1FF40];
	[tilespmem:v63+s17+$0x0] =	vst.idx.msk $0xffff, v12  }
0x191: {  	v26 =	vor.u32 v41, v6;
	v29 =	vor.u32 v4, v28;
	v4 =	vld [tilespmem:$0x1FD70];
	[tilespmem:v0+s17+$0x0] =	vst.idx.msk $0xffff, v15  }
0x192: {  	v63 =	vld [tilespmem:$0x1FEF0];
	[tilespmem:v16+s17+$0x0] =	vst.idx.msk $0xffff, v20  }
0x193: {  	v9 =	vor.u32 v57, v5;
	v16 =	vld [tilespmem:$0x1FFB0];
	[tilespmem:v18+s17+$0x0] =	vst.idx.msk $0xffff, v21  }
0x194: {  	v8 =	vld.idx.msk [tilespmem:v23+s16+$0x0], $0xffff  }
0x195: {  	v10 =	vor.u32 v59, v6;
	v12 =	vld.idx.msk [tilespmem:v24+s16+$0x0], $0xffff  }
0x196: {  	v13 =	vld.idx.msk [tilespmem:v26+s16+$0x0], $0xffff  }
0x197: {  	v11 =	vor.u32 v61, v5;
	v24 =	vld [tilespmem:$0x1FD40]  }
0x198: {  	v15 =	vld.idx.msk [tilespmem:v9+s16+$0x0], $0xffff  }
0x199: {  	v32 =	vor.u32 v55, v5;
	v9 =	vld [tilespmem:$0x1FD60]  }
0x19a: {  	v20 =	vld.idx.msk [tilespmem:v10+s16+$0x0], $0xffff  }
0x19b: {  	v10 =	vld [tilespmem:$0x1FF80]  }
0x19c: {  	v36 =	vor.u32 v63, v6;
	v21 =	vld.idx.msk [tilespmem:v11+s16+$0x0], $0xffff  }
0x19d: {  	v11 =	vld [tilespmem:$0x1FFA0];
	v26 =	vor.u32 v24, v22  }
0x19e: {  	v14 =	vld.idx.msk [tilespmem:v32+s16+$0x0], $0xffff  }
0x19f: {  	v23 =	vld [tilespmem:$0x1FFC0];
	v30 =	vor.u32 v9, v22  }
0x1a0: {  	v31 =	vor.u32 v4, v28;
	v9 =	vld [tilespmem:$0x1FD80]  }
0x1a1: {  	v7 =	vld.idx.msk [tilespmem:v36+s16+$0x0], $0xffff;
	v36 =	vor.u32 v10, v22  }
0x1a2: {  	[tilespmem:v26+s17+$0x0] =	vst.idx.msk $0xffff, v8;
	v8 =	vor.u32 v11, v28  }
0x1a3: {  	v18 =	vor.u32 v16, v22;
	v10 =	vld [tilespmem:$0x1FD90];
	[tilespmem:v29+s17+$0x0] =	vst.idx.msk $0xffff, v12  }
0x1a4: {  	v24 =	vor.u32 v23, v28;
	[tilespmem:v30+s17+$0x0] =	vst.idx.msk $0xffff, v13  }
0x1a5: {  	v23 =	vld [tilespmem:$0x1FFD0];
	v26 =	vor.u32 v9, v6;
	[tilespmem:v31+s17+$0x0] =	vst.idx.msk $0xffff, v14  }
0x1a6: {  	[tilespmem:v36+s17+$0x0] =	vst.idx.msk $0xffff, v7  }
0x1a7: {  	v16 =	vld [tilespmem:$0x1FDB0];
	[tilespmem:v8+s17+$0x0] =	vst.idx.msk $0xffff, v15  }
0x1a8: {  	v11 =	vld [tilespmem:$0x1FDA0];
	v32 =	vor.u32 v10, v5;
	[tilespmem:v18+s17+$0x0] =	vst.idx.msk $0xffff, v20  }
0x1a9: {  	v18 =	vld [tilespmem:$0x1FF70];
	[tilespmem:v24+s17+$0x0] =	vst.idx.msk $0xffff, v21  }
0x1aa: {  	v24 =	vor.u32 v23, v6;
	v14 =	vld.idx.msk [tilespmem:v26+s16+$0x0], $0xffff  }
0x1ab: {  	v26 =	vld [tilespmem:$0x1FFE0];
	_ =	sdelay $0x1  }
0x1ac: {  	v7 =	vld.idx.msk [tilespmem:v32+s16+$0x0], $0xffff  }
0x1ad: {  	v32 =	vld [tilespmem:$0x1FF90]  }
0x1ae: {  	v8 =	vor.u32 v11, v6;
	v13 =	vld.idx.msk [tilespmem:v24+s16+$0x0], $0xffff  }
0x1af: {  	v20 =	vor.u32 v16, v5;
	v15 =	vor.u32 v26, v5;
	v5 =	vor.u32 v18, v5;
	v18 =	vld [tilespmem:$0x1FDD0]  }
0x1b0: {  	v24 =	vld [tilespmem:$0x1FDE0]  }
0x1b1: {  	v0 =	vld [tilespmem:$0x1FF10]  }
0x1b2: {  	v6 =	vor.u32 v32, v6;
	v26 =	vld [tilespmem:$0x1FDF0]  }
0x1b3: {  	v8 =	vld.idx.msk [tilespmem:v8+s16+$0x0], $0xffff  }
0x1b4: {  	v12 =	vld.idx.msk [tilespmem:v20+s16+$0x0], $0xffff;
	v20 =	vor.u32 v18, v22  }
0x1b5: {  	v32 =	vld [tilespmem:$0x1FE00];
	v21 =	vor.u32 v24, v28  }
0x1b6: {  	v15 =	vld.idx.msk [tilespmem:v15+s16+$0x0], $0xffff  }
0x1b7: {  	v23 =	vor.u32 v26, v22;
	v6 =	vld.idx.msk [tilespmem:v6+s16+$0x0], $0xffff  }
0x1b8: {  	v5 =	vld.idx.msk [tilespmem:v5+s16+$0x0], $0xffff  }
0x1b9: {  	[tilespmem:v20+s17+$0x0] =	vst.idx.msk $0xffff, v14;
	v20 =	vld [tilespmem:$0x1FF20]  }
0x1ba: {  	[tilespmem:v21+s17+$0x0] =	vst.idx.msk $0xffff, v7;
	v21 =	vld [tilespmem:$0x1FF00];
	_ =	sdelay $0x1  }
0x1bb: {  	[tilespmem:v23+s17+$0x0] =	vst.idx.msk $0xffff, v8;
	v23 =	vld [tilespmem:$0x1FFF0]  }
0x1bc: {  	v29 =	vor.u32 v32, v28  }
0x1bd: {  	v30 =	vor.u32 v0, v22  }
0x1be: {  	s26 =	sadd.s32 $0x1, s25;
	v14 =	vor.u32 v20, v28;
	v7 =	vor.u32 v21, v22;
	v22 =	vlaneseq.u32  }
0x1bf: {  	v20 =	vadd.s32 s26, v22  }
0x1c0: {  	v36 =	vld [tilespmem:$0x1FC40];
	v8 =	vor.u32 v23, v28;
	v20 =	vand.u32 $0xF, v20  }
0x1c1: {  	v31 =	vld [tilespmem:$0x1FE10];
	[tilespmem:v29+s17+$0x0] =	vst.idx.msk $0xffff, v12;
	v12 =	vor.u32 v34, v20  }
0x1c2: {  	[tilespmem:v30+s17+$0x0] =	vst.idx.msk $0xffff, v13;
	v21 =	vor.u32 v35, v20  }
0x1c3: {  	v23 =	vor.u32 v33, v20;
	[tilespmem:v14+s17+$0x0] =	vst.idx.msk $0xffff, v15  }
0x1c4: {  	v33 =	vor.u32 v40, v20;
	[tilespmem:v7+s17+$0x0] =	vst.idx.msk $0xffff, v6  }
0x1c5: {  	v34 =	vor.u32 v36, v20;
	[tilespmem:v8+s17+$0x0] =	vst.idx.msk $0xffff, v5  }
0x1c6: {  	v35 =	vor.u32 v31, v20;
	v7 =	vld.idx.msk [tilespmem:v12+s16+$0x0], $0xffff  }
0x1c7: {  	v40 =	vor.u32 v39, v20;
	v36 =	vld.idx.msk [tilespmem:v21+s16+$0x0], $0xffff;
	v21 =	vshll.u32 v20, $0x7  }
0x1c8: {  	v44 =	vor.u32 v44, v20;
	v14 =	vld.idx.msk [tilespmem:v23+s16+$0x0], $0xffff;
	v22 =	vor.u32 v22, v21  }
0x1c9: {  	v6 =	vld.idx.msk [tilespmem:v33+s16+$0x0], $0xffff;
	v49 =	vor.u32 v49, v21  }
0x1ca: {  	v5 =	vld.idx.msk [tilespmem:v34+s16+$0x0], $0xffff;
	v28 =	vor.u32 v50, v21  }
0x1cb: {  	v8 =	vld.idx.msk [tilespmem:v35+s16+$0x0], $0xffff;
	v29 =	vor.u32 v51, v21  }
0x1cc: {  	v13 =	vld.idx.msk [tilespmem:v40+s16+$0x0], $0xffff;
	v30 =	vor.u32 v45, v21  }
0x1cd: {  	v15 =	vld.idx.msk [tilespmem:v44+s16+$0x0], $0xffff;
	[tilespmem:v22+s17+$0x0] =	vst.idx.msk $0xffff, v7;
	v22 =	vor.u32 v47, v21  }
0x1ce: {  	v33 =	vor.u32 v62, v21;
	[tilespmem:v49+s17+$0x0] =	vst.idx.msk $0xffff, v36  }
0x1cf: {  	v34 =	vor.u32 v42, v21;
	[tilespmem:v28+s17+$0x0] =	vst.idx.msk $0xffff, v14  }
0x1d0: {  	v35 =	vor.u32 v58, v20;
	[tilespmem:v29+s17+$0x0] =	vst.idx.msk $0xffff, v6  }
0x1d1: {  	v36 =	vor.u32 v2, v20;
	[tilespmem:v30+s17+$0x0] =	vst.idx.msk $0xffff, v5  }
0x1d2: {  	v39 =	vor.u32 v1, v20;
	[tilespmem:v22+s17+$0x0] =	vst.idx.msk $0xffff, v8  }
0x1d3: {  	v40 =	vor.u32 v38, v20;
	[tilespmem:v33+s17+$0x0] =	vst.idx.msk $0xffff, v13  }
0x1d4: {  	v42 =	vor.u32 v43, v20;
	[tilespmem:v34+s17+$0x0] =	vst.idx.msk $0xffff, v15  }
0x1d5: {  	v43 =	vor.u32 v3, v20;
	v6 =	vld.idx.msk [tilespmem:v35+s16+$0x0], $0xffff  }
0x1d6: {  	v44 =	vor.u32 v56, v20;
	v5 =	vld.idx.msk [tilespmem:v36+s16+$0x0], $0xffff  }
0x1d7: {  	v45 =	vor.u32 v60, v20;
	v47 =	vor.u32 v46, v21;
	v7 =	vld.idx.msk [tilespmem:v39+s16+$0x0], $0xffff  }
0x1d8: {  	v49 =	vor.u32 v52, v21;
	v8 =	vld.idx.msk [tilespmem:v40+s16+$0x0], $0xffff  }
0x1d9: {  	v28 =	vor.u32 v53, v21;
	v12 =	vld.idx.msk [tilespmem:v42+s16+$0x0], $0xffff  }
0x1da: {  	v29 =	vor.u32 v54, v21;
	v13 =	vld.idx.msk [tilespmem:v43+s16+$0x0], $0xffff  }
0x1db: {  	v30 =	vor.u32 v17, v21;
	v14 =	vld.idx.msk [tilespmem:v44+s16+$0x0], $0xffff  }
0x1dc: {  	v50 =	vor.u32 v19, v21;
	v15 =	vld.idx.msk [tilespmem:v45+s16+$0x0], $0xffff;
	[tilespmem:v47+s17+$0x0] =	vst.idx.msk $0xffff, v6  }
0x1dd: {  	v23 =	vld [tilespmem:$0x1FD40];
	v51 =	vor.u32 v25, v21;
	[tilespmem:v49+s17+$0x0] =	vst.idx.msk $0xffff, v5  }
0x1de: {  	v56 =	vor.u32 v41, v20;
	v41 =	vld [tilespmem:$0x1FFC0];
	v52 =	vor.u32 v27, v21;
	[tilespmem:v28+s17+$0x0] =	vst.idx.msk $0xffff, v7  }
0x1df: {  	v53 =	vor.u32 v48, v20;
	v54 =	vor.u32 v37, v20;
	v37 =	vld [tilespmem:$0x1FFA0];
	[tilespmem:v29+s17+$0x0] =	vst.idx.msk $0xffff, v8  }
0x1e0: {  	v33 =	vld [tilespmem:$0x1FD50];
	[tilespmem:v30+s17+$0x0] =	vst.idx.msk $0xffff, v12  }
0x1e1: {  	v35 =	vld [tilespmem:$0x1FD60];
	[tilespmem:v50+s17+$0x0] =	vst.idx.msk $0xffff, v13  }
0x1e2: {  	v58 =	vor.u32 v55, v20;
	v36 =	vld [tilespmem:$0x1FF80];
	[tilespmem:v51+s17+$0x0] =	vst.idx.msk $0xffff, v14  }
0x1e3: {  	v60 =	vor.u32 v63, v20;
	v39 =	vld [tilespmem:$0x1FFB0];
	[tilespmem:v52+s17+$0x0] =	vst.idx.msk $0xffff, v15  }
0x1e4: {  	v62 =	vor.u32 v57, v20;
	v8 =	vld.idx.msk [tilespmem:v53+s16+$0x0], $0xffff  }
0x1e5: {  	v63 =	vor.u32 v59, v20;
	v12 =	vld.idx.msk [tilespmem:v54+s16+$0x0], $0xffff  }
0x1e6: {  	v19 =	vor.u32 v61, v20;
	v25 =	vor.u32 v23, v21;
	v6 =	vld.idx.msk [tilespmem:v56+s16+$0x0], $0xffff  }
0x1e7: {  	v34 =	vor.u32 v33, v21;
	v5 =	vld.idx.msk [tilespmem:v58+s16+$0x0], $0xffff  }
0x1e8: {  	v28 =	vor.u32 v35, v21;
	v7 =	vld.idx.msk [tilespmem:v60+s16+$0x0], $0xffff  }
0x1e9: {  	v29 =	vor.u32 v4, v21;
	v13 =	vld.idx.msk [tilespmem:v62+s16+$0x0], $0xffff  }
0x1ea: {  	v30 =	vor.u32 v36, v21;
	v14 =	vld.idx.msk [tilespmem:v63+s16+$0x0], $0xffff  }
0x1eb: {  	v38 =	vor.u32 v37, v21;
	v15 =	vld.idx.msk [tilespmem:v19+s16+$0x0], $0xffff;
	[tilespmem:v25+s17+$0x0] =	vst.idx.msk $0xffff, v8  }
0x1ec: {  	v40 =	vor.u32 v39, v21;
	v47 =	vld [tilespmem:$0x1FFD0];
	[tilespmem:v34+s17+$0x0] =	vst.idx.msk $0xffff, v12  }
0x1ed: {  	v42 =	vor.u32 v41, v21;
	v49 =	vld [tilespmem:$0x1FFE0];
	[tilespmem:v28+s17+$0x0] =	vst.idx.msk $0xffff, v6  }
0x1ee: {  	v43 =	vor.u32 v9, v20;
	v51 =	vld [tilespmem:$0x1FF90];
	[tilespmem:v29+s17+$0x0] =	vst.idx.msk $0xffff, v5  }
0x1ef: {  	v44 =	vor.u32 v10, v20;
	v53 =	vld [tilespmem:$0x1FF70];
	[tilespmem:v30+s17+$0x0] =	vst.idx.msk $0xffff, v7  }
0x1f0: {  	v45 =	vor.u32 v11, v20;
	v58 =	vld [tilespmem:$0x1FF20];
	[tilespmem:v38+s17+$0x0] =	vst.idx.msk $0xffff, v13  }
0x1f1: {  	v46 =	vor.u32 v16, v20;
	v60 =	vld [tilespmem:$0x1FF00];
	[tilespmem:v40+s17+$0x0] =	vst.idx.msk $0xffff, v14  }
0x1f2: {  	v48 =	vor.u32 v47, v20;
	v62 =	vld [tilespmem:$0x1FFF0];
	[tilespmem:v42+s17+$0x0] =	vst.idx.msk $0xffff, v15  }
0x1f3: {  	v50 =	vor.u32 v49, v20;
	v5 =	vld.idx.msk [tilespmem:v43+s16+$0x0], $0xffff  }
0x1f4: {  	v52 =	vor.u32 v51, v20;
	v7 =	vld.idx.msk [tilespmem:v44+s16+$0x0], $0xffff  }
0x1f5: {  	v55 =	vor.u32 v18, v21;
	v54 =	vor.u32 v53, v20;
	v8 =	vld.idx.msk [tilespmem:v45+s16+$0x0], $0xffff  }
0x1f6: {  	v56 =	vor.u32 v24, v21;
	v12 =	vld.idx.msk [tilespmem:v46+s16+$0x0], $0xffff  }
0x1f7: {  	v57 =	vor.u32 v26, v21;
	v6 =	vld.idx.msk [tilespmem:v48+s16+$0x0], $0xffff  }
0x1f8: {  	v28 =	vor.u32 v32, v21;
	v13 =	vld.idx.msk [tilespmem:v50+s16+$0x0], $0xffff  }
0x1f9: {  	v29 =	vor.u32 v0, v21;
	v14 =	vld.idx.msk [tilespmem:v52+s16+$0x0], $0xffff  }
0x1fa: {  	v59 =	vor.u32 v58, v21;
	v15 =	vld.idx.msk [tilespmem:v54+s16+$0x0], $0xffff;
	[tilespmem:v55+s17+$0x0] =	vst.idx.msk $0xffff, v5  }
0x1fb: {  	v61 =	vor.u32 v60, v21;
	[tilespmem:v56+s17+$0x0] =	vst.idx.msk $0xffff, v7  }
0x1fc: {  	p2 =	sne.s32 s25, $0xE;
	v63 =	vor.u32 v62, v21;
	[tilespmem:v57+s17+$0x0] =	vst.idx.msk $0xffff, v8  }
.Ltmp7:
0x1fd: {  	[tilespmem:v28+s17+$0x0] =	vst.idx.msk $0xffff, v12;
	(pc) =	sbr.rel @p2 .LBB2_7-.Ltmp7, $4  }
0x1fe: {  	[tilespmem:v29+s17+$0x0] =	vst.idx.msk $0xffff, v6  }
0x1ff: {  	[tilespmem:v59+s17+$0x0] =	vst.idx.msk $0xffff, v13  }
0x200: {  	[tilespmem:v61+s17+$0x0] =	vst.idx.msk $0xffff, v14  }
0x201: {  	s25 =	sadd.s32 $0x2, s25;
	[tilespmem:v63+s17+$0x0] =	vst.idx.msk $0xffff, v15  }
.Ltmp8:
0x202: {  	v38 =	vld [tilespmem:$0x1FF30];
	(pc) =	sbr.rel .LBB2_9-.Ltmp8, $4  }
0x203: {  	v62 =	vld [tilespmem:$0x1FF50]  }
0x204: {  	s24 =	sshll.u32 s24, $0xB;
	v41 =	vld [tilespmem:$0x1FF10]  }
0x205: {  	v37 =	vld [tilespmem:$0x1FF20];
	s24 =	sadd.s32 s4, s24  }
0x206: {  	v61 =	vld [tilespmem:$0x1FFF0];
	[hbm4b:s24+s2] =	stream.linear.scatter [tilespmem:s17], [sflag:$0x4], $0x4000, $0x38  }
.LBB2_10:
0x207: {  	_ =	swait.ge [sflag:s18], $0x4000  }
.Ltmp9:
0x208: {  	[sflag:s18] =	ssyncset.done $0x0;
	(pc) =	sbr.rel @p1 .LBB2_14-.Ltmp9, $4  }
0x209: {  	s23 =	simm.s32 @!p0 $0x3;
	[sflag:s18] =	ssyncadd.s32 $0xFFFFC000  }
0x20a: {  	_ =	swait.ge @!p0 [sflag:s23], $0x4000  }
0x20b: {  	[sflag:s23] =	ssyncset.done @!p0 $0x0  }
0x20c: {  	[sflag:s23] =	ssyncadd.s32 @!p0 $0xFFFFC000  }
0x20d: {  	v1 =	vld [tilespmem:$0x1FDC0];
	[tilespmem:s19], [sflag:$0x5] =	stream.strided.gather [hbm4b:s8+s11], $0x2000, s12, s11, $0x38  }
0x20e: {  	v2 =	vld [tilespmem:$0x1FC10];
	_ =	swait.ge [sflag:s20], $0x2000  }
0x20f: {  	v3 =	vld [tilespmem:$0x1FC20]  }
0x210: {  	v4 =	vld [tilespmem:$0x1FC30]  }
0x211: {  	v9 =	vld [tilespmem:$0x1FC50]  }
0x212: {  	v10 =	vld [tilespmem:$0x1FC60]  }
0x213: {  	v11 =	vld [tilespmem:$0x1FC70]  }
0x214: {  	v16 =	vld [tilespmem:$0x1FC80]  }
0x215: {  	v17 =	vld [tilespmem:$0x1FC90]  }
0x216: {  	s23 =	simm.s32 $0x0;
	v0 =	vlaneseq.u32;
	v18 =	vld [tilespmem:$0x1FCA0]  }
0x217: {  	v5 =	vadd.s32 s23, v0;
	v19 =	vld [tilespmem:$0x1FCB0]  }
0x218: {  	v6 =	vand.u32 $0xF, v5;
	v24 =	vld [tilespmem:$0x1FCC0]  }
0x219: {  	v25 =	vld [tilespmem:$0x1FCD0];
	v7 =	vor.u32 v1, v6  }
0x21a: {  	v26 =	vld [tilespmem:$0x1FCE0];
	v8 =	vor.u32 v2, v5  }
0x21b: {  	v27 =	vld [tilespmem:$0x1FCF0];
	v12 =	vor.u32 v3, v6  }
0x21c: {  	[sflag:s20] =	ssyncset.done $0x0;
	v32 =	vld [tilespmem:$0x1FD00];
	v13 =	vor.u32 v4, v5  }
0x21d: {  	v33 =	vld [tilespmem:$0x1FD10];
	[sflag:s20] =	ssyncadd.s32 $0xFFFFE000;
	v14 =	vshll.u32 v6, $0x7  }
0x21e: {  	v15 =	vshll.u32 v5, $0x7;
	v20 =	vor.u32 v0, v14;
	v7 =	vld.idx.msk [tilespmem:v7+s19+$0x0], $0xffff  }
0x21f: {  	v21 =	vor.u32 v9, v15;
	v8 =	vld.idx.msk [tilespmem:v8+s19+$0x0], $0xffff  }
0x220: {  	v22 =	vor.u32 v10, v14;
	v12 =	vld.idx.msk [tilespmem:v12+s19+$0x0], $0xffff  }
0x221: {  	v23 =	vor.u32 v11, v15;
	v13 =	vld.idx.msk [tilespmem:v13+s19+$0x0], $0xffff  }
0x222: {  	v34 =	vld [tilespmem:$0x1FD20];
	v28 =	vor.u32 v16, v6  }
0x223: {  	v35 =	vld [tilespmem:$0x1FD30];
	[tilespmem:v20+s21+$0x0] =	vst.idx.msk $0xffff, v7;
	v7 =	vor.u32 v17, v5  }
0x224: {  	v63 =	vmov v38;
	v38 =	vld [tilespmem:$0x1FD40];
	[tilespmem:v21+s21+$0x0] =	vst.idx.msk $0xffff, v8;
	v8 =	vor.u32 v18, v6  }
0x225: {  	v39 =	vld [tilespmem:$0x1FD50];
	[tilespmem:v22+s21+$0x0] =	vst.idx.msk $0xffff, v12;
	v12 =	vor.u32 v19, v5  }
0x226: {  	v43 =	vld [tilespmem:$0x1FD60];
	[tilespmem:v23+s21+$0x0] =	vst.idx.msk $0xffff, v13  }
0x227: {  	v20 =	vor.u32 v24, v14;
	v13 =	vld.idx.msk [tilespmem:v28+s19+$0x0], $0xffff  }
0x228: {  	v21 =	vor.u32 v25, v15;
	v7 =	vld.idx.msk [tilespmem:v7+s19+$0x0], $0xffff  }
0x229: {  	v22 =	vor.u32 v26, v14;
	v8 =	vld.idx.msk [tilespmem:v8+s19+$0x0], $0xffff  }
0x22a: {  	v23 =	vor.u32 v27, v15;
	v12 =	vld.idx.msk [tilespmem:v12+s19+$0x0], $0xffff  }
0x22b: {  	v44 =	vld [tilespmem:$0x1FD70];
	v28 =	vor.u32 v32, v6  }
0x22c: {  	v45 =	vld [tilespmem:$0x1FD80];
	[tilespmem:v20+s21+$0x0] =	vst.idx.msk $0xffff, v13;
	v13 =	vor.u32 v33, v5  }
0x22d: {  	v46 =	vld [tilespmem:$0x1FD90];
	[tilespmem:v21+s21+$0x0] =	vst.idx.msk $0xffff, v7;
	v7 =	vor.u32 v34, v6  }
0x22e: {  	v47 =	vld [tilespmem:$0x1FDA0];
	[tilespmem:v22+s21+$0x0] =	vst.idx.msk $0xffff, v8;
	v8 =	vor.u32 v35, v5  }
0x22f: {  	v52 =	vld [tilespmem:$0x1FDB0];
	[tilespmem:v23+s21+$0x0] =	vst.idx.msk $0xffff, v12  }
0x230: {  	v20 =	vor.u32 v38, v14;
	v12 =	vld.idx.msk [tilespmem:v28+s19+$0x0], $0xffff  }
0x231: {  	v21 =	vor.u32 v39, v15;
	v13 =	vld.idx.msk [tilespmem:v13+s19+$0x0], $0xffff  }
0x232: {  	v22 =	vor.u32 v43, v14;
	v7 =	vld.idx.msk [tilespmem:v7+s19+$0x0], $0xffff  }
0x233: {  	v23 =	vor.u32 v44, v15;
	v8 =	vld.idx.msk [tilespmem:v8+s19+$0x0], $0xffff  }
0x234: {  	v53 =	vld [tilespmem:$0x1FDD0];
	v28 =	vor.u32 v45, v6  }
0x235: {  	v54 =	vld [tilespmem:$0x1FDE0];
	[tilespmem:v20+s21+$0x0] =	vst.idx.msk $0xffff, v12;
	v12 =	vor.u32 v46, v5  }
0x236: {  	v55 =	vld [tilespmem:$0x1FDF0];
	v6 =	vor.u32 v47, v6;
	[tilespmem:v21+s21+$0x0] =	vst.idx.msk $0xffff, v13  }
0x237: {  	v60 =	vld [tilespmem:$0x1FE00];
	v5 =	vor.u32 v52, v5;
	[tilespmem:v22+s21+$0x0] =	vst.idx.msk $0xffff, v7  }
0x238: {  	[tilespmem:v23+s21+$0x0] =	vst.idx.msk $0xffff, v8  }
0x239: {  	v8 =	vor.u32 v53, v14;
	v7 =	vld.idx.msk [tilespmem:v28+s19+$0x0], $0xffff  }
0x23a: {  	s31 =	simm.s32 $0x1;
	v13 =	vor.u32 v54, v15;
	v12 =	vld.idx.msk [tilespmem:v12+s19+$0x0], $0xffff  }
0x23b: {  	v20 =	vadd.s32 s31, v0;
	v14 =	vor.u32 v55, v14;
	v6 =	vld.idx.msk [tilespmem:v6+s19+$0x0], $0xffff  }
0x23c: {  	v15 =	vor.u32 v60, v15;
	v20 =	vand.u32 $0xF, v20;
	v5 =	vld.idx.msk [tilespmem:v5+s19+$0x0], $0xffff  }
0x23d: {  	v21 =	vor.u32 v1, v20  }
0x23e: {  	[tilespmem:v8+s21+$0x0] =	vst.idx.msk $0xffff, v7;
	v7 =	vor.u32 v2, v20  }
0x23f: {  	v8 =	vor.u32 v3, v20;
	[tilespmem:v13+s21+$0x0] =	vst.idx.msk $0xffff, v12  }
0x240: {  	[tilespmem:v14+s21+$0x0] =	vst.idx.msk $0xffff, v6;
	v6 =	vor.u32 v4, v20  }
0x241: {  	v13 =	vshll.u32 v20, $0x7;
	[tilespmem:v15+s21+$0x0] =	vst.idx.msk $0xffff, v5  }
0x242: {  	v12 =	vor.u32 v0, v13;
	v5 =	vld.idx.msk [tilespmem:v21+s19+$0x0], $0xffff  }
0x243: {  	v14 =	vor.u32 v9, v13;
	v7 =	vld.idx.msk [tilespmem:v7+s19+$0x0], $0xffff  }
0x244: {  	v15 =	vor.u32 v10, v13;
	v8 =	vld.idx.msk [tilespmem:v8+s19+$0x0], $0xffff  }
0x245: {  	v21 =	vor.u32 v11, v13;
	v6 =	vld.idx.msk [tilespmem:v6+s19+$0x0], $0xffff  }
0x246: {  	v22 =	vor.u32 v16, v20  }
0x247: {  	[tilespmem:v12+s21+$0x0] =	vst.idx.msk $0xffff, v5;
	v5 =	vor.u32 v17, v20  }
0x248: {  	[tilespmem:v14+s21+$0x0] =	vst.idx.msk $0xffff, v7;
	v7 =	vor.u32 v18, v20  }
0x249: {  	[tilespmem:v15+s21+$0x0] =	vst.idx.msk $0xffff, v8;
	v8 =	vor.u32 v19, v20  }
0x24a: {  	[tilespmem:v21+s21+$0x0] =	vst.idx.msk $0xffff, v6  }
0x24b: {  	v12 =	vor.u32 v24, v13;
	v6 =	vld.idx.msk [tilespmem:v22+s19+$0x0], $0xffff  }
0x24c: {  	v14 =	vor.u32 v25, v13;
	v5 =	vld.idx.msk [tilespmem:v5+s19+$0x0], $0xffff  }
0x24d: {  	v15 =	vor.u32 v26, v13;
	v7 =	vld.idx.msk [tilespmem:v7+s19+$0x0], $0xffff  }
0x24e: {  	v21 =	vor.u32 v27, v13;
	v8 =	vld.idx.msk [tilespmem:v8+s19+$0x0], $0xffff  }
0x24f: {  	v22 =	vor.u32 v32, v20  }
0x250: {  	[tilespmem:v12+s21+$0x0] =	vst.idx.msk $0xffff, v6;
	v6 =	vor.u32 v33, v20  }
0x251: {  	[tilespmem:v14+s21+$0x0] =	vst.idx.msk $0xffff, v5;
	v5 =	vor.u32 v34, v20  }
0x252: {  	[tilespmem:v15+s21+$0x0] =	vst.idx.msk $0xffff, v7;
	v7 =	vor.u32 v35, v20  }
0x253: {  	[tilespmem:v21+s21+$0x0] =	vst.idx.msk $0xffff, v8  }
0x254: {  	v12 =	vor.u32 v38, v13;
	v8 =	vld.idx.msk [tilespmem:v22+s19+$0x0], $0xffff  }
0x255: {  	v14 =	vor.u32 v39, v13;
	v6 =	vld.idx.msk [tilespmem:v6+s19+$0x0], $0xffff  }
0x256: {  	v15 =	vor.u32 v43, v13;
	v5 =	vld.idx.msk [tilespmem:v5+s19+$0x0], $0xffff  }
0x257: {  	v21 =	vor.u32 v44, v13;
	v7 =	vld.idx.msk [tilespmem:v7+s19+$0x0], $0xffff  }
0x258: {  	v22 =	vor.u32 v45, v20  }
0x259: {  	[tilespmem:v12+s21+$0x0] =	vst.idx.msk $0xffff, v8;
	v8 =	vor.u32 v46, v20  }
0x25a: {  	[tilespmem:v14+s21+$0x0] =	vst.idx.msk $0xffff, v6  }
0x25b: {  	v6 =	vor.u32 v47, v20;
	[tilespmem:v15+s21+$0x0] =	vst.idx.msk $0xffff, v5  }
0x25c: {  	v5 =	vor.u32 v52, v20;
	[tilespmem:v21+s21+$0x0] =	vst.idx.msk $0xffff, v7  }
0x25d: {  	v20 =	vor.u32 v53, v13;
	v15 =	vld.idx.msk [tilespmem:v22+s19+$0x0], $0xffff  }
0x25e: {  	v22 =	vor.u32 v54, v13;
	v21 =	vld.idx.msk [tilespmem:v8+s19+$0x0], $0xffff  }
0x25f: {  	s23 =	simm.s32 $0x2  }
0x260: {  	v28 =	vor.u32 v55, v13;
	v7 =	vadd.s32 s23, v0;
	v23 =	vld.idx.msk [tilespmem:v6+s19+$0x0], $0xffff  }
0x261: {  	v14 =	vor.u32 v60, v13;
	v8 =	vand.u32 $0xF, v7;
	v12 =	vld.idx.msk [tilespmem:v5+s19+$0x0], $0xffff  }
0x262: {  	[tilespmem:v20+s21+$0x0] =	vst.idx.msk $0xffff, v15;
	v15 =	vor.u32 v1, v8  }
0x263: {  	[tilespmem:v22+s21+$0x0] =	vst.idx.msk $0xffff, v21;
	v21 =	vor.u32 v2, v7  }
0x264: {  	v13 =	vor.u32 v3, v8  }
0x265: {  	s24 =	simm.s32 $0x4;
	v6 =	vshll.u32 v8, $0x7;
	v5 =	vshll.u32 v7, $0x7;
	v20 =	vor.u32 v4, v7;
	[tilespmem:v28+s21+$0x0] =	vst.idx.msk $0xffff, v23  }
.LBB2_12:
0x266: {  	p2 =	sne.s32 s24, $0xE;
	[tilespmem:v14+s21+$0x0] =	vst.idx.msk $0xffff, v12;
	s25 =	smov.u32 s24;
	s24 =	sadd.s32 $0x2, s24  }
0x267: {  	v12 =	vld.idx.msk [tilespmem:v15+s19+$0x0], $0xffff  }
0x268: {  	v15 =	vor.u32 v0, v6;
	v14 =	vld.idx.msk [tilespmem:v21+s19+$0x0], $0xffff  }
0x269: {  	v21 =	vor.u32 v9, v5;
	v13 =	vld.idx.msk [tilespmem:v13+s19+$0x0], $0xffff  }
0x26a: {  	v22 =	vor.u32 v10, v6;
	v20 =	vld.idx.msk [tilespmem:v20+s19+$0x0], $0xffff  }
0x26b: {  	v23 =	vor.u32 v11, v5  }
0x26c: {  	v28 =	vor.u32 v16, v8  }
0x26d: {  	[tilespmem:v15+s21+$0x0] =	vst.idx.msk $0xffff, v12;
	v12 =	vor.u32 v17, v7  }
0x26e: {  	[tilespmem:v21+s21+$0x0] =	vst.idx.msk $0xffff, v14;
	v14 =	vor.u32 v18, v8  }
0x26f: {  	[tilespmem:v22+s21+$0x0] =	vst.idx.msk $0xffff, v13;
	v13 =	vor.u32 v19, v7  }
0x270: {  	[tilespmem:v23+s21+$0x0] =	vst.idx.msk $0xffff, v20  }
0x271: {  	v15 =	vld.idx.msk [tilespmem:v28+s19+$0x0], $0xffff  }
0x272: {  	v20 =	vor.u32 v24, v6;
	v12 =	vld.idx.msk [tilespmem:v12+s19+$0x0], $0xffff  }
0x273: {  	v21 =	vor.u32 v25, v5;
	v14 =	vld.idx.msk [tilespmem:v14+s19+$0x0], $0xffff  }
0x274: {  	v22 =	vor.u32 v26, v6;
	v13 =	vld.idx.msk [tilespmem:v13+s19+$0x0], $0xffff  }
0x275: {  	v23 =	vor.u32 v27, v5  }
0x276: {  	v28 =	vor.u32 v32, v8  }
0x277: {  	[tilespmem:v20+s21+$0x0] =	vst.idx.msk $0xffff, v15;
	v15 =	vor.u32 v33, v7  }
0x278: {  	[tilespmem:v21+s21+$0x0] =	vst.idx.msk $0xffff, v12;
	v12 =	vor.u32 v34, v8  }
0x279: {  	[tilespmem:v22+s21+$0x0] =	vst.idx.msk $0xffff, v14;
	v14 =	vor.u32 v35, v7  }
0x27a: {  	[tilespmem:v23+s21+$0x0] =	vst.idx.msk $0xffff, v13  }
0x27b: {  	v13 =	vld.idx.msk [tilespmem:v28+s19+$0x0], $0xffff  }
0x27c: {  	v20 =	vor.u32 v38, v6;
	v15 =	vld.idx.msk [tilespmem:v15+s19+$0x0], $0xffff  }
0x27d: {  	v21 =	vor.u32 v39, v5;
	v12 =	vld.idx.msk [tilespmem:v12+s19+$0x0], $0xffff  }
0x27e: {  	v22 =	vor.u32 v43, v6;
	v14 =	vld.idx.msk [tilespmem:v14+s19+$0x0], $0xffff  }
0x27f: {  	v23 =	vor.u32 v44, v5  }
0x280: {  	v28 =	vor.u32 v45, v8  }
0x281: {  	[tilespmem:v20+s21+$0x0] =	vst.idx.msk $0xffff, v13;
	v13 =	vor.u32 v46, v7  }
0x282: {  	v8 =	vor.u32 v47, v8;
	[tilespmem:v21+s21+$0x0] =	vst.idx.msk $0xffff, v15  }
0x283: {  	v7 =	vor.u32 v52, v7;
	[tilespmem:v22+s21+$0x0] =	vst.idx.msk $0xffff, v12  }
0x284: {  	[tilespmem:v23+s21+$0x0] =	vst.idx.msk $0xffff, v14  }
0x285: {  	v12 =	vld.idx.msk [tilespmem:v28+s19+$0x0], $0xffff  }
0x286: {  	v14 =	vor.u32 v53, v6;
	v13 =	vld.idx.msk [tilespmem:v13+s19+$0x0], $0xffff  }
0x287: {  	s26 =	sadd.s32 $0x1, s23;
	s23 =	smov.u32 s25;
	v15 =	vor.u32 v54, v5;
	v8 =	vld.idx.msk [tilespmem:v8+s19+$0x0], $0xffff  }
0x288: {  	v20 =	vadd.s32 s26, v0;
	v6 =	vor.u32 v55, v6;
	v7 =	vld.idx.msk [tilespmem:v7+s19+$0x0], $0xffff  }
0x289: {  	v5 =	vor.u32 v60, v5;
	v20 =	vand.u32 $0xF, v20  }
0x28a: {  	v21 =	vor.u32 v1, v20;
	v22 =	vshll.u32 v20, $0x7  }
0x28b: {  	[tilespmem:v14+s21+$0x0] =	vst.idx.msk $0xffff, v12;
	v12 =	vor.u32 v2, v20  }
0x28c: {  	[tilespmem:v15+s21+$0x0] =	vst.idx.msk $0xffff, v13;
	v13 =	vor.u32 v3, v20  }
0x28d: {  	[tilespmem:v6+s21+$0x0] =	vst.idx.msk $0xffff, v8;
	v6 =	vor.u32 v4, v20  }
0x28e: {  	[tilespmem:v5+s21+$0x0] =	vst.idx.msk $0xffff, v7  }
0x28f: {  	v5 =	vld.idx.msk [tilespmem:v21+s19+$0x0], $0xffff  }
0x290: {  	v8 =	vor.u32 v0, v22;
	v7 =	vld.idx.msk [tilespmem:v12+s19+$0x0], $0xffff  }
0x291: {  	v12 =	vld.idx.msk [tilespmem:v13+s19+$0x0], $0xffff;
	v13 =	vor.u32 v9, v22  }
0x292: {  	v14 =	vor.u32 v10, v22;
	v6 =	vld.idx.msk [tilespmem:v6+s19+$0x0], $0xffff  }
0x293: {  	v15 =	vor.u32 v11, v22  }
0x294: {  	v21 =	vor.u32 v16, v20  }
0x295: {  	[tilespmem:v8+s21+$0x0] =	vst.idx.msk $0xffff, v5;
	v5 =	vor.u32 v17, v20  }
0x296: {  	[tilespmem:v13+s21+$0x0] =	vst.idx.msk $0xffff, v7;
	v7 =	vor.u32 v18, v20  }
0x297: {  	v8 =	vor.u32 v19, v20;
	[tilespmem:v14+s21+$0x0] =	vst.idx.msk $0xffff, v12  }
0x298: {  	[tilespmem:v15+s21+$0x0] =	vst.idx.msk $0xffff, v6  }
0x299: {  	v6 =	vld.idx.msk [tilespmem:v21+s19+$0x0], $0xffff  }
0x29a: {  	v12 =	vor.u32 v24, v22;
	v5 =	vld.idx.msk [tilespmem:v5+s19+$0x0], $0xffff  }
0x29b: {  	v13 =	vor.u32 v25, v22;
	v7 =	vld.idx.msk [tilespmem:v7+s19+$0x0], $0xffff  }
0x29c: {  	v14 =	vor.u32 v26, v22;
	v8 =	vld.idx.msk [tilespmem:v8+s19+$0x0], $0xffff  }
0x29d: {  	v15 =	vor.u32 v27, v22  }
0x29e: {  	v21 =	vor.u32 v32, v20  }
0x29f: {  	[tilespmem:v12+s21+$0x0] =	vst.idx.msk $0xffff, v6;
	v6 =	vor.u32 v33, v20  }
0x2a0: {  	[tilespmem:v13+s21+$0x0] =	vst.idx.msk $0xffff, v5;
	v5 =	vor.u32 v34, v20  }
0x2a1: {  	[tilespmem:v14+s21+$0x0] =	vst.idx.msk $0xffff, v7;
	v7 =	vor.u32 v35, v20  }
0x2a2: {  	[tilespmem:v15+s21+$0x0] =	vst.idx.msk $0xffff, v8  }
0x2a3: {  	v8 =	vld.idx.msk [tilespmem:v21+s19+$0x0], $0xffff  }
0x2a4: {  	v12 =	vor.u32 v38, v22;
	v6 =	vld.idx.msk [tilespmem:v6+s19+$0x0], $0xffff  }
0x2a5: {  	v13 =	vor.u32 v39, v22;
	v5 =	vld.idx.msk [tilespmem:v5+s19+$0x0], $0xffff  }
0x2a6: {  	v14 =	vor.u32 v43, v22;
	v7 =	vld.idx.msk [tilespmem:v7+s19+$0x0], $0xffff  }
0x2a7: {  	v15 =	vor.u32 v44, v22  }
0x2a8: {  	v21 =	vor.u32 v45, v20  }
0x2a9: {  	[tilespmem:v12+s21+$0x0] =	vst.idx.msk $0xffff, v8;
	v8 =	vor.u32 v46, v20  }
0x2aa: {  	[tilespmem:v13+s21+$0x0] =	vst.idx.msk $0xffff, v6;
	v6 =	vor.u32 v47, v20  }
0x2ab: {  	[tilespmem:v14+s21+$0x0] =	vst.idx.msk $0xffff, v5;
	v5 =	vor.u32 v52, v20  }
0x2ac: {  	[tilespmem:v15+s21+$0x0] =	vst.idx.msk $0xffff, v7  }
0x2ad: {  	v20 =	vld.idx.msk [tilespmem:v21+s19+$0x0], $0xffff  }
0x2ae: {  	v28 =	vor.u32 v53, v22;
	v23 =	vld.idx.msk [tilespmem:v8+s19+$0x0], $0xffff  }
0x2af: {  	v30 =	vor.u32 v54, v22;
	v29 =	vld.idx.msk [tilespmem:v6+s19+$0x0], $0xffff  }
0x2b0: {  	v31 =	vor.u32 v55, v22;
	v7 =	vadd.s32 s23, v0;
	v12 =	vld.idx.msk [tilespmem:v5+s19+$0x0], $0xffff  }
.Ltmp10:
0x2b1: {  	v14 =	vor.u32 v60, v22;
	v8 =	vand.u32 $0xF, v7;
	v5 =	vshll.u32 v7, $0x7;
	(pc) =	sbr.rel @p2 .LBB2_12-.Ltmp10, $4  }
0x2b2: {  	v15 =	vor.u32 v1, v8;
	v13 =	vor.u32 v3, v8;
	v6 =	vshll.u32 v8, $0x7  }
0x2b3: {  	v21 =	vor.u32 v2, v7;
	[tilespmem:v28+s21+$0x0] =	vst.idx.msk $0xffff, v20  }
0x2b4: {  	[tilespmem:v30+s21+$0x0] =	vst.idx.msk $0xffff, v23  }
0x2b5: {  	v20 =	vor.u32 v4, v7;
	[tilespmem:v31+s21+$0x0] =	vst.idx.msk $0xffff, v29  }
.Ltmp11:
0x2b6: {  	_ = 	snop;
	(pc) =	sbr.rel .LBB2_13-.Ltmp11, $1  }
0x2b7: {  	_ =	sdelay $0x3  }
.LBB2_15:
0x2b8: {  	_ =	sfence.sel $0x180000  }
0x2b9: {  	[bflag:$0x0] =	sbarrier.arrive $0xFFFF  }
0x2ba: {  	p0 =	sne.s32 s3, $0x0;
	_ =	strace $0x90000047  }
0x2bb: {  	s0 =	sadd.s32 @!p0 $0x100000, s1;
	[bflag:$0x2] =	sbarrier.arrive $0xFFFF  }
0x2bc: {  	[sflag:s0] =	ssyncadd.tile.s32 @!p0 $0x1;
	_ =	shalt  }
.Lfunc_end2:
_tile_overlayer_lowered:
.L_overlay_start_2:
0x2bd: {  	(tag) =	ssettag $0x2  }
0x2be: {  	s0 =	rddreg [dreg:$0x0];
	s2 =	stileid.u32  }
0x2bf: {  	s1 =	rddreg [dreg:$0x1];
	p0 =	sne.s32 s2, $0x0  }
0x2c0: {  	s3 =	rddreg [dreg:$0x2];
	[bflag:$0x3] =	sbarrier.arrive $0xFFFF;
	s2 =	simm.s32 @!p0 $0x1C05  }
0x2c1: {  	[timem:s3], [sflag:s2] =	dma.local @!p0 [hbm:s0], s1  }
0x2c2: {  	s0 =	simm.s32 @!p0 $0x5  }
0x2c3: {  	_ =	swait.ge @!p0 [sflag:s0], s1  }
0x2c4: {  	s1 =	ssub.s32 @!p0 $0x0, s1;
	[sflag:s0] =	ssyncset.done @!p0 $0x0  }
0x2c5: {  	[sflag:s0] =	ssyncadd.s32 @!p0 s1  }
0x2c6: {  	[bflag:$0x3] =	sbarrier.arrive $0xFFFF  }
0x2c7: {  	_ =	shalt  }

// kernel: _emb.7.cloned.1.call-start
scs
__scs_entry_jumppad:
0x0: {  	(pc) =	sbr.rel $0x88, $3  }
0x1: {  	(tag) =	ssettag $0x0;
	lr =	simm.s32 $0x1  }
0x2: {  	[smem:$0x3F9F] =	sst lr;
	_ =	strace $0xD0000000  }
0x3: {  	_ = 	snop  }
0x4: {  	_ = 	snop  }
0x5: {  	_ = 	snop  }
0x6: {  	_ = 	snop  }
0x7: {  	_ = 	snop  }
__scs_overlays_trampoline_lowered:
0x8: {  	[smem:$0x3FAE] =	sst s0  }
0x9: {  	[smem:$0x3FAF] =	sst s1  }
0xa: {  	[smem:$0x3FB0] =	sst s2  }
0xb: {  	[smem:$0x3FB1] =	sst s3  }
0xc: {  	[smem:$0x3FB2] =	sst s4  }
0xd: {  	[smem:$0x3FB3] =	sst s5  }
0xe: {  	[smem:$0x3FB4] =	sst s6  }
0xf: {  	[smem:$0x3FB5] =	sst s7  }
0x10: {  	[smem:$0x3FB6] =	sst s8  }
0x11: {  	[smem:$0x3FB7] =	sst s9;
	s0 =	simm.s32 @!p0 $0x0  }
0x12: {  	s1 =	sld [smem:$0x3F9D];
	s0 =	simm.s32 @p0 $0x1  }
0x13: {  	[smem:$0x3FB8] =	sst s0;
	s0 =	simm.s32 @!p1 $0x0  }
0x14: {  	s2 =	sld [smem:$0x3F9C];
	s0 =	simm.s32 @p1 $0x1  }
0x15: {  	[smem:$0x3FB9] =	sst s0;
	s0 =	simm.s32 @!p2 $0x0  }
0x16: {  	s3 =	sld [smem:$0x3FDB];
	s0 =	simm.s32 @p2 $0x1  }
0x17: {  	s4 =	simm.s32 $0x1BF5;
	[smem:$0x3FBB] =	sst s0  }
0x18: {  	s0 =	sld [smem:$0x3F9E];
	_ =	swait.ge [sflag:s4], $0x0  }
0x19: {  	s7 =	sld [smem:$0x3F9F]  }
0x1a: {  	s8 =	sadd.s32 $0xFFFFE003, lr  }
0x1b: {  	s9 =	sadd.s32 $0xFFFFFEF7, lr;
	s5 =	simm.s32 $0xFFFFFFFF;
	p2 =	slt.u32 s8, $0xFFFFF086  }
0x1c: {  	p1 =	slt.u32 s9, $0xF7A;
	s5 =	simm.s32 @!p2 $0x0  }
0x1d: {  	s5 =	simm.s32 @p1 $0x1;
	p0 =	seq.s32 s7, s2  }
0x1e: {  	s7 =	smul.u32 @!p0 $0xF7A, s2;
	p2 =	seq.s32 @!p0 s5, $0x0  }
0x1f: {  	s9 =	smul.u32 $0xF7A, s1;
	s8 =	simm.s32 @!p0 $0x1BF5;
	p2 =	por !p2, p0  }
0x20: {  	[sflag:s8] =	ssyncset.s32 @!p0 $0xFFFFF086;
	s6 =	sadd.s32 @!p0 s3, s7;
	s7 =	simm.s32 @!p0 $0x108  }
0x21: {  	s3 =	sadd.s32 s3, s9;
	s6 =	sadd.s32 @!p0 $0x88, s6;
	s7 =	simm.s32 @p2 $0x1082  }
0x22: {  	[simem:s7], [sflag:s8] =	dma.local @!p0 [hbm:s6], $0xF7A  }
0x23: {  	s9 =	sor.u32 $0xD0000000, s2;
	s6 =	simm.s32 $0x108;
	_ =	swait.ge @!p0 [sflag:s8], $0x0  }
0x24: {  	s3 =	sadd.s32 $0x88, s3;
	s6 =	simm.s32 @!p1 $0x1082;
	[sflag:s4] =	ssyncset.s32 $0xFFFFF086  }
0x25: {  	[simem:s6], [sflag:s4] =	dma.local [hbm:s3], $0xF7A  }
0x26: {  	[smem:$0x3F9F] =	sst s1;
	(tag) =	ssettag s2;
	_ =	strace s9  }
0x27: {  	s1 =	sld [smem:$0x3FAF]  }
0x28: {  	s2 =	sld [smem:$0x3FB0]  }
0x29: {  	s4 =	sld [smem:$0x3FB2]  }
0x2a: {  	p0 =	seq.s32 s5, $0x0;
	s5 =	sld [smem:$0x3FB3]  }
0x2b: {  	s6 =	sld [smem:$0x3FB4]  }
0x2c: {  	s7 =	sld [smem:$0x3FB5]  }
0x2d: {  	s3 =	simm.s32 $0x108;
	s8 =	sld [smem:$0x3FB6]  }
0x2e: {  	s3 =	simm.s32 @!p0 $0x1082;
	s9 =	sld [smem:$0x3FB7]  }
0x2f: {  	lr =	sadd.s32 s0, s3;
	s0 =	sld [smem:$0x3FAE]  }
0x30: {  	s3 =	sld [smem:$0x3FB1]  }
0x31: {  	[smem:$0x3FBA] =	sst s10  }
0x32: {  	s10 =	sld [smem:$0x3FB8];
	_ =	sdelay $0x3  }
0x33: {  	p0 =	seq.s32 s10, $0x1;
	s10 =	sld [smem:$0x3FBA];
	_ =	sdelay $0x3  }
0x34: {  	[smem:$0x3FBA] =	sst s10  }
0x35: {  	s10 =	sld [smem:$0x3FB9];
	_ =	sdelay $0x3  }
0x36: {  	p1 =	seq.s32 s10, $0x1;
	s10 =	sld [smem:$0x3FBA];
	_ =	sdelay $0x3  }
0x37: {  	[smem:$0x3FBA] =	sst s10  }
0x38: {  	s10 =	sld [smem:$0x3FBB]  }
0x39: {  	_ = 	snop;
	(pc) =	sbr.ind lr, $3  }
0x3a: {  	_ = 	snop  }
0x3b: {  	_ = 	snop  }
0x3c: {  	p2 =	seq.s32 s10, $0x1;
	s10 =	sld [smem:$0x3FBA]  }
0x3d: {  	_ =	shalt  }
0x3e: {  	_ =	shalt  }
0x3f: {  	_ =	shalt  }
0x40: {  	_ =	shalt  }
0x41: {  	_ =	shalt  }
0x42: {  	_ =	shalt  }
0x43: {  	_ =	shalt  }
0x44: {  	_ =	shalt  }
0x45: {  	_ =	shalt  }
0x46: {  	_ =	shalt  }
0x47: {  	_ =	shalt  }
0x48: {  	_ =	shalt  }
0x49: {  	_ =	shalt  }
0x4a: {  	_ =	shalt  }
0x4b: {  	_ =	shalt  }
0x4c: {  	_ =	shalt  }
0x4d: {  	_ =	shalt  }
0x4e: {  	_ =	shalt  }
0x4f: {  	_ =	shalt  }
0x50: {  	_ =	shalt  }
0x51: {  	_ =	shalt  }
0x52: {  	_ =	shalt  }
0x53: {  	_ =	shalt  }
0x54: {  	_ =	shalt  }
0x55: {  	_ =	shalt  }
0x56: {  	_ =	shalt  }
0x57: {  	_ =	shalt  }
0x58: {  	_ =	shalt  }
0x59: {  	_ =	shalt  }
0x5a: {  	_ =	shalt  }
0x5b: {  	_ =	shalt  }
0x5c: {  	_ =	shalt  }
0x5d: {  	_ =	shalt  }
0x5e: {  	_ =	shalt  }
0x5f: {  	_ =	shalt  }
0x60: {  	_ =	shalt  }
0x61: {  	_ =	shalt  }
0x62: {  	_ =	shalt  }
0x63: {  	_ =	shalt  }
0x64: {  	_ =	shalt  }
0x65: {  	_ =	shalt  }
0x66: {  	_ =	shalt  }
0x67: {  	_ =	shalt  }
0x68: {  	_ =	shalt  }
0x69: {  	_ =	shalt  }
0x6a: {  	_ =	shalt  }
0x6b: {  	_ =	shalt  }
0x6c: {  	_ =	shalt  }
0x6d: {  	_ =	shalt  }
0x6e: {  	_ =	shalt  }
0x6f: {  	_ =	shalt  }
0x70: {  	_ =	shalt  }
0x71: {  	_ =	shalt  }
0x72: {  	_ =	shalt  }
0x73: {  	_ =	shalt  }
0x74: {  	_ =	shalt  }
0x75: {  	_ =	shalt  }
0x76: {  	_ =	shalt  }
0x77: {  	_ =	shalt  }
0x78: {  	_ =	shalt  }
0x79: {  	_ =	shalt  }
0x7a: {  	_ =	shalt  }
0x7b: {  	_ =	shalt  }
0x7c: {  	_ =	shalt  }
0x7d: {  	_ =	shalt  }
0x7e: {  	_ =	shalt  }
0x7f: {  	_ =	shalt  }
0x80: {  	_ =	shalt  }
0x81: {  	_ =	shalt  }
0x82: {  	_ =	shalt  }
0x83: {  	_ =	shalt  }
0x84: {  	_ =	shalt  }
0x85: {  	_ =	shalt  }
0x86: {  	_ =	shalt  }
0x87: {  	_ =	shalt  }
.Lfunc_end0:
.L_simem_size_0:
called_computation.1_lowered:
.L_overlay_start_0:
0x88: {  	s2 =	sld [smem:$0x3FD9]  }
0x89: {  	s3 =	sld [smem:$0x3FFE];
	_ =	sdelay $0x1  }
0x8a: {  	s1 =	srdreg.scid  }
0x8b: {  	s0 =	sand.u32 $0x1, s1  }
0x8c: {  	s17 =	sshll.u32 s0, $0xA;
	s2 =	sadd.s32 s3, s2  }
0x8d: {  	s2 =	sadd.s32 s2, s17  }
0x8e: {  	[smem:$0x3FC6] =	sst s2  }
0x8f: {  	_ = 	snop  }
0x90: {  	s2 =	sld [smem:$0x3FC9];
	(tm) =	ssettm $0x1  }
0x91: {  	s18 =	sld [smem:$0x3FFB];
	_ =	sdelay $0x3  }
0x92: {  	_ =	strace s18  }
0x93: {  	s3 =	sld [smem:$0x3FFC];
	_ =	sdelay $0x3  }
0x94: {  	_ =	strace s3  }
0x95: {  	s3 =	sld [smem:$0x3FFD];
	_ =	sdelay $0x3  }
0x96: {  	_ =	strace s3  }
0x97: {  	_ =	strace $0x8FFFFFFF  }
0x98: {  	s19 =	sld [smem:$0x3FDB];
	_ =	sdelay $0x1  }
0x99: {  	s4 =	simm.s32 $_scs_section_size  }
0x9a: {  	s5 =	simm.s32 $_size__tile_overlayer_lowered;
	s6 =	simm.s32 $_tile_overlayer_lowered  }
0x9b: {  	s22 =	simm.s32 $0x1BFF;
	s21 =	sshll.u32 s6, $0x1;
	s3 =	sadd.s32 s4, s19  }
0x9c: {  	s7 =	simm.s32 $0x0;
	s20 =	sshll.u32 s5, $0x1;
	s5 =	sadd.s32 s21, s3  }
0x9d: {  	[timem:s7], [sflag:s22] =	dma.local [hbm:s5], s20  }
0x9e: {  	_ =	swait.ge [sflag:s22], s20  }
0x9f: {  	s4 =	ssub.s32 $0x0, s20;
	[sflag:s22] =	ssyncset.done $0x0  }
0xa0: {  	[sflag:s22] =	ssyncadd.s32 s4;
	_ =	sdelay $0x1  }
0xa1: {  	s23 =	simm.s32 $0x1B8B  }
0xa2: {  	_ =	swait.ge [sflag:s23], $0x1  }
0xa3: {  	[sflag:s23] =	ssyncset.done $0x0  }
0xa4: {  	s25 =	simm.s32 $0x1B8E;
	s24 =	sld [smem:$0x3FFE];
	[sflag:s23] =	ssyncadd.s32 $0xFFFFFFFF  }
0xa5: {  	s26 =	simm.s32 $execute0_lowered;
	[smem:$0x3FD2] =	sst s25  }
0xa6: {  	s5 =	sshll.u32 s26, $0x1;
	_ =	strace $0x80000049;
	[dreg:$0x1] =	wrdreg $0xFFFFFFFF  }
0xa7: {  	s28 =	simm.s32 $_size_execute0_lowered;
	s3 =	sadd.s32 s3, s5;
	[dreg:$0x0] =	wrdreg $0x0  }
0xa8: {  	s5 =	sshll.u32 s28, $0x1;
	[dreg:$0x2] =	wrdreg s3  }
0xa9: {  	[dreg:$0x3] =	wrdreg s5  }
0xaa: {  	[dreg:$0x4] =	wrdreg $0xC0  }
0xab: {  	_ =	task [dreg:s7], $0x5FFFF  }
0xac: {  	[dreg:$0x1] =	wrdreg $0xFFFFFFFF  }
0xad: {  	[dreg:$0x0] =	wrdreg $0x60  }
0xae: {  	[dreg:$0x2] =	wrdreg s2  }
0xaf: {  	[dreg:$0x3] =	wrdreg s24  }
0xb0: {  	[dreg:$0x4] =	wrdreg $0x9  }
0xb1: {  	_ =	task.clear_ibuf [dreg:s7], $0x5FFFF;
	_ =	strace $0x90000049  }
0xb2: {  	s29 =	simm.s32 $0x9;
	_ =	strace $0x8000004B  }
0xb3: {  	_ =	swait.ge [sflag:s29], $0x1  }
0xb4: {  	[sflag:s29] =	ssyncadd.s32 $0xFFFFFFFF  }
0xb5: {  	_ =	strace $0x9000004B  }
0xb6: {  	_ =	sfence  }
0xb7: {  	s30 =	sld [smem:$0x0];
	_ =	sdelay $0x2  }
0xb8: {  	s31 =	sshll.u32 s1, $0xD;
	s1 =	sshrl.u32 s1, $0x2  }
0xb9: {  	s3 =	sand.u32 $0x4000, s31;
	s1 =	sadd.s32 s1, s30  }
0xba: {  	s0 =	sor.u32 s3, s0;
	s1 =	sshll.u32 s1, $0x11  }
0xbb: {  	s0 =	sor.u32 s1, s0  }
0xbc: {  	s0 =	sadd.s32 $0x8F2B, s0  }
0xbd: {  	[sflag:s0] =	ssyncadd.remote.s32 $0x1  }
0xbe: {  	_ =	sfence.sel $0xFFFF  }
0xbf: {  	[dreg:$0x0] =	wrdreg $0xFFFFFFFF;
	(pc) =	sbr.abs _section_cstart, $3  }
0xc0: {  	[dreg:$0x1] =	wrdreg $0xFFFFFFFF  }
0xc1: {  	_ =	task.clear_ibuf [dreg:s7], $0x2FFFF;
	_ =	strace $0x9FFFFFFF  }
0xc2: {  	(tm) =	ssettm $0x7FFFFFFF  }
0xc3: {  	_ =	shalt  }
tec
execute0_lowered:
.L_overlay_start_1:
0x0: {  	(tag) =	ssettag $0x1  }
0x1: {  	s0 =	rddreg [dreg:$0x0]  }
0x2: {  	s5 =	rddreg [dreg:$0x1];
	s3 =	srdreg.scid  }
0x3: {  	s1 =	stileid.u32;
	s2 =	simm.s32 $0x0;
	s14 =	simm.s32 $0x400  }
0x4: {  	s15 =	simm.s32 $0x8000;
	s16 =	simm.s32 $0x1800;
	s17 =	simm.s32 $0x5  }
0x5: {  	s18 =	simm.s32 $0x80;
	s19 =	simm.s32 $0x1C00;
	s20 =	simm.s32 $0x1  }
0x6: {  	s21 =	simm.s32 $0x5C00;
	s22 =	simm.s32 $0x2;
	s23 =	simm.s32 $0x3  }
0x7: {  	s24 =	simm.s32 $0x100;
	s25 =	simm.s32 $0x4;
	s26 =	simm.s32 $0x1880  }
0x8: {  	s28 =	simm.s32 $0x0;
	s6 =	sand.u32 $0x1, s3;
	s29 =	sshll.u32 s1, $0x1  }
0x9: {  	[smem:$0x7FF] =	sst s2;
	s3 =	sadd.s32 $0x800, s5;
	s9 =	smul.u32 $0x1C0000, s1  }
0xa: {  	s7 =	sor.u32 s6, s29;
	s8 =	ssub.s32 $0x2, s6;
	s11 =	smul.u32 $0xE0000, s6  }
0xb: {  	s5 =	sadd.s32 $0xF42C00, s5;
	s4 =	smul.u32 $0xE0000, s7;
	s10 =	sshrl.u32 s8, $0x1  }
0xc: {  	_ =	strace $0x8000004A;
	s7 =	sshll.u32 s7, $0x7;
	s10 =	ssub.s32 s8, s10  }
0xd: {  	s6 =	sadd.s32 s0, s7;
	s31 =	sadd.s32 s11, s9;
	s30 =	sshrl.u32 s4, $0x3  }
0xe: {  	s7 =	sadd.s32 $0x6000, s6;
	s0 =	sor.u32 $0x100, s31;
	s8 =	sadd.s32 s5, s30  }
0xf: {  	s9 =	smax.u32 s10, $0x1;
	s0 =	sshrl.u32 s0, $0x3;
	s10 =	sadd.s32 $0x10, s8  }
0x10: {  	s11 =	sadd.s32 $0x300, s8;
	s12 =	sadd.s32 $0x310, s8;
	s13 =	sadd.s32 s0, s5  }
.LBB2_1:
0x11: {  	[tilespmem:s2], [sflag:$0x5] =	stream.strided.gather [hbm4b:s6+s14], $0x1800, s15, s14, $0x38;
	[tilespmem:$0x9C00] =	vst v63  }
0x12: {  	_ = 	snop  }
0x13: {  	[tilespmem:s16], [sflag:$0x5] =	stream.linear.gather [hbm4b:s7+s2], $0x100, $0x38;
	[tilespmem:$0x9C00] =	vst v63  }
0x14: {  	_ =	swait.ge [sflag:s17], $0x1900  }
0x15: {  	[sflag:s17] =	ssyncset.done $0x0  }
0x16: {  	[sflag:s17] =	ssyncadd.s32 $0xFFFFE700  }
0x17: {  	[tilespmem:s19], [sflag:$0x1] =	stream.indirect.gather [hbm4b:s3+s18], $0x80, s2, s18, $0xb8;
	[tilespmem:$0x9C00] =	vst v63  }
0x18: {  	_ =	swait.ge [sflag:s20], $0x4000  }
0x19: {  	[sflag:s20] =	ssyncset.done $0x0  }
0x1a: {  	[sflag:s20] =	ssyncadd.s32 $0xFFFFC000  }
0x1b: {  	[tilespmem:s21], [sflag:$0x2] =	stream.indirect.gather [hbm4b:s3+s18], $0x80, s18, s18, $0xb8;
	[tilespmem:$0x9C00] =	vst v63  }
0x1c: {  	_ = 	snop  }
0x1d: {  	[hbm4b:s8+s18] =	stream.strided.scatter [tilespmem:s19], [sflag:$0x3], $0x4000, s19, s18, $0x38;
	[tilespmem:$0x9C00] =	vst v63  }
0x1e: {  	_ =	swait.ge [sflag:s22], $0x4000  }
0x1f: {  	[sflag:s22] =	ssyncset.done $0x0  }
0x20: {  	[sflag:s22] =	ssyncadd.s32 $0xFFFFC000  }
0x21: {  	_ =	swait.ge [sflag:s23], $0x4000  }
0x22: {  	[sflag:s23] =	ssyncset.done $0x0  }
0x23: {  	[sflag:s23] =	ssyncadd.s32 $0xFFFFC000  }
0x24: {  	[tilespmem:s19], [sflag:$0x1] =	stream.indirect.gather [hbm4b:s3+s18], $0x80, s24, s18, $0xb8;
	[tilespmem:$0x9C00] =	vst v63  }
0x25: {  	_ = 	snop  }
0x26: {  	[hbm4b:s10+s18] =	stream.strided.scatter [tilespmem:s21], [sflag:$0x4], $0x4000, s19, s18, $0x38;
	[tilespmem:$0x9C00] =	vst v63  }
0x27: {  	_ =	swait.ge [sflag:s20], $0x4000  }
0x28: {  	[sflag:s20] =	ssyncset.done $0x0  }
0x29: {  	[sflag:s20] =	ssyncadd.s32 $0xFFFFC000  }
0x2a: {  	_ =	swait.ge [sflag:s25], $0x4000  }
0x2b: {  	[sflag:s25] =	ssyncset.done $0x0  }
0x2c: {  	s0 =	simm.s32 $0x180;
	[sflag:s25] =	ssyncadd.s32 $0xFFFFC000  }
0x2d: {  	[tilespmem:s21], [sflag:$0x2] =	stream.indirect.gather [hbm4b:s3+s18], $0x80, s0, s18, $0xb8;
	[tilespmem:$0x9C00] =	vst v63  }
0x2e: {  	_ = 	snop  }
0x2f: {  	[hbm4b:s13+s18] =	stream.strided.scatter [tilespmem:s19], [sflag:$0x3], $0x4000, s19, s18, $0x38;
	[tilespmem:$0x9C00] =	vst v63  }
0x30: {  	_ =	swait.ge [sflag:s22], $0x4000  }
0x31: {  	s1 =	simm.s32 $0x180;
	s29 =	simm.s32 $0x100;
	[sflag:s22] =	ssyncset.done $0x0  }
0x32: {  	s30 =	sand.u32 $0x1C00, s29;
	s0 =	sand.u32 $0x380, s1;
	[sflag:s22] =	ssyncadd.s32 $0xFFFFC000  }
0x33: {  	s31 =	smov.u32 s13;
	s0 =	sor.u32 s0, s30;
	_ =	swait.ge [sflag:s23], $0x4000  }
0x34: {  	s29 =	simm.s32 $0x200;
	s0 =	sor.u32 s4, s0;
	[sflag:s23] =	ssyncset.done $0x0  }
0x35: {  	s30 =	simm.s32 $0x280;
	s0 =	sshrl.u32 s0, $0x3;
	[sflag:s23] =	ssyncadd.s32 $0xFFFFC000  }
0x36: {  	[tilespmem:s19], [sflag:$0x1] =	stream.indirect.gather [hbm4b:s3+s18], $0x80, s29, s18, $0xb8;
	[tilespmem:$0x9C00] =	vst v63  }
.LBB2_2:
0x37: {  	s0 =	sadd.s32 s5, s0  }
0x38: {  	s29 =	sadd.s32 $0x100, s29;
	s31 =	sadd.s32 $0x20, s31;
	s1 =	smov.u32 s30  }
0x39: {  	[hbm4b:s0+s18] =	stream.strided.scatter [tilespmem:s21], [sflag:$0x4], $0x4000, s19, s18, $0x38;
	[tilespmem:$0x9C00] =	vst v63  }
0x3a: {  	p0 =	sne.s32 s30, $0x1780;
	s30 =	sadd.s32 $0x100, s30;
	_ =	swait.ge [sflag:s20], $0x4000  }
0x3b: {  	[sflag:s20] =	ssyncset.done $0x0  }
0x3c: {  	[sflag:s20] =	ssyncadd.s32 $0xFFFFC000  }
0x3d: {  	_ =	swait.ge [sflag:s25], $0x4000  }
0x3e: {  	s0 =	sadd.s32 $0xFFFFFF80, s29;
	[sflag:s25] =	ssyncset.done $0x0  }
0x3f: {  	[sflag:s25] =	ssyncadd.s32 $0xFFFFC000  }
0x40: {  	[tilespmem:s21], [sflag:$0x2] =	stream.indirect.gather [hbm4b:s3+s18], $0x80, s0, s18, $0xb8;
	[tilespmem:$0x9C00] =	vst v63  }
0x41: {  	_ = 	snop  }
0x42: {  	[hbm4b:s31+s18] =	stream.strided.scatter [tilespmem:s19], [sflag:$0x3], $0x4000, s19, s18, $0x38;
	[tilespmem:$0x9C00] =	vst v63  }
0x43: {  	_ =	swait.ge [sflag:s22], $0x4000  }
0x44: {  	s0 =	sadd.s32 $0xFFFFFF80, s1;
	s1 =	sand.u32 $0x380, s1;
	[sflag:s22] =	ssyncset.done $0x0  }
.Ltmp0:
0x45: {  	s0 =	sand.u32 $0x1C00, s0;
	[sflag:s22] =	ssyncadd.s32 $0xFFFFC000;
	(pc) =	sbr.rel @p0 .LBB2_2-.Ltmp0, $4  }
0x46: {  	s0 =	sor.u32 s1, s0;
	_ =	swait.ge [sflag:s23], $0x4000  }
0x47: {  	s0 =	sor.u32 s4, s0;
	[sflag:s23] =	ssyncset.done $0x0  }
0x48: {  	s0 =	sshrl.u32 s0, $0x3;
	[sflag:s23] =	ssyncadd.s32 $0xFFFFC000  }
0x49: {  	[tilespmem:s19], [sflag:$0x1] =	stream.indirect.gather [hbm4b:s3+s18], $0x80, s29, s18, $0xb8;
	[tilespmem:$0x9C00] =	vst v63  }
0x4a: {  	s0 =	sadd.s32 s5, s0  }
0x4b: {  	[hbm4b:s0+s18] =	stream.strided.scatter [tilespmem:s21], [sflag:$0x4], $0x4000, s19, s18, $0x38;
	[tilespmem:$0x9C00] =	vst v63  }
0x4c: {  	_ =	swait.ge [sflag:s20], $0x4000  }
0x4d: {  	[sflag:s20] =	ssyncset.done $0x0  }
0x4e: {  	[sflag:s20] =	ssyncadd.s32 $0xFFFFC000  }
0x4f: {  	_ =	swait.ge [sflag:s25], $0x4000  }
0x50: {  	[sflag:s25] =	ssyncset.done $0x0  }
0x51: {  	[sflag:s25] =	ssyncadd.s32 $0xFFFFC000  }
0x52: {  	[tilespmem:s21], [sflag:$0x2] =	stream.indirect.gather [hbm4b:s3+s18], $0x80, s26, s18, $0xb8;
	[tilespmem:$0x9C00] =	vst v63  }
0x53: {  	_ = 	snop  }
0x54: {  	[hbm4b:s11+s18] =	stream.strided.scatter [tilespmem:s19], [sflag:$0x3], $0x4000, s19, s18, $0x38;
	[tilespmem:$0x9C00] =	vst v63  }
0x55: {  	_ =	swait.ge [sflag:s22], $0x4000  }
0x56: {  	[sflag:s22] =	ssyncset.done $0x0  }
0x57: {  	s28 =	sadd.s32 $0x1, s28;
	[sflag:s22] =	ssyncadd.s32 $0xFFFFC000  }
0x58: {  	[hbm4b:s12+s18] =	stream.strided.scatter [tilespmem:s21], [sflag:$0x4], $0x4000, s19, s18, $0x38;
	[tilespmem:$0x9C00] =	vst v63  }
0x59: {  	p0 =	sne.s32 s28, s9;
	_ =	swait.ge [sflag:s23], $0x4000  }
.Ltmp1:
0x5a: {  	[sflag:s23] =	ssyncset.done $0x0;
	(pc) =	sbr.rel @p0 .LBB2_1-.Ltmp1, $4  }
0x5b: {  	[sflag:s23] =	ssyncadd.s32 $0xFFFFC000  }
0x5c: {  	_ =	swait.ge [sflag:s25], $0x4000  }
0x5d: {  	[sflag:s25] =	ssyncset.done $0x0  }
0x5e: {  	[sflag:s25] =	ssyncadd.s32 $0xFFFFC000  }
0x5f: {  	_ =	sfence.sel $0x180000  }
0x60: {  	[bflag:$0x0] =	sbarrier.arrive $0xFFFF  }
0x61: {  	_ =	strace $0x9000004A  }
0x62: {  	s0 =	stileid.u32;
	[bflag:$0x2] =	sbarrier.arrive $0xFFFF  }
0x63: {  	p0 =	sne.s32 s0, $0x0;
	s0 =	rddreg [dreg:$0x2]  }
0x64: {  	s0 =	sadd.s32 @!p0 $0x100000, s0  }
0x65: {  	[sflag:s0] =	ssyncadd.tile.s32 @!p0 $0x1;
	_ =	shalt  }
.Lfunc_end2:
_tile_overlayer_lowered:
.L_overlay_start_2:
0x66: {  	(tag) =	ssettag $0x2  }
0x67: {  	s0 =	rddreg [dreg:$0x0];
	s2 =	stileid.u32  }
0x68: {  	s1 =	rddreg [dreg:$0x1];
	p0 =	sne.s32 s2, $0x0  }
0x69: {  	s3 =	rddreg [dreg:$0x2];
	[bflag:$0x3] =	sbarrier.arrive $0xFFFF;
	s2 =	simm.s32 @!p0 $0x1C05  }
0x6a: {  	[timem:s3], [sflag:s2] =	dma.local @!p0 [hbm:s0], s1  }
0x6b: {  	s0 =	simm.s32 @!p0 $0x5  }
0x6c: {  	_ =	swait.ge @!p0 [sflag:s0], s1  }
0x6d: {  	s1 =	ssub.s32 @!p0 $0x0, s1;
	[sflag:s0] =	ssyncset.done @!p0 $0x0  }
0x6e: {  	[sflag:s0] =	ssyncadd.s32 @!p0 s1  }
0x6f: {  	[bflag:$0x3] =	sbarrier.arrive $0xFFFF  }
0x70: {  	_ =	shalt  }

</sc_bundles>
